<compile_context>
chip_gen: v7x
topology: tpu7x:2x2x1
jax: 0.10.2.dev20260603
libtpu: 0.0.44.dev20260713+nightly
codegen_flags: <defaults>
</compile_context>

<pallas_src>
import functools

import jax
import jax.numpy as jnp
from jax import lax
from jax.experimental import pallas as pl
from jax.experimental.pallas import tpu as pltpu
from jax.experimental.pallas import tpu_sc as plsc

_N = 10000
_E = 320000
_D1 = 128
_D2 = 16

_NCORES = 2
_NSUB = 16
_NTILES = _NCORES * _NSUB
_B = 128
_H = _B // 2
_ROUNDS = 80
_E_PER_TILE = _ROUNDS * _B
_E_PAD = _E_PER_TILE * _NTILES
_ROWS_PER_SUB = 632
_N_PAD = _ROWS_PER_SUB * _NSUB



def _mm_body(x_ref, w_ref, o_ref):
    o_ref[...] = jnp.dot(x_ref[...], w_ref[...],
                         preferred_element_type=jnp.float32,
                         precision=lax.Precision.HIGHEST)


def _matmul(x, w):
    return pl.pallas_call(
        _mm_body,
        out_shape=jax.ShapeDtypeStruct((x.shape[0], w.shape[1]), jnp.float32),
    )(x, w)


def _relu_mm_body(p_ref, w_ref, o_ref):
    h = jnp.maximum(p_ref[0] + p_ref[1], 0.0)
    o_ref[...] = jnp.dot(h, w_ref[...],
                         preferred_element_type=jnp.float32,
                         precision=lax.Precision.HIGHEST)


def _relu_mm(p, w):
    return pl.pallas_call(
        _relu_mm_body,
        out_shape=jax.ShapeDtypeStruct((p.shape[1], w.shape[1]), jnp.float32),
    )(p, w)


def _add2_body(q_ref, o_ref):
    o_ref[...] = q_ref[0, :_N, :] + q_ref[1, :_N, :]


def _add2(q):
    return pl.pallas_call(
        _add2_body,
        out_shape=jax.ShapeDtypeStruct((_N, q.shape[2]), jnp.float32),
    )(q)



_GDN = lax.GatherDimensionNumbers(
    offset_dims=(), collapsed_slice_dims=(0,), start_index_map=(0,))


def _bcast_lane(v, i):
    idx = jnp.full((16, 1), i, jnp.int32)
    return lax.gather(v, idx, _GDN, (1,),
                      mode=lax.GatherScatterMode.PROMISE_IN_BOUNDS)


def _make_agg(d, stage_y=False, tc_tiling=None, chunk=20):
    mesh = plsc.VectorSubcoreMesh(core_axis_name="c", subcore_axis_name="s")
    if tc_tiling is None:
        tc_tiling = d % 128 == 0
    nchunks = _ROUNDS // chunk
    scratch = [
        pltpu.VMEM_SHARED((_N_PAD, d), jnp.float32),
        pltpu.VMEM((2 * chunk, _H), jnp.int32),
        pltpu.VMEM((2 * chunk, _H), jnp.int32),
        pltpu.VMEM((chunk, _B), jnp.float32),
        pltpu.VMEM((_B, d), jnp.float32),
        pltpu.VMEM((_B, d), jnp.float32),
        pltpu.SemaphoreType.DMA,
        pltpu.SemaphoreType.DMA,
        pltpu.SemaphoreType.DMA,
        pltpu.SemaphoreType.DMA,
    ]
    if stage_y:
        scratch.append(pltpu.VMEM_SHARED((_N_PAD, d), jnp.float32))

    @functools.partial(
        pl.kernel,
        out_type=jax.ShapeDtypeStruct((_NCORES, _N_PAD, d), jnp.float32),
        mesh=mesh,
        scratch_types=scratch,
        compiler_params=pltpu.CompilerParams(use_tc_tiling_on_sc=tc_tiling),
    )
    def agg(y_hbm, src_hbm, dst_hbm, ew_hbm, out_hbm,
            acc, src_v, dst_v, ew_v, rows0, rows1, g0, g1, s0, s1,
            *maybe_ysh):
        c = lax.axis_index("c")
        s = lax.axis_index("s")
        @pl.loop(0, _B)
        def _zrow(r):
            for j in range(d // 16):
                rows0[r, pl.ds(j * 16, 16)] = jnp.zeros((16,), jnp.float32)

        row0 = s * _ROWS_PER_SUB
        nfull = _ROWS_PER_SUB // _B
        rem = _ROWS_PER_SUB - nfull * _B
        for k in range(nfull):
            pltpu.sync_copy(rows0, acc.at[pl.ds(row0 + k * _B, _B)])
        pltpu.sync_copy(rows0.at[pl.ds(0, rem)],
                        acc.at[pl.ds(row0 + nfull * _B, rem)])
        if stage_y:
            y_src = maybe_ysh[0]
            pltpu.sync_copy(y_hbm.at[pl.ds(row0, _ROWS_PER_SUB)],
                            y_src.at[pl.ds(row0, _ROWS_PER_SUB)])
        else:
            y_src = y_hbm
        plsc.subcore_barrier()

        blk0 = (c * _NSUB + s) * _ROUNDS

        def start_gather(r, rows, sem):
            pltpu.async_copy(y_src.at[src_v.at[2 * r]],
                             rows.at[pl.ds(0, _H)], sem)
            pltpu.async_copy(y_src.at[src_v.at[2 * r + 1]],
                             rows.at[pl.ds(_H, _H)], sem)

        def wait_gather(r, rows, sem):
            pltpu.make_async_copy(y_src.at[src_v.at[2 * r]],
                                  rows.at[pl.ds(0, _H)], sem).wait()
            pltpu.make_async_copy(y_src.at[src_v.at[2 * r + 1]],
                                  rows.at[pl.ds(_H, _H)], sem).wait()

        def start_scatter(r, rows, sem):
            pltpu.async_copy(rows.at[pl.ds(0, _H)],
                             acc.at[dst_v.at[2 * r]], sem, add=True)
            pltpu.async_copy(rows.at[pl.ds(_H, _H)],
                             acc.at[dst_v.at[2 * r + 1]], sem, add=True)

        def wait_scatter(r, rows, sem):
            pltpu.make_async_copy(rows.at[pl.ds(0, _H)],
                                  acc.at[dst_v.at[2 * r]], sem).wait()
            pltpu.make_async_copy(rows.at[pl.ds(_H, _H)],
                                  acc.at[dst_v.at[2 * r + 1]], sem).wait()

        def scale(r, rows):
            @pl.loop(0, _B // 16)
            def _group(g):
                ew16 = ew_v[r, pl.ds(g * 16, 16)]
                for i in range(16):
                    w = _bcast_lane(ew16, i)
                    e = g * 16 + i
                    for j in range(d // 16):
                        sl = pl.ds(j * 16, 16)
                        rows[e, sl] = rows[e, sl] * w

        @pl.loop(0, nchunks)
        def _chunk(ch):
            blk = blk0 + ch * chunk
            pltpu.sync_copy(src_hbm.at[pl.ds(2 * blk, 2 * chunk)], src_v)
            pltpu.sync_copy(dst_hbm.at[pl.ds(2 * blk, 2 * chunk)], dst_v)
            pltpu.sync_copy(ew_hbm.at[pl.ds(blk, chunk)], ew_v)
            start_gather(0, rows0, g0)

            @pl.loop(0, chunk // 2)
            def _pair(t):
                ra = 2 * t
                rb = 2 * t + 1

                @pl.when(t > 0)
                def _():
                    wait_scatter(rb, rows1, s1)
                start_gather(rb, rows1, g1)
                wait_gather(ra, rows0, g0)
                scale(ra, rows0)
                start_scatter(ra, rows0, s0)
                wait_gather(rb, rows1, g1)
                scale(rb, rows1)
                start_scatter(rb, rows1, s1)
                wait_scatter(ra, rows0, s0)

                @pl.when(t < chunk // 2 - 1)
                def _():
                    start_gather(2 * t + 2, rows0, g0)

            wait_scatter(chunk - 1, rows1, s1)

        plsc.subcore_barrier()
        pltpu.sync_copy(acc.at[pl.ds(row0, _ROWS_PER_SUB)],
                        out_hbm.at[c, pl.ds(row0, _ROWS_PER_SUB)])

    return agg


_agg128 = _make_agg(_D1, tc_tiling=False, chunk=20)
_agg16 = _make_agg(_D2, stage_y=True, chunk=80)


def kernel(x, edge_index, edge_weight, W1, W2):
    src = edge_index[0].astype(jnp.int32)
    dst = edge_index[1].astype(jnp.int32)
    ew = edge_weight.astype(jnp.float32)

    pad = _E_PAD - _E
    pad_idx = jnp.arange(pad, dtype=jnp.int32) % _N
    src_p = jnp.concatenate([src, pad_idx]).reshape(_E_PAD // _H, _H)
    dst_p = jnp.concatenate([dst, pad_idx]).reshape(_E_PAD // _H, _H)
    ew_p = jnp.concatenate(
        [ew, jnp.zeros((pad,), jnp.float32)]).reshape(_E_PAD // _B, _B)

    y1 = _matmul(x, W1.T)
    p = _agg128(y1, src_p, dst_p, ew_p)
    h2 = _relu_mm(p, W2.T)
    q = _agg16(h2, src_p, dst_p, ew_p)
    return _add2(q)

# --- scband reference (transcript-rebuilt; emitter-appended) ---
"""Pipeline reference for scband-gnnclassifier-79207786873560 (READ-ONLY COPY).

The authoritative reference and input builder live on the scoring server;
editing this copy changes nothing except your own understanding.
"""

import jax, jax.numpy as jnp
import numpy as np

N_NODES = 10000
N_EDGES = 320000
D_IN = 128
D_HID = 128
D_OUT = 16


def setup_inputs(seed: int = 0) -> dict:
    key = jax.random.key(seed)
    k1, k2, k3, k4, k5 = jax.random.split(key, 5)
    x = jax.random.normal(k1, (N_NODES, D_IN), dtype=jnp.float32)
    edge_index = jax.random.randint(k2, (2, N_EDGES), 0, N_NODES, dtype=jnp.int64)
    edge_weight = jax.random.uniform(k3, (N_EDGES,), dtype=jnp.float32)
    # Learned parameters: torch nn.Linear(in, out, bias=False) -> weight [out, in]
    W1 = jax.random.normal(k4, (D_HID, D_IN), dtype=jnp.float32) * 0.05
    W2 = jax.random.normal(k5, (D_OUT, D_HID), dtype=jnp.float32) * 0.05
    return {"x": x, "edge_index": edge_index, "edge_weight": edge_weight, "W1": W1, "W2": W2}


def _gnn_layer(node_emb, src, dst, edge_weight, W, num_nodes):
    # DGL update_all(u_mul_e('ft','edge_weight','m'), sum('m','ft'))
    msgs = node_emb[src] * edge_weight[:, None]          # gather + elementwise mul
    agg = jax.ops.segment_sum(msgs, dst, num_segments=num_nodes)  # scatter-add to dst
    return agg @ W.T                                      # linear_out (no bias)


def reference(x, edge_index, edge_weight, W1, W2):
    src = edge_index[0]
    dst = edge_index[1]
    # feat_drop / layer_drop are no-ops in eval mode (training=False)
    h = _gnn_layer(x, src, dst, edge_weight, W1, N_NODES)
    h = jax.nn.relu(h)
    logits = _gnn_layer(h, src, dst, edge_weight, W2, N_NODES)
    return logits

if __name__ == "__main__":
    import jax
    _d = setup_inputs()
    print(jax.jit(kernel)(*tuple(_d.values())))

</pallas_src>

<mosaic_0001>
#map = affine_map<(d0, d1) -> (0, 0)>
#map1 = affine_map<(d0, d1) -> (0, 0, 0)>
module attributes {stable_mosaic.version = 14 : i64} {
  func.func @agg(%arg0: i32, %arg1: i32, %arg2: memref<10000x128xf32, #tpu.memory_space<hbm>>, %arg3: memref<5120x64xi32, #tpu.memory_space<hbm>>, %arg4: memref<5120x64xi32, #tpu.memory_space<hbm>>, %arg5: memref<2560x128xf32, #tpu.memory_space<hbm>>, %arg6: memref<2x10112x128xf32, #tpu.memory_space<hbm>>, %arg7: memref<10112x128xf32, #tpu.memory_space<vmem_shared>>, %arg8: memref<40x64xi32, #tpu.memory_space<vmem>>, %arg9: memref<40x64xi32, #tpu.memory_space<vmem>>, %arg10: memref<20x128xf32, #tpu.memory_space<vmem>>, %arg11: memref<128x128xf32, #tpu.memory_space<vmem>>, %arg12: memref<128x128xf32, #tpu.memory_space<vmem>>, %arg13: memref<!tpu.dma_semaphore, #tpu.memory_space<semaphore_mem>>, %arg14: memref<!tpu.dma_semaphore, #tpu.memory_space<semaphore_mem>>, %arg15: memref<!tpu.dma_semaphore, #tpu.memory_space<semaphore_mem>>, %arg16: memref<!tpu.dma_semaphore, #tpu.memory_space<semaphore_mem>>) attributes {dimension_semantics = [#tpu.dimension_semantics<core_parallel>, #tpu.dimension_semantics<subcore_parallel>], iteration_bounds = array<i64: 2, 16>, scalar_prefetch = 0 : i64, scratch_operands = 10 : i64, tpu.core_type = #tpu.core_type<sc_vector_subcore>, window_params = [{transform_indices = #map}, {transform_indices = #map}, {transform_indices = #map}, {transform_indices = #map}, {transform_indices = #map1}]} {
    %scan3A = arith.constant 0 : i32
    %scan3A_0 = arith.constant 128 : i32
    %scan3A_1 = arith.addi %scan3A, %scan3A_0 : i32
    %scan3A_2 = arith.constant 1 : i32
    scf.for %scan3A_25 = %scan3A to %scan3A_1 step %scan3A_2  : i32 {
      %mul3A_26 = arith.constant 1 : i32
      %mul3A_27 = arith.muli %scan3A_25, %mul3A_26 : i32
      %add3A_28 = arith.constant 0 : i32
      %add3A_29 = arith.addi %add3A_28, %mul3A_27 : i32
      %broadcast_in_dim3A = arith.constant 0.000000e+00 : f32
      %broadcast_in_dim3A_30 = vector.broadcast %broadcast_in_dim3A : f32 to vector<16xf32>
      %swap3A = arith.index_cast %add3A_29 : i32 to index
      %swap3A_31 = arith.constant 0 : index
      %swap3A_32 = tpu.vector_load %arg11[%swap3A, %swap3A_31] {strides = array<i32>} : memref<128x128xf32, #tpu.memory_space<vmem>>, vector<1x16xf32>,
      %swap3A_33 = vector.shape_cast %swap3A_32 : vector<1x16xf32> to vector<16xf32>
      %swap3A_34 = vector.shape_cast %broadcast_in_dim3A_30 : vector<16xf32> to vector<1x16xf32>
      tpu.vector_store %arg11[%swap3A, %swap3A_31], %swap3A_34 {strides = array<i32>} : memref<128x128xf32, #tpu.memory_space<vmem>>, vector<1x16xf32>,
      %broadcast_in_dim3A_35 = arith.constant 0.000000e+00 : f32
      %broadcast_in_dim3A_36 = vector.broadcast %broadcast_in_dim3A_35 : f32 to vector<16xf32>
      %swap3A_37 = arith.index_cast %add3A_29 : i32 to index
      %swap3A_38 = arith.constant 16 : index
      %swap3A_39 = tpu.vector_load %arg11[%swap3A_37, %swap3A_38] {strides = array<i32>} : memref<128x128xf32, #tpu.memory_space<vmem>>, vector<1x16xf32>,
      %swap3A_40 = vector.shape_cast %swap3A_39 : vector<1x16xf32> to vector<16xf32>
      %swap3A_41 = vector.shape_cast %broadcast_in_dim3A_36 : vector<16xf32> to vector<1x16xf32>
      tpu.vector_store %arg11[%swap3A_37, %swap3A_38], %swap3A_41 {strides = array<i32>} : memref<128x128xf32, #tpu.memory_space<vmem>>, vector<1x16xf32>,
      %broadcast_in_dim3A_42 = arith.constant 0.000000e+00 : f32
      %broadcast_in_dim3A_43 = vector.broadcast %broadcast_in_dim3A_42 : f32 to vector<16xf32>
      %swap3A_44 = arith.index_cast %add3A_29 : i32 to index
      %swap3A_45 = arith.constant 32 : index
      %swap3A_46 = tpu.vector_load %arg11[%swap3A_44, %swap3A_45] {strides = array<i32>} : memref<128x128xf32, #tpu.memory_space<vmem>>, vector<1x16xf32>,
      %swap3A_47 = vector.shape_cast %swap3A_46 : vector<1x16xf32> to vector<16xf32>
      %swap3A_48 = vector.shape_cast %broadcast_in_dim3A_43 : vector<16xf32> to vector<1x16xf32>
      tpu.vector_store %arg11[%swap3A_44, %swap3A_45], %swap3A_48 {strides = array<i32>} : memref<128x128xf32, #tpu.memory_space<vmem>>, vector<1x16xf32>,
      %broadcast_in_dim3A_49 = arith.constant 0.000000e+00 : f32
      %broadcast_in_dim3A_50 = vector.broadcast %broadcast_in_dim3A_49 : f32 to vector<16xf32>
      %swap3A_51 = arith.index_cast %add3A_29 : i32 to index
      %swap3A_52 = arith.constant 48 : index
      %swap3A_53 = tpu.vector_load %arg11[%swap3A_51, %swap3A_52] {strides = array<i32>} : memref<128x128xf32, #tpu.memory_space<vmem>>, vector<1x16xf32>,
      %swap3A_54 = vector.shape_cast %swap3A_53 : vector<1x16xf32> to vector<16xf32>
      %swap3A_55 = vector.shape_cast %broadcast_in_dim3A_50 : vector<16xf32> to vector<1x16xf32>
      tpu.vector_store %arg11[%swap3A_51, %swap3A_52], %swap3A_55 {strides = array<i32>} : memref<128x128xf32, #tpu.memory_space<vmem>>, vector<1x16xf32>,
      %broadcast_in_dim3A_56 = arith.constant 0.000000e+00 : f32
      %broadcast_in_dim3A_57 = vector.broadcast %broadcast_in_dim3A_56 : f32 to vector<16xf32>
      %swap3A_58 = arith.index_cast %add3A_29 : i32 to index
      %swap3A_59 = arith.constant 64 : index
      %swap3A_60 = tpu.vector_load %arg11[%swap3A_58, %swap3A_59] {strides = array<i32>} : memref<128x128xf32, #tpu.memory_space<vmem>>, vector<1x16xf32>,
      %swap3A_61 = vector.shape_cast %swap3A_60 : vector<1x16xf32> to vector<16xf32>
      %swap3A_62 = vector.shape_cast %broadcast_in_dim3A_57 : vector<16xf32> to vector<1x16xf32>
      tpu.vector_store %arg11[%swap3A_58, %swap3A_59], %swap3A_62 {strides = array<i32>} : memref<128x128xf32, #tpu.memory_space<vmem>>, vector<1x16xf32>,
      %broadcast_in_dim3A_63 = arith.constant 0.000000e+00 : f32
      %broadcast_in_dim3A_64 = vector.broadcast %broadcast_in_dim3A_63 : f32 to vector<16xf32>
      %swap3A_65 = arith.index_cast %add3A_29 : i32 to index
      %swap3A_66 = arith.constant 80 : index
      %swap3A_67 = tpu.vector_load %arg11[%swap3A_65, %swap3A_66] {strides = array<i32>} : memref<128x128xf32, #tpu.memory_space<vmem>>, vector<1x16xf32>,
      %swap3A_68 = vector.shape_cast %swap3A_67 : vector<1x16xf32> to vector<16xf32>
      %swap3A_69 = vector.shape_cast %broadcast_in_dim3A_64 : vector<16xf32> to vector<1x16xf32>
      tpu.vector_store %arg11[%swap3A_65, %swap3A_66], %swap3A_69 {strides = array<i32>} : memref<128x128xf32, #tpu.memory_space<vmem>>, vector<1x16xf32>,
      %broadcast_in_dim3A_70 = arith.constant 0.000000e+00 : f32
      %broadcast_in_dim3A_71 = vector.broadcast %broadcast_in_dim3A_70 : f32 to vector<16xf32>
      %swap3A_72 = arith.index_cast %add3A_29 : i32 to index
      %swap3A_73 = arith.constant 96 : index
      %swap3A_74 = tpu.vector_load %arg11[%swap3A_72, %swap3A_73] {strides = array<i32>} : memref<128x128xf32, #tpu.memory_space<vmem>>, vector<1x16xf32>,
      %swap3A_75 = vector.shape_cast %swap3A_74 : vector<1x16xf32> to vector<16xf32>
      %swap3A_76 = vector.shape_cast %broadcast_in_dim3A_71 : vector<16xf32> to vector<1x16xf32>
      tpu.vector_store %arg11[%swap3A_72, %swap3A_73], %swap3A_76 {strides = array<i32>} : memref<128x128xf32, #tpu.memory_space<vmem>>, vector<1x16xf32>,
      %broadcast_in_dim3A_77 = arith.constant 0.000000e+00 : f32
      %broadcast_in_dim3A_78 = vector.broadcast %broadcast_in_dim3A_77 : f32 to vector<16xf32>
      %swap3A_79 = arith.index_cast %add3A_29 : i32 to index
      %swap3A_80 = arith.constant 112 : index
      %swap3A_81 = tpu.vector_load %arg11[%swap3A_79, %swap3A_80] {strides = array<i32>} : memref<128x128xf32, #tpu.memory_space<vmem>>, vector<1x16xf32>,
      %swap3A_82 = vector.shape_cast %swap3A_81 : vector<1x16xf32> to vector<16xf32>
      %swap3A_83 = vector.shape_cast %broadcast_in_dim3A_78 : vector<16xf32> to vector<1x16xf32>
      tpu.vector_store %arg11[%swap3A_79, %swap3A_80], %swap3A_83 {strides = array<i32>} : memref<128x128xf32, #tpu.memory_space<vmem>>, vector<1x16xf32>,
    }
    %scan3A_3 = arith.constant 128 : i32
    %mul3A = arith.constant 632 : i32
    %mul3A_4 = arith.muli %arg1, %mul3A : i32
    %add3A = arith.constant 0 : i32
    %add3A_5 = arith.addi %mul3A_4, %add3A : i32
    "tpu.region"() ({
      %run_scoped3A = tpu.sem_alloc : memref<!tpu.dma_semaphore, #tpu.memory_space<semaphore_mem>>
      %dma_start3A = arith.constant 0 : i32
      %dma_start3A_25 = tpu.memref_slice %arg7[%add3A_5, %dma_start3A] : memref<10112x128xf32, #tpu.memory_space<vmem_shared>> -> memref<128x128xf32, #tpu.memory_space<vmem_shared>>
      %dma_start3A_26 = arith.constant 0 : i32
      %dma_start3A_27 = tpu.memref_slice %arg7[%add3A_5, %dma_start3A_26] : memref<10112x128xf32, #tpu.memory_space<vmem_shared>> -> memref<128x128xf32, #tpu.memory_space<vmem_shared>>
      tpu.enqueue_dma source(%arg11 : memref<128x128xf32, #tpu.memory_space<vmem>>) target(%dma_start3A_27 : memref<128x128xf32, #tpu.memory_space<vmem_shared>>) target_semaphore(%run_scoped3A : memref<!tpu.dma_semaphore, #tpu.memory_space<semaphore_mem>>)
      %dma_wait3A = arith.constant 0 : i32
      %dma_wait3A_28 = tpu.memref_slice %arg7[%add3A_5, %dma_wait3A] : memref<10112x128xf32, #tpu.memory_space<vmem_shared>> -> memref<128x128xf32, #tpu.memory_space<vmem_shared>>
      %dma_wait3A_29 = arith.constant 0 : i32
      %dma_wait3A_30 = tpu.memref_slice %arg7[%add3A_5, %dma_wait3A_29] : memref<10112x128xf32, #tpu.memory_space<vmem_shared>> -> memref<128x128xf32, #tpu.memory_space<vmem_shared>>
      tpu.wait_dma2 semaphore(%run_scoped3A : memref<!tpu.dma_semaphore, #tpu.memory_space<semaphore_mem>>) src(%arg11 : memref<128x128xf32, #tpu.memory_space<vmem>>) dst(%dma_wait3A_30 : memref<128x128xf32, #tpu.memory_space<vmem_shared>>)
      tpu.yield
    }) : () -> ()
    %add3A_6 = arith.constant 128 : i32
    %add3A_7 = arith.addi %mul3A_4, %add3A_6 : i32
    "tpu.region"() ({
      %run_scoped3A = tpu.sem_alloc : memref<!tpu.dma_semaphore, #tpu.memory_space<semaphore_mem>>
      %dma_start3A = arith.constant 0 : i32
      %dma_start3A_25 = tpu.memref_slice %arg7[%add3A_7, %dma_start3A] : memref<10112x128xf32, #tpu.memory_space<vmem_shared>> -> memref<128x128xf32, #tpu.memory_space<vmem_shared>>
      %dma_start3A_26 = arith.constant 0 : i32
      %dma_start3A_27 = tpu.memref_slice %arg7[%add3A_7, %dma_start3A_26] : memref<10112x128xf32, #tpu.memory_space<vmem_shared>> -> memref<128x128xf32, #tpu.memory_space<vmem_shared>>
      tpu.enqueue_dma source(%arg11 : memref<128x128xf32, #tpu.memory_space<vmem>>) target(%dma_start3A_27 : memref<128x128xf32, #tpu.memory_space<vmem_shared>>) target_semaphore(%run_scoped3A : memref<!tpu.dma_semaphore, #tpu.memory_space<semaphore_mem>>)
      %dma_wait3A = arith.constant 0 : i32
      %dma_wait3A_28 = tpu.memref_slice %arg7[%add3A_7, %dma_wait3A] : memref<10112x128xf32, #tpu.memory_space<vmem_shared>> -> memref<128x128xf32, #tpu.memory_space<vmem_shared>>
      %dma_wait3A_29 = arith.constant 0 : i32
      %dma_wait3A_30 = tpu.memref_slice %arg7[%add3A_7, %dma_wait3A_29] : memref<10112x128xf32, #tpu.memory_space<vmem_shared>> -> memref<128x128xf32, #tpu.memory_space<vmem_shared>>
      tpu.wait_dma2 semaphore(%run_scoped3A : memref<!tpu.dma_semaphore, #tpu.memory_space<semaphore_mem>>) src(%arg11 : memref<128x128xf32, #tpu.memory_space<vmem>>) dst(%dma_wait3A_30 : memref<128x128xf32, #tpu.memory_space<vmem_shared>>)
      tpu.yield
    }) : () -> ()
    %add3A_8 = arith.constant 256 : i32
    %add3A_9 = arith.addi %mul3A_4, %add3A_8 : i32
    "tpu.region"() ({
      %run_scoped3A = tpu.sem_alloc : memref<!tpu.dma_semaphore, #tpu.memory_space<semaphore_mem>>
      %dma_start3A = arith.constant 0 : i32
      %dma_start3A_25 = tpu.memref_slice %arg7[%add3A_9, %dma_start3A] : memref<10112x128xf32, #tpu.memory_space<vmem_shared>> -> memref<128x128xf32, #tpu.memory_space<vmem_shared>>
      %dma_start3A_26 = arith.constant 0 : i32
      %dma_start3A_27 = tpu.memref_slice %arg7[%add3A_9, %dma_start3A_26] : memref<10112x128xf32, #tpu.memory_space<vmem_shared>> -> memref<128x128xf32, #tpu.memory_space<vmem_shared>>
      tpu.enqueue_dma source(%arg11 : memref<128x128xf32, #tpu.memory_space<vmem>>) target(%dma_start3A_27 : memref<128x128xf32, #tpu.memory_space<vmem_shared>>) target_semaphore(%run_scoped3A : memref<!tpu.dma_semaphore, #tpu.memory_space<semaphore_mem>>)
      %dma_wait3A = arith.constant 0 : i32
      %dma_wait3A_28 = tpu.memref_slice %arg7[%add3A_9, %dma_wait3A] : memref<10112x128xf32, #tpu.memory_space<vmem_shared>> -> memref<128x128xf32, #tpu.memory_space<vmem_shared>>
      %dma_wait3A_29 = arith.constant 0 : i32
      %dma_wait3A_30 = tpu.memref_slice %arg7[%add3A_9, %dma_wait3A_29] : memref<10112x128xf32, #tpu.memory_space<vmem_shared>> -> memref<128x128xf32, #tpu.memory_space<vmem_shared>>
      tpu.wait_dma2 semaphore(%run_scoped3A : memref<!tpu.dma_semaphore, #tpu.memory_space<semaphore_mem>>) src(%arg11 : memref<128x128xf32, #tpu.memory_space<vmem>>) dst(%dma_wait3A_30 : memref<128x128xf32, #tpu.memory_space<vmem_shared>>)
      tpu.yield
    }) : () -> ()
    %add3A_10 = arith.constant 384 : i32
    %add3A_11 = arith.addi %mul3A_4, %add3A_10 : i32
    "tpu.region"() ({
      %run_scoped3A = tpu.sem_alloc : memref<!tpu.dma_semaphore, #tpu.memory_space<semaphore_mem>>
      %dma_start3A = arith.constant 0 : i32
      %dma_start3A_25 = tpu.memref_slice %arg7[%add3A_11, %dma_start3A] : memref<10112x128xf32, #tpu.memory_space<vmem_shared>> -> memref<128x128xf32, #tpu.memory_space<vmem_shared>>
      %dma_start3A_26 = arith.constant 0 : i32
      %dma_start3A_27 = tpu.memref_slice %arg7[%add3A_11, %dma_start3A_26] : memref<10112x128xf32, #tpu.memory_space<vmem_shared>> -> memref<128x128xf32, #tpu.memory_space<vmem_shared>>
      tpu.enqueue_dma source(%arg11 : memref<128x128xf32, #tpu.memory_space<vmem>>) target(%dma_start3A_27 : memref<128x128xf32, #tpu.memory_space<vmem_shared>>) target_semaphore(%run_scoped3A : memref<!tpu.dma_semaphore, #tpu.memory_space<semaphore_mem>>)
      %dma_wait3A = arith.constant 0 : i32
      %dma_wait3A_28 = tpu.memref_slice %arg7[%add3A_11, %dma_wait3A] : memref<10112x128xf32, #tpu.memory_space<vmem_shared>> -> memref<128x128xf32, #tpu.memory_space<vmem_shared>>
      %dma_wait3A_29 = arith.constant 0 : i32
      %dma_wait3A_30 = tpu.memref_slice %arg7[%add3A_11, %dma_wait3A_29] : memref<10112x128xf32, #tpu.memory_space<vmem_shared>> -> memref<128x128xf32, #tpu.memory_space<vmem_shared>>
      tpu.wait_dma2 semaphore(%run_scoped3A : memref<!tpu.dma_semaphore, #tpu.memory_space<semaphore_mem>>) src(%arg11 : memref<128x128xf32, #tpu.memory_space<vmem>>) dst(%dma_wait3A_30 : memref<128x128xf32, #tpu.memory_space<vmem_shared>>)
      tpu.yield
    }) : () -> ()
    %add3A_12 = arith.constant 512 : i32
    %add3A_13 = arith.addi %mul3A_4, %add3A_12 : i32
    "tpu.region"() ({
      %run_scoped3A = tpu.sem_alloc : memref<!tpu.dma_semaphore, #tpu.memory_space<semaphore_mem>>
      %dma_start3A = arith.constant 0 : i32
      %dma_start3A_25 = arith.constant 0 : i32
      %dma_start3A_26 = tpu.memref_slice %arg11[%dma_start3A, %dma_start3A_25] : memref<128x128xf32, #tpu.memory_space<vmem>> -> memref<120x128xf32, #tpu.memory_space<vmem>>
      %dma_start3A_27 = arith.constant 0 : i32
      %dma_start3A_28 = tpu.memref_slice %arg7[%add3A_13, %dma_start3A_27] : memref<10112x128xf32, #tpu.memory_space<vmem_shared>> -> memref<120x128xf32, #tpu.memory_space<vmem_shared>>
      %dma_start3A_29 = arith.constant 0 : i32
      %dma_start3A_30 = tpu.memref_slice %arg7[%add3A_13, %dma_start3A_29] : memref<10112x128xf32, #tpu.memory_space<vmem_shared>> -> memref<120x128xf32, #tpu.memory_space<vmem_shared>>
      %dma_start3A_31 = arith.constant 0 : i32
      %dma_start3A_32 = arith.constant 0 : i32
      %dma_start3A_33 = tpu.memref_slice %arg11[%dma_start3A_31, %dma_start3A_32] : memref<128x128xf32, #tpu.memory_space<vmem>> -> memref<120x128xf32, #tpu.memory_space<vmem>>
      tpu.enqueue_dma source(%dma_start3A_33 : memref<120x128xf32, #tpu.memory_space<vmem>>) target(%dma_start3A_30 : memref<120x128xf32, #tpu.memory_space<vmem_shared>>) target_semaphore(%run_scoped3A : memref<!tpu.dma_semaphore, #tpu.memory_space<semaphore_mem>>)
      %dma_wait3A = arith.constant 0 : i32
      %dma_wait3A_34 = arith.constant 0 : i32
      %dma_wait3A_35 = tpu.memref_slice %arg11[%dma_wait3A, %dma_wait3A_34] : memref<128x128xf32, #tpu.memory_space<vmem>> -> memref<120x128xf32, #tpu.memory_space<vmem>>
      %dma_wait3A_36 = arith.constant 0 : i32
      %dma_wait3A_37 = tpu.memref_slice %arg7[%add3A_13, %dma_wait3A_36] : memref<10112x128xf32, #tpu.memory_space<vmem_shared>> -> memref<120x128xf32, #tpu.memory_space<vmem_shared>>
      %dma_wait3A_38 = arith.constant 0 : i32
      %dma_wait3A_39 = tpu.memref_slice %arg7[%add3A_13, %dma_wait3A_38] : memref<10112x128xf32, #tpu.memory_space<vmem_shared>> -> memref<120x128xf32, #tpu.memory_space<vmem_shared>>
      %dma_wait3A_40 = arith.constant 0 : i32
      %dma_wait3A_41 = arith.constant 0 : i32
      %dma_wait3A_42 = tpu.memref_slice %arg11[%dma_wait3A_40, %dma_wait3A_41] : memref<128x128xf32, #tpu.memory_space<vmem>> -> memref<120x128xf32, #tpu.memory_space<vmem>>
      tpu.wait_dma2 semaphore(%run_scoped3A : memref<!tpu.dma_semaphore, #tpu.memory_space<semaphore_mem>>) src(%dma_wait3A_42 : memref<120x128xf32, #tpu.memory_space<vmem>>) dst(%dma_wait3A_39 : memref<120x128xf32, #tpu.memory_space<vmem_shared>>)
      tpu.yield
    }) : () -> ()
    %barrier3A = arith.constant 0 : index
    tpu.barrier barrier_id(%barrier3A)
    %mul3A_14 = arith.constant 16 : i32
    %mul3A_15 = arith.muli %arg0, %mul3A_14 : i32
    %add3A_16 = arith.addi %mul3A_15, %arg1 : i32
    %mul3A_17 = arith.constant 80 : i32
    %mul3A_18 = arith.muli %add3A_16, %mul3A_17 : i32
    %scan3A_19 = arith.constant 0 : i32
    %scan3A_20 = arith.constant 4 : i32
    %scan3A_21 = arith.addi %scan3A_19, %scan3A_20 : i32
    %scan3A_22 = arith.constant 1 : i32
    scf.for %scan3A_25 = %scan3A_19 to %scan3A_21 step %scan3A_22  : i32 {
      %mul3A_26 = arith.constant 1 : i32
      %mul3A_27 = arith.muli %scan3A_25, %mul3A_26 : i32
      %add3A_28 = arith.constant 0 : i32
      %add3A_29 = arith.addi %add3A_28, %mul3A_27 : i32
      %mul3A_30 = arith.constant 20 : i32
      %mul3A_31 = arith.muli %add3A_29, %mul3A_30 : i32
      %add3A_32 = arith.addi %mul3A_18, %mul3A_31 : i32
      %mul3A_33 = arith.constant 2 : i32
      %mul3A_34 = arith.muli %mul3A_33, %add3A_32 : i32
      "tpu.region"() ({
        %run_scoped3A = tpu.sem_alloc : memref<!tpu.dma_semaphore, #tpu.memory_space<semaphore_mem>>
        %dma_start3A_80 = arith.constant 0 : i32
        %dma_start3A_81 = tpu.memref_slice %arg3[%mul3A_34, %dma_start3A_80] : memref<5120x64xi32, #tpu.memory_space<hbm>> -> memref<40x64xi32, #tpu.memory_space<hbm>>
        %dma_start3A_82 = arith.constant 0 : i32
        %dma_start3A_83 = tpu.memref_slice %arg3[%mul3A_34, %dma_start3A_82] : memref<5120x64xi32, #tpu.memory_space<hbm>> -> memref<40x64xi32, #tpu.memory_space<hbm>>
        tpu.enqueue_dma source(%dma_start3A_83 : memref<40x64xi32, #tpu.memory_space<hbm>>) target(%arg8 : memref<40x64xi32, #tpu.memory_space<vmem>>) target_semaphore(%run_scoped3A : memref<!tpu.dma_semaphore, #tpu.memory_space<semaphore_mem>>)
        %dma_wait3A_84 = arith.constant 0 : i32
        %dma_wait3A_85 = tpu.memref_slice %arg3[%mul3A_34, %dma_wait3A_84] : memref<5120x64xi32, #tpu.memory_space<hbm>> -> memref<40x64xi32, #tpu.memory_space<hbm>>
        %dma_wait3A_86 = arith.constant 0 : i32
        %dma_wait3A_87 = tpu.memref_slice %arg3[%mul3A_34, %dma_wait3A_86] : memref<5120x64xi32, #tpu.memory_space<hbm>> -> memref<40x64xi32, #tpu.memory_space<hbm>>
        tpu.wait_dma2 semaphore(%run_scoped3A : memref<!tpu.dma_semaphore, #tpu.memory_space<semaphore_mem>>) src(%dma_wait3A_87 : memref<40x64xi32, #tpu.memory_space<hbm>>) dst(%arg8 : memref<40x64xi32, #tpu.memory_space<vmem>>)
        tpu.yield
      }) : () -> ()
      %mul3A_35 = arith.constant 2 : i32
      %mul3A_36 = arith.muli %mul3A_35, %add3A_32 : i32
      "tpu.region"() ({
        %run_scoped3A = tpu.sem_alloc : memref<!tpu.dma_semaphore, #tpu.memory_space<semaphore_mem>>
        %dma_start3A_80 = arith.constant 0 : i32
        %dma_start3A_81 = tpu.memref_slice %arg4[%mul3A_36, %dma_start3A_80] : memref<5120x64xi32, #tpu.memory_space<hbm>> -> memref<40x64xi32, #tpu.memory_space<hbm>>
        %dma_start3A_82 = arith.constant 0 : i32
        %dma_start3A_83 = tpu.memref_slice %arg4[%mul3A_36, %dma_start3A_82] : memref<5120x64xi32, #tpu.memory_space<hbm>> -> memref<40x64xi32, #tpu.memory_space<hbm>>
        tpu.enqueue_dma source(%dma_start3A_83 : memref<40x64xi32, #tpu.memory_space<hbm>>) target(%arg9 : memref<40x64xi32, #tpu.memory_space<vmem>>) target_semaphore(%run_scoped3A : memref<!tpu.dma_semaphore, #tpu.memory_space<semaphore_mem>>)
        %dma_wait3A_84 = arith.constant 0 : i32
        %dma_wait3A_85 = tpu.memref_slice %arg4[%mul3A_36, %dma_wait3A_84] : memref<5120x64xi32, #tpu.memory_space<hbm>> -> memref<40x64xi32, #tpu.memory_space<hbm>>
        %dma_wait3A_86 = arith.constant 0 : i32
        %dma_wait3A_87 = tpu.memref_slice %arg4[%mul3A_36, %dma_wait3A_86] : memref<5120x64xi32, #tpu.memory_space<hbm>> -> memref<40x64xi32, #tpu.memory_space<hbm>>
        tpu.wait_dma2 semaphore(%run_scoped3A : memref<!tpu.dma_semaphore, #tpu.memory_space<semaphore_mem>>) src(%dma_wait3A_87 : memref<40x64xi32, #tpu.memory_space<hbm>>) dst(%arg9 : memref<40x64xi32, #tpu.memory_space<vmem>>)
        tpu.yield
      }) : () -> ()
      "tpu.region"() ({
        %run_scoped3A = tpu.sem_alloc : memref<!tpu.dma_semaphore, #tpu.memory_space<semaphore_mem>>
        %dma_start3A_80 = arith.constant 0 : i32
        %dma_start3A_81 = tpu.memref_slice %arg5[%add3A_32, %dma_start3A_80] : memref<2560x128xf32, #tpu.memory_space<hbm>> -> memref<20x128xf32, #tpu.memory_space<hbm>>
        %dma_start3A_82 = arith.constant 0 : i32
        %dma_start3A_83 = tpu.memref_slice %arg5[%add3A_32, %dma_start3A_82] : memref<2560x128xf32, #tpu.memory_space<hbm>> -> memref<20x128xf32, #tpu.memory_space<hbm>>
        tpu.enqueue_dma source(%dma_start3A_83 : memref<20x128xf32, #tpu.memory_space<hbm>>) target(%arg10 : memref<20x128xf32, #tpu.memory_space<vmem>>) target_semaphore(%run_scoped3A : memref<!tpu.dma_semaphore, #tpu.memory_space<semaphore_mem>>)
        %dma_wait3A_84 = arith.constant 0 : i32
        %dma_wait3A_85 = tpu.memref_slice %arg5[%add3A_32, %dma_wait3A_84] : memref<2560x128xf32, #tpu.memory_space<hbm>> -> memref<20x128xf32, #tpu.memory_space<hbm>>
        %dma_wait3A_86 = arith.constant 0 : i32
        %dma_wait3A_87 = tpu.memref_slice %arg5[%add3A_32, %dma_wait3A_86] : memref<2560x128xf32, #tpu.memory_space<hbm>> -> memref<20x128xf32, #tpu.memory_space<hbm>>
        tpu.wait_dma2 semaphore(%run_scoped3A : memref<!tpu.dma_semaphore, #tpu.memory_space<semaphore_mem>>) src(%dma_wait3A_87 : memref<20x128xf32, #tpu.memory_space<hbm>>) dst(%arg10 : memref<20x128xf32, #tpu.memory_space<vmem>>)
        tpu.yield
      }) : () -> ()
      %dma_start3A = arith.constant 0 : i32
      %dma_start3A_37 = arith.constant 0 : i32
      %dma_start3A_38 = arith.constant 0 : i32
      %dma_start3A_39 = tpu.memref_slice %arg11[%dma_start3A_37, %dma_start3A_38] : memref<128x128xf32, #tpu.memory_space<vmem>> -> memref<64x128xf32, #tpu.memory_space<vmem>>
      %dma_start3A_40 = arith.constant 0 : i32
      %dma_start3A_41 = tpu.memref_slice %arg8[%dma_start3A, %dma_start3A_40] : memref<40x64xi32, #tpu.memory_space<vmem>> -> memref<1x64xi32, #tpu.memory_space<vmem>>
      %dma_start3A_42 = tpu.memref_squeeze %dma_start3A_41 : memref<1x64xi32, #tpu.memory_space<vmem>> -> memref<64xi32, #tpu.memory_space<vmem>>
      %dma_start3A_43 = arith.constant 0 : i32
      %dma_start3A_44 = arith.constant 0 : i32
      %dma_start3A_45 = tpu.memref_slice %arg2[%dma_start3A_43, %dma_start3A_44] : memref<10000x128xf32, #tpu.memory_space<hbm>> -> memref<10000x128xf32, #tpu.memory_space<hbm>>
      tpu.enqueue_indirect_dma source(%dma_start3A_45 : memref<10000x128xf32, #tpu.memory_space<hbm>>) target(%dma_start3A_39 : memref<64x128xf32, #tpu.memory_space<vmem>>) offsets(%dma_start3A_42 : memref<64xi32, #tpu.memory_space<vmem>>) semaphore(%arg13 : memref<!tpu.dma_semaphore, #tpu.memory_space<semaphore_mem>>)
      %dma_start3A_46 = arith.constant 1 : i32
      %dma_start3A_47 = arith.constant 64 : i32
      %dma_start3A_48 = arith.constant 0 : i32
      %dma_start3A_49 = tpu.memref_slice %arg11[%dma_start3A_47, %dma_start3A_48] : memref<128x128xf32, #tpu.memory_space<vmem>> -> memref<64x128xf32, #tpu.memory_space<vmem>>
      %dma_start3A_50 = arith.constant 0 : i32
      %dma_start3A_51 = tpu.memref_slice %arg8[%dma_start3A_46, %dma_start3A_50] : memref<40x64xi32, #tpu.memory_space<vmem>> -> memref<1x64xi32, #tpu.memory_space<vmem>>
      %dma_start3A_52 = tpu.memref_squeeze %dma_start3A_51 : memref<1x64xi32, #tpu.memory_space<vmem>> -> memref<64xi32, #tpu.memory_space<vmem>>
      %dma_start3A_53 = arith.constant 0 : i32
      %dma_start3A_54 = arith.constant 0 : i32
      %dma_start3A_55 = tpu.memref_slice %arg2[%dma_start3A_53, %dma_start3A_54] : memref<10000x128xf32, #tpu.memory_space<hbm>> -> memref<10000x128xf32, #tpu.memory_space<hbm>>
      tpu.enqueue_indirect_dma source(%dma_start3A_55 : memref<10000x128xf32, #tpu.memory_space<hbm>>) target(%dma_start3A_49 : memref<64x128xf32, #tpu.memory_space<vmem>>) offsets(%dma_start3A_52 : memref<64xi32, #tpu.memory_space<vmem>>) semaphore(%arg13 : memref<!tpu.dma_semaphore, #tpu.memory_space<semaphore_mem>>)
      %scan3A_56 = arith.constant 0 : i32
      %scan3A_57 = arith.constant 10 : i32
      %scan3A_58 = arith.addi %scan3A_56, %scan3A_57 : i32
      %scan3A_59 = arith.constant 1 : i32
      scf.for %scan3A_80 = %scan3A_56 to %scan3A_58 step %scan3A_59  : i32 {
        %mul3A_81 = arith.constant 1 : i32
        %mul3A_82 = arith.muli %scan3A_80, %mul3A_81 : i32
        %add3A_83 = arith.constant 0 : i32
        %add3A_84 = arith.addi %add3A_83, %mul3A_82 : i32
        %mul3A_85 = arith.constant 2 : i32
        %mul3A_86 = arith.muli %mul3A_85, %add3A_84 : i32
        %mul3A_87 = arith.constant 2 : i32
        %mul3A_88 = arith.muli %mul3A_87, %add3A_84 : i32
        %add3A_89 = arith.constant 1 : i32
        %add3A_90 = arith.addi %mul3A_88, %add3A_89 : i32
        %gt3A = arith.constant 0 : i32
        %gt3A_91 = arith.cmpi sgt, %add3A_84, %gt3A : i32
        %convert_element_type3A = arith.extui %gt3A_91 : i1 to i32
        %cond3A = arith.constant 0 : i32
        %cond3A_92 = arith.cmpi ne, %convert_element_type3A, %cond3A : i32
        scf.if %cond3A_92 {
          %mul3A_251 = arith.constant 2 : i32
          %mul3A_252 = arith.muli %mul3A_251, %add3A_90 : i32
          %dma_wait3A_253 = arith.constant 0 : i32
          %dma_wait3A_254 = arith.constant 0 : i32
          %dma_wait3A_255 = tpu.memref_slice %arg12[%dma_wait3A_253, %dma_wait3A_254] : memref<128x128xf32, #tpu.memory_space<vmem>> -> memref<64x128xf32, #tpu.memory_space<vmem>>
          %dma_wait3A_256 = arith.constant 0 : i32
          %dma_wait3A_257 = tpu.memref_slice %arg9[%mul3A_252, %dma_wait3A_256] : memref<40x64xi32, #tpu.memory_space<vmem>> -> memref<1x64xi32, #tpu.memory_space<vmem>>
          %dma_wait3A_258 = tpu.memref_squeeze %dma_wait3A_257 : memref<1x64xi32, #tpu.memory_space<vmem>> -> memref<64xi32, #tpu.memory_space<vmem>>
          %dma_wait3A_259 = arith.constant 0 : i32
          %dma_wait3A_260 = arith.constant 0 : i32
          %dma_wait3A_261 = tpu.memref_slice %arg7[%dma_wait3A_259, %dma_wait3A_260] : memref<10112x128xf32, #tpu.memory_space<vmem_shared>> -> memref<10112x128xf32, #tpu.memory_space<vmem_shared>>
          tpu.wait_indirect_dma semaphore(%arg16 : memref<!tpu.dma_semaphore, #tpu.memory_space<semaphore_mem>>) src(%dma_wait3A_255 : memref<64x128xf32, #tpu.memory_space<vmem>>) dst(%dma_wait3A_261 : memref<10112x128xf32, #tpu.memory_space<vmem_shared>>)
          %mul3A_262 = arith.constant 2 : i32
          %mul3A_263 = arith.muli %mul3A_262, %add3A_90 : i32
          %add3A_264 = arith.constant 1 : i32
          %add3A_265 = arith.addi %mul3A_263, %add3A_264 : i32
          %dma_wait3A_266 = arith.constant 64 : i32
          %dma_wait3A_267 = arith.constant 0 : i32
          %dma_wait3A_268 = tpu.memref_slice %arg12[%dma_wait3A_266, %dma_wait3A_267] : memref<128x128xf32, #tpu.memory_space<vmem>> -> memref<64x128xf32, #tpu.memory_space<vmem>>
          %dma_wait3A_269 = arith.constant 0 : i32
          %dma_wait3A_270 = tpu.memref_slice %arg9[%add3A_265, %dma_wait3A_269] : memref<40x64xi32, #tpu.memory_space<vmem>> -> memref<1x64xi32, #tpu.memory_space<vmem>>
          %dma_wait3A_271 = tpu.memref_squeeze %dma_wait3A_270 : memref<1x64xi32, #tpu.memory_space<vmem>> -> memref<64xi32, #tpu.memory_space<vmem>>
          %dma_wait3A_272 = arith.constant 0 : i32
          %dma_wait3A_273 = arith.constant 0 : i32
          %dma_wait3A_274 = tpu.memref_slice %arg7[%dma_wait3A_272, %dma_wait3A_273] : memref<10112x128xf32, #tpu.memory_space<vmem_shared>> -> memref<10112x128xf32, #tpu.memory_space<vmem_shared>>
          tpu.wait_indirect_dma semaphore(%arg16 : memref<!tpu.dma_semaphore, #tpu.memory_space<semaphore_mem>>) src(%dma_wait3A_268 : memref<64x128xf32, #tpu.memory_space<vmem>>) dst(%dma_wait3A_274 : memref<10112x128xf32, #tpu.memory_space<vmem_shared>>)
        } else {
        }
        %mul3A_93 = arith.constant 2 : i32
        %mul3A_94 = arith.muli %mul3A_93, %add3A_90 : i32
        %dma_start3A_95 = arith.constant 0 : i32
        %dma_start3A_96 = arith.constant 0 : i32
        %dma_start3A_97 = tpu.memref_slice %arg12[%dma_start3A_95, %dma_start3A_96] : memref<128x128xf32, #tpu.memory_space<vmem>> -> memref<64x128xf32, #tpu.memory_space<vmem>>
        %dma_start3A_98 = arith.constant 0 : i32
        %dma_start3A_99 = tpu.memref_slice %arg8[%mul3A_94, %dma_start3A_98] : memref<40x64xi32, #tpu.memory_space<vmem>> -> memref<1x64xi32, #tpu.memory_space<vmem>>
        %dma_start3A_100 = tpu.memref_squeeze %dma_start3A_99 : memref<1x64xi32, #tpu.memory_space<vmem>> -> memref<64xi32, #tpu.memory_space<vmem>>
        %dma_start3A_101 = arith.constant 0 : i32
        %dma_start3A_102 = arith.constant 0 : i32
        %dma_start3A_103 = tpu.memref_slice %arg2[%dma_start3A_101, %dma_start3A_102] : memref<10000x128xf32, #tpu.memory_space<hbm>> -> memref<10000x128xf32, #tpu.memory_space<hbm>>
        tpu.enqueue_indirect_dma source(%dma_start3A_103 : memref<10000x128xf32, #tpu.memory_space<hbm>>) target(%dma_start3A_97 : memref<64x128xf32, #tpu.memory_space<vmem>>) offsets(%dma_start3A_100 : memref<64xi32, #tpu.memory_space<vmem>>) semaphore(%arg14 : memref<!tpu.dma_semaphore, #tpu.memory_space<semaphore_mem>>)
        %mul3A_104 = arith.constant 2 : i32
        %mul3A_105 = arith.muli %mul3A_104, %add3A_90 : i32
        %add3A_106 = arith.constant 1 : i32
        %add3A_107 = arith.addi %mul3A_105, %add3A_106 : i32
        %dma_start3A_108 = arith.constant 64 : i32
        %dma_start3A_109 = arith.constant 0 : i32
        %dma_start3A_110 = tpu.memref_slice %arg12[%dma_start3A_108, %dma_start3A_109] : memref<128x128xf32, #tpu.memory_space<vmem>> -> memref<64x128xf32, #tpu.memory_space<vmem>>
        %dma_start3A_111 = arith.constant 0 : i32
        %dma_start3A_112 = tpu.memref_slice %arg8[%add3A_107, %dma_start3A_111] : memref<40x64xi32, #tpu.memory_space<vmem>> -> memref<1x64xi32, #tpu.memory_space<vmem>>
        %dma_start3A_113 = tpu.memref_squeeze %dma_start3A_112 : memref<1x64xi32, #tpu.memory_space<vmem>> -> memref<64xi32, #tpu.memory_space<vmem>>
        %dma_start3A_114 = arith.constant 0 : i32
        %dma_start3A_115 = arith.constant 0 : i32
        %dma_start3A_116 = tpu.memref_slice %arg2[%dma_start3A_114, %dma_start3A_115] : memref<10000x128xf32, #tpu.memory_space<hbm>> -> memref<10000x128xf32, #tpu.memory_space<hbm>>
        tpu.enqueue_indirect_dma source(%dma_start3A_116 : memref<10000x128xf32, #tpu.memory_space<hbm>>) target(%dma_start3A_110 : memref<64x128xf32, #tpu.memory_space<vmem>>) offsets(%dma_start3A_113 : memref<64xi32, #tpu.memory_space<vmem>>) semaphore(%arg14 : memref<!tpu.dma_semaphore, #tpu.memory_space<semaphore_mem>>)
        %mul3A_117 = arith.constant 2 : i32
        %mul3A_118 = arith.muli %mul3A_117, %mul3A_86 : i32
        %dma_wait3A_119 = arith.constant 0 : i32
        %dma_wait3A_120 = arith.constant 0 : i32
        %dma_wait3A_121 = tpu.memref_slice %arg11[%dma_wait3A_119, %dma_wait3A_120] : memref<128x128xf32, #tpu.memory_space<vmem>> -> memref<64x128xf32, #tpu.memory_space<vmem>>
        %dma_wait3A_122 = arith.constant 0 : i32
        %dma_wait3A_123 = tpu.memref_slice %arg8[%mul3A_118, %dma_wait3A_122] : memref<40x64xi32, #tpu.memory_space<vmem>> -> memref<1x64xi32, #tpu.memory_space<vmem>>
        %dma_wait3A_124 = tpu.memref_squeeze %dma_wait3A_123 : memref<1x64xi32, #tpu.memory_space<vmem>> -> memref<64xi32, #tpu.memory_space<vmem>>
        %dma_wait3A_125 = arith.constant 0 : i32
        %dma_wait3A_126 = arith.constant 0 : i32
        %dma_wait3A_127 = tpu.memref_slice %arg2[%dma_wait3A_125, %dma_wait3A_126] : memref<10000x128xf32, #tpu.memory_space<hbm>> -> memref<10000x128xf32, #tpu.memory_space<hbm>>
        tpu.wait_indirect_dma semaphore(%arg13 : memref<!tpu.dma_semaphore, #tpu.memory_space<semaphore_mem>>) src(%dma_wait3A_127 : memref<10000x128xf32, #tpu.memory_space<hbm>>) dst(%dma_wait3A_121 : memref<64x128xf32, #tpu.memory_space<vmem>>)
        %mul3A_128 = arith.constant 2 : i32
        %mul3A_129 = arith.muli %mul3A_128, %mul3A_86 : i32
        %add3A_130 = arith.constant 1 : i32
        %add3A_131 = arith.addi %mul3A_129, %add3A_130 : i32
        %dma_wait3A_132 = arith.constant 64 : i32
        %dma_wait3A_133 = arith.constant 0 : i32
        %dma_wait3A_134 = tpu.memref_slice %arg11[%dma_wait3A_132, %dma_wait3A_133] : memref<128x128xf32, #tpu.memory_space<vmem>> -> memref<64x128xf32, #tpu.memory_space<vmem>>
        %dma_wait3A_135 = arith.constant 0 : i32
        %dma_wait3A_136 = tpu.memref_slice %arg8[%add3A_131, %dma_wait3A_135] : memref<40x64xi32, #tpu.memory_space<vmem>> -> memref<1x64xi32, #tpu.memory_space<vmem>>
        %dma_wait3A_137 = tpu.memref_squeeze %dma_wait3A_136 : memref<1x64xi32, #tpu.memory_space<vmem>> -> memref<64xi32, #tpu.memory_space<vmem>>
        %dma_wait3A_138 = arith.constant 0 : i32
        %dma_wait3A_139 = arith.constant 0 : i32
        %dma_wait3A_140 = tpu.memref_slice %arg2[%dma_wait3A_138, %dma_wait3A_139] : memref<10000x128xf32, #tpu.memory_space<hbm>> -> memref<10000x128xf32, #tpu.memory_space<hbm>>
        tpu.wait_indirect_dma semaphore(%arg13 : memref<!tpu.dma_semaphore, #tpu.memory_space<semaphore_mem>>) src(%dma_wait3A_140 : memref<10000x128xf32, #tpu.memory_space<hbm>>) dst(%dma_wait3A_134 : memref<64x128xf32, #tpu.memory_space<vmem>>)
        %scan3A_141 = arith.constant 0 : i32
        %scan3A_142 = arith.constant 8 : i32
        %scan3A_143 = arith.addi %scan3A_141, %scan3A_142 : i32
        %scan3A_144 = arith.constant 1 : i32
        scf.for %scan3A_251 = %scan3A_141 to %scan3A_143 step %scan3A_144  : i32 {
          %mul3A_252 = arith.constant 1 : i32
          %mul3A_253 = arith.muli %scan3A_251, %mul3A_252 : i32
          %add3A_254 = arith.constant 0 : i32
          %add3A_255 = arith.addi %add3A_254, %mul3A_253 : i32
          %mul3A_256 = arith.constant 16 : i32
          %mul3A_257 = arith.muli %add3A_255, %mul3A_256 : i32
          %get3A = arith.index_cast %mul3A_86 : i32 to index
          %get3A_258 = arith.index_cast %mul3A_257 : i32 to index
          %get3A_259 = tpu.vector_load %arg10[%get3A, %get3A_258] {strides = array<i32>} : memref<20x128xf32, #tpu.memory_space<vmem>>, vector<1x16xf32>,
          %get3A_260 = vector.shape_cast %get3A_259 : vector<1x16xf32> to vector<16xf32>
          %broadcast_in_dim3A = arith.constant 0 : i32
          %broadcast_in_dim3A_261 = vector.broadcast %broadcast_in_dim3A : i32 to vector<16x1xi32>
          %gather3A = vector.shape_cast %broadcast_in_dim3A_261 : vector<16x1xi32> to vector<16xi32>
          %gather3A_262 = tpu.dynamic_gather %get3A_260[%gather3A] in [0] : vector<16xf32>, vector<16xi32> -> vector<16xf32>
          %mul3A_263 = arith.constant 16 : i32
          %mul3A_264 = arith.muli %add3A_255, %mul3A_263 : i32
          %add3A_265 = arith.constant 0 : i32
          %add3A_266 = arith.addi %mul3A_264, %add3A_265 : i32
          %get3A_267 = arith.index_cast %add3A_266 : i32 to index
          %get3A_268 = arith.constant 0 : index
          %get3A_269 = tpu.vector_load %arg11[%get3A_267, %get3A_268] {strides = array<i32>} : memref<128x128xf32, #tpu.memory_space<vmem>>, vector<1x16xf32>,
          %get3A_270 = vector.shape_cast %get3A_269 : vector<1x16xf32> to vector<16xf32>
          %mul3A_271 = arith.mulf %get3A_270, %gather3A_262 : vector<16xf32>
          %swap3A = arith.index_cast %add3A_266 : i32 to index
          %swap3A_272 = arith.constant 0 : index
          %swap3A_273 = tpu.vector_load %arg11[%swap3A, %swap3A_272] {strides = array<i32>} : memref<128x128xf32, #tpu.memory_space<vmem>>, vector<1x16xf32>,
          %swap3A_274 = vector.shape_cast %swap3A_273 : vector<1x16xf32> to vector<16xf32>
          %swap3A_275 = vector.shape_cast %mul3A_271 : vector<16xf32> to vector<1x16xf32>
          tpu.vector_store %arg11[%swap3A, %swap3A_272], %swap3A_275 {strides = array<i32>} : memref<128x128xf32, #tpu.memory_space<vmem>>, vector<1x16xf32>,
          %get3A_276 = arith.index_cast %add3A_266 : i32 to index
          %get3A_277 = arith.constant 16 : index
          %get3A_278 = tpu.vector_load %arg11[%get3A_276, %get3A_277] {strides = array<i32>} : memref<128x128xf32, #tpu.memory_space<vmem>>, vector<1x16xf32>,
          %get3A_279 = vector.shape_cast %get3A_278 : vector<1x16xf32> to vector<16xf32>
          %mul3A_280 = arith.mulf %get3A_279, %gather3A_262 : vector<16xf32>
          %swap3A_281 = arith.index_cast %add3A_266 : i32 to index
          %swap3A_282 = arith.constant 16 : index
          %swap3A_283 = tpu.vector_load %arg11[%swap3A_281, %swap3A_282] {strides = array<i32>} : memref<128x128xf32, #tpu.memory_space<vmem>>, vector<1x16xf32>,
          %swap3A_284 = vector.shape_cast %swap3A_283 : vector<1x16xf32> to vector<16xf32>
          %swap3A_285 = vector.shape_cast %mul3A_280 : vector<16xf32> to vector<1x16xf32>
          tpu.vector_store %arg11[%swap3A_281, %swap3A_282], %swap3A_285 {strides = array<i32>} : memref<128x128xf32, #tpu.memory_space<vmem>>, vector<1x16xf32>,
          %get3A_286 = arith.index_cast %add3A_266 : i32 to index
          %get3A_287 = arith.constant 32 : index
          %get3A_288 = tpu.vector_load %arg11[%get3A_286, %get3A_287] {strides = array<i32>} : memref<128x128xf32, #tpu.memory_space<vmem>>, vector<1x16xf32>,
          %get3A_289 = vector.shape_cast %get3A_288 : vector<1x16xf32> to vector<16xf32>
          %mul3A_290 = arith.mulf %get3A_289, %gather3A_262 : vector<16xf32>
          %swap3A_291 = arith.index_cast %add3A_266 : i32 to index
          %swap3A_292 = arith.constant 32 : index
          %swap3A_293 = tpu.vector_load %arg11[%swap3A_291, %swap3A_292] {strides = array<i32>} : memref<128x128xf32, #tpu.memory_space<vmem>>, vector<1x16xf32>,
          %swap3A_294 = vector.shape_cast %swap3A_293 : vector<1x16xf32> to vector<16xf32>
          %swap3A_295 = vector.shape_cast %mul3A_290 : vector<16xf32> to vector<1x16xf32>
          tpu.vector_store %arg11[%swap3A_291, %swap3A_292], %swap3A_295 {strides = array<i32>} : memref<128x128xf32, #tpu.memory_space<vmem>>, vector<1x16xf32>,
          %get3A_296 = arith.index_cast %add3A_266 : i32 to index
          %get3A_297 = arith.constant 48 : index
          %get3A_298 = tpu.vector_load %arg11[%get3A_296, %get3A_297] {strides = array<i32>} : memref<128x128xf32, #tpu.memory_space<vmem>>, vector<1x16xf32>,
          %get3A_299 = vector.shape_cast %get3A_298 : vector<1x16xf32> to vector<16xf32>
          %mul3A_300 = arith.mulf %get3A_299, %gather3A_262 : vector<16xf32>
          %swap3A_301 = arith.index_cast %add3A_266 : i32 to index
          %swap3A_302 = arith.constant 48 : index
          %swap3A_303 = tpu.vector_load %arg11[%swap3A_301, %swap3A_302] {strides = array<i32>} : memref<128x128xf32, #tpu.memory_space<vmem>>, vector<1x16xf32>,
          %swap3A_304 = vector.shape_cast %swap3A_303 : vector<1x16xf32> to vector<16xf32>
          %swap3A_305 = vector.shape_cast %mul3A_300 : vector<16xf32> to vector<1x16xf32>
          tpu.vector_store %arg11[%swap3A_301, %swap3A_302], %swap3A_305 {strides = array<i32>} : memref<128x128xf32, #tpu.memory_space<vmem>>, vector<1x16xf32>,
          %get3A_306 = arith.index_cast %add3A_266 : i32 to index
          %get3A_307 = arith.constant 64 : index
          %get3A_308 = tpu.vector_load %arg11[%get3A_306, %get3A_307] {strides = array<i32>} : memref<128x128xf32, #tpu.memory_space<vmem>>, vector<1x16xf32>,
          %get3A_309 = vector.shape_cast %get3A_308 : vector<1x16xf32> to vector<16xf32>
          %mul3A_310 = arith.mulf %get3A_309, %gather3A_262 : vector<16xf32>
          %swap3A_311 = arith.index_cast %add3A_266 : i32 to index
          %swap3A_312 = arith.constant 64 : index
          %swap3A_313 = tpu.vector_load %arg11[%swap3A_311, %swap3A_312] {strides = array<i32>} : memref<128x128xf32, #tpu.memory_space<vmem>>, vector<1x16xf32>,
          %swap3A_314 = vector.shape_cast %swap3A_313 : vector<1x16xf32> to vector<16xf32>
          %swap3A_315 = vector.shape_cast %mul3A_310 : vector<16xf32> to vector<1x16xf32>
          tpu.vector_store %arg11[%swap3A_311, %swap3A_312], %swap3A_315 {strides = array<i32>} : memref<128x128xf32, #tpu.memory_space<vmem>>, vector<1x16xf32>,
          %get3A_316 = arith.index_cast %add3A_266 : i32 to index
          %get3A_317 = arith.constant 80 : index
          %get3A_318 = tpu.vector_load %arg11[%get3A_316, %get3A_317] {strides = array<i32>} : memref<128x128xf32, #tpu.memory_space<vmem>>, vector<1x16xf32>,
          %get3A_319 = vector.shape_cast %get3A_318 : vector<1x16xf32> to vector<16xf32>
          %mul3A_320 = arith.mulf %get3A_319, %gather3A_262 : vector<16xf32>
          %swap3A_321 = arith.index_cast %add3A_266 : i32 to index
          %swap3A_322 = arith.constant 80 : index
          %swap3A_323 = tpu.vector_load %arg11[%swap3A_321, %swap3A_322] {strides = array<i32>} : memref<128x128xf32, #tpu.memory_space<vmem>>, vector<1x16xf32>,
          %swap3A_324 = vector.shape_cast %swap3A_323 : vector<1x16xf32> to vector<16xf32>
          %swap3A_325 = vector.shape_cast %mul3A_320 : vector<16xf32> to vector<1x16xf32>
          tpu.vector_store %arg11[%swap3A_321, %swap3A_322], %swap3A_325 {strides = array<i32>} : memref<128x128xf32, #tpu.memory_space<vmem>>, vector<1x16xf32>,
          %get3A_326 = arith.index_cast %add3A_266 : i32 to index
          %get3A_327 = arith.constant 96 : index
          %get3A_328 = tpu.vector_load %arg11[%get3A_326, %get3A_327] {strides = array<i32>} : memref<128x128xf32, #tpu.memory_space<vmem>>, vector<1x16xf32>,
          %get3A_329 = vector.shape_cast %get3A_328 : vector<1x16xf32> to vector<16xf32>
          %mul3A_330 = arith.mulf %get3A_329, %gather3A_262 : vector<16xf32>
          %swap3A_331 = arith.index_cast %add3A_266 : i32 to index
          %swap3A_332 = arith.constant 96 : index
          %swap3A_333 = tpu.vector_load %arg11[%swap3A_331, %swap3A_332] {strides = array<i32>} : memref<128x128xf32, #tpu.memory_space<vmem>>, vector<1x16xf32>,
          %swap3A_334 = vector.shape_cast %swap3A_333 : vector<1x16xf32> to vector<16xf32>
          %swap3A_335 = vector.shape_cast %mul3A_330 : vector<16xf32> to vector<1x16xf32>
          tpu.vector_store %arg11[%swap3A_331, %swap3A_332], %swap3A_335 {strides = array<i32>} : memref<128x128xf32, #tpu.memory_space<vmem>>, vector<1x16xf32>,
          %get3A_336 = arith.index_cast %add3A_266 : i32 to index
          %get3A_337 = arith.constant 112 : index
          %get3A_338 = tpu.vector_load %arg11[%get3A_336, %get3A_337] {strides = array<i32>} : memref<128x128xf32, #tpu.memory_space<vmem>>, vector<1x16xf32>,
          %get3A_339 = vector.shape_cast %get3A_338 : vector<1x16xf32> to vector<16xf32>
          %mul3A_340 = arith.mulf %get3A_339, %gather3A_262 : vector<16xf32>
          %swap3A_341 = arith.index_cast %add3A_266 : i32 to index
          %swap3A_342 = arith.constant 112 : index
          %swap3A_343 = tpu.vector_load %arg11[%swap3A_341, %swap3A_342] {strides = array<i32>} : memref<128x128xf32, #tpu.memory_space<vmem>>, vector<1x16xf32>,
          %swap3A_344 = vector.shape_cast %swap3A_343 : vector<1x16xf32> to vector<16xf32>
          %swap3A_345 = vector.shape_cast %mul3A_340 : vector<16xf32> to vector<1x16xf32>
          tpu.vector_store %arg11[%swap3A_341, %swap3A_342], %swap3A_345 {strides = array<i32>} : memref<128x128xf32, #tpu.memory_space<vmem>>, vector<1x16xf32>,
          %broadcast_in_dim3A_346 = arith.constant 1 : i32
          %broadcast_in_dim3A_347 = vector.broadcast %broadcast_in_dim3A_346 : i32 to vector<16x1xi32>
          %gather3A_348 = vector.shape_cast %broadcast_in_dim3A_347 : vector<16x1xi32> to vector<16xi32>
          %gather3A_349 = tpu.dynamic_gather %get3A_260[%gather3A_348] in [0] : vector<16xf32>, vector<16xi32> -> vector<16xf32>
          %mul3A_350 = arith.constant 16 : i32
          %mul3A_351 = arith.muli %add3A_255, %mul3A_350 : i32
          %add3A_352 = arith.constant 1 : i32
          %add3A_353 = arith.addi %mul3A_351, %add3A_352 : i32
          %get3A_354 = arith.index_cast %add3A_353 : i32 to index
          %get3A_355 = arith.constant 0 : index
          %get3A_356 = tpu.vector_load %arg11[%get3A_354, %get3A_355] {strides = array<i32>} : memref<128x128xf32, #tpu.memory_space<vmem>>, vector<1x16xf32>,
          %get3A_357 = vector.shape_cast %get3A_356 : vector<1x16xf32> to vector<16xf32>
          %mul3A_358 = arith.mulf %get3A_357, %gather3A_349 : vector<16xf32>
          %swap3A_359 = arith.index_cast %add3A_353 : i32 to index
          %swap3A_360 = arith.constant 0 : index
          %swap3A_361 = tpu.vector_load %arg11[%swap3A_359, %swap3A_360] {strides = array<i32>} : memref<128x128xf32, #tpu.memory_space<vmem>>, vector<1x16xf32>,
          %swap3A_362 = vector.shape_cast %swap3A_361 : vector<1x16xf32> to vector<16xf32>
          %swap3A_363 = vector.shape_cast %mul3A_358 : vector<16xf32> to vector<1x16xf32>
          tpu.vector_store %arg11[%swap3A_359, %swap3A_360], %swap3A_363 {strides = array<i32>} : memref<128x128xf32, #tpu.memory_space<vmem>>, vector<1x16xf32>,
          %get3A_364 = arith.index_cast %add3A_353 : i32 to index
          %get3A_365 = arith.constant 16 : index
          %get3A_366 = tpu.vector_load %arg11[%get3A_364, %get3A_365] {strides = array<i32>} : memref<128x128xf32, #tpu.memory_space<vmem>>, vector<1x16xf32>,
          %get3A_367 = vector.shape_cast %get3A_366 : vector<1x16xf32> to vector<16xf32>
          %mul3A_368 = arith.mulf %get3A_367, %gather3A_349 : vector<16xf32>
          %swap3A_369 = arith.index_cast %add3A_353 : i32 to index
          %swap3A_370 = arith.constant 16 : index
          %swap3A_371 = tpu.vector_load %arg11[%swap3A_369, %swap3A_370] {strides = array<i32>} : memref<128x128xf32, #tpu.memory_space<vmem>>, vector<1x16xf32>,
          %swap3A_372 = vector.shape_cast %swap3A_371 : vector<1x16xf32> to vector<16xf32>
          %swap3A_373 = vector.shape_cast %mul3A_368 : vector<16xf32> to vector<1x16xf32>
          tpu.vector_store %arg11[%swap3A_369, %swap3A_370], %swap3A_373 {strides = array<i32>} : memref<128x128xf32, #tpu.memory_space<vmem>>, vector<1x16xf32>,
          %get3A_374 = arith.index_cast %add3A_353 : i32 to index
          %get3A_375 = arith.constant 32 : index
          %get3A_376 = tpu.vector_load %arg11[%get3A_374, %get3A_375] {strides = array<i32>} : memref<128x128xf32, #tpu.memory_space<vmem>>, vector<1x16xf32>,
          %get3A_377 = vector.shape_cast %get3A_376 : vector<1x16xf32> to vector<16xf32>
          %mul3A_378 = arith.mulf %get3A_377, %gather3A_349 : vector<16xf32>
          %swap3A_379 = arith.index_cast %add3A_353 : i32 to index
          %swap3A_380 = arith.constant 32 : index
          %swap3A_381 = tpu.vector_load %arg11[%swap3A_379, %swap3A_380] {strides = array<i32>} : memref<128x128xf32, #tpu.memory_space<vmem>>, vector<1x16xf32>,
          %swap3A_382 = vector.shape_cast %swap3A_381 : vector<1x16xf32> to vector<16xf32>
          %swap3A_383 = vector.shape_cast %mul3A_378 : vector<16xf32> to vector<1x16xf32>
          tpu.vector_store %arg11[%swap3A_379, %swap3A_380], %swap3A_383 {strides = array<i32>} : memref<128x128xf32, #tpu.memory_space<vmem>>, vector<1x16xf32>,
          %get3A_384 = arith.index_cast %add3A_353 : i32 to index
          %get3A_385 = arith.constant 48 : index
          %get3A_386 = tpu.vector_load %arg11[%get3A_384, %get3A_385] {strides = array<i32>} : memref<128x128xf32, #tpu.memory_space<vmem>>, vector<1x16xf32>,
          %get3A_387 = vector.shape_cast %get3A_386 : vector<1x16xf32> to vector<16xf32>
          %mul3A_388 = arith.mulf %get3A_387, %gather3A_349 : vector<16xf32>
          %swap3A_389 = arith.index_cast %add3A_353 : i32 to index
          %swap3A_390 = arith.constant 48 : index
          %swap3A_391 = tpu.vector_load %arg11[%swap3A_389, %swap3A_390] {strides = array<i32>} : memref<128x128xf32, #tpu.memory_space<vmem>>, vector<1x16xf32>,
          %swap3A_392 = vector.shape_cast %swap3A_391 : vector<1x16xf32> to vector<16xf32>
          %swap3A_393 = vector.shape_cast %mul3A_388 : vector<16xf32> to vector<1x16xf32>
          tpu.vector_store %arg11[%swap3A_389, %swap3A_390], %swap3A_393 {strides = array<i32>} : memref<128x128xf32, #tpu.memory_space<vmem>>, vector<1x16xf32>,
          %get3A_394 = arith.index_cast %add3A_353 : i32 to index
          %get3A_395 = arith.constant 64 : index
          %get3A_396 = tpu.vector_load %arg11[%get3A_394, %get3A_395] {strides = array<i32>} : memref<128x128xf32, #tpu.memory_space<vmem>>, vector<1x16xf32>,
          %get3A_397 = vector.shape_cast %get3A_396 : vector<1x16xf32> to vector<16xf32>
          %mul3A_398 = arith.mulf %get3A_397, %gather3A_349 : vector<16xf32>
          %swap3A_399 = arith.index_cast %add3A_353 : i32 to index
          %swap3A_400 = arith.constant 64 : index
          %swap3A_401 = tpu.vector_load %arg11[%swap3A_399, %swap3A_400] {strides = array<i32>} : memref<128x128xf32, #tpu.memory_space<vmem>>, vector<1x16xf32>,
          %swap3A_402 = vector.shape_cast %swap3A_401 : vector<1x16xf32> to vector<16xf32>
          %swap3A_403 = vector.shape_cast %mul3A_398 : vector<16xf32> to vector<1x16xf32>
          tpu.vector_store %arg11[%swap3A_399, %swap3A_400], %swap3A_403 {strides = array<i32>} : memref<128x128xf32, #tpu.memory_space<vmem>>, vector<1x16xf32>,
          %get3A_404 = arith.index_cast %add3A_353 : i32 to index
          %get3A_405 = arith.constant 80 : index
          %get3A_406 = tpu.vector_load %arg11[%get3A_404, %get3A_405] {strides = array<i32>} : memref<128x128xf32, #tpu.memory_space<vmem>>, vector<1x16xf32>,
          %get3A_407 = vector.shape_cast %get3A_406 : vector<1x16xf32> to vector<16xf32>
          %mul3A_408 = arith.mulf %get3A_407, %gather3A_349 : vector<16xf32>
          %swap3A_409 = arith.index_cast %add3A_353 : i32 to index
          %swap3A_410 = arith.constant 80 : index
          %swap3A_411 = tpu.vector_load %arg11[%swap3A_409, %swap3A_410] {strides = array<i32>} : memref<128x128xf32, #tpu.memory_space<vmem>>, vector<1x16xf32>,
          %swap3A_412 = vector.shape_cast %swap3A_411 : vector<1x16xf32> to vector<16xf32>
          %swap3A_413 = vector.shape_cast %mul3A_408 : vector<16xf32> to vector<1x16xf32>
          tpu.vector_store %arg11[%swap3A_409, %swap3A_410], %swap3A_413 {strides = array<i32>} : memref<128x128xf32, #tpu.memory_space<vmem>>, vector<1x16xf32>,
          %get3A_414 = arith.index_cast %add3A_353 : i32 to index
          %get3A_415 = arith.constant 96 : index
          %get3A_416 = tpu.vector_load %arg11[%get3A_414, %get3A_415] {strides = array<i32>} : memref<128x128xf32, #tpu.memory_space<vmem>>, vector<1x16xf32>,
          %get3A_417 = vector.shape_cast %get3A_416 : vector<1x16xf32> to vector<16xf32>
          %mul3A_418 = arith.mulf %get3A_417, %gather3A_349 : vector<16xf32>
          %swap3A_419 = arith.index_cast %add3A_353 : i32 to index
          %swap3A_420 = arith.constant 96 : index
          %swap3A_421 = tpu.vector_load %arg11[%swap3A_419, %swap3A_420] {strides = array<i32>} : memref<128x128xf32, #tpu.memory_space<vmem>>, vector<1x16xf32>,
          %swap3A_422 = vector.shape_cast %swap3A_421 : vector<1x16xf32> to vector<16xf32>
          %swap3A_423 = vector.shape_cast %mul3A_418 : vector<16xf32> to vector<1x16xf32>
          tpu.vector_store %arg11[%swap3A_419, %swap3A_420], %swap3A_423 {strides = array<i32>} : memref<128x128xf32, #tpu.memory_space<vmem>>, vector<1x16xf32>,
          %get3A_424 = arith.index_cast %add3A_353 : i32 to index
          %get3A_425 = arith.constant 112 : index
          %get3A_426 = tpu.vector_load %arg11[%get3A_424, %get3A_425] {strides = array<i32>} : memref<128x128xf32, #tpu.memory_space<vmem>>, vector<1x16xf32>,
          %get3A_427 = vector.shape_cast %get3A_426 : vector<1x16xf32> to vector<16xf32>
          %mul3A_428 = arith.mulf %get3A_427, %gather3A_349 : vector<16xf32>
          %swap3A_429 = arith.index_cast %add3A_353 : i32 to index
          %swap3A_430 = arith.constant 112 : index
          %swap3A_431 = tpu.vector_load %arg11[%swap3A_429, %swap3A_430] {strides = array<i32>} : memref<128x128xf32, #tpu.memory_space<vmem>>, vector<1x16xf32>,
          %swap3A_432 = vector.shape_cast %swap3A_431 : vector<1x16xf32> to vector<16xf32>
          %swap3A_433 = vector.shape_cast %mul3A_428 : vector<16xf32> to vector<1x16xf32>
          tpu.vector_store %arg11[%swap3A_429, %swap3A_430], %swap3A_433 {strides = array<i32>} : memref<128x128xf32, #tpu.memory_space<vmem>>, vector<1x16xf32>,
          %broadcast_in_dim3A_434 = arith.constant 2 : i32
          %broadcast_in_dim3A_435 = vector.broadcast %broadcast_in_dim3A_434 : i32 to vector<16x1xi32>
          %gather3A_436 = vector.shape_cast %broadcast_in_dim3A_435 : vector<16x1xi32> to vector<16xi32>
          %gather3A_437 = tpu.dynamic_gather %get3A_260[%gather3A_436] in [0] : vector<16xf32>, vector<16xi32> -> vector<16xf32>
          %mul3A_438 = arith.constant 16 : i32
          %mul3A_439 = arith.muli %add3A_255, %mul3A_438 : i32
          %add3A_440 = arith.constant 2 : i32
          %add3A_441 = arith.addi %mul3A_439, %add3A_440 : i32
          %get3A_442 = arith.index_cast %add3A_441 : i32 to index
          %get3A_443 = arith.constant 0 : index
          %get3A_444 = tpu.vector_load %arg11[%get3A_442, %get3A_443] {strides = array<i32>} : memref<128x128xf32, #tpu.memory_space<vmem>>, vector<1x16xf32>,
          %get3A_445 = vector.shape_cast %get3A_444 : vector<1x16xf32> to vector<16xf32>
          %mul3A_446 = arith.mulf %get3A_445, %gather3A_437 : vector<16xf32>
          %swap3A_447 = arith.index_cast %add3A_441 : i32 to index
          %swap3A_448 = arith.constant 0 : index
          %swap3A_449 = tpu.vector_load %arg11[%swap3A_447, %swap3A_448] {strides = array<i32>} : memref<128x128xf32, #tpu.memory_space<vmem>>, vector<1x16xf32>,
          %swap3A_450 = vector.shape_cast %swap3A_449 : vector<1x16xf32> to vector<16xf32>
          %swap3A_451 = vector.shape_cast %mul3A_446 : vector<16xf32> to vector<1x16xf32>
          tpu.vector_store %arg11[%swap3A_447, %swap3A_448], %swap3A_451 {strides = array<i32>} : memref<128x128xf32, #tpu.memory_space<vmem>>, vector<1x16xf32>,
          %get3A_452 = arith.index_cast %add3A_441 : i32 to index
          %get3A_453 = arith.constant 16 : index
          %get3A_454 = tpu.vector_load %arg11[%get3A_452, %get3A_453] {strides = array<i32>} : memref<128x128xf32, #tpu.memory_space<vmem>>, vector<1x16xf32>,
          %get3A_455 = vector.shape_cast %get3A_454 : vector<1x16xf32> to vector<16xf32>
          %mul3A_456 = arith.mulf %get3A_455, %gather3A_437 : vector<16xf32>
          %swap3A_457 = arith.index_cast %add3A_441 : i32 to index
          %swap3A_458 = arith.constant 16 : index
          %swap3A_459 = tpu.vector_load %arg11[%swap3A_457, %swap3A_458] {strides = array<i32>} : memref<128x128xf32, #tpu.memory_space<vmem>>, vector<1x16xf32>,
          %swap3A_460 = vector.shape_cast %swap3A_459 : vector<1x16xf32> to vector<16xf32>
          %swap3A_461 = vector.shape_cast %mul3A_456 : vector<16xf32> to vector<1x16xf32>
          tpu.vector_store %arg11[%swap3A_457, %swap3A_458], %swap3A_461 {strides = array<i32>} : memref<128x128xf32, #tpu.memory_space<vmem>>, vector<1x16xf32>,
          %get3A_462 = arith.index_cast %add3A_441 : i32 to index
          %get3A_463 = arith.constant 32 : index
          %get3A_464 = tpu.vector_load %arg11[%get3A_462, %get3A_463] {strides = array<i32>} : memref<128x128xf32, #tpu.memory_space<vmem>>, vector<1x16xf32>,
          %get3A_465 = vector.shape_cast %get3A_464 : vector<1x16xf32> to vector<16xf32>
          %mul3A_466 = arith.mulf %get3A_465, %gather3A_437 : vector<16xf32>
          %swap3A_467 = arith.index_cast %add3A_441 : i32 to index
          %swap3A_468 = arith.constant 32 : index
          %swap3A_469 = tpu.vector_load %arg11[%swap3A_467, %swap3A_468] {strides = array<i32>} : memref<128x128xf32, #tpu.memory_space<vmem>>, vector<1x16xf32>,
          %swap3A_470 = vector.shape_cast %swap3A_469 : vector<1x16xf32> to vector<16xf32>
          %swap3A_471 = vector.shape_cast %mul3A_466 : vector<16xf32> to vector<1x16xf32>
          tpu.vector_store %arg11[%swap3A_467, %swap3A_468], %swap3A_471 {strides = array<i32>} : memref<128x128xf32, #tpu.memory_space<vmem>>, vector<1x16xf32>,
          %get3A_472 = arith.index_cast %add3A_441 : i32 to index
          %get3A_473 = arith.constant 48 : index
          %get3A_474 = tpu.vector_load %arg11[%get3A_472, %get3A_473] {strides = array<i32>} : memref<128x128xf32, #tpu.memory_space<vmem>>, vector<1x16xf32>,
          %get3A_475 = vector.shape_cast %get3A_474 : vector<1x16xf32> to vector<16xf32>
          %mul3A_476 = arith.mulf %get3A_475, %gather3A_437 : vector<16xf32>
          %swap3A_477 = arith.index_cast %add3A_441 : i32 to index
          %swap3A_478 = arith.constant 48 : index
          %swap3A_479 = tpu.vector_load %arg11[%swap3A_477, %swap3A_478] {strides = array<i32>} : memref<128x128xf32, #tpu.memory_space<vmem>>, vector<1x16xf32>,
          %swap3A_480 = vector.shape_cast %swap3A_479 : vector<1x16xf32> to vector<16xf32>
          %swap3A_481 = vector.shape_cast %mul3A_476 : vector<16xf32> to vector<1x16xf32>
          tpu.vector_store %arg11[%swap3A_477, %swap3A_478], %swap3A_481 {strides = array<i32>} : memref<128x128xf32, #tpu.memory_space<vmem>>, vector<1x16xf32>,
          %get3A_482 = arith.index_cast %add3A_441 : i32 to index
          %get3A_483 = arith.constant 64 : index
          %get3A_484 = tpu.vector_load %arg11[%get3A_482, %get3A_483] {strides = array<i32>} : memref<128x128xf32, #tpu.memory_space<vmem>>, vector<1x16xf32>,
          %get3A_485 = vector.shape_cast %get3A_484 : vector<1x16xf32> to vector<16xf32>
          %mul3A_486 = arith.mulf %get3A_485, %gather3A_437 : vector<16xf32>
          %swap3A_487 = arith.index_cast %add3A_441 : i32 to index
          %swap3A_488 = arith.constant 64 : index
          %swap3A_489 = tpu.vector_load %arg11[%swap3A_487, %swap3A_488] {strides = array<i32>} : memref<128x128xf32, #tpu.memory_space<vmem>>, vector<1x16xf32>,
          %swap3A_490 = vector.shape_cast %swap3A_489 : vector<1x16xf32> to vector<16xf32>
          %swap3A_491 = vector.shape_cast %mul3A_486 : vector<16xf32> to vector<1x16xf32>
          tpu.vector_store %arg11[%swap3A_487, %swap3A_488], %swap3A_491 {strides = array<i32>} : memref<128x128xf32, #tpu.memory_space<vmem>>, vector<1x16xf32>,
          %get3A_492 = arith.index_cast %add3A_441 : i32 to index
          %get3A_493 = arith.constant 80 : index
          %get3A_494 = tpu.vector_load %arg11[%get3A_492, %get3A_493] {strides = array<i32>} : memref<128x128xf32, #tpu.memory_space<vmem>>, vector<1x16xf32>,
          %get3A_495 = vector.shape_cast %get3A_494 : vector<1x16xf32> to vector<16xf32>
          %mul3A_496 = arith.mulf %get3A_495, %gather3A_437 : vector<16xf32>
          %swap3A_497 = arith.index_cast %add3A_441 : i32 to index
          %swap3A_498 = arith.constant 80 : index
          %swap3A_499 = tpu.vector_load %arg11[%swap3A_497, %swap3A_498] {strides = array<i32>} : memref<128x128xf32, #tpu.memory_space<vmem>>, vector<1x16xf32>,
          %swap3A_500 = vector.shape_cast %swap3A_499 : vector<1x16xf32> to vector<16xf32>
          %swap3A_501 = vector.shape_cast %mul3A_496 : vector<16xf32> to vector<1x16xf32>
          tpu.vector_store %arg11[%swap3A_497, %swap3A_498], %swap3A_501 {strides = array<i32>} : memref<128x128xf32, #tpu.memory_space<vmem>>, vector<1x16xf32>,
          %get3A_502 = arith.index_cast %add3A_441 : i32 to index
          %get3A_503 = arith.constant 96 : index
          %get3A_504 = tpu.vector_load %arg11[%get3A_502, %get3A_503] {strides = array<i32>} : memref<128x128xf32, #tpu.memory_space<vmem>>, vector<1x16xf32>,
          %get3A_505 = vector.shape_cast %get3A_504 : vector<1x16xf32> to vector<16xf32>
          %mul3A_506 = arith.mulf %get3A_505, %gather3A_437 : vector<16xf32>
          %swap3A_507 = arith.index_cast %add3A_441 : i32 to index
          %swap3A_508 = arith.constant 96 : index
          %swap3A_509 = tpu.vector_load %arg11[%swap3A_507, %swap3A_508] {strides = array<i32>} : memref<128x128xf32, #tpu.memory_space<vmem>>, vector<1x16xf32>,
          %swap3A_510 = vector.shape_cast %swap3A_509 : vector<1x16xf32> to vector<16xf32>
          %swap3A_511 = vector.shape_cast %mul3A_506 : vector<16xf32> to vector<1x16xf32>
          tpu.vector_store %arg11[%swap3A_507, %swap3A_508], %swap3A_511 {strides = array<i32>} : memref<128x128xf32, #tpu.memory_space<vmem>>, vector<1x16xf32>,
          %get3A_512 = arith.index_cast %add3A_441 : i32 to index
          %get3A_513 = arith.constant 112 : index
          %get3A_514 = tpu.vector_load %arg11[%get3A_512, %get3A_513] {strides = array<i32>} : memref<128x128xf32, #tpu.memory_space<vmem>>, vector<1x16xf32>,
          %get3A_515 = vector.shape_cast %get3A_514 : vector<1x16xf32> to vector<16xf32>
          %mul3A_516 = arith.mulf %get3A_515, %gather3A_437 : vector<16xf32>
          %swap3A_517 = arith.index_cast %add3A_441 : i32 to index
          %swap3A_518 = arith.constant 112 : index
          %swap3A_519 = tpu.vector_load %arg11[%swap3A_517, %swap3A_518] {strides = array<i32>} : memref<128x128xf32, #tpu.memory_space<vmem>>, vector<1x16xf32>,
          %swap3A_520 = vector.shape_cast %swap3A_519 : vector<1x16xf32> to vector<16xf32>
          %swap3A_521 = vector.shape_cast %mul3A_516 : vector<16xf32> to vector<1x16xf32>
          tpu.vector_store %arg11[%swap3A_517, %swap3A_518], %swap3A_521 {strides = array<i32>} : memref<128x128xf32, #tpu.memory_space<vmem>>, vector<1x16xf32>,
          %broadcast_in_dim3A_522 = arith.constant 3 : i32
          %broadcast_in_dim3A_523 = vector.broadcast %broadcast_in_dim3A_522 : i32 to vector<16x1xi32>
          %gather3A_524 = vector.shape_cast %broadcast_in_dim3A_523 : vector<16x1xi32> to vector<16xi32>
          %gather3A_525 = tpu.dynamic_gather %get3A_260[%gather3A_524] in [0] : vector<16xf32>, vector<16xi32> -> vector<16xf32>
          %mul3A_526 = arith.constant 16 : i32
          %mul3A_527 = arith.muli %add3A_255, %mul3A_526 : i32
          %add3A_528 = arith.constant 3 : i32
          %add3A_529 = arith.addi %mul3A_527, %add3A_528 : i32
          %get3A_530 = arith.index_cast %add3A_529 : i32 to index
          %get3A_531 = arith.constant 0 : index
          %get3A_532 = tpu.vector_load %arg11[%get3A_530, %get3A_531] {strides = array<i32>} : memref<128x128xf32, #tpu.memory_space<vmem>>, vector<1x16xf32>,
          %get3A_533 = vector.shape_cast %get3A_532 : vector<1x16xf32> to vector<16xf32>
          %mul3A_534 = arith.mulf %get3A_533, %gather3A_525 : vector<16xf32>
          %swap3A_535 = arith.index_cast %add3A_529 : i32 to index
          %swap3A_536 = arith.constant 0 : index
          %swap3A_537 = tpu.vector_load %arg11[%swap3A_535, %swap3A_536] {strides = array<i32>} : memref<128x128xf32, #tpu.memory_space<vmem>>, vector<1x16xf32>,
          %swap3A_538 = vector.shape_cast %swap3A_537 : vector<1x16xf32> to vector<16xf32>
          %swap3A_539 = vector.shape_cast %mul3A_534 : vector<16xf32> to vector<1x16xf32>
          tpu.vector_store %arg11[%swap3A_535, %swap3A_536], %swap3A_539 {strides = array<i32>} : memref<128x128xf32, #tpu.memory_space<vmem>>, vector<1x16xf32>,
          %get3A_540 = arith.index_cast %add3A_529 : i32 to index
          %get3A_541 = arith.constant 16 : index
          %get3A_542 = tpu.vector_load %arg11[%get3A_540, %get3A_541] {strides = array<i32>} : memref<128x128xf32, #tpu.memory_space<vmem>>, vector<1x16xf32>,
          %get3A_543 = vector.shape_cast %get3A_542 : vector<1x16xf32> to vector<16xf32>
          %mul3A_544 = arith.mulf %get3A_543, %gather3A_525 : vector<16xf32>
          %swap3A_545 = arith.index_cast %add3A_529 : i32 to index
          %swap3A_546 = arith.constant 16 : index
          %swap3A_547 = tpu.vector_load %arg11[%swap3A_545, %swap3A_546] {strides = array<i32>} : memref<128x128xf32, #tpu.memory_space<vmem>>, vector<1x16xf32>,
          %swap3A_548 = vector.shape_cast %swap3A_547 : vector<1x16xf32> to vector<16xf32>
          %swap3A_549 = vector.shape_cast %mul3A_544 : vector<16xf32> to vector<1x16xf32>
          tpu.vector_store %arg11[%swap3A_545, %swap3A_546], %swap3A_549 {strides = array<i32>} : memref<128x128xf32, #tpu.memory_space<vmem>>, vector<1x16xf32>,
          %get3A_550 = arith.index_cast %add3A_529 : i32 to index
          %get3A_551 = arith.constant 32 : index
          %get3A_552 = tpu.vector_load %arg11[%get3A_550, %get3A_551] {strides = array<i32>} : memref<128x128xf32, #tpu.memory_space<vmem>>, vector<1x16xf32>,
          %get3A_553 = vector.shape_cast %get3A_552 : vector<1x16xf32> to vector<16xf32>
          %mul3A_554 = arith.mulf %get3A_553, %gather3A_525 : vector<16xf32>
          %swap3A_555 = arith.index_cast %add3A_529 : i32 to index
          %swap3A_556 = arith.constant 32 : index
          %swap3A_557 = tpu.vector_load %arg11[%swap3A_555, %swap3A_556] {strides = array<i32>} : memref<128x128xf32, #tpu.memory_space<vmem>>, vector<1x16xf32>,
          %swap3A_558 = vector.shape_cast %swap3A_557 : vector<1x16xf32> to vector<16xf32>
          %swap3A_559 = vector.shape_cast %mul3A_554 : vector<16xf32> to vector<1x16xf32>
          tpu.vector_store %arg11[%swap3A_555, %swap3A_556], %swap3A_559 {strides = array<i32>} : memref<128x128xf32, #tpu.memory_space<vmem>>, vector<1x16xf32>,
          %get3A_560 = arith.index_cast %add3A_529 : i32 to index
          %get3A_561 = arith.constant 48 : index
          %get3A_562 = tpu.vector_load %arg11[%get3A_560, %get3A_561] {strides = array<i32>} : memref<128x128xf32, #tpu.memory_space<vmem>>, vector<1x16xf32>,
          %get3A_563 = vector.shape_cast %get3A_562 : vector<1x16xf32> to vector<16xf32>
          %mul3A_564 = arith.mulf %get3A_563, %gather3A_525 : vector<16xf32>
          %swap3A_565 = arith.index_cast %add3A_529 : i32 to index
          %swap3A_566 = arith.constant 48 : index
          %swap3A_567 = tpu.vector_load %arg11[%swap3A_565, %swap3A_566] {strides = array<i32>} : memref<128x128xf32, #tpu.memory_space<vmem>>, vector<1x16xf32>,
          %swap3A_568 = vector.shape_cast %swap3A_567 : vector<1x16xf32> to vector<16xf32>
          %swap3A_569 = vector.shape_cast %mul3A_564 : vector<16xf32> to vector<1x16xf32>
          tpu.vector_store %arg11[%swap3A_565, %swap3A_566], %swap3A_569 {strides = array<i32>} : memref<128x128xf32, #tpu.memory_space<vmem>>, vector<1x16xf32>,
          %get3A_570 = arith.index_cast %add3A_529 : i32 to index
          %get3A_571 = arith.constant 64 : index
          %get3A_572 = tpu.vector_load %arg11[%get3A_570, %get3A_571] {strides = array<i32>} : memref<128x128xf32, #tpu.memory_space<vmem>>, vector<1x16xf32>,
          %get3A_573 = vector.shape_cast %get3A_572 : vector<1x16xf32> to vector<16xf32>
          %mul3A_574 = arith.mulf %get3A_573, %gather3A_525 : vector<16xf32>
          %swap3A_575 = arith.index_cast %add3A_529 : i32 to index
          %swap3A_576 = arith.constant 64 : index
          %swap3A_577 = tpu.vector_load %arg11[%swap3A_575, %swap3A_576] {strides = array<i32>} : memref<128x128xf32, #tpu.memory_space<vmem>>, vector<1x16xf32>,
          %swap3A_578 = vector.shape_cast %swap3A_577 : vector<1x16xf32> to vector<16xf32>
          %swap3A_579 = vector.shape_cast %mul3A_574 : vector<16xf32> to vector<1x16xf32>
          tpu.vector_store %arg11[%swap3A_575, %swap3A_576], %swap3A_579 {strides = array<i32>} : memref<128x128xf32, #tpu.memory_space<vmem>>, vector<1x16xf32>,
          %get3A_580 = arith.index_cast %add3A_529 : i32 to index
          %get3A_581 = arith.constant 80 : index
          %get3A_582 = tpu.vector_load %arg11[%get3A_580, %get3A_581] {strides = array<i32>} : memref<128x128xf32, #tpu.memory_space<vmem>>, vector<1x16xf32>,
          %get3A_583 = vector.shape_cast %get3A_582 : vector<1x16xf32> to vector<16xf32>
          %mul3A_584 = arith.mulf %get3A_583, %gather3A_525 : vector<16xf32>
          %swap3A_585 = arith.index_cast %add3A_529 : i32 to index
          %swap3A_586 = arith.constant 80 : index
          %swap3A_587 = tpu.vector_load %arg11[%swap3A_585, %swap3A_586] {strides = array<i32>} : memref<128x128xf32, #tpu.memory_space<vmem>>, vector<1x16xf32>,
          %swap3A_588 = vector.shape_cast %swap3A_587 : vector<1x16xf32> to vector<16xf32>
          %swap3A_589 = vector.shape_cast %mul3A_584 : vector<16xf32> to vector<1x16xf32>
          tpu.vector_store %arg11[%swap3A_585, %swap3A_586], %swap3A_589 {strides = array<i32>} : memref<128x128xf32, #tpu.memory_space<vmem>>, vector<1x16xf32>,
          %get3A_590 = arith.index_cast %add3A_529 : i32 to index
          %get3A_591 = arith.constant 96 : index
          %get3A_592 = tpu.vector_load %arg11[%get3A_590, %get3A_591] {strides = array<i32>} : memref<128x128xf32, #tpu.memory_space<vmem>>, vector<1x16xf32>,
          %get3A_593 = vector.shape_cast %get3A_592 : vector<1x16xf32> to vector<16xf32>
          %mul3A_594 = arith.mulf %get3A_593, %gather3A_525 : vector<16xf32>
          %swap3A_595 = arith.index_cast %add3A_529 : i32 to index
          %swap3A_596 = arith.constant 96 : index
          %swap3A_597 = tpu.vector_load %arg11[%swap3A_595, %swap3A_596] {strides = array<i32>} : memref<128x128xf32, #tpu.memory_space<vmem>>, vector<1x16xf32>,
          %swap3A_598 = vector.shape_cast %swap3A_597 : vector<1x16xf32> to vector<16xf32>
          %swap3A_599 = vector.shape_cast %mul3A_594 : vector<16xf32> to vector<1x16xf32>
          tpu.vector_store %arg11[%swap3A_595, %swap3A_596], %swap3A_599 {strides = array<i32>} : memref<128x128xf32, #tpu.memory_space<vmem>>, vector<1x16xf32>,
          %get3A_600 = arith.index_cast %add3A_529 : i32 to index
          %get3A_601 = arith.constant 112 : index
          %get3A_602 = tpu.vector_load %arg11[%get3A_600, %get3A_601] {strides = array<i32>} : memref<128x128xf32, #tpu.memory_space<vmem>>, vector<1x16xf32>,
          %get3A_603 = vector.shape_cast %get3A_602 : vector<1x16xf32> to vector<16xf32>
          %mul3A_604 = arith.mulf %get3A_603, %gather3A_525 : vector<16xf32>
          %swap3A_605 = arith.index_cast %add3A_529 : i32 to index
          %swap3A_606 = arith.constant 112 : index
          %swap3A_607 = tpu.vector_load %arg11[%swap3A_605, %swap3A_606] {strides = array<i32>} : memref<128x128xf32, #tpu.memory_space<vmem>>, vector<1x16xf32>,
          %swap3A_608 = vector.shape_cast %swap3A_607 : vector<1x16xf32> to vector<16xf32>
          %swap3A_609 = vector.shape_cast %mul3A_604 : vector<16xf32> to vector<1x16xf32>
          tpu.vector_store %arg11[%swap3A_605, %swap3A_606], %swap3A_609 {strides = array<i32>} : memref<128x128xf32, #tpu.memory_space<vmem>>, vector<1x16xf32>,
          %broadcast_in_dim3A_610 = arith.constant 4 : i32
          %broadcast_in_dim3A_611 = vector.broadcast %broadcast_in_dim3A_610 : i32 to vector<16x1xi32>
          %gather3A_612 = vector.shape_cast %broadcast_in_dim3A_611 : vector<16x1xi32> to vector<16xi32>
          %gather3A_613 = tpu.dynamic_gather %get3A_260[%gather3A_612] in [0] : vector<16xf32>, vector<16xi32> -> vector<16xf32>
          %mul3A_614 = arith.constant 16 : i32
          %mul3A_615 = arith.muli %add3A_255, %mul3A_614 : i32
          %add3A_616 = arith.constant 4 : i32
          %add3A_617 = arith.addi %mul3A_615, %add3A_616 : i32
          %get3A_618 = arith.index_cast %add3A_617 : i32 to index
          %get3A_619 = arith.constant 0 : index
          %get3A_620 = tpu.vector_load %arg11[%get3A_618, %get3A_619] {strides = array<i32>} : memref<128x128xf32, #tpu.memory_space<vmem>>, vector<1x16xf32>,
          %get3A_621 = vector.shape_cast %get3A_620 : vector<1x16xf32> to vector<16xf32>
          %mul3A_622 = arith.mulf %get3A_621, %gather3A_613 : vector<16xf32>
          %swap3A_623 = arith.index_cast %add3A_617 : i32 to index
          %swap3A_624 = arith.constant 0 : index
          %swap3A_625 = tpu.vector_load %arg11[%swap3A_623, %swap3A_624] {strides = array<i32>} : memref<128x128xf32, #tpu.memory_space<vmem>>, vector<1x16xf32>,
          %swap3A_626 = vector.shape_cast %swap3A_625 : vector<1x16xf32> to vector<16xf32>
          %swap3A_627 = vector.shape_cast %mul3A_622 : vector<16xf32> to vector<1x16xf32>
          tpu.vector_store %arg11[%swap3A_623, %swap3A_624], %swap3A_627 {strides = array<i32>} : memref<128x128xf32, #tpu.memory_space<vmem>>, vector<1x16xf32>,
          %get3A_628 = arith.index_cast %add3A_617 : i32 to index
          %get3A_629 = arith.constant 16 : index
          %get3A_630 = tpu.vector_load %arg11[%get3A_628, %get3A_629] {strides = array<i32>} : memref<128x128xf32, #tpu.memory_space<vmem>>, vector<1x16xf32>,
          %get3A_631 = vector.shape_cast %get3A_630 : vector<1x16xf32> to vector<16xf32>
          %mul3A_632 = arith.mulf %get3A_631, %gather3A_613 : vector<16xf32>
          %swap3A_633 = arith.index_cast %add3A_617 : i32 to index
          %swap3A_634 = arith.constant 16 : index
          %swap3A_635 = tpu.vector_load %arg11[%swap3A_633, %swap3A_634] {strides = array<i32>} : memref<128x128xf32, #tpu.memory_space<vmem>>, vector<1x16xf32>,
          %swap3A_636 = vector.shape_cast %swap3A_635 : vector<1x16xf32> to vector<16xf32>
          %swap3A_637 = vector.shape_cast %mul3A_632 : vector<16xf32> to vector<1x16xf32>
          tpu.vector_store %arg11[%swap3A_633, %swap3A_634], %swap3A_637 {strides = array<i32>} : memref<128x128xf32, #tpu.memory_space<vmem>>, vector<1x16xf32>,
          %get3A_638 = arith.index_cast %add3A_617 : i32 to index
          %get3A_639 = arith.constant 32 : index
          %get3A_640 = tpu.vector_load %arg11[%get3A_638, %get3A_639] {strides = array<i32>} : memref<128x128xf32, #tpu.memory_space<vmem>>, vector<1x16xf32>,
          %get3A_641 = vector.shape_cast %get3A_640 : vector<1x16xf32> to vector<16xf32>
          %mul3A_642 = arith.mulf %get3A_641, %gather3A_613 : vector<16xf32>
          %swap3A_643 = arith.index_cast %add3A_617 : i32 to index
          %swap3A_644 = arith.constant 32 : index
          %swap3A_645 = tpu.vector_load %arg11[%swap3A_643, %swap3A_644] {strides = array<i32>} : memref<128x128xf32, #tpu.memory_space<vmem>>, vector<1x16xf32>,
          %swap3A_646 = vector.shape_cast %swap3A_645 : vector<1x16xf32> to vector<16xf32>
          %swap3A_647 = vector.shape_cast %mul3A_642 : vector<16xf32> to vector<1x16xf32>
          tpu.vector_store %arg11[%swap3A_643, %swap3A_644], %swap3A_647 {strides = array<i32>} : memref<128x128xf32, #tpu.memory_space<vmem>>, vector<1x16xf32>,
          %get3A_648 = arith.index_cast %add3A_617 : i32 to index
          %get3A_649 = arith.constant 48 : index
          %get3A_650 = tpu.vector_load %arg11[%get3A_648, %get3A_649] {strides = array<i32>} : memref<128x128xf32, #tpu.memory_space<vmem>>, vector<1x16xf32>,
          %get3A_651 = vector.shape_cast %get3A_650 : vector<1x16xf32> to vector<16xf32>
          %mul3A_652 = arith.mulf %get3A_651, %gather3A_613 : vector<16xf32>
          %swap3A_653 = arith.index_cast %add3A_617 : i32 to index
          %swap3A_654 = arith.constant 48 : index
          %swap3A_655 = tpu.vector_load %arg11[%swap3A_653, %swap3A_654] {strides = array<i32>} : memref<128x128xf32, #tpu.memory_space<vmem>>, vector<1x16xf32>,
          %swap3A_656 = vector.shape_cast %swap3A_655 : vector<1x16xf32> to vector<16xf32>
          %swap3A_657 = vector.shape_cast %mul3A_652 : vector<16xf32> to vector<1x16xf32>
          tpu.vector_store %arg11[%swap3A_653, %swap3A_654], %swap3A_657 {strides = array<i32>} : memref<128x128xf32, #tpu.memory_space<vmem>>, vector<1x16xf32>,
          %get3A_658 = arith.index_cast %add3A_617 : i32 to index
          %get3A_659 = arith.constant 64 : index
          %get3A_660 = tpu.vector_load %arg11[%get3A_658, %get3A_659] {strides = array<i32>} : memref<128x128xf32, #tpu.memory_space<vmem>>, vector<1x16xf32>,
          %get3A_661 = vector.shape_cast %get3A_660 : vector<1x16xf32> to vector<16xf32>
          %mul3A_662 = arith.mulf %get3A_661, %gather3A_613 : vector<16xf32>
          %swap3A_663 = arith.index_cast %add3A_617 : i32 to index
          %swap3A_664 = arith.constant 64 : index
          %swap3A_665 = tpu.vector_load %arg11[%swap3A_663, %swap3A_664] {strides = array<i32>} : memref<128x128xf32, #tpu.memory_space<vmem>>, vector<1x16xf32>,
          %swap3A_666 = vector.shape_cast %swap3A_665 : vector<1x16xf32> to vector<16xf32>
          %swap3A_667 = vector.shape_cast %mul3A_662 : vector<16xf32> to vector<1x16xf32>
          tpu.vector_store %arg11[%swap3A_663, %swap3A_664], %swap3A_667 {strides = array<i32>} : memref<128x128xf32, #tpu.memory_space<vmem>>, vector<1x16xf32>,
          %get3A_668 = arith.index_cast %add3A_617 : i32 to index
          %get3A_669 = arith.constant 80 : index
          %get3A_670 = tpu.vector_load %arg11[%get3A_668, %get3A_669] {strides = array<i32>} : memref<128x128xf32, #tpu.memory_space<vmem>>, vector<1x16xf32>,
          %get3A_671 = vector.shape_cast %get3A_670 : vector<1x16xf32> to vector<16xf32>
          %mul3A_672 = arith.mulf %get3A_671, %gather3A_613 : vector<16xf32>
          %swap3A_673 = arith.index_cast %add3A_617 : i32 to index
          %swap3A_674 = arith.constant 80 : index
          %swap3A_675 = tpu.vector_load %arg11[%swap3A_673, %swap3A_674] {strides = array<i32>} : memref<128x128xf32, #tpu.memory_space<vmem>>, vector<1x16xf32>,
          %swap3A_676 = vector.shape_cast %swap3A_675 : vector<1x16xf32> to vector<16xf32>
          %swap3A_677 = vector.shape_cast %mul3A_672 : vector<16xf32> to vector<1x16xf32>
          tpu.vector_store %arg11[%swap3A_673, %swap3A_674], %swap3A_677 {strides = array<i32>} : memref<128x128xf32, #tpu.memory_space<vmem>>, vector<1x16xf32>,
          %get3A_678 = arith.index_cast %add3A_617 : i32 to index
          %get3A_679 = arith.constant 96 : index
          %get3A_680 = tpu.vector_load %arg11[%get3A_678, %get3A_679] {strides = array<i32>} : memref<128x128xf32, #tpu.memory_space<vmem>>, vector<1x16xf32>,
          %get3A_681 = vector.shape_cast %get3A_680 : vector<1x16xf32> to vector<16xf32>
          %mul3A_682 = arith.mulf %get3A_681, %gather3A_613 : vector<16xf32>
          %swap3A_683 = arith.index_cast %add3A_617 : i32 to index
          %swap3A_684 = arith.constant 96 : index
          %swap3A_685 = tpu.vector_load %arg11[%swap3A_683, %swap3A_684] {strides = array<i32>} : memref<128x128xf32, #tpu.memory_space<vmem>>, vector<1x16xf32>,
          %swap3A_686 = vector.shape_cast %swap3A_685 : vector<1x16xf32> to vector<16xf32>
          %swap3A_687 = vector.shape_cast %mul3A_682 : vector<16xf32> to vector<1x16xf32>
          tpu.vector_store %arg11[%swap3A_683, %swap3A_684], %swap3A_687 {strides = array<i32>} : memref<128x128xf32, #tpu.memory_space<vmem>>, vector<1x16xf32>,
          %get3A_688 = arith.index_cast %add3A_617 : i32 to index
          %get3A_689 = arith.constant 112 : index
          %get3A_690 = tpu.vector_load %arg11[%get3A_688, %get3A_689] {strides = array<i32>} : memref<128x128xf32, #tpu.memory_space<vmem>>, vector<1x16xf32>,
          %get3A_691 = vector.shape_cast %get3A_690 : vector<1x16xf32> to vector<16xf32>
          %mul3A_692 = arith.mulf %get3A_691, %gather3A_613 : vector<16xf32>
          %swap3A_693 = arith.index_cast %add3A_617 : i32 to index
          %swap3A_694 = arith.constant 112 : index
          %swap3A_695 = tpu.vector_load %arg11[%swap3A_693, %swap3A_694] {strides = array<i32>} : memref<128x128xf32, #tpu.memory_space<vmem>>, vector<1x16xf32>,
          %swap3A_696 = vector.shape_cast %swap3A_695 : vector<1x16xf32> to vector<16xf32>
          %swap3A_697 = vector.shape_cast %mul3A_692 : vector<16xf32> to vector<1x16xf32>
          tpu.vector_store %arg11[%swap3A_693, %swap3A_694], %swap3A_697 {strides = array<i32>} : memref<128x128xf32, #tpu.memory_space<vmem>>, vector<1x16xf32>,
          %broadcast_in_dim3A_698 = arith.constant 5 : i32
          %broadcast_in_dim3A_699 = vector.broadcast %broadcast_in_dim3A_698 : i32 to vector<16x1xi32>
          %gather3A_700 = vector.shape_cast %broadcast_in_dim3A_699 : vector<16x1xi32> to vector<16xi32>
          %gather3A_701 = tpu.dynamic_gather %get3A_260[%gather3A_700] in [0] : vector<16xf32>, vector<16xi32> -> vector<16xf32>
          %mul3A_702 = arith.constant 16 : i32
          %mul3A_703 = arith.muli %add3A_255, %mul3A_702 : i32
          %add3A_704 = arith.constant 5 : i32
          %add3A_705 = arith.addi %mul3A_703, %add3A_704 : i32
          %get3A_706 = arith.index_cast %add3A_705 : i32 to index
          %get3A_707 = arith.constant 0 : index
          %get3A_708 = tpu.vector_load %arg11[%get3A_706, %get3A_707] {strides = array<i32>} : memref<128x128xf32, #tpu.memory_space<vmem>>, vector<1x16xf32>,
          %get3A_709 = vector.shape_cast %get3A_708 : vector<1x16xf32> to vector<16xf32>
          %mul3A_710 = arith.mulf %get3A_709, %gather3A_701 : vector<16xf32>
          %swap3A_711 = arith.index_cast %add3A_705 : i32 to index
          %swap3A_712 = arith.constant 0 : index
          %swap3A_713 = tpu.vector_load %arg11[%swap3A_711, %swap3A_712] {strides = array<i32>} : memref<128x128xf32, #tpu.memory_space<vmem>>, vector<1x16xf32>,
          %swap3A_714 = vector.shape_cast %swap3A_713 : vector<1x16xf32> to vector<16xf32>
          %swap3A_715 = vector.shape_cast %mul3A_710 : vector<16xf32> to vector<1x16xf32>
          tpu.vector_store %arg11[%swap3A_711, %swap3A_712], %swap3A_715 {strides = array<i32>} : memref<128x128xf32, #tpu.memory_space<vmem>>, vector<1x16xf32>,
          %get3A_716 = arith.index_cast %add3A_705 : i32 to index
          %get3A_717 = arith.constant 16 : index
          %get3A_718 = tpu.vector_load %arg11[%get3A_716, %get3A_717] {strides = array<i32>} : memref<128x128xf32, #tpu.memory_space<vmem>>, vector<1x16xf32>,
          %get3A_719 = vector.shape_cast %get3A_718 : vector<1x16xf32> to vector<16xf32>
          %mul3A_720 = arith.mulf %get3A_719, %gather3A_701 : vector<16xf32>
          %swap3A_721 = arith.index_cast %add3A_705 : i32 to index
          %swap3A_722 = arith.constant 16 : index
          %swap3A_723 = tpu.vector_load %arg11[%swap3A_721, %swap3A_722] {strides = array<i32>} : memref<128x128xf32, #tpu.memory_space<vmem>>, vector<1x16xf32>,
          %swap3A_724 = vector.shape_cast %swap3A_723 : vector<1x16xf32> to vector<16xf32>
          %swap3A_725 = vector.shape_cast %mul3A_720 : vector<16xf32> to vector<1x16xf32>
          tpu.vector_store %arg11[%swap3A_721, %swap3A_722], %swap3A_725 {strides = array<i32>} : memref<128x128xf32, #tpu.memory_space<vmem>>, vector<1x16xf32>,
          %get3A_726 = arith.index_cast %add3A_705 : i32 to index
          %get3A_727 = arith.constant 32 : index
          %get3A_728 = tpu.vector_load %arg11[%get3A_726, %get3A_727] {strides = array<i32>} : memref<128x128xf32, #tpu.memory_space<vmem>>, vector<1x16xf32>,
          %get3A_729 = vector.shape_cast %get3A_728 : vector<1x16xf32> to vector<16xf32>
          %mul3A_730 = arith.mulf %get3A_729, %gather3A_701 : vector<16xf32>
          %swap3A_731 = arith.index_cast %add3A_705 : i32 to index
          %swap3A_732 = arith.constant 32 : index
          %swap3A_733 = tpu.vector_load %arg11[%swap3A_731, %swap3A_732] {strides = array<i32>} : memref<128x128xf32, #tpu.memory_space<vmem>>, vector<1x16xf32>,
          %swap3A_734 = vector.shape_cast %swap3A_733 : vector<1x16xf32> to vector<16xf32>
          %swap3A_735 = vector.shape_cast %mul3A_730 : vector<16xf32> to vector<1x16xf32>
          tpu.vector_store %arg11[%swap3A_731, %swap3A_732], %swap3A_735 {strides = array<i32>} : memref<128x128xf32, #tpu.memory_space<vmem>>, vector<1x16xf32>,
          %get3A_736 = arith.index_cast %add3A_705 : i32 to index
          %get3A_737 = arith.constant 48 : index
          %get3A_738 = tpu.vector_load %arg11[%get3A_736, %get3A_737] {strides = array<i32>} : memref<128x128xf32, #tpu.memory_space<vmem>>, vector<1x16xf32>,
          %get3A_739 = vector.shape_cast %get3A_738 : vector<1x16xf32> to vector<16xf32>
          %mul3A_740 = arith.mulf %get3A_739, %gather3A_701 : vector<16xf32>
          %swap3A_741 = arith.index_cast %add3A_705 : i32 to index
          %swap3A_742 = arith.constant 48 : index
          %swap3A_743 = tpu.vector_load %arg11[%swap3A_741, %swap3A_742] {strides = array<i32>} : memref<128x128xf32, #tpu.memory_space<vmem>>, vector<1x16xf32>,
          %swap3A_744 = vector.shape_cast %swap3A_743 : vector<1x16xf32> to vector<16xf32>
          %swap3A_745 = vector.shape_cast %mul3A_740 : vector<16xf32> to vector<1x16xf32>
          tpu.vector_store %arg11[%swap3A_741, %swap3A_742], %swap3A_745 {strides = array<i32>} : memref<128x128xf32, #tpu.memory_space<vmem>>, vector<1x16xf32>,
          %get3A_746 = arith.index_cast %add3A_705 : i32 to index
          %get3A_747 = arith.constant 64 : index
          %get3A_748 = tpu.vector_load %arg11[%get3A_746, %get3A_747] {strides = array<i32>} : memref<128x128xf32, #tpu.memory_space<vmem>>, vector<1x16xf32>,
          %get3A_749 = vector.shape_cast %get3A_748 : vector<1x16xf32> to vector<16xf32>
          %mul3A_750 = arith.mulf %get3A_749, %gather3A_701 : vector<16xf32>
          %swap3A_751 = arith.index_cast %add3A_705 : i32 to index
          %swap3A_752 = arith.constant 64 : index
          %swap3A_753 = tpu.vector_load %arg11[%swap3A_751, %swap3A_752] {strides = array<i32>} : memref<128x128xf32, #tpu.memory_space<vmem>>, vector<1x16xf32>,
          %swap3A_754 = vector.shape_cast %swap3A_753 : vector<1x16xf32> to vector<16xf32>
          %swap3A_755 = vector.shape_cast %mul3A_750 : vector<16xf32> to vector<1x16xf32>
          tpu.vector_store %arg11[%swap3A_751, %swap3A_752], %swap3A_755 {strides = array<i32>} : memref<128x128xf32, #tpu.memory_space<vmem>>, vector<1x16xf32>,
          %get3A_756 = arith.index_cast %add3A_705 : i32 to index
          %get3A_757 = arith.constant 80 : index
          %get3A_758 = tpu.vector_load %arg11[%get3A_756, %get3A_757] {strides = array<i32>} : memref<128x128xf32, #tpu.memory_space<vmem>>, vector<1x16xf32>,
          %get3A_759 = vector.shape_cast %get3A_758 : vector<1x16xf32> to vector<16xf32>
          %mul3A_760 = arith.mulf %get3A_759, %gather3A_701 : vector<16xf32>
          %swap3A_761 = arith.index_cast %add3A_705 : i32 to index
          %swap3A_762 = arith.constant 80 : index
          %swap3A_763 = tpu.vector_load %arg11[%swap3A_761, %swap3A_762] {strides = array<i32>} : memref<128x128xf32, #tpu.memory_space<vmem>>, vector<1x16xf32>,
          %swap3A_764 = vector.shape_cast %swap3A_763 : vector<1x16xf32> to vector<16xf32>
          %swap3A_765 = vector.shape_cast %mul3A_760 : vector<16xf32> to vector<1x16xf32>
          tpu.vector_store %arg11[%swap3A_761, %swap3A_762], %swap3A_765 {strides = array<i32>} : memref<128x128xf32, #tpu.memory_space<vmem>>, vector<1x16xf32>,
          %get3A_766 = arith.index_cast %add3A_705 : i32 to index
          %get3A_767 = arith.constant 96 : index
          %get3A_768 = tpu.vector_load %arg11[%get3A_766, %get3A_767] {strides = array<i32>} : memref<128x128xf32, #tpu.memory_space<vmem>>, vector<1x16xf32>,
          %get3A_769 = vector.shape_cast %get3A_768 : vector<1x16xf32> to vector<16xf32>
          %mul3A_770 = arith.mulf %get3A_769, %gather3A_701 : vector<16xf32>
          %swap3A_771 = arith.index_cast %add3A_705 : i32 to index
          %swap3A_772 = arith.constant 96 : index
          %swap3A_773 = tpu.vector_load %arg11[%swap3A_771, %swap3A_772] {strides = array<i32>} : memref<128x128xf32, #tpu.memory_space<vmem>>, vector<1x16xf32>,
          %swap3A_774 = vector.shape_cast %swap3A_773 : vector<1x16xf32> to vector<16xf32>
          %swap3A_775 = vector.shape_cast %mul3A_770 : vector<16xf32> to vector<1x16xf32>
          tpu.vector_store %arg11[%swap3A_771, %swap3A_772], %swap3A_775 {strides = array<i32>} : memref<128x128xf32, #tpu.memory_space<vmem>>, vector<1x16xf32>,
          %get3A_776 = arith.index_cast %add3A_705 : i32 to index
          %get3A_777 = arith.constant 112 : index
          %get3A_778 = tpu.vector_load %arg11[%get3A_776, %get3A_777] {strides = array<i32>} : memref<128x128xf32, #tpu.memory_space<vmem>>, vector<1x16xf32>,
          %get3A_779 = vector.shape_cast %get3A_778 : vector<1x16xf32> to vector<16xf32>
          %mul3A_780 = arith.mulf %get3A_779, %gather3A_701 : vector<16xf32>
          %swap3A_781 = arith.index_cast %add3A_705 : i32 to index
          %swap3A_782 = arith.constant 112 : index
          %swap3A_783 = tpu.vector_load %arg11[%swap3A_781, %swap3A_782] {strides = array<i32>} : memref<128x128xf32, #tpu.memory_space<vmem>>, vector<1x16xf32>,
          %swap3A_784 = vector.shape_cast %swap3A_783 : vector<1x16xf32> to vector<16xf32>
          %swap3A_785 = vector.shape_cast %mul3A_780 : vector<16xf32> to vector<1x16xf32>
          tpu.vector_store %arg11[%swap3A_781, %swap3A_782], %swap3A_785 {strides = array<i32>} : memref<128x128xf32, #tpu.memory_space<vmem>>, vector<1x16xf32>,
          %broadcast_in_dim3A_786 = arith.constant 6 : i32
          %broadcast_in_dim3A_787 = vector.broadcast %broadcast_in_dim3A_786 : i32 to vector<16x1xi32>
          %gather3A_788 = vector.shape_cast %broadcast_in_dim3A_787 : vector<16x1xi32> to vector<16xi32>
          %gather3A_789 = tpu.dynamic_gather %get3A_260[%gather3A_788] in [0] : vector<16xf32>, vector<16xi32> -> vector<16xf32>
          %mul3A_790 = arith.constant 16 : i32
          %mul3A_791 = arith.muli %add3A_255, %mul3A_790 : i32
          %add3A_792 = arith.constant 6 : i32
          %add3A_793 = arith.addi %mul3A_791, %add3A_792 : i32
          %get3A_794 = arith.index_cast %add3A_793 : i32 to index
          %get3A_795 = arith.constant 0 : index
          %get3A_796 = tpu.vector_load %arg11[%get3A_794, %get3A_795] {strides = array<i32>} : memref<128x128xf32, #tpu.memory_space<vmem>>, vector<1x16xf32>,
          %get3A_797 = vector.shape_cast %get3A_796 : vector<1x16xf32> to vector<16xf32>
          %mul3A_798 = arith.mulf %get3A_797, %gather3A_789 : vector<16xf32>
          %swap3A_799 = arith.index_cast %add3A_793 : i32 to index
          %swap3A_800 = arith.constant 0 : index
          %swap3A_801 = tpu.vector_load %arg11[%swap3A_799, %swap3A_800] {strides = array<i32>} : memref<128x128xf32, #tpu.memory_space<vmem>>, vector<1x16xf32>,
          %swap3A_802 = vector.shape_cast %swap3A_801 : vector<1x16xf32> to vector<16xf32>
          %swap3A_803 = vector.shape_cast %mul3A_798 : vector<16xf32> to vector<1x16xf32>
          tpu.vector_store %arg11[%swap3A_799, %swap3A_800], %swap3A_803 {strides = array<i32>} : memref<128x128xf32, #tpu.memory_space<vmem>>, vector<1x16xf32>,
          %get3A_804 = arith.index_cast %add3A_793 : i32 to index
          %get3A_805 = arith.constant 16 : index
          %get3A_806 = tpu.vector_load %arg11[%get3A_804, %get3A_805] {strides = array<i32>} : memref<128x128xf32, #tpu.memory_space<vmem>>, vector<1x16xf32>,
          %get3A_807 = vector.shape_cast %get3A_806 : vector<1x16xf32> to vector<16xf32>
          %mul3A_808 = arith.mulf %get3A_807, %gather3A_789 : vector<16xf32>
          %swap3A_809 = arith.index_cast %add3A_793 : i32 to index
          %swap3A_810 = arith.constant 16 : index
          %swap3A_811 = tpu.vector_load %arg11[%swap3A_809, %swap3A_810] {strides = array<i32>} : memref<128x128xf32, #tpu.memory_space<vmem>>, vector<1x16xf32>,
          %swap3A_812 = vector.shape_cast %swap3A_811 : vector<1x16xf32> to vector<16xf32>
          %swap3A_813 = vector.shape_cast %mul3A_808 : vector<16xf32> to vector<1x16xf32>
          tpu.vector_store %arg11[%swap3A_809, %swap3A_810], %swap3A_813 {strides = array<i32>} : memref<128x128xf32, #tpu.memory_space<vmem>>, vector<1x16xf32>,
          %get3A_814 = arith.index_cast %add3A_793 : i32 to index
          %get3A_815 = arith.constant 32 : index
          %get3A_816 = tpu.vector_load %arg11[%get3A_814, %get3A_815] {strides = array<i32>} : memref<128x128xf32, #tpu.memory_space<vmem>>, vector<1x16xf32>,
          %get3A_817 = vector.shape_cast %get3A_816 : vector<1x16xf32> to vector<16xf32>
          %mul3A_818 = arith.mulf %get3A_817, %gather3A_789 : vector<16xf32>
          %swap3A_819 = arith.index_cast %add3A_793 : i32 to index
          %swap3A_820 = arith.constant 32 : index
          %swap3A_821 = tpu.vector_load %arg11[%swap3A_819, %swap3A_820] {strides = array<i32>} : memref<128x128xf32, #tpu.memory_space<vmem>>, vector<1x16xf32>,
          %swap3A_822 = vector.shape_cast %swap3A_821 : vector<1x16xf32> to vector<16xf32>
          %swap3A_823 = vector.shape_cast %mul3A_818 : vector<16xf32> to vector<1x16xf32>
          tpu.vector_store %arg11[%swap3A_819, %swap3A_820], %swap3A_823 {strides = array<i32>} : memref<128x128xf32, #tpu.memory_space<vmem>>, vector<1x16xf32>,
          %get3A_824 = arith.index_cast %add3A_793 : i32 to index
          %get3A_825 = arith.constant 48 : index
          %get3A_826 = tpu.vector_load %arg11[%get3A_824, %get3A_825] {strides = array<i32>} : memref<128x128xf32, #tpu.memory_space<vmem>>, vector<1x16xf32>,
          %get3A_827 = vector.shape_cast %get3A_826 : vector<1x16xf32> to vector<16xf32>
          %mul3A_828 = arith.mulf %get3A_827, %gather3A_789 : vector<16xf32>
          %swap3A_829 = arith.index_cast %add3A_793 : i32 to index
          %swap3A_830 = arith.constant 48 : index
          %swap3A_831 = tpu.vector_load %arg11[%swap3A_829, %swap3A_830] {strides = array<i32>} : memref<128x128xf32, #tpu.memory_space<vmem>>, vector<1x16xf32>,
          %swap3A_832 = vector.shape_cast %swap3A_831 : vector<1x16xf32> to vector<16xf32>
          %swap3A_833 = vector.shape_cast %mul3A_828 : vector<16xf32> to vector<1x16xf32>
          tpu.vector_store %arg11[%swap3A_829, %swap3A_830], %swap3A_833 {strides = array<i32>} : memref<128x128xf32, #tpu.memory_space<vmem>>, vector<1x16xf32>,
          %get3A_834 = arith.index_cast %add3A_793 : i32 to index
          %get3A_835 = arith.constant 64 : index
          %get3A_836 = tpu.vector_load %arg11[%get3A_834, %get3A_835] {strides = array<i32>} : memref<128x128xf32, #tpu.memory_space<vmem>>, vector<1x16xf32>,
          %get3A_837 = vector.shape_cast %get3A_836 : vector<1x16xf32> to vector<16xf32>
          %mul3A_838 = arith.mulf %get3A_837, %gather3A_789 : vector<16xf32>
          %swap3A_839 = arith.index_cast %add3A_793 : i32 to index
          %swap3A_840 = arith.constant 64 : index
          %swap3A_841 = tpu.vector_load %arg11[%swap3A_839, %swap3A_840] {strides = array<i32>} : memref<128x128xf32, #tpu.memory_space<vmem>>, vector<1x16xf32>,
          %swap3A_842 = vector.shape_cast %swap3A_841 : vector<1x16xf32> to vector<16xf32>
          %swap3A_843 = vector.shape_cast %mul3A_838 : vector<16xf32> to vector<1x16xf32>
          tpu.vector_store %arg11[%swap3A_839, %swap3A_840], %swap3A_843 {strides = array<i32>} : memref<128x128xf32, #tpu.memory_space<vmem>>, vector<1x16xf32>,
          %get3A_844 = arith.index_cast %add3A_793 : i32 to index
          %get3A_845 = arith.constant 80 : index
          %get3A_846 = tpu.vector_load %arg11[%get3A_844, %get3A_845] {strides = array<i32>} : memref<128x128xf32, #tpu.memory_space<vmem>>, vector<1x16xf32>,
          %get3A_847 = vector.shape_cast %get3A_846 : vector<1x16xf32> to vector<16xf32>
          %mul3A_848 = arith.mulf %get3A_847, %gather3A_789 : vector<16xf32>
          %swap3A_849 = arith.index_cast %add3A_793 : i32 to index
          %swap3A_850 = arith.constant 80 : index
          %swap3A_851 = tpu.vector_load %arg11[%swap3A_849, %swap3A_850] {strides = array<i32>} : memref<128x128xf32, #tpu.memory_space<vmem>>, vector<1x16xf32>,
          %swap3A_852 = vector.shape_cast %swap3A_851 : vector<1x16xf32> to vector<16xf32>
          %swap3A_853 = vector.shape_cast %mul3A_848 : vector<16xf32> to vector<1x16xf32>
          tpu.vector_store %arg11[%swap3A_849, %swap3A_850], %swap3A_853 {strides = array<i32>} : memref<128x128xf32, #tpu.memory_space<vmem>>, vector<1x16xf32>,
          %get3A_854 = arith.index_cast %add3A_793 : i32 to index
          %get3A_855 = arith.constant 96 : index
          %get3A_856 = tpu.vector_load %arg11[%get3A_854, %get3A_855] {strides = array<i32>} : memref<128x128xf32, #tpu.memory_space<vmem>>, vector<1x16xf32>,
          %get3A_857 = vector.shape_cast %get3A_856 : vector<1x16xf32> to vector<16xf32>
          %mul3A_858 = arith.mulf %get3A_857, %gather3A_789 : vector<16xf32>
          %swap3A_859 = arith.index_cast %add3A_793 : i32 to index
          %swap3A_860 = arith.constant 96 : index
          %swap3A_861 = tpu.vector_load %arg11[%swap3A_859, %swap3A_860] {strides = array<i32>} : memref<128x128xf32, #tpu.memory_space<vmem>>, vector<1x16xf32>,
          %swap3A_862 = vector.shape_cast %swap3A_861 : vector<1x16xf32> to vector<16xf32>
          %swap3A_863 = vector.shape_cast %mul3A_858 : vector<16xf32> to vector<1x16xf32>
          tpu.vector_store %arg11[%swap3A_859, %swap3A_860], %swap3A_863 {strides = array<i32>} : memref<128x128xf32, #tpu.memory_space<vmem>>, vector<1x16xf32>,
          %get3A_864 = arith.index_cast %add3A_793 : i32 to index
          %get3A_865 = arith.constant 112 : index
          %get3A_866 = tpu.vector_load %arg11[%get3A_864, %get3A_865] {strides = array<i32>} : memref<128x128xf32, #tpu.memory_space<vmem>>, vector<1x16xf32>,
          %get3A_867 = vector.shape_cast %get3A_866 : vector<1x16xf32> to vector<16xf32>
          %mul3A_868 = arith.mulf %get3A_867, %gather3A_789 : vector<16xf32>
          %swap3A_869 = arith.index_cast %add3A_793 : i32 to index
          %swap3A_870 = arith.constant 112 : index
          %swap3A_871 = tpu.vector_load %arg11[%swap3A_869, %swap3A_870] {strides = array<i32>} : memref<128x128xf32, #tpu.memory_space<vmem>>, vector<1x16xf32>,
          %swap3A_872 = vector.shape_cast %swap3A_871 : vector<1x16xf32> to vector<16xf32>
          %swap3A_873 = vector.shape_cast %mul3A_868 : vector<16xf32> to vector<1x16xf32>
          tpu.vector_store %arg11[%swap3A_869, %swap3A_870], %swap3A_873 {strides = array<i32>} : memref<128x128xf32, #tpu.memory_space<vmem>>, vector<1x16xf32>,
          %broadcast_in_dim3A_874 = arith.constant 7 : i32
          %broadcast_in_dim3A_875 = vector.broadcast %broadcast_in_dim3A_874 : i32 to vector<16x1xi32>
          %gather3A_876 = vector.shape_cast %broadcast_in_dim3A_875 : vector<16x1xi32> to vector<16xi32>
          %gather3A_877 = tpu.dynamic_gather %get3A_260[%gather3A_876] in [0] : vector<16xf32>, vector<16xi32> -> vector<16xf32>
          %mul3A_878 = arith.constant 16 : i32
          %mul3A_879 = arith.muli %add3A_255, %mul3A_878 : i32
          %add3A_880 = arith.constant 7 : i32
          %add3A_881 = arith.addi %mul3A_879, %add3A_880 : i32
          %get3A_882 = arith.index_cast %add3A_881 : i32 to index
          %get3A_883 = arith.constant 0 : index
          %get3A_884 = tpu.vector_load %arg11[%get3A_882, %get3A_883] {strides = array<i32>} : memref<128x128xf32, #tpu.memory_space<vmem>>, vector<1x16xf32>,
          %get3A_885 = vector.shape_cast %get3A_884 : vector<1x16xf32> to vector<16xf32>
          %mul3A_886 = arith.mulf %get3A_885, %gather3A_877 : vector<16xf32>
          %swap3A_887 = arith.index_cast %add3A_881 : i32 to index
          %swap3A_888 = arith.constant 0 : index
          %swap3A_889 = tpu.vector_load %arg11[%swap3A_887, %swap3A_888] {strides = array<i32>} : memref<128x128xf32, #tpu.memory_space<vmem>>, vector<1x16xf32>,
          %swap3A_890 = vector.shape_cast %swap3A_889 : vector<1x16xf32> to vector<16xf32>
          %swap3A_891 = vector.shape_cast %mul3A_886 : vector<16xf32> to vector<1x16xf32>
          tpu.vector_store %arg11[%swap3A_887, %swap3A_888], %swap3A_891 {strides = array<i32>} : memref<128x128xf32, #tpu.memory_space<vmem>>, vector<1x16xf32>,
          %get3A_892 = arith.index_cast %add3A_881 : i32 to index
          %get3A_893 = arith.constant 16 : index
          %get3A_894 = tpu.vector_load %arg11[%get3A_892, %get3A_893] {strides = array<i32>} : memref<128x128xf32, #tpu.memory_space<vmem>>, vector<1x16xf32>,
          %get3A_895 = vector.shape_cast %get3A_894 : vector<1x16xf32> to vector<16xf32>
          %mul3A_896 = arith.mulf %get3A_895, %gather3A_877 : vector<16xf32>
          %swap3A_897 = arith.index_cast %add3A_881 : i32 to index
          %swap3A_898 = arith.constant 16 : index
          %swap3A_899 = tpu.vector_load %arg11[%swap3A_897, %swap3A_898] {strides = array<i32>} : memref<128x128xf32, #tpu.memory_space<vmem>>, vector<1x16xf32>,
          %swap3A_900 = vector.shape_cast %swap3A_899 : vector<1x16xf32> to vector<16xf32>
          %swap3A_901 = vector.shape_cast %mul3A_896 : vector<16xf32> to vector<1x16xf32>
          tpu.vector_store %arg11[%swap3A_897, %swap3A_898], %swap3A_901 {strides = array<i32>} : memref<128x128xf32, #tpu.memory_space<vmem>>, vector<1x16xf32>,
          %get3A_902 = arith.index_cast %add3A_881 : i32 to index
          %get3A_903 = arith.constant 32 : index
          %get3A_904 = tpu.vector_load %arg11[%get3A_902, %get3A_903] {strides = array<i32>} : memref<128x128xf32, #tpu.memory_space<vmem>>, vector<1x16xf32>,
          %get3A_905 = vector.shape_cast %get3A_904 : vector<1x16xf32> to vector<16xf32>
          %mul3A_906 = arith.mulf %get3A_905, %gather3A_877 : vector<16xf32>
          %swap3A_907 = arith.index_cast %add3A_881 : i32 to index
          %swap3A_908 = arith.constant 32 : index
          %swap3A_909 = tpu.vector_load %arg11[%swap3A_907, %swap3A_908] {strides = array<i32>} : memref<128x128xf32, #tpu.memory_space<vmem>>, vector<1x16xf32>,
          %swap3A_910 = vector.shape_cast %swap3A_909 : vector<1x16xf32> to vector<16xf32>
          %swap3A_911 = vector.shape_cast %mul3A_906 : vector<16xf32> to vector<1x16xf32>
          tpu.vector_store %arg11[%swap3A_907, %swap3A_908], %swap3A_911 {strides = array<i32>} : memref<128x128xf32, #tpu.memory_space<vmem>>, vector<1x16xf32>,
          %get3A_912 = arith.index_cast %add3A_881 : i32 to index
          %get3A_913 = arith.constant 48 : index
          %get3A_914 = tpu.vector_load %arg11[%get3A_912, %get3A_913] {strides = array<i32>} : memref<128x128xf32, #tpu.memory_space<vmem>>, vector<1x16xf32>,
          %get3A_915 = vector.shape_cast %get3A_914 : vector<1x16xf32> to vector<16xf32>
          %mul3A_916 = arith.mulf %get3A_915, %gather3A_877 : vector<16xf32>
          %swap3A_917 = arith.index_cast %add3A_881 : i32 to index
          %swap3A_918 = arith.constant 48 : index
          %swap3A_919 = tpu.vector_load %arg11[%swap3A_917, %swap3A_918] {strides = array<i32>} : memref<128x128xf32, #tpu.memory_space<vmem>>, vector<1x16xf32>,
          %swap3A_920 = vector.shape_cast %swap3A_919 : vector<1x16xf32> to vector<16xf32>
          %swap3A_921 = vector.shape_cast %mul3A_916 : vector<16xf32> to vector<1x16xf32>
          tpu.vector_store %arg11[%swap3A_917, %swap3A_918], %swap3A_921 {strides = array<i32>} : memref<128x128xf32, #tpu.memory_space<vmem>>, vector<1x16xf32>,
          %get3A_922 = arith.index_cast %add3A_881 : i32 to index
          %get3A_923 = arith.constant 64 : index
          %get3A_924 = tpu.vector_load %arg11[%get3A_922, %get3A_923] {strides = array<i32>} : memref<128x128xf32, #tpu.memory_space<vmem>>, vector<1x16xf32>,
          %get3A_925 = vector.shape_cast %get3A_924 : vector<1x16xf32> to vector<16xf32>
          %mul3A_926 = arith.mulf %get3A_925, %gather3A_877 : vector<16xf32>
          %swap3A_927 = arith.index_cast %add3A_881 : i32 to index
          %swap3A_928 = arith.constant 64 : index
          %swap3A_929 = tpu.vector_load %arg11[%swap3A_927, %swap3A_928] {strides = array<i32>} : memref<128x128xf32, #tpu.memory_space<vmem>>, vector<1x16xf32>,
          %swap3A_930 = vector.shape_cast %swap3A_929 : vector<1x16xf32> to vector<16xf32>
          %swap3A_931 = vector.shape_cast %mul3A_926 : vector<16xf32> to vector<1x16xf32>
          tpu.vector_store %arg11[%swap3A_927, %swap3A_928], %swap3A_931 {strides = array<i32>} : memref<128x128xf32, #tpu.memory_space<vmem>>, vector<1x16xf32>,
          %get3A_932 = arith.index_cast %add3A_881 : i32 to index
          %get3A_933 = arith.constant 80 : index
          %get3A_934 = tpu.vector_load %arg11[%get3A_932, %get3A_933] {strides = array<i32>} : memref<128x128xf32, #tpu.memory_space<vmem>>, vector<1x16xf32>,
          %get3A_935 = vector.shape_cast %get3A_934 : vector<1x16xf32> to vector<16xf32>
          %mul3A_936 = arith.mulf %get3A_935, %gather3A_877 : vector<16xf32>
          %swap3A_937 = arith.index_cast %add3A_881 : i32 to index
          %swap3A_938 = arith.constant 80 : index
          %swap3A_939 = tpu.vector_load %arg11[%swap3A_937, %swap3A_938] {strides = array<i32>} : memref<128x128xf32, #tpu.memory_space<vmem>>, vector<1x16xf32>,
          %swap3A_940 = vector.shape_cast %swap3A_939 : vector<1x16xf32> to vector<16xf32>
          %swap3A_941 = vector.shape_cast %mul3A_936 : vector<16xf32> to vector<1x16xf32>
          tpu.vector_store %arg11[%swap3A_937, %swap3A_938], %swap3A_941 {strides = array<i32>} : memref<128x128xf32, #tpu.memory_space<vmem>>, vector<1x16xf32>,
          %get3A_942 = arith.index_cast %add3A_881 : i32 to index
          %get3A_943 = arith.constant 96 : index
          %get3A_944 = tpu.vector_load %arg11[%get3A_942, %get3A_943] {strides = array<i32>} : memref<128x128xf32, #tpu.memory_space<vmem>>, vector<1x16xf32>,
          %get3A_945 = vector.shape_cast %get3A_944 : vector<1x16xf32> to vector<16xf32>
          %mul3A_946 = arith.mulf %get3A_945, %gather3A_877 : vector<16xf32>
          %swap3A_947 = arith.index_cast %add3A_881 : i32 to index
          %swap3A_948 = arith.constant 96 : index
          %swap3A_949 = tpu.vector_load %arg11[%swap3A_947, %swap3A_948] {strides = array<i32>} : memref<128x128xf32, #tpu.memory_space<vmem>>, vector<1x16xf32>,
          %swap3A_950 = vector.shape_cast %swap3A_949 : vector<1x16xf32> to vector<16xf32>
          %swap3A_951 = vector.shape_cast %mul3A_946 : vector<16xf32> to vector<1x16xf32>
          tpu.vector_store %arg11[%swap3A_947, %swap3A_948], %swap3A_951 {strides = array<i32>} : memref<128x128xf32, #tpu.memory_space<vmem>>, vector<1x16xf32>,
          %get3A_952 = arith.index_cast %add3A_881 : i32 to index
          %get3A_953 = arith.constant 112 : index
          %get3A_954 = tpu.vector_load %arg11[%get3A_952, %get3A_953] {strides = array<i32>} : memref<128x128xf32, #tpu.memory_space<vmem>>, vector<1x16xf32>,
          %get3A_955 = vector.shape_cast %get3A_954 : vector<1x16xf32> to vector<16xf32>
          %mul3A_956 = arith.mulf %get3A_955, %gather3A_877 : vector<16xf32>
          %swap3A_957 = arith.index_cast %add3A_881 : i32 to index
          %swap3A_958 = arith.constant 112 : index
          %swap3A_959 = tpu.vector_load %arg11[%swap3A_957, %swap3A_958] {strides = array<i32>} : memref<128x128xf32, #tpu.memory_space<vmem>>, vector<1x16xf32>,
          %swap3A_960 = vector.shape_cast %swap3A_959 : vector<1x16xf32> to vector<16xf32>
          %swap3A_961 = vector.shape_cast %mul3A_956 : vector<16xf32> to vector<1x16xf32>
          tpu.vector_store %arg11[%swap3A_957, %swap3A_958], %swap3A_961 {strides = array<i32>} : memref<128x128xf32, #tpu.memory_space<vmem>>, vector<1x16xf32>,
          %broadcast_in_dim3A_962 = arith.constant 8 : i32
          %broadcast_in_dim3A_963 = vector.broadcast %broadcast_in_dim3A_962 : i32 to vector<16x1xi32>
          %gather3A_964 = vector.shape_cast %broadcast_in_dim3A_963 : vector<16x1xi32> to vector<16xi32>
          %gather3A_965 = tpu.dynamic_gather %get3A_260[%gather3A_964] in [0] : vector<16xf32>, vector<16xi32> -> vector<16xf32>
          %mul3A_966 = arith.constant 16 : i32
          %mul3A_967 = arith.muli %add3A_255, %mul3A_966 : i32
          %add3A_968 = arith.constant 8 : i32
          %add3A_969 = arith.addi %mul3A_967, %add3A_968 : i32
          %get3A_970 = arith.index_cast %add3A_969 : i32 to index
          %get3A_971 = arith.constant 0 : index
          %get3A_972 = tpu.vector_load %arg11[%get3A_970, %get3A_971] {strides = array<i32>} : memref<128x128xf32, #tpu.memory_space<vmem>>, vector<1x16xf32>,
          %get3A_973 = vector.shape_cast %get3A_972 : vector<1x16xf32> to vector<16xf32>
          %mul3A_974 = arith.mulf %get3A_973, %gather3A_965 : vector<16xf32>
          %swap3A_975 = arith.index_cast %add3A_969 : i32 to index
          %swap3A_976 = arith.constant 0 : index
          %swap3A_977 = tpu.vector_load %arg11[%swap3A_975, %swap3A_976] {strides = array<i32>} : memref<128x128xf32, #tpu.memory_space<vmem>>, vector<1x16xf32>,
          %swap3A_978 = vector.shape_cast %swap3A_977 : vector<1x16xf32> to vector<16xf32>
          %swap3A_979 = vector.shape_cast %mul3A_974 : vector<16xf32> to vector<1x16xf32>
          tpu.vector_store %arg11[%swap3A_975, %swap3A_976], %swap3A_979 {strides = array<i32>} : memref<128x128xf32, #tpu.memory_space<vmem>>, vector<1x16xf32>,
          %get3A_980 = arith.index_cast %add3A_969 : i32 to index
          %get3A_981 = arith.constant 16 : index
          %get3A_982 = tpu.vector_load %arg11[%get3A_980, %get3A_981] {strides = array<i32>} : memref<128x128xf32, #tpu.memory_space<vmem>>, vector<1x16xf32>,
          %get3A_983 = vector.shape_cast %get3A_982 : vector<1x16xf32> to vector<16xf32>
          %mul3A_984 = arith.mulf %get3A_983, %gather3A_965 : vector<16xf32>
          %swap3A_985 = arith.index_cast %add3A_969 : i32 to index
          %swap3A_986 = arith.constant 16 : index
          %swap3A_987 = tpu.vector_load %arg11[%swap3A_985, %swap3A_986] {strides = array<i32>} : memref<128x128xf32, #tpu.memory_space<vmem>>, vector<1x16xf32>,
          %swap3A_988 = vector.shape_cast %swap3A_987 : vector<1x16xf32> to vector<16xf32>
          %swap3A_989 = vector.shape_cast %mul3A_984 : vector<16xf32> to vector<1x16xf32>
          tpu.vector_store %arg11[%swap3A_985, %swap3A_986], %swap3A_989 {strides = array<i32>} : memref<128x128xf32, #tpu.memory_space<vmem>>, vector<1x16xf32>,
          %get3A_990 = arith.index_cast %add3A_969 : i32 to index
          %get3A_991 = arith.constant 32 : index
          %get3A_992 = tpu.vector_load %arg11[%get3A_990, %get3A_991] {strides = array<i32>} : memref<128x128xf32, #tpu.memory_space<vmem>>, vector<1x16xf32>,
          %get3A_993 = vector.shape_cast %get3A_992 : vector<1x16xf32> to vector<16xf32>
          %mul3A_994 = arith.mulf %get3A_993, %gather3A_965 : vector<16xf32>
          %swap3A_995 = arith.index_cast %add3A_969 : i32 to index
          %swap3A_996 = arith.constant 32 : index
          %swap3A_997 = tpu.vector_load %arg11[%swap3A_995, %swap3A_996] {strides = array<i32>} : memref<128x128xf32, #tpu.memory_space<vmem>>, vector<1x16xf32>,
          %swap3A_998 = vector.shape_cast %swap3A_997 : vector<1x16xf32> to vector<16xf32>
          %swap3A_999 = vector.shape_cast %mul3A_994 : vector<16xf32> to vector<1x16xf32>
          tpu.vector_store %arg11[%swap3A_995, %swap3A_996], %swap3A_999 {strides = array<i32>} : memref<128x128xf32, #tpu.memory_space<vmem>>, vector<1x16xf32>,
          %get3A_1000 = arith.index_cast %add3A_969 : i32 to index
          %get3A_1001 = arith.constant 48 : index
          %get3A_1002 = tpu.vector_load %arg11[%get3A_1000, %get3A_1001] {strides = array<i32>} : memref<128x128xf32, #tpu.memory_space<vmem>>, vector<1x16xf32>,
          %get3A_1003 = vector.shape_cast %get3A_1002 : vector<1x16xf32> to vector<16xf32>
          %mul3A_1004 = arith.mulf %get3A_1003, %gather3A_965 : vector<16xf32>
          %swap3A_1005 = arith.index_cast %add3A_969 : i32 to index
          %swap3A_1006 = arith.constant 48 : index
          %swap3A_1007 = tpu.vector_load %arg11[%swap3A_1005, %swap3A_1006] {strides = array<i32>} : memref<128x128xf32, #tpu.memory_space<vmem>>, vector<1x16xf32>,
          %swap3A_1008 = vector.shape_cast %swap3A_1007 : vector<1x16xf32> to vector<16xf32>
          %swap3A_1009 = vector.shape_cast %mul3A_1004 : vector<16xf32> to vector<1x16xf32>
          tpu.vector_store %arg11[%swap3A_1005, %swap3A_1006], %swap3A_1009 {strides = array<i32>} : memref<128x128xf32, #tpu.memory_space<vmem>>, vector<1x16xf32>,
          %get3A_1010 = arith.index_cast %add3A_969 : i32 to index
          %get3A_1011 = arith.constant 64 : index
          %get3A_1012 = tpu.vector_load %arg11[%get3A_1010, %get3A_1011] {strides = array<i32>} : memref<128x128xf32, #tpu.memory_space<vmem>>, vector<1x16xf32>,
          %get3A_1013 = vector.shape_cast %get3A_1012 : vector<1x16xf32> to vector<16xf32>
          %mul3A_1014 = arith.mulf %get3A_1013, %gather3A_965 : vector<16xf32>
          %swap3A_1015 = arith.index_cast %add3A_969 : i32 to index
          %swap3A_1016 = arith.constant 64 : index
          %swap3A_1017 = tpu.vector_load %arg11[%swap3A_1015, %swap3A_1016] {strides = array<i32>} : memref<128x128xf32, #tpu.memory_space<vmem>>, vector<1x16xf32>,
          %swap3A_1018 = vector.shape_cast %swap3A_1017 : vector<1x16xf32> to vector<16xf32>
          %swap3A_1019 = vector.shape_cast %mul3A_1014 : vector<16xf32> to vector<1x16xf32>
          tpu.vector_store %arg11[%swap3A_1015, %swap3A_1016], %swap3A_1019 {strides = array<i32>} : memref<128x128xf32, #tpu.memory_space<vmem>>, vector<1x16xf32>,
          %get3A_1020 = arith.index_cast %add3A_969 : i32 to index
          %get3A_1021 = arith.constant 80 : index
          %get3A_1022 = tpu.vector_load %arg11[%get3A_1020, %get3A_1021] {strides = array<i32>} : memref<128x128xf32, #tpu.memory_space<vmem>>, vector<1x16xf32>,
          %get3A_1023 = vector.shape_cast %get3A_1022 : vector<1x16xf32> to vector<16xf32>
          %mul3A_1024 = arith.mulf %get3A_1023, %gather3A_965 : vector<16xf32>
          %swap3A_1025 = arith.index_cast %add3A_969 : i32 to index
          %swap3A_1026 = arith.constant 80 : index
          %swap3A_1027 = tpu.vector_load %arg11[%swap3A_1025, %swap3A_1026] {strides = array<i32>} : memref<128x128xf32, #tpu.memory_space<vmem>>, vector<1x16xf32>,
          %swap3A_1028 = vector.shape_cast %swap3A_1027 : vector<1x16xf32> to vector<16xf32>
          %swap3A_1029 = vector.shape_cast %mul3A_1024 : vector<16xf32> to vector<1x16xf32>
          tpu.vector_store %arg11[%swap3A_1025, %swap3A_1026], %swap3A_1029 {strides = array<i32>} : memref<128x128xf32, #tpu.memory_space<vmem>>, vector<1x16xf32>,
          %get3A_1030 = arith.index_cast %add3A_969 : i32 to index
          %get3A_1031 = arith.constant 96 : index
          %get3A_1032 = tpu.vector_load %arg11[%get3A_1030, %get3A_1031] {strides = array<i32>} : memref<128x128xf32, #tpu.memory_space<vmem>>, vector<1x16xf32>,
          %get3A_1033 = vector.shape_cast %get3A_1032 : vector<1x16xf32> to vector<16xf32>
          %mul3A_1034 = arith.mulf %get3A_1033, %gather3A_965 : vector<16xf32>
          %swap3A_1035 = arith.index_cast %add3A_969 : i32 to index
          %swap3A_1036 = arith.constant 96 : index
          %swap3A_1037 = tpu.vector_load %arg11[%swap3A_1035, %swap3A_1036] {strides = array<i32>} : memref<128x128xf32, #tpu.memory_space<vmem>>, vector<1x16xf32>,
          %swap3A_1038 = vector.shape_cast %swap3A_1037 : vector<1x16xf32> to vector<16xf32>
          %swap3A_1039 = vector.shape_cast %mul3A_1034 : vector<16xf32> to vector<1x16xf32>
          tpu.vector_store %arg11[%swap3A_1035, %swap3A_1036], %swap3A_1039 {strides = array<i32>} : memref<128x128xf32, #tpu.memory_space<vmem>>, vector<1x16xf32>,
          %get3A_1040 = arith.index_cast %add3A_969 : i32 to index
          %get3A_1041 = arith.constant 112 : index
          %get3A_1042 = tpu.vector_load %arg11[%get3A_1040, %get3A_1041] {strides = array<i32>} : memref<128x128xf32, #tpu.memory_space<vmem>>, vector<1x16xf32>,
          %get3A_1043 = vector.shape_cast %get3A_1042 : vector<1x16xf32> to vector<16xf32>
          %mul3A_1044 = arith.mulf %get3A_1043, %gather3A_965 : vector<16xf32>
          %swap3A_1045 = arith.index_cast %add3A_969 : i32 to index
          %swap3A_1046 = arith.constant 112 : index
          %swap3A_1047 = tpu.vector_load %arg11[%swap3A_1045, %swap3A_1046] {strides = array<i32>} : memref<128x128xf32, #tpu.memory_space<vmem>>, vector<1x16xf32>,
          %swap3A_1048 = vector.shape_cast %swap3A_1047 : vector<1x16xf32> to vector<16xf32>
          %swap3A_1049 = vector.shape_cast %mul3A_1044 : vector<16xf32> to vector<1x16xf32>
          tpu.vector_store %arg11[%swap3A_1045, %swap3A_1046], %swap3A_1049 {strides = array<i32>} : memref<128x128xf32, #tpu.memory_space<vmem>>, vector<1x16xf32>,
          %broadcast_in_dim3A_1050 = arith.constant 9 : i32
          %broadcast_in_dim3A_1051 = vector.broadcast %broadcast_in_dim3A_1050 : i32 to vector<16x1xi32>
          %gather3A_1052 = vector.shape_cast %broadcast_in_dim3A_1051 : vector<16x1xi32> to vector<16xi32>
          %gather3A_1053 = tpu.dynamic_gather %get3A_260[%gather3A_1052] in [0] : vector<16xf32>, vector<16xi32> -> vector<16xf32>
          %mul3A_1054 = arith.constant 16 : i32
          %mul3A_1055 = arith.muli %add3A_255, %mul3A_1054 : i32
          %add3A_1056 = arith.constant 9 : i32
          %add3A_1057 = arith.addi %mul3A_1055, %add3A_1056 : i32
          %get3A_1058 = arith.index_cast %add3A_1057 : i32 to index
          %get3A_1059 = arith.constant 0 : index
          %get3A_1060 = tpu.vector_load %arg11[%get3A_1058, %get3A_1059] {strides = array<i32>} : memref<128x128xf32, #tpu.memory_space<vmem>>, vector<1x16xf32>,
          %get3A_1061 = vector.shape_cast %get3A_1060 : vector<1x16xf32> to vector<16xf32>
          %mul3A_1062 = arith.mulf %get3A_1061, %gather3A_1053 : vector<16xf32>
          %swap3A_1063 = arith.index_cast %add3A_1057 : i32 to index
          %swap3A_1064 = arith.constant 0 : index
          %swap3A_1065 = tpu.vector_load %arg11[%swap3A_1063, %swap3A_1064] {strides = array<i32>} : memref<128x128xf32, #tpu.memory_space<vmem>>, vector<1x16xf32>,
          %swap3A_1066 = vector.shape_cast %swap3A_1065 : vector<1x16xf32> to vector<16xf32>
          %swap3A_1067 = vector.shape_cast %mul3A_1062 : vector<16xf32> to vector<1x16xf32>
          tpu.vector_store %arg11[%swap3A_1063, %swap3A_1064], %swap3A_1067 {strides = array<i32>} : memref<128x128xf32, #tpu.memory_space<vmem>>, vector<1x16xf32>,
          %get3A_1068 = arith.index_cast %add3A_1057 : i32 to index
          %get3A_1069 = arith.constant 16 : index
          %get3A_1070 = tpu.vector_load %arg11[%get3A_1068, %get3A_1069] {strides = array<i32>} : memref<128x128xf32, #tpu.memory_space<vmem>>, vector<1x16xf32>,
          %get3A_1071 = vector.shape_cast %get3A_1070 : vector<1x16xf32> to vector<16xf32>
          %mul3A_1072 = arith.mulf %get3A_1071, %gather3A_1053 : vector<16xf32>
          %swap3A_1073 = arith.index_cast %add3A_1057 : i32 to index
          %swap3A_1074 = arith.constant 16 : index
          %swap3A_1075 = tpu.vector_load %arg11[%swap3A_1073, %swap3A_1074] {strides = array<i32>} : memref<128x128xf32, #tpu.memory_space<vmem>>, vector<1x16xf32>,
          %swap3A_1076 = vector.shape_cast %swap3A_1075 : vector<1x16xf32> to vector<16xf32>
          %swap3A_1077 = vector.shape_cast %mul3A_1072 : vector<16xf32> to vector<1x16xf32>
          tpu.vector_store %arg11[%swap3A_1073, %swap3A_1074], %swap3A_1077 {strides = array<i32>} : memref<128x128xf32, #tpu.memory_space<vmem>>, vector<1x16xf32>,
          %get3A_1078 = arith.index_cast %add3A_1057 : i32 to index
          %get3A_1079 = arith.constant 32 : index
          %get3A_1080 = tpu.vector_load %arg11[%get3A_1078, %get3A_1079] {strides = array<i32>} : memref<128x128xf32, #tpu.memory_space<vmem>>, vector<1x16xf32>,
          %get3A_1081 = vector.shape_cast %get3A_1080 : vector<1x16xf32> to vector<16xf32>
          %mul3A_1082 = arith.mulf %get3A_1081, %gather3A_1053 : vector<16xf32>
          %swap3A_1083 = arith.index_cast %add3A_1057 : i32 to index
          %swap3A_1084 = arith.constant 32 : index
          %swap3A_1085 = tpu.vector_load %arg11[%swap3A_1083, %swap3A_1084] {strides = array<i32>} : memref<128x128xf32, #tpu.memory_space<vmem>>, vector<1x16xf32>,
          %swap3A_1086 = vector.shape_cast %swap3A_1085 : vector<1x16xf32> to vector<16xf32>
          %swap3A_1087 = vector.shape_cast %mul3A_1082 : vector<16xf32> to vector<1x16xf32>
          tpu.vector_store %arg11[%swap3A_1083, %swap3A_1084], %swap3A_1087 {strides = array<i32>} : memref<128x128xf32, #tpu.memory_space<vmem>>, vector<1x16xf32>,
          %get3A_1088 = arith.index_cast %add3A_1057 : i32 to index
          %get3A_1089 = arith.constant 48 : index
          %get3A_1090 = tpu.vector_load %arg11[%get3A_1088, %get3A_1089] {strides = array<i32>} : memref<128x128xf32, #tpu.memory_space<vmem>>, vector<1x16xf32>,
          %get3A_1091 = vector.shape_cast %get3A_1090 : vector<1x16xf32> to vector<16xf32>
          %mul3A_1092 = arith.mulf %get3A_1091, %gather3A_1053 : vector<16xf32>
          %swap3A_1093 = arith.index_cast %add3A_1057 : i32 to index
          %swap3A_1094 = arith.constant 48 : index
          %swap3A_1095 = tpu.vector_load %arg11[%swap3A_1093, %swap3A_1094] {strides = array<i32>} : memref<128x128xf32, #tpu.memory_space<vmem>>, vector<1x16xf32>,
          %swap3A_1096 = vector.shape_cast %swap3A_1095 : vector<1x16xf32> to vector<16xf32>
          %swap3A_1097 = vector.shape_cast %mul3A_1092 : vector<16xf32> to vector<1x16xf32>
          tpu.vector_store %arg11[%swap3A_1093, %swap3A_1094], %swap3A_1097 {strides = array<i32>} : memref<128x128xf32, #tpu.memory_space<vmem>>, vector<1x16xf32>,
          %get3A_1098 = arith.index_cast %add3A_1057 : i32 to index
          %get3A_1099 = arith.constant 64 : index
          %get3A_1100 = tpu.vector_load %arg11[%get3A_1098, %get3A_1099] {strides = array<i32>} : memref<128x128xf32, #tpu.memory_space<vmem>>, vector<1x16xf32>,
          %get3A_1101 = vector.shape_cast %get3A_1100 : vector<1x16xf32> to vector<16xf32>
          %mul3A_1102 = arith.mulf %get3A_1101, %gather3A_1053 : vector<16xf32>
          %swap3A_1103 = arith.index_cast %add3A_1057 : i32 to index
          %swap3A_1104 = arith.constant 64 : index
          %swap3A_1105 = tpu.vector_load %arg11[%swap3A_1103, %swap3A_1104] {strides = array<i32>} : memref<128x128xf32, #tpu.memory_space<vmem>>, vector<1x16xf32>,
          %swap3A_1106 = vector.shape_cast %swap3A_1105 : vector<1x16xf32> to vector<16xf32>
          %swap3A_1107 = vector.shape_cast %mul3A_1102 : vector<16xf32> to vector<1x16xf32>
          tpu.vector_store %arg11[%swap3A_1103, %swap3A_1104], %swap3A_1107 {strides = array<i32>} : memref<128x128xf32, #tpu.memory_space<vmem>>, vector<1x16xf32>,
          %get3A_1108 = arith.index_cast %add3A_1057 : i32 to index
          %get3A_1109 = arith.constant 80 : index
          %get3A_1110 = tpu.vector_load %arg11[%get3A_1108, %get3A_1109] {strides = array<i32>} : memref<128x128xf32, #tpu.memory_space<vmem>>, vector<1x16xf32>,
          %get3A_1111 = vector.shape_cast %get3A_1110 : vector<1x16xf32> to vector<16xf32>
          %mul3A_1112 = arith.mulf %get3A_1111, %gather3A_1053 : vector<16xf32>
          %swap3A_1113 = arith.index_cast %add3A_1057 : i32 to index
          %swap3A_1114 = arith.constant 80 : index
          %swap3A_1115 = tpu.vector_load %arg11[%swap3A_1113, %swap3A_1114] {strides = array<i32>} : memref<128x128xf32, #tpu.memory_space<vmem>>, vector<1x16xf32>,
          %swap3A_1116 = vector.shape_cast %swap3A_1115 : vector<1x16xf32> to vector<16xf32>
          %swap3A_1117 = vector.shape_cast %mul3A_1112 : vector<16xf32> to vector<1x16xf32>
          tpu.vector_store %arg11[%swap3A_1113, %swap3A_1114], %swap3A_1117 {strides = array<i32>} : memref<128x128xf32, #tpu.memory_space<vmem>>, vector<1x16xf32>,
          %get3A_1118 = arith.index_cast %add3A_1057 : i32 to index
          %get3A_1119 = arith.constant 96 : index
          %get3A_1120 = tpu.vector_load %arg11[%get3A_1118, %get3A_1119] {strides = array<i32>} : memref<128x128xf32, #tpu.memory_space<vmem>>, vector<1x16xf32>,
          %get3A_1121 = vector.shape_cast %get3A_1120 : vector<1x16xf32> to vector<16xf32>
          %mul3A_1122 = arith.mulf %get3A_1121, %gather3A_1053 : vector<16xf32>
          %swap3A_1123 = arith.index_cast %add3A_1057 : i32 to index
          %swap3A_1124 = arith.constant 96 : index
          %swap3A_1125 = tpu.vector_load %arg11[%swap3A_1123, %swap3A_1124] {strides = array<i32>} : memref<128x128xf32, #tpu.memory_space<vmem>>, vector<1x16xf32>,
          %swap3A_1126 = vector.shape_cast %swap3A_1125 : vector<1x16xf32> to vector<16xf32>
          %swap3A_1127 = vector.shape_cast %mul3A_1122 : vector<16xf32> to vector<1x16xf32>
          tpu.vector_store %arg11[%swap3A_1123, %swap3A_1124], %swap3A_1127 {strides = array<i32>} : memref<128x128xf32, #tpu.memory_space<vmem>>, vector<1x16xf32>,
          %get3A_1128 = arith.index_cast %add3A_1057 : i32 to index
          %get3A_1129 = arith.constant 112 : index
          %get3A_1130 = tpu.vector_load %arg11[%get3A_1128, %get3A_1129] {strides = array<i32>} : memref<128x128xf32, #tpu.memory_space<vmem>>, vector<1x16xf32>,
          %get3A_1131 = vector.shape_cast %get3A_1130 : vector<1x16xf32> to vector<16xf32>
          %mul3A_1132 = arith.mulf %get3A_1131, %gather3A_1053 : vector<16xf32>
          %swap3A_1133 = arith.index_cast %add3A_1057 : i32 to index
          %swap3A_1134 = arith.constant 112 : index
          %swap3A_1135 = tpu.vector_load %arg11[%swap3A_1133, %swap3A_1134] {strides = array<i32>} : memref<128x128xf32, #tpu.memory_space<vmem>>, vector<1x16xf32>,
          %swap3A_1136 = vector.shape_cast %swap3A_1135 : vector<1x16xf32> to vector<16xf32>
          %swap3A_1137 = vector.shape_cast %mul3A_1132 : vector<16xf32> to vector<1x16xf32>
          tpu.vector_store %arg11[%swap3A_1133, %swap3A_1134], %swap3A_1137 {strides = array<i32>} : memref<128x128xf32, #tpu.memory_space<vmem>>, vector<1x16xf32>,
          %broadcast_in_dim3A_1138 = arith.constant 10 : i32
          %broadcast_in_dim3A_1139 = vector.broadcast %broadcast_in_dim3A_1138 : i32 to vector<16x1xi32>
          %gather3A_1140 = vector.shape_cast %broadcast_in_dim3A_1139 : vector<16x1xi32> to vector<16xi32>
          %gather3A_1141 = tpu.dynamic_gather %get3A_260[%gather3A_1140] in [0] : vector<16xf32>, vector<16xi32> -> vector<16xf32>
          %mul3A_1142 = arith.constant 16 : i32
          %mul3A_1143 = arith.muli %add3A_255, %mul3A_1142 : i32
          %add3A_1144 = arith.constant 10 : i32
          %add3A_1145 = arith.addi %mul3A_1143, %add3A_1144 : i32
          %get3A_1146 = arith.index_cast %add3A_1145 : i32 to index
          %get3A_1147 = arith.constant 0 : index
          %get3A_1148 = tpu.vector_load %arg11[%get3A_1146, %get3A_1147] {strides = array<i32>} : memref<128x128xf32, #tpu.memory_space<vmem>>, vector<1x16xf32>,
          %get3A_1149 = vector.shape_cast %get3A_1148 : vector<1x16xf32> to vector<16xf32>
          %mul3A_1150 = arith.mulf %get3A_1149, %gather3A_1141 : vector<16xf32>
          %swap3A_1151 = arith.index_cast %add3A_1145 : i32 to index
          %swap3A_1152 = arith.constant 0 : index
          %swap3A_1153 = tpu.vector_load %arg11[%swap3A_1151, %swap3A_1152] {strides = array<i32>} : memref<128x128xf32, #tpu.memory_space<vmem>>, vector<1x16xf32>,
          %swap3A_1154 = vector.shape_cast %swap3A_1153 : vector<1x16xf32> to vector<16xf32>
          %swap3A_1155 = vector.shape_cast %mul3A_1150 : vector<16xf32> to vector<1x16xf32>
          tpu.vector_store %arg11[%swap3A_1151, %swap3A_1152], %swap3A_1155 {strides = array<i32>} : memref<128x128xf32, #tpu.memory_space<vmem>>, vector<1x16xf32>,
          %get3A_1156 = arith.index_cast %add3A_1145 : i32 to index
          %get3A_1157 = arith.constant 16 : index
          %get3A_1158 = tpu.vector_load %arg11[%get3A_1156, %get3A_1157] {strides = array<i32>} : memref<128x128xf32, #tpu.memory_space<vmem>>, vector<1x16xf32>,
          %get3A_1159 = vector.shape_cast %get3A_1158 : vector<1x16xf32> to vector<16xf32>
          %mul3A_1160 = arith.mulf %get3A_1159, %gather3A_1141 : vector<16xf32>
          %swap3A_1161 = arith.index_cast %add3A_1145 : i32 to index
          %swap3A_1162 = arith.constant 16 : index
          %swap3A_1163 = tpu.vector_load %arg11[%swap3A_1161, %swap3A_1162] {strides = array<i32>} : memref<128x128xf32, #tpu.memory_space<vmem>>, vector<1x16xf32>,
          %swap3A_1164 = vector.shape_cast %swap3A_1163 : vector<1x16xf32> to vector<16xf32>
          %swap3A_1165 = vector.shape_cast %mul3A_1160 : vector<16xf32> to vector<1x16xf32>
          tpu.vector_store %arg11[%swap3A_1161, %swap3A_1162], %swap3A_1165 {strides = array<i32>} : memref<128x128xf32, #tpu.memory_space<vmem>>, vector<1x16xf32>,
          %get3A_1166 = arith.index_cast %add3A_1145 : i32 to index
          %get3A_1167 = arith.constant 32 : index
          %get3A_1168 = tpu.vector_load %arg11[%get3A_1166, %get3A_1167] {strides = array<i32>} : memref<128x128xf32, #tpu.memory_space<vmem>>, vector<1x16xf32>,
          %get3A_1169 = vector.shape_cast %get3A_1168 : vector<1x16xf32> to vector<16xf32>
          %mul3A_1170 = arith.mulf %get3A_1169, %gather3A_1141 : vector<16xf32>
          %swap3A_1171 = arith.index_cast %add3A_1145 : i32 to index
          %swap3A_1172 = arith.constant 32 : index
          %swap3A_1173 = tpu.vector_load %arg11[%swap3A_1171, %swap3A_1172] {strides = array<i32>} : memref<128x128xf32, #tpu.memory_space<vmem>>, vector<1x16xf32>,
          %swap3A_1174 = vector.shape_cast %swap3A_1173 : vector<1x16xf32> to vector<16xf32>
          %swap3A_1175 = vector.shape_cast %mul3A_1170 : vector<16xf32> to vector<1x16xf32>
          tpu.vector_store %arg11[%swap3A_1171, %swap3A_1172], %swap3A_1175 {strides = array<i32>} : memref<128x128xf32, #tpu.memory_space<vmem>>, vector<1x16xf32>,
          %get3A_1176 = arith.index_cast %add3A_1145 : i32 to index
          %get3A_1177 = arith.constant 48 : index
          %get3A_1178 = tpu.vector_load %arg11[%get3A_1176, %get3A_1177] {strides = array<i32>} : memref<128x128xf32, #tpu.memory_space<vmem>>, vector<1x16xf32>,
          %get3A_1179 = vector.shape_cast %get3A_1178 : vector<1x16xf32> to vector<16xf32>
          %mul3A_1180 = arith.mulf %get3A_1179, %gather3A_1141 : vector<16xf32>
          %swap3A_1181 = arith.index_cast %add3A_1145 : i32 to index
          %swap3A_1182 = arith.constant 48 : index
          %swap3A_1183 = tpu.vector_load %arg11[%swap3A_1181, %swap3A_1182] {strides = array<i32>} : memref<128x128xf32, #tpu.memory_space<vmem>>, vector<1x16xf32>,
          %swap3A_1184 = vector.shape_cast %swap3A_1183 : vector<1x16xf32> to vector<16xf32>
          %swap3A_1185 = vector.shape_cast %mul3A_1180 : vector<16xf32> to vector<1x16xf32>
          tpu.vector_store %arg11[%swap3A_1181, %swap3A_1182], %swap3A_1185 {strides = array<i32>} : memref<128x128xf32, #tpu.memory_space<vmem>>, vector<1x16xf32>,
          %get3A_1186 = arith.index_cast %add3A_1145 : i32 to index
          %get3A_1187 = arith.constant 64 : index
          %get3A_1188 = tpu.vector_load %arg11[%get3A_1186, %get3A_1187] {strides = array<i32>} : memref<128x128xf32, #tpu.memory_space<vmem>>, vector<1x16xf32>,
          %get3A_1189 = vector.shape_cast %get3A_1188 : vector<1x16xf32> to vector<16xf32>
          %mul3A_1190 = arith.mulf %get3A_1189, %gather3A_1141 : vector<16xf32>
          %swap3A_1191 = arith.index_cast %add3A_1145 : i32 to index
          %swap3A_1192 = arith.constant 64 : index
          %swap3A_1193 = tpu.vector_load %arg11[%swap3A_1191, %swap3A_1192] {strides = array<i32>} : memref<128x128xf32, #tpu.memory_space<vmem>>, vector<1x16xf32>,
          %swap3A_1194 = vector.shape_cast %swap3A_1193 : vector<1x16xf32> to vector<16xf32>
          %swap3A_1195 = vector.shape_cast %mul3A_1190 : vector<16xf32> to vector<1x16xf32>
          tpu.vector_store %arg11[%swap3A_1191, %swap3A_1192], %swap3A_1195 {strides = array<i32>} : memref<128x128xf32, #tpu.memory_space<vmem>>, vector<1x16xf32>,
          %get3A_1196 = arith.index_cast %add3A_1145 : i32 to index
          %get3A_1197 = arith.constant 80 : index
          %get3A_1198 = tpu.vector_load %arg11[%get3A_1196, %get3A_1197] {strides = array<i32>} : memref<128x128xf32, #tpu.memory_space<vmem>>, vector<1x16xf32>,
          %get3A_1199 = vector.shape_cast %get3A_1198 : vector<1x16xf32> to vector<16xf32>
          %mul3A_1200 = arith.mulf %get3A_1199, %gather3A_1141 : vector<16xf32>
          %swap3A_1201 = arith.index_cast %add3A_1145 : i32 to index
          %swap3A_1202 = arith.constant 80 : index
          %swap3A_1203 = tpu.vector_load %arg11[%swap3A_1201, %swap3A_1202] {strides = array<i32>} : memref<128x128xf32, #tpu.memory_space<vmem>>, vector<1x16xf32>,
          %swap3A_1204 = vector.shape_cast %swap3A_1203 : vector<1x16xf32> to vector<16xf32>
          %swap3A_1205 = vector.shape_cast %mul3A_1200 : vector<16xf32> to vector<1x16xf32>
          tpu.vector_store %arg11[%swap3A_1201, %swap3A_1202], %swap3A_1205 {strides = array<i32>} : memref<128x128xf32, #tpu.memory_space<vmem>>, vector<1x16xf32>,
          %get3A_1206 = arith.index_cast %add3A_1145 : i32 to index
          %get3A_1207 = arith.constant 96 : index
          %get3A_1208 = tpu.vector_load %arg11[%get3A_1206, %get3A_1207] {strides = array<i32>} : memref<128x128xf32, #tpu.memory_space<vmem>>, vector<1x16xf32>,
          %get3A_1209 = vector.shape_cast %get3A_1208 : vector<1x16xf32> to vector<16xf32>
          %mul3A_1210 = arith.mulf %get3A_1209, %gather3A_1141 : vector<16xf32>
          %swap3A_1211 = arith.index_cast %add3A_1145 : i32 to index
          %swap3A_1212 = arith.constant 96 : index
          %swap3A_1213 = tpu.vector_load %arg11[%swap3A_1211, %swap3A_1212] {strides = array<i32>} : memref<128x128xf32, #tpu.memory_space<vmem>>, vector<1x16xf32>,
          %swap3A_1214 = vector.shape_cast %swap3A_1213 : vector<1x16xf32> to vector<16xf32>
          %swap3A_1215 = vector.shape_cast %mul3A_1210 : vector<16xf32> to vector<1x16xf32>
          tpu.vector_store %arg11[%swap3A_1211, %swap3A_1212], %swap3A_1215 {strides = array<i32>} : memref<128x128xf32, #tpu.memory_space<vmem>>, vector<1x16xf32>,
          %get3A_1216 = arith.index_cast %add3A_1145 : i32 to index
          %get3A_1217 = arith.constant 112 : index
          %get3A_1218 = tpu.vector_load %arg11[%get3A_1216, %get3A_1217] {strides = array<i32>} : memref<128x128xf32, #tpu.memory_space<vmem>>, vector<1x16xf32>,
          %get3A_1219 = vector.shape_cast %get3A_1218 : vector<1x16xf32> to vector<16xf32>
          %mul3A_1220 = arith.mulf %get3A_1219, %gather3A_1141 : vector<16xf32>
          %swap3A_1221 = arith.index_cast %add3A_1145 : i32 to index
          %swap3A_1222 = arith.constant 112 : index
          %swap3A_1223 = tpu.vector_load %arg11[%swap3A_1221, %swap3A_1222] {strides = array<i32>} : memref<128x128xf32, #tpu.memory_space<vmem>>, vector<1x16xf32>,
          %swap3A_1224 = vector.shape_cast %swap3A_1223 : vector<1x16xf32> to vector<16xf32>
          %swap3A_1225 = vector.shape_cast %mul3A_1220 : vector<16xf32> to vector<1x16xf32>
          tpu.vector_store %arg11[%swap3A_1221, %swap3A_1222], %swap3A_1225 {strides = array<i32>} : memref<128x128xf32, #tpu.memory_space<vmem>>, vector<1x16xf32>,
          %broadcast_in_dim3A_1226 = arith.constant 11 : i32
          %broadcast_in_dim3A_1227 = vector.broadcast %broadcast_in_dim3A_1226 : i32 to vector<16x1xi32>
          %gather3A_1228 = vector.shape_cast %broadcast_in_dim3A_1227 : vector<16x1xi32> to vector<16xi32>
          %gather3A_1229 = tpu.dynamic_gather %get3A_260[%gather3A_1228] in [0] : vector<16xf32>, vector<16xi32> -> vector<16xf32>
          %mul3A_1230 = arith.constant 16 : i32
          %mul3A_1231 = arith.muli %add3A_255, %mul3A_1230 : i32
          %add3A_1232 = arith.constant 11 : i32
          %add3A_1233 = arith.addi %mul3A_1231, %add3A_1232 : i32
          %get3A_1234 = arith.index_cast %add3A_1233 : i32 to index
          %get3A_1235 = arith.constant 0 : index
          %get3A_1236 = tpu.vector_load %arg11[%get3A_1234, %get3A_1235] {strides = array<i32>} : memref<128x128xf32, #tpu.memory_space<vmem>>, vector<1x16xf32>,
          %get3A_1237 = vector.shape_cast %get3A_1236 : vector<1x16xf32> to vector<16xf32>
          %mul3A_1238 = arith.mulf %get3A_1237, %gather3A_1229 : vector<16xf32>
          %swap3A_1239 = arith.index_cast %add3A_1233 : i32 to index
          %swap3A_1240 = arith.constant 0 : index
          %swap3A_1241 = tpu.vector_load %arg11[%swap3A_1239, %swap3A_1240] {strides = array<i32>} : memref<128x128xf32, #tpu.memory_space<vmem>>, vector<1x16xf32>,
          %swap3A_1242 = vector.shape_cast %swap3A_1241 : vector<1x16xf32> to vector<16xf32>
          %swap3A_1243 = vector.shape_cast %mul3A_1238 : vector<16xf32> to vector<1x16xf32>
          tpu.vector_store %arg11[%swap3A_1239, %swap3A_1240], %swap3A_1243 {strides = array<i32>} : memref<128x128xf32, #tpu.memory_space<vmem>>, vector<1x16xf32>,
          %get3A_1244 = arith.index_cast %add3A_1233 : i32 to index
          %get3A_1245 = arith.constant 16 : index
          %get3A_1246 = tpu.vector_load %arg11[%get3A_1244, %get3A_1245] {strides = array<i32>} : memref<128x128xf32, #tpu.memory_space<vmem>>, vector<1x16xf32>,
          %get3A_1247 = vector.shape_cast %get3A_1246 : vector<1x16xf32> to vector<16xf32>
          %mul3A_1248 = arith.mulf %get3A_1247, %gather3A_1229 : vector<16xf32>
          %swap3A_1249 = arith.index_cast %add3A_1233 : i32 to index
          %swap3A_1250 = arith.constant 16 : index
          %swap3A_1251 = tpu.vector_load %arg11[%swap3A_1249, %swap3A_1250] {strides = array<i32>} : memref<128x128xf32, #tpu.memory_space<vmem>>, vector<1x16xf32>,
          %swap3A_1252 = vector.shape_cast %swap3A_1251 : vector<1x16xf32> to vector<16xf32>
          %swap3A_1253 = vector.shape_cast %mul3A_1248 : vector<16xf32> to vector<1x16xf32>
          tpu.vector_store %arg11[%swap3A_1249, %swap3A_1250], %swap3A_1253 {strides = array<i32>} : memref<128x128xf32, #tpu.memory_space<vmem>>, vector<1x16xf32>,
          %get3A_1254 = arith.index_cast %add3A_1233 : i32 to index
          %get3A_1255 = arith.constant 32 : index
          %get3A_1256 = tpu.vector_load %arg11[%get3A_1254, %get3A_1255] {strides = array<i32>} : memref<128x128xf32, #tpu.memory_space<vmem>>, vector<1x16xf32>,
          %get3A_1257 = vector.shape_cast %get3A_1256 : vector<1x16xf32> to vector<16xf32>
          %mul3A_1258 = arith.mulf %get3A_1257, %gather3A_1229 : vector<16xf32>
          %swap3A_1259 = arith.index_cast %add3A_1233 : i32 to index
          %swap3A_1260 = arith.constant 32 : index
          %swap3A_1261 = tpu.vector_load %arg11[%swap3A_1259, %swap3A_1260] {strides = array<i32>} : memref<128x128xf32, #tpu.memory_space<vmem>>, vector<1x16xf32>,
          %swap3A_1262 = vector.shape_cast %swap3A_1261 : vector<1x16xf32> to vector<16xf32>
          %swap3A_1263 = vector.shape_cast %mul3A_1258 : vector<16xf32> to vector<1x16xf32>
          tpu.vector_store %arg11[%swap3A_1259, %swap3A_1260], %swap3A_1263 {strides = array<i32>} : memref<128x128xf32, #tpu.memory_space<vmem>>, vector<1x16xf32>,
          %get3A_1264 = arith.index_cast %add3A_1233 : i32 to index
          %get3A_1265 = arith.constant 48 : index
          %get3A_1266 = tpu.vector_load %arg11[%get3A_1264, %get3A_1265] {strides = array<i32>} : memref<128x128xf32, #tpu.memory_space<vmem>>, vector<1x16xf32>,
          %get3A_1267 = vector.shape_cast %get3A_1266 : vector<1x16xf32> to vector<16xf32>
          %mul3A_1268 = arith.mulf %get3A_1267, %gather3A_1229 : vector<16xf32>
          %swap3A_1269 = arith.index_cast %add3A_1233 : i32 to index
          %swap3A_1270 = arith.constant 48 : index
          %swap3A_1271 = tpu.vector_load %arg11[%swap3A_1269, %swap3A_1270] {strides = array<i32>} : memref<128x128xf32, #tpu.memory_space<vmem>>, vector<1x16xf32>,
          %swap3A_1272 = vector.shape_cast %swap3A_1271 : vector<1x16xf32> to vector<16xf32>
          %swap3A_1273 = vector.shape_cast %mul3A_1268 : vector<16xf32> to vector<1x16xf32>
          tpu.vector_store %arg11[%swap3A_1269, %swap3A_1270], %swap3A_1273 {strides = array<i32>} : memref<128x128xf32, #tpu.memory_space<vmem>>, vector<1x16xf32>,
          %get3A_1274 = arith.index_cast %add3A_1233 : i32 to index
          %get3A_1275 = arith.constant 64 : index
          %get3A_1276 = tpu.vector_load %arg11[%get3A_1274, %get3A_1275] {strides = array<i32>} : memref<128x128xf32, #tpu.memory_space<vmem>>, vector<1x16xf32>,
          %get3A_1277 = vector.shape_cast %get3A_1276 : vector<1x16xf32> to vector<16xf32>
          %mul3A_1278 = arith.mulf %get3A_1277, %gather3A_1229 : vector<16xf32>
          %swap3A_1279 = arith.index_cast %add3A_1233 : i32 to index
          %swap3A_1280 = arith.constant 64 : index
          %swap3A_1281 = tpu.vector_load %arg11[%swap3A_1279, %swap3A_1280] {strides = array<i32>} : memref<128x128xf32, #tpu.memory_space<vmem>>, vector<1x16xf32>,
          %swap3A_1282 = vector.shape_cast %swap3A_1281 : vector<1x16xf32> to vector<16xf32>
          %swap3A_1283 = vector.shape_cast %mul3A_1278 : vector<16xf32> to vector<1x16xf32>
          tpu.vector_store %arg11[%swap3A_1279, %swap3A_1280], %swap3A_1283 {strides = array<i32>} : memref<128x128xf32, #tpu.memory_space<vmem>>, vector<1x16xf32>,
          %get3A_1284 = arith.index_cast %add3A_1233 : i32 to index
          %get3A_1285 = arith.constant 80 : index
          %get3A_1286 = tpu.vector_load %arg11[%get3A_1284, %get3A_1285] {strides = array<i32>} : memref<128x128xf32, #tpu.memory_space<vmem>>, vector<1x16xf32>,
          %get3A_1287 = vector.shape_cast %get3A_1286 : vector<1x16xf32> to vector<16xf32>
          %mul3A_1288 = arith.mulf %get3A_1287, %gather3A_1229 : vector<16xf32>
          %swap3A_1289 = arith.index_cast %add3A_1233 : i32 to index
          %swap3A_1290 = arith.constant 80 : index
          %swap3A_1291 = tpu.vector_load %arg11[%swap3A_1289, %swap3A_1290] {strides = array<i32>} : memref<128x128xf32, #tpu.memory_space<vmem>>, vector<1x16xf32>,
          %swap3A_1292 = vector.shape_cast %swap3A_1291 : vector<1x16xf32> to vector<16xf32>
          %swap3A_1293 = vector.shape_cast %mul3A_1288 : vector<16xf32> to vector<1x16xf32>
          tpu.vector_store %arg11[%swap3A_1289, %swap3A_1290], %swap3A_1293 {strides = array<i32>} : memref<128x128xf32, #tpu.memory_space<vmem>>, vector<1x16xf32>,
          %get3A_1294 = arith.index_cast %add3A_1233 : i32 to index
          %get3A_1295 = arith.constant 96 : index
          %get3A_1296 = tpu.vector_load %arg11[%get3A_1294, %get3A_1295] {strides = array<i32>} : memref<128x128xf32, #tpu.memory_space<vmem>>, vector<1x16xf32>,
          %get3A_1297 = vector.shape_cast %get3A_1296 : vector<1x16xf32> to vector<16xf32>
          %mul3A_1298 = arith.mulf %get3A_1297, %gather3A_1229 : vector<16xf32>
          %swap3A_1299 = arith.index_cast %add3A_1233 : i32 to index
          %swap3A_1300 = arith.constant 96 : index
          %swap3A_1301 = tpu.vector_load %arg11[%swap3A_1299, %swap3A_1300] {strides = array<i32>} : memref<128x128xf32, #tpu.memory_space<vmem>>, vector<1x16xf32>,
          %swap3A_1302 = vector.shape_cast %swap3A_1301 : vector<1x16xf32> to vector<16xf32>
          %swap3A_1303 = vector.shape_cast %mul3A_1298 : vector<16xf32> to vector<1x16xf32>
          tpu.vector_store %arg11[%swap3A_1299, %swap3A_1300], %swap3A_1303 {strides = array<i32>} : memref<128x128xf32, #tpu.memory_space<vmem>>, vector<1x16xf32>,
          %get3A_1304 = arith.index_cast %add3A_1233 : i32 to index
          %get3A_1305 = arith.constant 112 : index
          %get3A_1306 = tpu.vector_load %arg11[%get3A_1304, %get3A_1305] {strides = array<i32>} : memref<128x128xf32, #tpu.memory_space<vmem>>, vector<1x16xf32>,
          %get3A_1307 = vector.shape_cast %get3A_1306 : vector<1x16xf32> to vector<16xf32>
          %mul3A_1308 = arith.mulf %get3A_1307, %gather3A_1229 : vector<16xf32>
          %swap3A_1309 = arith.index_cast %add3A_1233 : i32 to index
          %swap3A_1310 = arith.constant 112 : index
          %swap3A_1311 = tpu.vector_load %arg11[%swap3A_1309, %swap3A_1310] {strides = array<i32>} : memref<128x128xf32, #tpu.memory_space<vmem>>, vector<1x16xf32>,
          %swap3A_1312 = vector.shape_cast %swap3A_1311 : vector<1x16xf32> to vector<16xf32>
          %swap3A_1313 = vector.shape_cast %mul3A_1308 : vector<16xf32> to vector<1x16xf32>
          tpu.vector_store %arg11[%swap3A_1309, %swap3A_1310], %swap3A_1313 {strides = array<i32>} : memref<128x128xf32, #tpu.memory_space<vmem>>, vector<1x16xf32>,
          %broadcast_in_dim3A_1314 = arith.constant 12 : i32
          %broadcast_in_dim3A_1315 = vector.broadcast %broadcast_in_dim3A_1314 : i32 to vector<16x1xi32>
          %gather3A_1316 = vector.shape_cast %broadcast_in_dim3A_1315 : vector<16x1xi32> to vector<16xi32>
          %gather3A_1317 = tpu.dynamic_gather %get3A_260[%gather3A_1316] in [0] : vector<16xf32>, vector<16xi32> -> vector<16xf32>
          %mul3A_1318 = arith.constant 16 : i32
          %mul3A_1319 = arith.muli %add3A_255, %mul3A_1318 : i32
          %add3A_1320 = arith.constant 12 : i32
          %add3A_1321 = arith.addi %mul3A_1319, %add3A_1320 : i32
          %get3A_1322 = arith.index_cast %add3A_1321 : i32 to index
          %get3A_1323 = arith.constant 0 : index
          %get3A_1324 = tpu.vector_load %arg11[%get3A_1322, %get3A_1323] {strides = array<i32>} : memref<128x128xf32, #tpu.memory_space<vmem>>, vector<1x16xf32>,
          %get3A_1325 = vector.shape_cast %get3A_1324 : vector<1x16xf32> to vector<16xf32>
          %mul3A_1326 = arith.mulf %get3A_1325, %gather3A_1317 : vector<16xf32>
          %swap3A_1327 = arith.index_cast %add3A_1321 : i32 to index
          %swap3A_1328 = arith.constant 0 : index
          %swap3A_1329 = tpu.vector_load %arg11[%swap3A_1327, %swap3A_1328] {strides = array<i32>} : memref<128x128xf32, #tpu.memory_space<vmem>>, vector<1x16xf32>,
          %swap3A_1330 = vector.shape_cast %swap3A_1329 : vector<1x16xf32> to vector<16xf32>
          %swap3A_1331 = vector.shape_cast %mul3A_1326 : vector<16xf32> to vector<1x16xf32>
          tpu.vector_store %arg11[%swap3A_1327, %swap3A_1328], %swap3A_1331 {strides = array<i32>} : memref<128x128xf32, #tpu.memory_space<vmem>>, vector<1x16xf32>,
          %get3A_1332 = arith.index_cast %add3A_1321 : i32 to index
          %get3A_1333 = arith.constant 16 : index
          %get3A_1334 = tpu.vector_load %arg11[%get3A_1332, %get3A_1333] {strides = array<i32>} : memref<128x128xf32, #tpu.memory_space<vmem>>, vector<1x16xf32>,
          %get3A_1335 = vector.shape_cast %get3A_1334 : vector<1x16xf32> to vector<16xf32>
          %mul3A_1336 = arith.mulf %get3A_1335, %gather3A_1317 : vector<16xf32>
          %swap3A_1337 = arith.index_cast %add3A_1321 : i32 to index
          %swap3A_1338 = arith.constant 16 : index
          %swap3A_1339 = tpu.vector_load %arg11[%swap3A_1337, %swap3A_1338] {strides = array<i32>} : memref<128x128xf32, #tpu.memory_space<vmem>>, vector<1x16xf32>,
          %swap3A_1340 = vector.shape_cast %swap3A_1339 : vector<1x16xf32> to vector<16xf32>
          %swap3A_1341 = vector.shape_cast %mul3A_1336 : vector<16xf32> to vector<1x16xf32>
          tpu.vector_store %arg11[%swap3A_1337, %swap3A_1338], %swap3A_1341 {strides = array<i32>} : memref<128x128xf32, #tpu.memory_space<vmem>>, vector<1x16xf32>,
          %get3A_1342 = arith.index_cast %add3A_1321 : i32 to index
          %get3A_1343 = arith.constant 32 : index
          %get3A_1344 = tpu.vector_load %arg11[%get3A_1342, %get3A_1343] {strides = array<i32>} : memref<128x128xf32, #tpu.memory_space<vmem>>, vector<1x16xf32>,
          %get3A_1345 = vector.shape_cast %get3A_1344 : vector<1x16xf32> to vector<16xf32>
          %mul3A_1346 = arith.mulf %get3A_1345, %gather3A_1317 : vector<16xf32>
          %swap3A_1347 = arith.index_cast %add3A_1321 : i32 to index
          %swap3A_1348 = arith.constant 32 : index
          %swap3A_1349 = tpu.vector_load %arg11[%swap3A_1347, %swap3A_1348] {strides = array<i32>} : memref<128x128xf32, #tpu.memory_space<vmem>>, vector<1x16xf32>,
          %swap3A_1350 = vector.shape_cast %swap3A_1349 : vector<1x16xf32> to vector<16xf32>
          %swap3A_1351 = vector.shape_cast %mul3A_1346 : vector<16xf32> to vector<1x16xf32>
          tpu.vector_store %arg11[%swap3A_1347, %swap3A_1348], %swap3A_1351 {strides = array<i32>} : memref<128x128xf32, #tpu.memory_space<vmem>>, vector<1x16xf32>,
          %get3A_1352 = arith.index_cast %add3A_1321 : i32 to index
          %get3A_1353 = arith.constant 48 : index
          %get3A_1354 = tpu.vector_load %arg11[%get3A_1352, %get3A_1353] {strides = array<i32>} : memref<128x128xf32, #tpu.memory_space<vmem>>, vector<1x16xf32>,
          %get3A_1355 = vector.shape_cast %get3A_1354 : vector<1x16xf32> to vector<16xf32>
          %mul3A_1356 = arith.mulf %get3A_1355, %gather3A_1317 : vector<16xf32>
          %swap3A_1357 = arith.index_cast %add3A_1321 : i32 to index
          %swap3A_1358 = arith.constant 48 : index
          %swap3A_1359 = tpu.vector_load %arg11[%swap3A_1357, %swap3A_1358] {strides = array<i32>} : memref<128x128xf32, #tpu.memory_space<vmem>>, vector<1x16xf32>,
          %swap3A_1360 = vector.shape_cast %swap3A_1359 : vector<1x16xf32> to vector<16xf32>
          %swap3A_1361 = vector.shape_cast %mul3A_1356 : vector<16xf32> to vector<1x16xf32>
          tpu.vector_store %arg11[%swap3A_1357, %swap3A_1358], %swap3A_1361 {strides = array<i32>} : memref<128x128xf32, #tpu.memory_space<vmem>>, vector<1x16xf32>,
          %get3A_1362 = arith.index_cast %add3A_1321 : i32 to index
          %get3A_1363 = arith.constant 64 : index
          %get3A_1364 = tpu.vector_load %arg11[%get3A_1362, %get3A_1363] {strides = array<i32>} : memref<128x128xf32, #tpu.memory_space<vmem>>, vector<1x16xf32>,
          %get3A_1365 = vector.shape_cast %get3A_1364 : vector<1x16xf32> to vector<16xf32>
          %mul3A_1366 = arith.mulf %get3A_1365, %gather3A_1317 : vector<16xf32>
          %swap3A_1367 = arith.index_cast %add3A_1321 : i32 to index
          %swap3A_1368 = arith.constant 64 : index
          %swap3A_1369 = tpu.vector_load %arg11[%swap3A_1367, %swap3A_1368] {strides = array<i32>} : memref<128x128xf32, #tpu.memory_space<vmem>>, vector<1x16xf32>,
          %swap3A_1370 = vector.shape_cast %swap3A_1369 : vector<1x16xf32> to vector<16xf32>
          %swap3A_1371 = vector.shape_cast %mul3A_1366 : vector<16xf32> to vector<1x16xf32>
          tpu.vector_store %arg11[%swap3A_1367, %swap3A_1368], %swap3A_1371 {strides = array<i32>} : memref<128x128xf32, #tpu.memory_space<vmem>>, vector<1x16xf32>,
          %get3A_1372 = arith.index_cast %add3A_1321 : i32 to index
          %get3A_1373 = arith.constant 80 : index
          %get3A_1374 = tpu.vector_load %arg11[%get3A_1372, %get3A_1373] {strides = array<i32>} : memref<128x128xf32, #tpu.memory_space<vmem>>, vector<1x16xf32>,
          %get3A_1375 = vector.shape_cast %get3A_1374 : vector<1x16xf32> to vector<16xf32>
          %mul3A_1376 = arith.mulf %get3A_1375, %gather3A_1317 : vector<16xf32>
          %swap3A_1377 = arith.index_cast %add3A_1321 : i32 to index
          %swap3A_1378 = arith.constant 80 : index
          %swap3A_1379 = tpu.vector_load %arg11[%swap3A_1377, %swap3A_1378] {strides = array<i32>} : memref<128x128xf32, #tpu.memory_space<vmem>>, vector<1x16xf32>,
          %swap3A_1380 = vector.shape_cast %swap3A_1379 : vector<1x16xf32> to vector<16xf32>
          %swap3A_1381 = vector.shape_cast %mul3A_1376 : vector<16xf32> to vector<1x16xf32>
          tpu.vector_store %arg11[%swap3A_1377, %swap3A_1378], %swap3A_1381 {strides = array<i32>} : memref<128x128xf32, #tpu.memory_space<vmem>>, vector<1x16xf32>,
          %get3A_1382 = arith.index_cast %add3A_1321 : i32 to index
          %get3A_1383 = arith.constant 96 : index
          %get3A_1384 = tpu.vector_load %arg11[%get3A_1382, %get3A_1383] {strides = array<i32>} : memref<128x128xf32, #tpu.memory_space<vmem>>, vector<1x16xf32>,
          %get3A_1385 = vector.shape_cast %get3A_1384 : vector<1x16xf32> to vector<16xf32>
          %mul3A_1386 = arith.mulf %get3A_1385, %gather3A_1317 : vector<16xf32>
          %swap3A_1387 = arith.index_cast %add3A_1321 : i32 to index
          %swap3A_1388 = arith.constant 96 : index
          %swap3A_1389 = tpu.vector_load %arg11[%swap3A_1387, %swap3A_1388] {strides = array<i32>} : memref<128x128xf32, #tpu.memory_space<vmem>>, vector<1x16xf32>,
          %swap3A_1390 = vector.shape_cast %swap3A_1389 : vector<1x16xf32> to vector<16xf32>
          %swap3A_1391 = vector.shape_cast %mul3A_1386 : vector<16xf32> to vector<1x16xf32>
          tpu.vector_store %arg11[%swap3A_1387, %swap3A_1388], %swap3A_1391 {strides = array<i32>} : memref<128x128xf32, #tpu.memory_space<vmem>>, vector<1x16xf32>,
          %get3A_1392 = arith.index_cast %add3A_1321 : i32 to index
          %get3A_1393 = arith.constant 112 : index
          %get3A_1394 = tpu.vector_load %arg11[%get3A_1392, %get3A_1393] {strides = array<i32>} : memref<128x128xf32, #tpu.memory_space<vmem>>, vector<1x16xf32>,
          %get3A_1395 = vector.shape_cast %get3A_1394 : vector<1x16xf32> to vector<16xf32>
          %mul3A_1396 = arith.mulf %get3A_1395, %gather3A_1317 : vector<16xf32>
          %swap3A_1397 = arith.index_cast %add3A_1321 : i32 to index
          %swap3A_1398 = arith.constant 112 : index
          %swap3A_1399 = tpu.vector_load %arg11[%swap3A_1397, %swap3A_1398] {strides = array<i32>} : memref<128x128xf32, #tpu.memory_space<vmem>>, vector<1x16xf32>,
          %swap3A_1400 = vector.shape_cast %swap3A_1399 : vector<1x16xf32> to vector<16xf32>
          %swap3A_1401 = vector.shape_cast %mul3A_1396 : vector<16xf32> to vector<1x16xf32>
          tpu.vector_store %arg11[%swap3A_1397, %swap3A_1398], %swap3A_1401 {strides = array<i32>} : memref<128x128xf32, #tpu.memory_space<vmem>>, vector<1x16xf32>,
          %broadcast_in_dim3A_1402 = arith.constant 13 : i32
          %broadcast_in_dim3A_1403 = vector.broadcast %broadcast_in_dim3A_1402 : i32 to vector<16x1xi32>
          %gather3A_1404 = vector.shape_cast %broadcast_in_dim3A_1403 : vector<16x1xi32> to vector<16xi32>
          %gather3A_1405 = tpu.dynamic_gather %get3A_260[%gather3A_1404] in [0] : vector<16xf32>, vector<16xi32> -> vector<16xf32>
          %mul3A_1406 = arith.constant 16 : i32
          %mul3A_1407 = arith.muli %add3A_255, %mul3A_1406 : i32
          %add3A_1408 = arith.constant 13 : i32
          %add3A_1409 = arith.addi %mul3A_1407, %add3A_1408 : i32
          %get3A_1410 = arith.index_cast %add3A_1409 : i32 to index
          %get3A_1411 = arith.constant 0 : index
          %get3A_1412 = tpu.vector_load %arg11[%get3A_1410, %get3A_1411] {strides = array<i32>} : memref<128x128xf32, #tpu.memory_space<vmem>>, vector<1x16xf32>,
          %get3A_1413 = vector.shape_cast %get3A_1412 : vector<1x16xf32> to vector<16xf32>
          %mul3A_1414 = arith.mulf %get3A_1413, %gather3A_1405 : vector<16xf32>
          %swap3A_1415 = arith.index_cast %add3A_1409 : i32 to index
          %swap3A_1416 = arith.constant 0 : index
          %swap3A_1417 = tpu.vector_load %arg11[%swap3A_1415, %swap3A_1416] {strides = array<i32>} : memref<128x128xf32, #tpu.memory_space<vmem>>, vector<1x16xf32>,
          %swap3A_1418 = vector.shape_cast %swap3A_1417 : vector<1x16xf32> to vector<16xf32>
          %swap3A_1419 = vector.shape_cast %mul3A_1414 : vector<16xf32> to vector<1x16xf32>
          tpu.vector_store %arg11[%swap3A_1415, %swap3A_1416], %swap3A_1419 {strides = array<i32>} : memref<128x128xf32, #tpu.memory_space<vmem>>, vector<1x16xf32>,
          %get3A_1420 = arith.index_cast %add3A_1409 : i32 to index
          %get3A_1421 = arith.constant 16 : index
          %get3A_1422 = tpu.vector_load %arg11[%get3A_1420, %get3A_1421] {strides = array<i32>} : memref<128x128xf32, #tpu.memory_space<vmem>>, vector<1x16xf32>,
          %get3A_1423 = vector.shape_cast %get3A_1422 : vector<1x16xf32> to vector<16xf32>
          %mul3A_1424 = arith.mulf %get3A_1423, %gather3A_1405 : vector<16xf32>
          %swap3A_1425 = arith.index_cast %add3A_1409 : i32 to index
          %swap3A_1426 = arith.constant 16 : index
          %swap3A_1427 = tpu.vector_load %arg11[%swap3A_1425, %swap3A_1426] {strides = array<i32>} : memref<128x128xf32, #tpu.memory_space<vmem>>, vector<1x16xf32>,
          %swap3A_1428 = vector.shape_cast %swap3A_1427 : vector<1x16xf32> to vector<16xf32>
          %swap3A_1429 = vector.shape_cast %mul3A_1424 : vector<16xf32> to vector<1x16xf32>
          tpu.vector_store %arg11[%swap3A_1425, %swap3A_1426], %swap3A_1429 {strides = array<i32>} : memref<128x128xf32, #tpu.memory_space<vmem>>, vector<1x16xf32>,
          %get3A_1430 = arith.index_cast %add3A_1409 : i32 to index
          %get3A_1431 = arith.constant 32 : index
          %get3A_1432 = tpu.vector_load %arg11[%get3A_1430, %get3A_1431] {strides = array<i32>} : memref<128x128xf32, #tpu.memory_space<vmem>>, vector<1x16xf32>,
          %get3A_1433 = vector.shape_cast %get3A_1432 : vector<1x16xf32> to vector<16xf32>
          %mul3A_1434 = arith.mulf %get3A_1433, %gather3A_1405 : vector<16xf32>
          %swap3A_1435 = arith.index_cast %add3A_1409 : i32 to index
          %swap3A_1436 = arith.constant 32 : index
          %swap3A_1437 = tpu.vector_load %arg11[%swap3A_1435, %swap3A_1436] {strides = array<i32>} : memref<128x128xf32, #tpu.memory_space<vmem>>, vector<1x16xf32>,
          %swap3A_1438 = vector.shape_cast %swap3A_1437 : vector<1x16xf32> to vector<16xf32>
          %swap3A_1439 = vector.shape_cast %mul3A_1434 : vector<16xf32> to vector<1x16xf32>
          tpu.vector_store %arg11[%swap3A_1435, %swap3A_1436], %swap3A_1439 {strides = array<i32>} : memref<128x128xf32, #tpu.memory_space<vmem>>, vector<1x16xf32>,
          %get3A_1440 = arith.index_cast %add3A_1409 : i32 to index
          %get3A_1441 = arith.constant 48 : index
          %get3A_1442 = tpu.vector_load %arg11[%get3A_1440, %get3A_1441] {strides = array<i32>} : memref<128x128xf32, #tpu.memory_space<vmem>>, vector<1x16xf32>,
          %get3A_1443 = vector.shape_cast %get3A_1442 : vector<1x16xf32> to vector<16xf32>
          %mul3A_1444 = arith.mulf %get3A_1443, %gather3A_1405 : vector<16xf32>
          %swap3A_1445 = arith.index_cast %add3A_1409 : i32 to index
          %swap3A_1446 = arith.constant 48 : index
          %swap3A_1447 = tpu.vector_load %arg11[%swap3A_1445, %swap3A_1446] {strides = array<i32>} : memref<128x128xf32, #tpu.memory_space<vmem>>, vector<1x16xf32>,
          %swap3A_1448 = vector.shape_cast %swap3A_1447 : vector<1x16xf32> to vector<16xf32>
          %swap3A_1449 = vector.shape_cast %mul3A_1444 : vector<16xf32> to vector<1x16xf32>
          tpu.vector_store %arg11[%swap3A_1445, %swap3A_1446], %swap3A_1449 {strides = array<i32>} : memref<128x128xf32, #tpu.memory_space<vmem>>, vector<1x16xf32>,
          %get3A_1450 = arith.index_cast %add3A_1409 : i32 to index
          %get3A_1451 = arith.constant 64 : index
          %get3A_1452 = tpu.vector_load %arg11[%get3A_1450, %get3A_1451] {strides = array<i32>} : memref<128x128xf32, #tpu.memory_space<vmem>>, vector<1x16xf32>,
          %get3A_1453 = vector.shape_cast %get3A_1452 : vector<1x16xf32> to vector<16xf32>
          %mul3A_1454 = arith.mulf %get3A_1453, %gather3A_1405 : vector<16xf32>
          %swap3A_1455 = arith.index_cast %add3A_1409 : i32 to index
          %swap3A_1456 = arith.constant 64 : index
          %swap3A_1457 = tpu.vector_load %arg11[%swap3A_1455, %swap3A_1456] {strides = array<i32>} : memref<128x128xf32, #tpu.memory_space<vmem>>, vector<1x16xf32>,
          %swap3A_1458 = vector.shape_cast %swap3A_1457 : vector<1x16xf32> to vector<16xf32>
          %swap3A_1459 = vector.shape_cast %mul3A_1454 : vector<16xf32> to vector<1x16xf32>
          tpu.vector_store %arg11[%swap3A_1455, %swap3A_1456], %swap3A_1459 {strides = array<i32>} : memref<128x128xf32, #tpu.memory_space<vmem>>, vector<1x16xf32>,
          %get3A_1460 = arith.index_cast %add3A_1409 : i32 to index
          %get3A_1461 = arith.constant 80 : index
          %get3A_1462 = tpu.vector_load %arg11[%get3A_1460, %get3A_1461] {strides = array<i32>} : memref<128x128xf32, #tpu.memory_space<vmem>>, vector<1x16xf32>,
          %get3A_1463 = vector.shape_cast %get3A_1462 : vector<1x16xf32> to vector<16xf32>
          %mul3A_1464 = arith.mulf %get3A_1463, %gather3A_1405 : vector<16xf32>
          %swap3A_1465 = arith.index_cast %add3A_1409 : i32 to index
          %swap3A_1466 = arith.constant 80 : index
          %swap3A_1467 = tpu.vector_load %arg11[%swap3A_1465, %swap3A_1466] {strides = array<i32>} : memref<128x128xf32, #tpu.memory_space<vmem>>, vector<1x16xf32>,
          %swap3A_1468 = vector.shape_cast %swap3A_1467 : vector<1x16xf32> to vector<16xf32>
          %swap3A_1469 = vector.shape_cast %mul3A_1464 : vector<16xf32> to vector<1x16xf32>
          tpu.vector_store %arg11[%swap3A_1465, %swap3A_1466], %swap3A_1469 {strides = array<i32>} : memref<128x128xf32, #tpu.memory_space<vmem>>, vector<1x16xf32>,
          %get3A_1470 = arith.index_cast %add3A_1409 : i32 to index
          %get3A_1471 = arith.constant 96 : index
          %get3A_1472 = tpu.vector_load %arg11[%get3A_1470, %get3A_1471] {strides = array<i32>} : memref<128x128xf32, #tpu.memory_space<vmem>>, vector<1x16xf32>,
          %get3A_1473 = vector.shape_cast %get3A_1472 : vector<1x16xf32> to vector<16xf32>
          %mul3A_1474 = arith.mulf %get3A_1473, %gather3A_1405 : vector<16xf32>
          %swap3A_1475 = arith.index_cast %add3A_1409 : i32 to index
          %swap3A_1476 = arith.constant 96 : index
          %swap3A_1477 = tpu.vector_load %arg11[%swap3A_1475, %swap3A_1476] {strides = array<i32>} : memref<128x128xf32, #tpu.memory_space<vmem>>, vector<1x16xf32>,
          %swap3A_1478 = vector.shape_cast %swap3A_1477 : vector<1x16xf32> to vector<16xf32>
          %swap3A_1479 = vector.shape_cast %mul3A_1474 : vector<16xf32> to vector<1x16xf32>
          tpu.vector_store %arg11[%swap3A_1475, %swap3A_1476], %swap3A_1479 {strides = array<i32>} : memref<128x128xf32, #tpu.memory_space<vmem>>, vector<1x16xf32>,
          %get3A_1480 = arith.index_cast %add3A_1409 : i32 to index
          %get3A_1481 = arith.constant 112 : index
          %get3A_1482 = tpu.vector_load %arg11[%get3A_1480, %get3A_1481] {strides = array<i32>} : memref<128x128xf32, #tpu.memory_space<vmem>>, vector<1x16xf32>,
          %get3A_1483 = vector.shape_cast %get3A_1482 : vector<1x16xf32> to vector<16xf32>
          %mul3A_1484 = arith.mulf %get3A_1483, %gather3A_1405 : vector<16xf32>
          %swap3A_1485 = arith.index_cast %add3A_1409 : i32 to index
          %swap3A_1486 = arith.constant 112 : index
          %swap3A_1487 = tpu.vector_load %arg11[%swap3A_1485, %swap3A_1486] {strides = array<i32>} : memref<128x128xf32, #tpu.memory_space<vmem>>, vector<1x16xf32>,
          %swap3A_1488 = vector.shape_cast %swap3A_1487 : vector<1x16xf32> to vector<16xf32>
          %swap3A_1489 = vector.shape_cast %mul3A_1484 : vector<16xf32> to vector<1x16xf32>
          tpu.vector_store %arg11[%swap3A_1485, %swap3A_1486], %swap3A_1489 {strides = array<i32>} : memref<128x128xf32, #tpu.memory_space<vmem>>, vector<1x16xf32>,
          %broadcast_in_dim3A_1490 = arith.constant 14 : i32
          %broadcast_in_dim3A_1491 = vector.broadcast %broadcast_in_dim3A_1490 : i32 to vector<16x1xi32>
          %gather3A_1492 = vector.shape_cast %broadcast_in_dim3A_1491 : vector<16x1xi32> to vector<16xi32>
          %gather3A_1493 = tpu.dynamic_gather %get3A_260[%gather3A_1492] in [0] : vector<16xf32>, vector<16xi32> -> vector<16xf32>
          %mul3A_1494 = arith.constant 16 : i32
          %mul3A_1495 = arith.muli %add3A_255, %mul3A_1494 : i32
          %add3A_1496 = arith.constant 14 : i32
          %add3A_1497 = arith.addi %mul3A_1495, %add3A_1496 : i32
          %get3A_1498 = arith.index_cast %add3A_1497 : i32 to index
          %get3A_1499 = arith.constant 0 : index
          %get3A_1500 = tpu.vector_load %arg11[%get3A_1498, %get3A_1499] {strides = array<i32>} : memref<128x128xf32, #tpu.memory_space<vmem>>, vector<1x16xf32>,
          %get3A_1501 = vector.shape_cast %get3A_1500 : vector<1x16xf32> to vector<16xf32>
          %mul3A_1502 = arith.mulf %get3A_1501, %gather3A_1493 : vector<16xf32>
          %swap3A_1503 = arith.index_cast %add3A_1497 : i32 to index
          %swap3A_1504 = arith.constant 0 : index
          %swap3A_1505 = tpu.vector_load %arg11[%swap3A_1503, %swap3A_1504] {strides = array<i32>} : memref<128x128xf32, #tpu.memory_space<vmem>>, vector<1x16xf32>,
          %swap3A_1506 = vector.shape_cast %swap3A_1505 : vector<1x16xf32> to vector<16xf32>
          %swap3A_1507 = vector.shape_cast %mul3A_1502 : vector<16xf32> to vector<1x16xf32>
          tpu.vector_store %arg11[%swap3A_1503, %swap3A_1504], %swap3A_1507 {strides = array<i32>} : memref<128x128xf32, #tpu.memory_space<vmem>>, vector<1x16xf32>,
          %get3A_1508 = arith.index_cast %add3A_1497 : i32 to index
          %get3A_1509 = arith.constant 16 : index
          %get3A_1510 = tpu.vector_load %arg11[%get3A_1508, %get3A_1509] {strides = array<i32>} : memref<128x128xf32, #tpu.memory_space<vmem>>, vector<1x16xf32>,
          %get3A_1511 = vector.shape_cast %get3A_1510 : vector<1x16xf32> to vector<16xf32>
          %mul3A_1512 = arith.mulf %get3A_1511, %gather3A_1493 : vector<16xf32>
          %swap3A_1513 = arith.index_cast %add3A_1497 : i32 to index
          %swap3A_1514 = arith.constant 16 : index
          %swap3A_1515 = tpu.vector_load %arg11[%swap3A_1513, %swap3A_1514] {strides = array<i32>} : memref<128x128xf32, #tpu.memory_space<vmem>>, vector<1x16xf32>,
          %swap3A_1516 = vector.shape_cast %swap3A_1515 : vector<1x16xf32> to vector<16xf32>
          %swap3A_1517 = vector.shape_cast %mul3A_1512 : vector<16xf32> to vector<1x16xf32>
          tpu.vector_store %arg11[%swap3A_1513, %swap3A_1514], %swap3A_1517 {strides = array<i32>} : memref<128x128xf32, #tpu.memory_space<vmem>>, vector<1x16xf32>,
          %get3A_1518 = arith.index_cast %add3A_1497 : i32 to index
          %get3A_1519 = arith.constant 32 : index
          %get3A_1520 = tpu.vector_load %arg11[%get3A_1518, %get3A_1519] {strides = array<i32>} : memref<128x128xf32, #tpu.memory_space<vmem>>, vector<1x16xf32>,
          %get3A_1521 = vector.shape_cast %get3A_1520 : vector<1x16xf32> to vector<16xf32>
          %mul3A_1522 = arith.mulf %get3A_1521, %gather3A_1493 : vector<16xf32>
          %swap3A_1523 = arith.index_cast %add3A_1497 : i32 to index
          %swap3A_1524 = arith.constant 32 : index
          %swap3A_1525 = tpu.vector_load %arg11[%swap3A_1523, %swap3A_1524] {strides = array<i32>} : memref<128x128xf32, #tpu.memory_space<vmem>>, vector<1x16xf32>,
          %swap3A_1526 = vector.shape_cast %swap3A_1525 : vector<1x16xf32> to vector<16xf32>
          %swap3A_1527 = vector.shape_cast %mul3A_1522 : vector<16xf32> to vector<1x16xf32>
          tpu.vector_store %arg11[%swap3A_1523, %swap3A_1524], %swap3A_1527 {strides = array<i32>} : memref<128x128xf32, #tpu.memory_space<vmem>>, vector<1x16xf32>,
          %get3A_1528 = arith.index_cast %add3A_1497 : i32 to index
          %get3A_1529 = arith.constant 48 : index
          %get3A_1530 = tpu.vector_load %arg11[%get3A_1528, %get3A_1529] {strides = array<i32>} : memref<128x128xf32, #tpu.memory_space<vmem>>, vector<1x16xf32>,
          %get3A_1531 = vector.shape_cast %get3A_1530 : vector<1x16xf32> to vector<16xf32>
          %mul3A_1532 = arith.mulf %get3A_1531, %gather3A_1493 : vector<16xf32>
          %swap3A_1533 = arith.index_cast %add3A_1497 : i32 to index
          %swap3A_1534 = arith.constant 48 : index
          %swap3A_1535 = tpu.vector_load %arg11[%swap3A_1533, %swap3A_1534] {strides = array<i32>} : memref<128x128xf32, #tpu.memory_space<vmem>>, vector<1x16xf32>,
          %swap3A_1536 = vector.shape_cast %swap3A_1535 : vector<1x16xf32> to vector<16xf32>
          %swap3A_1537 = vector.shape_cast %mul3A_1532 : vector<16xf32> to vector<1x16xf32>
          tpu.vector_store %arg11[%swap3A_1533, %swap3A_1534], %swap3A_1537 {strides = array<i32>} : memref<128x128xf32, #tpu.memory_space<vmem>>, vector<1x16xf32>,
          %get3A_1538 = arith.index_cast %add3A_1497 : i32 to index
          %get3A_1539 = arith.constant 64 : index
          %get3A_1540 = tpu.vector_load %arg11[%get3A_1538, %get3A_1539] {strides = array<i32>} : memref<128x128xf32, #tpu.memory_space<vmem>>, vector<1x16xf32>,
          %get3A_1541 = vector.shape_cast %get3A_1540 : vector<1x16xf32> to vector<16xf32>
          %mul3A_1542 = arith.mulf %get3A_1541, %gather3A_1493 : vector<16xf32>
          %swap3A_1543 = arith.index_cast %add3A_1497 : i32 to index
          %swap3A_1544 = arith.constant 64 : index
          %swap3A_1545 = tpu.vector_load %arg11[%swap3A_1543, %swap3A_1544] {strides = array<i32>} : memref<128x128xf32, #tpu.memory_space<vmem>>, vector<1x16xf32>,
          %swap3A_1546 = vector.shape_cast %swap3A_1545 : vector<1x16xf32> to vector<16xf32>
          %swap3A_1547 = vector.shape_cast %mul3A_1542 : vector<16xf32> to vector<1x16xf32>
          tpu.vector_store %arg11[%swap3A_1543, %swap3A_1544], %swap3A_1547 {strides = array<i32>} : memref<128x128xf32, #tpu.memory_space<vmem>>, vector<1x16xf32>,
          %get3A_1548 = arith.index_cast %add3A_1497 : i32 to index
          %get3A_1549 = arith.constant 80 : index
          %get3A_1550 = tpu.vector_load %arg11[%get3A_1548, %get3A_1549] {strides = array<i32>} : memref<128x128xf32, #tpu.memory_space<vmem>>, vector<1x16xf32>,
          %get3A_1551 = vector.shape_cast %get3A_1550 : vector<1x16xf32> to vector<16xf32>
          %mul3A_1552 = arith.mulf %get3A_1551, %gather3A_1493 : vector<16xf32>
          %swap3A_1553 = arith.index_cast %add3A_1497 : i32 to index
          %swap3A_1554 = arith.constant 80 : index
          %swap3A_1555 = tpu.vector_load %arg11[%swap3A_1553, %swap3A_1554] {strides = array<i32>} : memref<128x128xf32, #tpu.memory_space<vmem>>, vector<1x16xf32>,
          %swap3A_1556 = vector.shape_cast %swap3A_1555 : vector<1x16xf32> to vector<16xf32>
          %swap3A_1557 = vector.shape_cast %mul3A_1552 : vector<16xf32> to vector<1x16xf32>
          tpu.vector_store %arg11[%swap3A_1553, %swap3A_1554], %swap3A_1557 {strides = array<i32>} : memref<128x128xf32, #tpu.memory_space<vmem>>, vector<1x16xf32>,
          %get3A_1558 = arith.index_cast %add3A_1497 : i32 to index
          %get3A_1559 = arith.constant 96 : index
          %get3A_1560 = tpu.vector_load %arg11[%get3A_1558, %get3A_1559] {strides = array<i32>} : memref<128x128xf32, #tpu.memory_space<vmem>>, vector<1x16xf32>,
          %get3A_1561 = vector.shape_cast %get3A_1560 : vector<1x16xf32> to vector<16xf32>
          %mul3A_1562 = arith.mulf %get3A_1561, %gather3A_1493 : vector<16xf32>
          %swap3A_1563 = arith.index_cast %add3A_1497 : i32 to index
          %swap3A_1564 = arith.constant 96 : index
          %swap3A_1565 = tpu.vector_load %arg11[%swap3A_1563, %swap3A_1564] {strides = array<i32>} : memref<128x128xf32, #tpu.memory_space<vmem>>, vector<1x16xf32>,
          %swap3A_1566 = vector.shape_cast %swap3A_1565 : vector<1x16xf32> to vector<16xf32>
          %swap3A_1567 = vector.shape_cast %mul3A_1562 : vector<16xf32> to vector<1x16xf32>
          tpu.vector_store %arg11[%swap3A_1563, %swap3A_1564], %swap3A_1567 {strides = array<i32>} : memref<128x128xf32, #tpu.memory_space<vmem>>, vector<1x16xf32>,
          %get3A_1568 = arith.index_cast %add3A_1497 : i32 to index
          %get3A_1569 = arith.constant 112 : index
          %get3A_1570 = tpu.vector_load %arg11[%get3A_1568, %get3A_1569] {strides = array<i32>} : memref<128x128xf32, #tpu.memory_space<vmem>>, vector<1x16xf32>,
          %get3A_1571 = vector.shape_cast %get3A_1570 : vector<1x16xf32> to vector<16xf32>
          %mul3A_1572 = arith.mulf %get3A_1571, %gather3A_1493 : vector<16xf32>
          %swap3A_1573 = arith.index_cast %add3A_1497 : i32 to index
          %swap3A_1574 = arith.constant 112 : index
          %swap3A_1575 = tpu.vector_load %arg11[%swap3A_1573, %swap3A_1574] {strides = array<i32>} : memref<128x128xf32, #tpu.memory_space<vmem>>, vector<1x16xf32>,
          %swap3A_1576 = vector.shape_cast %swap3A_1575 : vector<1x16xf32> to vector<16xf32>
          %swap3A_1577 = vector.shape_cast %mul3A_1572 : vector<16xf32> to vector<1x16xf32>
          tpu.vector_store %arg11[%swap3A_1573, %swap3A_1574], %swap3A_1577 {strides = array<i32>} : memref<128x128xf32, #tpu.memory_space<vmem>>, vector<1x16xf32>,
          %broadcast_in_dim3A_1578 = arith.constant 15 : i32
          %broadcast_in_dim3A_1579 = vector.broadcast %broadcast_in_dim3A_1578 : i32 to vector<16x1xi32>
          %gather3A_1580 = vector.shape_cast %broadcast_in_dim3A_1579 : vector<16x1xi32> to vector<16xi32>
          %gather3A_1581 = tpu.dynamic_gather %get3A_260[%gather3A_1580] in [0] : vector<16xf32>, vector<16xi32> -> vector<16xf32>
          %mul3A_1582 = arith.constant 16 : i32
          %mul3A_1583 = arith.muli %add3A_255, %mul3A_1582 : i32
          %add3A_1584 = arith.constant 15 : i32
          %add3A_1585 = arith.addi %mul3A_1583, %add3A_1584 : i32
          %get3A_1586 = arith.index_cast %add3A_1585 : i32 to index
          %get3A_1587 = arith.constant 0 : index
          %get3A_1588 = tpu.vector_load %arg11[%get3A_1586, %get3A_1587] {strides = array<i32>} : memref<128x128xf32, #tpu.memory_space<vmem>>, vector<1x16xf32>,
          %get3A_1589 = vector.shape_cast %get3A_1588 : vector<1x16xf32> to vector<16xf32>
          %mul3A_1590 = arith.mulf %get3A_1589, %gather3A_1581 : vector<16xf32>
          %swap3A_1591 = arith.index_cast %add3A_1585 : i32 to index
          %swap3A_1592 = arith.constant 0 : index
          %swap3A_1593 = tpu.vector_load %arg11[%swap3A_1591, %swap3A_1592] {strides = array<i32>} : memref<128x128xf32, #tpu.memory_space<vmem>>, vector<1x16xf32>,
          %swap3A_1594 = vector.shape_cast %swap3A_1593 : vector<1x16xf32> to vector<16xf32>
          %swap3A_1595 = vector.shape_cast %mul3A_1590 : vector<16xf32> to vector<1x16xf32>
          tpu.vector_store %arg11[%swap3A_1591, %swap3A_1592], %swap3A_1595 {strides = array<i32>} : memref<128x128xf32, #tpu.memory_space<vmem>>, vector<1x16xf32>,
          %get3A_1596 = arith.index_cast %add3A_1585 : i32 to index
          %get3A_1597 = arith.constant 16 : index
          %get3A_1598 = tpu.vector_load %arg11[%get3A_1596, %get3A_1597] {strides = array<i32>} : memref<128x128xf32, #tpu.memory_space<vmem>>, vector<1x16xf32>,
          %get3A_1599 = vector.shape_cast %get3A_1598 : vector<1x16xf32> to vector<16xf32>
          %mul3A_1600 = arith.mulf %get3A_1599, %gather3A_1581 : vector<16xf32>
          %swap3A_1601 = arith.index_cast %add3A_1585 : i32 to index
          %swap3A_1602 = arith.constant 16 : index
          %swap3A_1603 = tpu.vector_load %arg11[%swap3A_1601, %swap3A_1602] {strides = array<i32>} : memref<128x128xf32, #tpu.memory_space<vmem>>, vector<1x16xf32>,
          %swap3A_1604 = vector.shape_cast %swap3A_1603 : vector<1x16xf32> to vector<16xf32>
          %swap3A_1605 = vector.shape_cast %mul3A_1600 : vector<16xf32> to vector<1x16xf32>
          tpu.vector_store %arg11[%swap3A_1601, %swap3A_1602], %swap3A_1605 {strides = array<i32>} : memref<128x128xf32, #tpu.memory_space<vmem>>, vector<1x16xf32>,
          %get3A_1606 = arith.index_cast %add3A_1585 : i32 to index
          %get3A_1607 = arith.constant 32 : index
          %get3A_1608 = tpu.vector_load %arg11[%get3A_1606, %get3A_1607] {strides = array<i32>} : memref<128x128xf32, #tpu.memory_space<vmem>>, vector<1x16xf32>,
          %get3A_1609 = vector.shape_cast %get3A_1608 : vector<1x16xf32> to vector<16xf32>
          %mul3A_1610 = arith.mulf %get3A_1609, %gather3A_1581 : vector<16xf32>
          %swap3A_1611 = arith.index_cast %add3A_1585 : i32 to index
          %swap3A_1612 = arith.constant 32 : index
          %swap3A_1613 = tpu.vector_load %arg11[%swap3A_1611, %swap3A_1612] {strides = array<i32>} : memref<128x128xf32, #tpu.memory_space<vmem>>, vector<1x16xf32>,
          %swap3A_1614 = vector.shape_cast %swap3A_1613 : vector<1x16xf32> to vector<16xf32>
          %swap3A_1615 = vector.shape_cast %mul3A_1610 : vector<16xf32> to vector<1x16xf32>
          tpu.vector_store %arg11[%swap3A_1611, %swap3A_1612], %swap3A_1615 {strides = array<i32>} : memref<128x128xf32, #tpu.memory_space<vmem>>, vector<1x16xf32>,
          %get3A_1616 = arith.index_cast %add3A_1585 : i32 to index
          %get3A_1617 = arith.constant 48 : index
          %get3A_1618 = tpu.vector_load %arg11[%get3A_1616, %get3A_1617] {strides = array<i32>} : memref<128x128xf32, #tpu.memory_space<vmem>>, vector<1x16xf32>,
          %get3A_1619 = vector.shape_cast %get3A_1618 : vector<1x16xf32> to vector<16xf32>
          %mul3A_1620 = arith.mulf %get3A_1619, %gather3A_1581 : vector<16xf32>
          %swap3A_1621 = arith.index_cast %add3A_1585 : i32 to index
          %swap3A_1622 = arith.constant 48 : index
          %swap3A_1623 = tpu.vector_load %arg11[%swap3A_1621, %swap3A_1622] {strides = array<i32>} : memref<128x128xf32, #tpu.memory_space<vmem>>, vector<1x16xf32>,
          %swap3A_1624 = vector.shape_cast %swap3A_1623 : vector<1x16xf32> to vector<16xf32>
          %swap3A_1625 = vector.shape_cast %mul3A_1620 : vector<16xf32> to vector<1x16xf32>
          tpu.vector_store %arg11[%swap3A_1621, %swap3A_1622], %swap3A_1625 {strides = array<i32>} : memref<128x128xf32, #tpu.memory_space<vmem>>, vector<1x16xf32>,
          %get3A_1626 = arith.index_cast %add3A_1585 : i32 to index
          %get3A_1627 = arith.constant 64 : index
          %get3A_1628 = tpu.vector_load %arg11[%get3A_1626, %get3A_1627] {strides = array<i32>} : memref<128x128xf32, #tpu.memory_space<vmem>>, vector<1x16xf32>,
          %get3A_1629 = vector.shape_cast %get3A_1628 : vector<1x16xf32> to vector<16xf32>
          %mul3A_1630 = arith.mulf %get3A_1629, %gather3A_1581 : vector<16xf32>
          %swap3A_1631 = arith.index_cast %add3A_1585 : i32 to index
          %swap3A_1632 = arith.constant 64 : index
          %swap3A_1633 = tpu.vector_load %arg11[%swap3A_1631, %swap3A_1632] {strides = array<i32>} : memref<128x128xf32, #tpu.memory_space<vmem>>, vector<1x16xf32>,
          %swap3A_1634 = vector.shape_cast %swap3A_1633 : vector<1x16xf32> to vector<16xf32>
          %swap3A_1635 = vector.shape_cast %mul3A_1630 : vector<16xf32> to vector<1x16xf32>
          tpu.vector_store %arg11[%swap3A_1631, %swap3A_1632], %swap3A_1635 {strides = array<i32>} : memref<128x128xf32, #tpu.memory_space<vmem>>, vector<1x16xf32>,
          %get3A_1636 = arith.index_cast %add3A_1585 : i32 to index
          %get3A_1637 = arith.constant 80 : index
          %get3A_1638 = tpu.vector_load %arg11[%get3A_1636, %get3A_1637] {strides = array<i32>} : memref<128x128xf32, #tpu.memory_space<vmem>>, vector<1x16xf32>,
          %get3A_1639 = vector.shape_cast %get3A_1638 : vector<1x16xf32> to vector<16xf32>
          %mul3A_1640 = arith.mulf %get3A_1639, %gather3A_1581 : vector<16xf32>
          %swap3A_1641 = arith.index_cast %add3A_1585 : i32 to index
          %swap3A_1642 = arith.constant 80 : index
          %swap3A_1643 = tpu.vector_load %arg11[%swap3A_1641, %swap3A_1642] {strides = array<i32>} : memref<128x128xf32, #tpu.memory_space<vmem>>, vector<1x16xf32>,
          %swap3A_1644 = vector.shape_cast %swap3A_1643 : vector<1x16xf32> to vector<16xf32>
          %swap3A_1645 = vector.shape_cast %mul3A_1640 : vector<16xf32> to vector<1x16xf32>
          tpu.vector_store %arg11[%swap3A_1641, %swap3A_1642], %swap3A_1645 {strides = array<i32>} : memref<128x128xf32, #tpu.memory_space<vmem>>, vector<1x16xf32>,
          %get3A_1646 = arith.index_cast %add3A_1585 : i32 to index
          %get3A_1647 = arith.constant 96 : index
          %get3A_1648 = tpu.vector_load %arg11[%get3A_1646, %get3A_1647] {strides = array<i32>} : memref<128x128xf32, #tpu.memory_space<vmem>>, vector<1x16xf32>,
          %get3A_1649 = vector.shape_cast %get3A_1648 : vector<1x16xf32> to vector<16xf32>
          %mul3A_1650 = arith.mulf %get3A_1649, %gather3A_1581 : vector<16xf32>
          %swap3A_1651 = arith.index_cast %add3A_1585 : i32 to index
          %swap3A_1652 = arith.constant 96 : index
          %swap3A_1653 = tpu.vector_load %arg11[%swap3A_1651, %swap3A_1652] {strides = array<i32>} : memref<128x128xf32, #tpu.memory_space<vmem>>, vector<1x16xf32>,
          %swap3A_1654 = vector.shape_cast %swap3A_1653 : vector<1x16xf32> to vector<16xf32>
          %swap3A_1655 = vector.shape_cast %mul3A_1650 : vector<16xf32> to vector<1x16xf32>
          tpu.vector_store %arg11[%swap3A_1651, %swap3A_1652], %swap3A_1655 {strides = array<i32>} : memref<128x128xf32, #tpu.memory_space<vmem>>, vector<1x16xf32>,
          %get3A_1656 = arith.index_cast %add3A_1585 : i32 to index
          %get3A_1657 = arith.constant 112 : index
          %get3A_1658 = tpu.vector_load %arg11[%get3A_1656, %get3A_1657] {strides = array<i32>} : memref<128x128xf32, #tpu.memory_space<vmem>>, vector<1x16xf32>,
          %get3A_1659 = vector.shape_cast %get3A_1658 : vector<1x16xf32> to vector<16xf32>
          %mul3A_1660 = arith.mulf %get3A_1659, %gather3A_1581 : vector<16xf32>
          %swap3A_1661 = arith.index_cast %add3A_1585 : i32 to index
          %swap3A_1662 = arith.constant 112 : index
          %swap3A_1663 = tpu.vector_load %arg11[%swap3A_1661, %swap3A_1662] {strides = array<i32>} : memref<128x128xf32, #tpu.memory_space<vmem>>, vector<1x16xf32>,
          %swap3A_1664 = vector.shape_cast %swap3A_1663 : vector<1x16xf32> to vector<16xf32>
          %swap3A_1665 = vector.shape_cast %mul3A_1660 : vector<16xf32> to vector<1x16xf32>
          tpu.vector_store %arg11[%swap3A_1661, %swap3A_1662], %swap3A_1665 {strides = array<i32>} : memref<128x128xf32, #tpu.memory_space<vmem>>, vector<1x16xf32>,
        }
        %scan3A_145 = arith.constant 8 : i32
        %mul3A_146 = arith.constant 2 : i32
        %mul3A_147 = arith.muli %mul3A_146, %mul3A_86 : i32
        %dma_start3A_148 = arith.constant 0 : i32
        %dma_start3A_149 = arith.constant 0 : i32
        %dma_start3A_150 = tpu.memref_slice %arg11[%dma_start3A_148, %dma_start3A_149] : memref<128x128xf32, #tpu.memory_space<vmem>> -> memref<64x128xf32, #tpu.memory_space<vmem>>
        %dma_start3A_151 = arith.constant 0 : i32
        %dma_start3A_152 = tpu.memref_slice %arg9[%mul3A_147, %dma_start3A_151] : memref<40x64xi32, #tpu.memory_space<vmem>> -> memref<1x64xi32, #tpu.memory_space<vmem>>
        %dma_start3A_153 = tpu.memref_squeeze %dma_start3A_152 : memref<1x64xi32, #tpu.memory_space<vmem>> -> memref<64xi32, #tpu.memory_space<vmem>>
        %dma_start3A_154 = arith.constant 0 : i32
        %dma_start3A_155 = arith.constant 0 : i32
        %dma_start3A_156 = tpu.memref_slice %arg7[%dma_start3A_154, %dma_start3A_155] : memref<10112x128xf32, #tpu.memory_space<vmem_shared>> -> memref<10112x128xf32, #tpu.memory_space<vmem_shared>>
        tpu.enqueue_indirect_dma source(%dma_start3A_150 : memref<64x128xf32, #tpu.memory_space<vmem>>) target(%dma_start3A_156 : memref<10112x128xf32, #tpu.memory_space<vmem_shared>>) offsets(%dma_start3A_153 : memref<64xi32, #tpu.memory_space<vmem>>) semaphore(%arg15 : memref<!tpu.dma_semaphore, #tpu.memory_space<semaphore_mem>>) {add = true}
        %mul3A_157 = arith.constant 2 : i32
        %mul3A_158 = arith.muli %mul3A_157, %mul3A_86 : i32
        %add3A_159 = arith.constant 1 : i32
        %add3A_160 = arith.addi %mul3A_158, %add3A_159 : i32
        %dma_start3A_161 = arith.constant 64 : i32
        %dma_start3A_162 = arith.constant 0 : i32
        %dma_start3A_163 = tpu.memref_slice %arg11[%dma_start3A_161, %dma_start3A_162] : memref<128x128xf32, #tpu.memory_space<vmem>> -> memref<64x128xf32, #tpu.memory_space<vmem>>
        %dma_start3A_164 = arith.constant 0 : i32
        %dma_start3A_165 = tpu.memref_slice %arg9[%add3A_160, %dma_start3A_164] : memref<40x64xi32, #tpu.memory_space<vmem>> -> memref<1x64xi32, #tpu.memory_space<vmem>>
        %dma_start3A_166 = tpu.memref_squeeze %dma_start3A_165 : memref<1x64xi32, #tpu.memory_space<vmem>> -> memref<64xi32, #tpu.memory_space<vmem>>
        %dma_start3A_167 = arith.constant 0 : i32
        %dma_start3A_168 = arith.constant 0 : i32
        %dma_start3A_169 = tpu.memref_slice %arg7[%dma_start3A_167, %dma_start3A_168] : memref<10112x128xf32, #tpu.memory_space<vmem_shared>> -> memref<10112x128xf32, #tpu.memory_space<vmem_shared>>
        tpu.enqueue_indirect_dma source(%dma_start3A_163 : memref<64x128xf32, #tpu.memory_space<vmem>>) target(%dma_start3A_169 : memref<10112x128xf32, #tpu.memory_space<vmem_shared>>) offsets(%dma_start3A_166 : memref<64xi32, #tpu.memory_space<vmem>>) semaphore(%arg15 : memref<!tpu.dma_semaphore, #tpu.memory_space<semaphore_mem>>) {add = true}
        %mul3A_170 = arith.constant 2 : i32
        %mul3A_171 = arith.muli %mul3A_170, %add3A_90 : i32
        %dma_wait3A_172 = arith.constant 0 : i32
        %dma_wait3A_173 = arith.constant 0 : i32
        %dma_wait3A_174 = tpu.memref_slice %arg12[%dma_wait3A_172, %dma_wait3A_173] : memref<128x128xf32, #tpu.memory_space<vmem>> -> memref<64x128xf32, #tpu.memory_space<vmem>>
        %dma_wait3A_175 = arith.constant 0 : i32
        %dma_wait3A_176 = tpu.memref_slice %arg8[%mul3A_171, %dma_wait3A_175] : memref<40x64xi32, #tpu.memory_space<vmem>> -> memref<1x64xi32, #tpu.memory_space<vmem>>
        %dma_wait3A_177 = tpu.memref_squeeze %dma_wait3A_176 : memref<1x64xi32, #tpu.memory_space<vmem>> -> memref<64xi32, #tpu.memory_space<vmem>>
        %dma_wait3A_178 = arith.constant 0 : i32
        %dma_wait3A_179 = arith.constant 0 : i32
        %dma_wait3A_180 = tpu.memref_slice %arg2[%dma_wait3A_178, %dma_wait3A_179] : memref<10000x128xf32, #tpu.memory_space<hbm>> -> memref<10000x128xf32, #tpu.memory_space<hbm>>
        tpu.wait_indirect_dma semaphore(%arg14 : memref<!tpu.dma_semaphore, #tpu.memory_space<semaphore_mem>>) src(%dma_wait3A_180 : memref<10000x128xf32, #tpu.memory_space<hbm>>) dst(%dma_wait3A_174 : memref<64x128xf32, #tpu.memory_space<vmem>>)
        %mul3A_181 = arith.constant 2 : i32
        %mul3A_182 = arith.muli %mul3A_181, %add3A_90 : i32
        %add3A_183 = arith.constant 1 : i32
        %add3A_184 = arith.addi %mul3A_182, %add3A_183 : i32
        %dma_wait3A_185 = arith.constant 64 : i32
        %dma_wait3A_186 = arith.constant 0 : i32
        %dma_wait3A_187 = tpu.memref_slice %arg12[%dma_wait3A_185, %dma_wait3A_186] : memref<128x128xf32, #tpu.memory_space<vmem>> -> memref<64x128xf32, #tpu.memory_space<vmem>>
        %dma_wait3A_188 = arith.constant 0 : i32
        %dma_wait3A_189 = tpu.memref_slice %arg8[%add3A_184, %dma_wait3A_188] : memref<40x64xi32, #tpu.memory_space<vmem>> -> memref<1x64xi32, #tpu.memory_space<vmem>>
        %dma_wait3A_190 = tpu.memref_squeeze %dma_wait3A_189 : memref<1x64xi32, #tpu.memory_space<vmem>> -> memref<64xi32, #tpu.memory_space<vmem>>
        %dma_wait3A_191 = arith.constant 0 : i32
        %dma_wait3A_192 = arith.constant 0 : i32
        %dma_wait3A_193 = tpu.memref_slice %arg2[%dma_wait3A_191, %dma_wait3A_192] : memref<10000x128xf32, #tpu.memory_space<hbm>> -> memref<10000x128xf32, #tpu.memory_space<hbm>>
        tpu.wait_indirect_dma semaphore(%arg14 : memref<!tpu.dma_semaphore, #tpu.memory_space<semaphore_mem>>) src(%dma_wait3A_193 : memref<10000x128xf32, #tpu.memory_space<hbm>>) dst(%dma_wait3A_187 : memref<64x128xf32, #tpu.memory_space<vmem>>)
        %scan3A_194 = arith.constant 0 : i32
        %scan3A_195 = arith.constant 8 : i32
        %scan3A_196 = arith.addi %scan3A_194, %scan3A_195 : i32
        %scan3A_197 = arith.constant 1 : i32
        scf.for %scan3A_251 = %scan3A_194 to %scan3A_196 step %scan3A_197  : i32 {
          %mul3A_252 = arith.constant 1 : i32
          %mul3A_253 = arith.muli %scan3A_251, %mul3A_252 : i32
          %add3A_254 = arith.constant 0 : i32
          %add3A_255 = arith.addi %add3A_254, %mul3A_253 : i32
          %mul3A_256 = arith.constant 16 : i32
          %mul3A_257 = arith.muli %add3A_255, %mul3A_256 : i32
          %get3A = arith.index_cast %add3A_90 : i32 to index
          %get3A_258 = arith.index_cast %mul3A_257 : i32 to index
          %get3A_259 = tpu.vector_load %arg10[%get3A, %get3A_258] {strides = array<i32>} : memref<20x128xf32, #tpu.memory_space<vmem>>, vector<1x16xf32>,
          %get3A_260 = vector.shape_cast %get3A_259 : vector<1x16xf32> to vector<16xf32>
          %broadcast_in_dim3A = arith.constant 0 : i32
          %broadcast_in_dim3A_261 = vector.broadcast %broadcast_in_dim3A : i32 to vector<16x1xi32>
          %gather3A = vector.shape_cast %broadcast_in_dim3A_261 : vector<16x1xi32> to vector<16xi32>
          %gather3A_262 = tpu.dynamic_gather %get3A_260[%gather3A] in [0] : vector<16xf32>, vector<16xi32> -> vector<16xf32>
          %mul3A_263 = arith.constant 16 : i32
          %mul3A_264 = arith.muli %add3A_255, %mul3A_263 : i32
          %add3A_265 = arith.constant 0 : i32
          %add3A_266 = arith.addi %mul3A_264, %add3A_265 : i32
          %get3A_267 = arith.index_cast %add3A_266 : i32 to index
          %get3A_268 = arith.constant 0 : index
          %get3A_269 = tpu.vector_load %arg12[%get3A_267, %get3A_268] {strides = array<i32>} : memref<128x128xf32, #tpu.memory_space<vmem>>, vector<1x16xf32>,
          %get3A_270 = vector.shape_cast %get3A_269 : vector<1x16xf32> to vector<16xf32>
          %mul3A_271 = arith.mulf %get3A_270, %gather3A_262 : vector<16xf32>
          %swap3A = arith.index_cast %add3A_266 : i32 to index
          %swap3A_272 = arith.constant 0 : index
          %swap3A_273 = tpu.vector_load %arg12[%swap3A, %swap3A_272] {strides = array<i32>} : memref<128x128xf32, #tpu.memory_space<vmem>>, vector<1x16xf32>,
          %swap3A_274 = vector.shape_cast %swap3A_273 : vector<1x16xf32> to vector<16xf32>
          %swap3A_275 = vector.shape_cast %mul3A_271 : vector<16xf32> to vector<1x16xf32>
          tpu.vector_store %arg12[%swap3A, %swap3A_272], %swap3A_275 {strides = array<i32>} : memref<128x128xf32, #tpu.memory_space<vmem>>, vector<1x16xf32>,
          %get3A_276 = arith.index_cast %add3A_266 : i32 to index
          %get3A_277 = arith.constant 16 : index
          %get3A_278 = tpu.vector_load %arg12[%get3A_276, %get3A_277] {strides = array<i32>} : memref<128x128xf32, #tpu.memory_space<vmem>>, vector<1x16xf32>,
          %get3A_279 = vector.shape_cast %get3A_278 : vector<1x16xf32> to vector<16xf32>
          %mul3A_280 = arith.mulf %get3A_279, %gather3A_262 : vector<16xf32>
          %swap3A_281 = arith.index_cast %add3A_266 : i32 to index
          %swap3A_282 = arith.constant 16 : index
          %swap3A_283 = tpu.vector_load %arg12[%swap3A_281, %swap3A_282] {strides = array<i32>} : memref<128x128xf32, #tpu.memory_space<vmem>>, vector<1x16xf32>,
          %swap3A_284 = vector.shape_cast %swap3A_283 : vector<1x16xf32> to vector<16xf32>
          %swap3A_285 = vector.shape_cast %mul3A_280 : vector<16xf32> to vector<1x16xf32>
          tpu.vector_store %arg12[%swap3A_281, %swap3A_282], %swap3A_285 {strides = array<i32>} : memref<128x128xf32, #tpu.memory_space<vmem>>, vector<1x16xf32>,
          %get3A_286 = arith.index_cast %add3A_266 : i32 to index
          %get3A_287 = arith.constant 32 : index
          %get3A_288 = tpu.vector_load %arg12[%get3A_286, %get3A_287] {strides = array<i32>} : memref<128x128xf32, #tpu.memory_space<vmem>>, vector<1x16xf32>,
          %get3A_289 = vector.shape_cast %get3A_288 : vector<1x16xf32> to vector<16xf32>
          %mul3A_290 = arith.mulf %get3A_289, %gather3A_262 : vector<16xf32>
          %swap3A_291 = arith.index_cast %add3A_266 : i32 to index
          %swap3A_292 = arith.constant 32 : index
          %swap3A_293 = tpu.vector_load %arg12[%swap3A_291, %swap3A_292] {strides = array<i32>} : memref<128x128xf32, #tpu.memory_space<vmem>>, vector<1x16xf32>,
          %swap3A_294 = vector.shape_cast %swap3A_293 : vector<1x16xf32> to vector<16xf32>
          %swap3A_295 = vector.shape_cast %mul3A_290 : vector<16xf32> to vector<1x16xf32>
          tpu.vector_store %arg12[%swap3A_291, %swap3A_292], %swap3A_295 {strides = array<i32>} : memref<128x128xf32, #tpu.memory_space<vmem>>, vector<1x16xf32>,
          %get3A_296 = arith.index_cast %add3A_266 : i32 to index
          %get3A_297 = arith.constant 48 : index
          %get3A_298 = tpu.vector_load %arg12[%get3A_296, %get3A_297] {strides = array<i32>} : memref<128x128xf32, #tpu.memory_space<vmem>>, vector<1x16xf32>,
          %get3A_299 = vector.shape_cast %get3A_298 : vector<1x16xf32> to vector<16xf32>
          %mul3A_300 = arith.mulf %get3A_299, %gather3A_262 : vector<16xf32>
          %swap3A_301 = arith.index_cast %add3A_266 : i32 to index
          %swap3A_302 = arith.constant 48 : index
          %swap3A_303 = tpu.vector_load %arg12[%swap3A_301, %swap3A_302] {strides = array<i32>} : memref<128x128xf32, #tpu.memory_space<vmem>>, vector<1x16xf32>,
          %swap3A_304 = vector.shape_cast %swap3A_303 : vector<1x16xf32> to vector<16xf32>
          %swap3A_305 = vector.shape_cast %mul3A_300 : vector<16xf32> to vector<1x16xf32>
          tpu.vector_store %arg12[%swap3A_301, %swap3A_302], %swap3A_305 {strides = array<i32>} : memref<128x128xf32, #tpu.memory_space<vmem>>, vector<1x16xf32>,
          %get3A_306 = arith.index_cast %add3A_266 : i32 to index
          %get3A_307 = arith.constant 64 : index
          %get3A_308 = tpu.vector_load %arg12[%get3A_306, %get3A_307] {strides = array<i32>} : memref<128x128xf32, #tpu.memory_space<vmem>>, vector<1x16xf32>,
          %get3A_309 = vector.shape_cast %get3A_308 : vector<1x16xf32> to vector<16xf32>
          %mul3A_310 = arith.mulf %get3A_309, %gather3A_262 : vector<16xf32>
          %swap3A_311 = arith.index_cast %add3A_266 : i32 to index
          %swap3A_312 = arith.constant 64 : index
          %swap3A_313 = tpu.vector_load %arg12[%swap3A_311, %swap3A_312] {strides = array<i32>} : memref<128x128xf32, #tpu.memory_space<vmem>>, vector<1x16xf32>,
          %swap3A_314 = vector.shape_cast %swap3A_313 : vector<1x16xf32> to vector<16xf32>
          %swap3A_315 = vector.shape_cast %mul3A_310 : vector<16xf32> to vector<1x16xf32>
          tpu.vector_store %arg12[%swap3A_311, %swap3A_312], %swap3A_315 {strides = array<i32>} : memref<128x128xf32, #tpu.memory_space<vmem>>, vector<1x16xf32>,
          %get3A_316 = arith.index_cast %add3A_266 : i32 to index
          %get3A_317 = arith.constant 80 : index
          %get3A_318 = tpu.vector_load %arg12[%get3A_316, %get3A_317] {strides = array<i32>} : memref<128x128xf32, #tpu.memory_space<vmem>>, vector<1x16xf32>,
          %get3A_319 = vector.shape_cast %get3A_318 : vector<1x16xf32> to vector<16xf32>
          %mul3A_320 = arith.mulf %get3A_319, %gather3A_262 : vector<16xf32>
          %swap3A_321 = arith.index_cast %add3A_266 : i32 to index
          %swap3A_322 = arith.constant 80 : index
          %swap3A_323 = tpu.vector_load %arg12[%swap3A_321, %swap3A_322] {strides = array<i32>} : memref<128x128xf32, #tpu.memory_space<vmem>>, vector<1x16xf32>,
          %swap3A_324 = vector.shape_cast %swap3A_323 : vector<1x16xf32> to vector<16xf32>
          %swap3A_325 = vector.shape_cast %mul3A_320 : vector<16xf32> to vector<1x16xf32>
          tpu.vector_store %arg12[%swap3A_321, %swap3A_322], %swap3A_325 {strides = array<i32>} : memref<128x128xf32, #tpu.memory_space<vmem>>, vector<1x16xf32>,
          %get3A_326 = arith.index_cast %add3A_266 : i32 to index
          %get3A_327 = arith.constant 96 : index
          %get3A_328 = tpu.vector_load %arg12[%get3A_326, %get3A_327] {strides = array<i32>} : memref<128x128xf32, #tpu.memory_space<vmem>>, vector<1x16xf32>,
          %get3A_329 = vector.shape_cast %get3A_328 : vector<1x16xf32> to vector<16xf32>
          %mul3A_330 = arith.mulf %get3A_329, %gather3A_262 : vector<16xf32>
          %swap3A_331 = arith.index_cast %add3A_266 : i32 to index
          %swap3A_332 = arith.constant 96 : index
          %swap3A_333 = tpu.vector_load %arg12[%swap3A_331, %swap3A_332] {strides = array<i32>} : memref<128x128xf32, #tpu.memory_space<vmem>>, vector<1x16xf32>,
          %swap3A_334 = vector.shape_cast %swap3A_333 : vector<1x16xf32> to vector<16xf32>
          %swap3A_335 = vector.shape_cast %mul3A_330 : vector<16xf32> to vector<1x16xf32>
          tpu.vector_store %arg12[%swap3A_331, %swap3A_332], %swap3A_335 {strides = array<i32>} : memref<128x128xf32, #tpu.memory_space<vmem>>, vector<1x16xf32>,
          %get3A_336 = arith.index_cast %add3A_266 : i32 to index
          %get3A_337 = arith.constant 112 : index
          %get3A_338 = tpu.vector_load %arg12[%get3A_336, %get3A_337] {strides = array<i32>} : memref<128x128xf32, #tpu.memory_space<vmem>>, vector<1x16xf32>,
          %get3A_339 = vector.shape_cast %get3A_338 : vector<1x16xf32> to vector<16xf32>
          %mul3A_340 = arith.mulf %get3A_339, %gather3A_262 : vector<16xf32>
          %swap3A_341 = arith.index_cast %add3A_266 : i32 to index
          %swap3A_342 = arith.constant 112 : index
          %swap3A_343 = tpu.vector_load %arg12[%swap3A_341, %swap3A_342] {strides = array<i32>} : memref<128x128xf32, #tpu.memory_space<vmem>>, vector<1x16xf32>,
          %swap3A_344 = vector.shape_cast %swap3A_343 : vector<1x16xf32> to vector<16xf32>
          %swap3A_345 = vector.shape_cast %mul3A_340 : vector<16xf32> to vector<1x16xf32>
          tpu.vector_store %arg12[%swap3A_341, %swap3A_342], %swap3A_345 {strides = array<i32>} : memref<128x128xf32, #tpu.memory_space<vmem>>, vector<1x16xf32>,
          %broadcast_in_dim3A_346 = arith.constant 1 : i32
          %broadcast_in_dim3A_347 = vector.broadcast %broadcast_in_dim3A_346 : i32 to vector<16x1xi32>
          %gather3A_348 = vector.shape_cast %broadcast_in_dim3A_347 : vector<16x1xi32> to vector<16xi32>
          %gather3A_349 = tpu.dynamic_gather %get3A_260[%gather3A_348] in [0] : vector<16xf32>, vector<16xi32> -> vector<16xf32>
          %mul3A_350 = arith.constant 16 : i32
          %mul3A_351 = arith.muli %add3A_255, %mul3A_350 : i32
          %add3A_352 = arith.constant 1 : i32
          %add3A_353 = arith.addi %mul3A_351, %add3A_352 : i32
          %get3A_354 = arith.index_cast %add3A_353 : i32 to index
          %get3A_355 = arith.constant 0 : index
          %get3A_356 = tpu.vector_load %arg12[%get3A_354, %get3A_355] {strides = array<i32>} : memref<128x128xf32, #tpu.memory_space<vmem>>, vector<1x16xf32>,
          %get3A_357 = vector.shape_cast %get3A_356 : vector<1x16xf32> to vector<16xf32>
          %mul3A_358 = arith.mulf %get3A_357, %gather3A_349 : vector<16xf32>
          %swap3A_359 = arith.index_cast %add3A_353 : i32 to index
          %swap3A_360 = arith.constant 0 : index
          %swap3A_361 = tpu.vector_load %arg12[%swap3A_359, %swap3A_360] {strides = array<i32>} : memref<128x128xf32, #tpu.memory_space<vmem>>, vector<1x16xf32>,
          %swap3A_362 = vector.shape_cast %swap3A_361 : vector<1x16xf32> to vector<16xf32>
          %swap3A_363 = vector.shape_cast %mul3A_358 : vector<16xf32> to vector<1x16xf32>
          tpu.vector_store %arg12[%swap3A_359, %swap3A_360], %swap3A_363 {strides = array<i32>} : memref<128x128xf32, #tpu.memory_space<vmem>>, vector<1x16xf32>,
          %get3A_364 = arith.index_cast %add3A_353 : i32 to index
          %get3A_365 = arith.constant 16 : index
          %get3A_366 = tpu.vector_load %arg12[%get3A_364, %get3A_365] {strides = array<i32>} : memref<128x128xf32, #tpu.memory_space<vmem>>, vector<1x16xf32>,
          %get3A_367 = vector.shape_cast %get3A_366 : vector<1x16xf32> to vector<16xf32>
          %mul3A_368 = arith.mulf %get3A_367, %gather3A_349 : vector<16xf32>
          %swap3A_369 = arith.index_cast %add3A_353 : i32 to index
          %swap3A_370 = arith.constant 16 : index
          %swap3A_371 = tpu.vector_load %arg12[%swap3A_369, %swap3A_370] {strides = array<i32>} : memref<128x128xf32, #tpu.memory_space<vmem>>, vector<1x16xf32>,
          %swap3A_372 = vector.shape_cast %swap3A_371 : vector<1x16xf32> to vector<16xf32>
          %swap3A_373 = vector.shape_cast %mul3A_368 : vector<16xf32> to vector<1x16xf32>
          tpu.vector_store %arg12[%swap3A_369, %swap3A_370], %swap3A_373 {strides = array<i32>} : memref<128x128xf32, #tpu.memory_space<vmem>>, vector<1x16xf32>,
          %get3A_374 = arith.index_cast %add3A_353 : i32 to index
          %get3A_375 = arith.constant 32 : index
          %get3A_376 = tpu.vector_load %arg12[%get3A_374, %get3A_375] {strides = array<i32>} : memref<128x128xf32, #tpu.memory_space<vmem>>, vector<1x16xf32>,
          %get3A_377 = vector.shape_cast %get3A_376 : vector<1x16xf32> to vector<16xf32>
          %mul3A_378 = arith.mulf %get3A_377, %gather3A_349 : vector<16xf32>
          %swap3A_379 = arith.index_cast %add3A_353 : i32 to index
          %swap3A_380 = arith.constant 32 : index
          %swap3A_381 = tpu.vector_load %arg12[%swap3A_379, %swap3A_380] {strides = array<i32>} : memref<128x128xf32, #tpu.memory_space<vmem>>, vector<1x16xf32>,
          %swap3A_382 = vector.shape_cast %swap3A_381 : vector<1x16xf32> to vector<16xf32>
          %swap3A_383 = vector.shape_cast %mul3A_378 : vector<16xf32> to vector<1x16xf32>
          tpu.vector_store %arg12[%swap3A_379, %swap3A_380], %swap3A_383 {strides = array<i32>} : memref<128x128xf32, #tpu.memory_space<vmem>>, vector<1x16xf32>,
          %get3A_384 = arith.index_cast %add3A_353 : i32 to index
          %get3A_385 = arith.constant 48 : index
          %get3A_386 = tpu.vector_load %arg12[%get3A_384, %get3A_385] {strides = array<i32>} : memref<128x128xf32, #tpu.memory_space<vmem>>, vector<1x16xf32>,
          %get3A_387 = vector.shape_cast %get3A_386 : vector<1x16xf32> to vector<16xf32>
          %mul3A_388 = arith.mulf %get3A_387, %gather3A_349 : vector<16xf32>
          %swap3A_389 = arith.index_cast %add3A_353 : i32 to index
          %swap3A_390 = arith.constant 48 : index
          %swap3A_391 = tpu.vector_load %arg12[%swap3A_389, %swap3A_390] {strides = array<i32>} : memref<128x128xf32, #tpu.memory_space<vmem>>, vector<1x16xf32>,
          %swap3A_392 = vector.shape_cast %swap3A_391 : vector<1x16xf32> to vector<16xf32>
          %swap3A_393 = vector.shape_cast %mul3A_388 : vector<16xf32> to vector<1x16xf32>
          tpu.vector_store %arg12[%swap3A_389, %swap3A_390], %swap3A_393 {strides = array<i32>} : memref<128x128xf32, #tpu.memory_space<vmem>>, vector<1x16xf32>,
          %get3A_394 = arith.index_cast %add3A_353 : i32 to index
          %get3A_395 = arith.constant 64 : index
          %get3A_396 = tpu.vector_load %arg12[%get3A_394, %get3A_395] {strides = array<i32>} : memref<128x128xf32, #tpu.memory_space<vmem>>, vector<1x16xf32>,
          %get3A_397 = vector.shape_cast %get3A_396 : vector<1x16xf32> to vector<16xf32>
          %mul3A_398 = arith.mulf %get3A_397, %gather3A_349 : vector<16xf32>
          %swap3A_399 = arith.index_cast %add3A_353 : i32 to index
          %swap3A_400 = arith.constant 64 : index
          %swap3A_401 = tpu.vector_load %arg12[%swap3A_399, %swap3A_400] {strides = array<i32>} : memref<128x128xf32, #tpu.memory_space<vmem>>, vector<1x16xf32>,
          %swap3A_402 = vector.shape_cast %swap3A_401 : vector<1x16xf32> to vector<16xf32>
          %swap3A_403 = vector.shape_cast %mul3A_398 : vector<16xf32> to vector<1x16xf32>
          tpu.vector_store %arg12[%swap3A_399, %swap3A_400], %swap3A_403 {strides = array<i32>} : memref<128x128xf32, #tpu.memory_space<vmem>>, vector<1x16xf32>,
          %get3A_404 = arith.index_cast %add3A_353 : i32 to index
          %get3A_405 = arith.constant 80 : index
          %get3A_406 = tpu.vector_load %arg12[%get3A_404, %get3A_405] {strides = array<i32>} : memref<128x128xf32, #tpu.memory_space<vmem>>, vector<1x16xf32>,
          %get3A_407 = vector.shape_cast %get3A_406 : vector<1x16xf32> to vector<16xf32>
          %mul3A_408 = arith.mulf %get3A_407, %gather3A_349 : vector<16xf32>
          %swap3A_409 = arith.index_cast %add3A_353 : i32 to index
          %swap3A_410 = arith.constant 80 : index
          %swap3A_411 = tpu.vector_load %arg12[%swap3A_409, %swap3A_410] {strides = array<i32>} : memref<128x128xf32, #tpu.memory_space<vmem>>, vector<1x16xf32>,
          %swap3A_412 = vector.shape_cast %swap3A_411 : vector<1x16xf32> to vector<16xf32>
          %swap3A_413 = vector.shape_cast %mul3A_408 : vector<16xf32> to vector<1x16xf32>
          tpu.vector_store %arg12[%swap3A_409, %swap3A_410], %swap3A_413 {strides = array<i32>} : memref<128x128xf32, #tpu.memory_space<vmem>>, vector<1x16xf32>,
          %get3A_414 = arith.index_cast %add3A_353 : i32 to index
          %get3A_415 = arith.constant 96 : index
          %get3A_416 = tpu.vector_load %arg12[%get3A_414, %get3A_415] {strides = array<i32>} : memref<128x128xf32, #tpu.memory_space<vmem>>, vector<1x16xf32>,
          %get3A_417 = vector.shape_cast %get3A_416 : vector<1x16xf32> to vector<16xf32>
          %mul3A_418 = arith.mulf %get3A_417, %gather3A_349 : vector<16xf32>
          %swap3A_419 = arith.index_cast %add3A_353 : i32 to index
          %swap3A_420 = arith.constant 96 : index
          %swap3A_421 = tpu.vector_load %arg12[%swap3A_419, %swap3A_420] {strides = array<i32>} : memref<128x128xf32, #tpu.memory_space<vmem>>, vector<1x16xf32>,
          %swap3A_422 = vector.shape_cast %swap3A_421 : vector<1x16xf32> to vector<16xf32>
          %swap3A_423 = vector.shape_cast %mul3A_418 : vector<16xf32> to vector<1x16xf32>
          tpu.vector_store %arg12[%swap3A_419, %swap3A_420], %swap3A_423 {strides = array<i32>} : memref<128x128xf32, #tpu.memory_space<vmem>>, vector<1x16xf32>,
          %get3A_424 = arith.index_cast %add3A_353 : i32 to index
          %get3A_425 = arith.constant 112 : index
          %get3A_426 = tpu.vector_load %arg12[%get3A_424, %get3A_425] {strides = array<i32>} : memref<128x128xf32, #tpu.memory_space<vmem>>, vector<1x16xf32>,
          %get3A_427 = vector.shape_cast %get3A_426 : vector<1x16xf32> to vector<16xf32>
          %mul3A_428 = arith.mulf %get3A_427, %gather3A_349 : vector<16xf32>
          %swap3A_429 = arith.index_cast %add3A_353 : i32 to index
          %swap3A_430 = arith.constant 112 : index
          %swap3A_431 = tpu.vector_load %arg12[%swap3A_429, %swap3A_430] {strides = array<i32>} : memref<128x128xf32, #tpu.memory_space<vmem>>, vector<1x16xf32>,
          %swap3A_432 = vector.shape_cast %swap3A_431 : vector<1x16xf32> to vector<16xf32>
          %swap3A_433 = vector.shape_cast %mul3A_428 : vector<16xf32> to vector<1x16xf32>
          tpu.vector_store %arg12[%swap3A_429, %swap3A_430], %swap3A_433 {strides = array<i32>} : memref<128x128xf32, #tpu.memory_space<vmem>>, vector<1x16xf32>,
          %broadcast_in_dim3A_434 = arith.constant 2 : i32
          %broadcast_in_dim3A_435 = vector.broadcast %broadcast_in_dim3A_434 : i32 to vector<16x1xi32>
          %gather3A_436 = vector.shape_cast %broadcast_in_dim3A_435 : vector<16x1xi32> to vector<16xi32>
          %gather3A_437 = tpu.dynamic_gather %get3A_260[%gather3A_436] in [0] : vector<16xf32>, vector<16xi32> -> vector<16xf32>
          %mul3A_438 = arith.constant 16 : i32
          %mul3A_439 = arith.muli %add3A_255, %mul3A_438 : i32
          %add3A_440 = arith.constant 2 : i32
          %add3A_441 = arith.addi %mul3A_439, %add3A_440 : i32
          %get3A_442 = arith.index_cast %add3A_441 : i32 to index
          %get3A_443 = arith.constant 0 : index
          %get3A_444 = tpu.vector_load %arg12[%get3A_442, %get3A_443] {strides = array<i32>} : memref<128x128xf32, #tpu.memory_space<vmem>>, vector<1x16xf32>,
          %get3A_445 = vector.shape_cast %get3A_444 : vector<1x16xf32> to vector<16xf32>
          %mul3A_446 = arith.mulf %get3A_445, %gather3A_437 : vector<16xf32>
          %swap3A_447 = arith.index_cast %add3A_441 : i32 to index
          %swap3A_448 = arith.constant 0 : index
          %swap3A_449 = tpu.vector_load %arg12[%swap3A_447, %swap3A_448] {strides = array<i32>} : memref<128x128xf32, #tpu.memory_space<vmem>>, vector<1x16xf32>,
          %swap3A_450 = vector.shape_cast %swap3A_449 : vector<1x16xf32> to vector<16xf32>
          %swap3A_451 = vector.shape_cast %mul3A_446 : vector<16xf32> to vector<1x16xf32>
          tpu.vector_store %arg12[%swap3A_447, %swap3A_448], %swap3A_451 {strides = array<i32>} : memref<128x128xf32, #tpu.memory_space<vmem>>, vector<1x16xf32>,
          %get3A_452 = arith.index_cast %add3A_441 : i32 to index
          %get3A_453 = arith.constant 16 : index
          %get3A_454 = tpu.vector_load %arg12[%get3A_452, %get3A_453] {strides = array<i32>} : memref<128x128xf32, #tpu.memory_space<vmem>>, vector<1x16xf32>,
          %get3A_455 = vector.shape_cast %get3A_454 : vector<1x16xf32> to vector<16xf32>
          %mul3A_456 = arith.mulf %get3A_455, %gather3A_437 : vector<16xf32>
          %swap3A_457 = arith.index_cast %add3A_441 : i32 to index
          %swap3A_458 = arith.constant 16 : index
          %swap3A_459 = tpu.vector_load %arg12[%swap3A_457, %swap3A_458] {strides = array<i32>} : memref<128x128xf32, #tpu.memory_space<vmem>>, vector<1x16xf32>,
          %swap3A_460 = vector.shape_cast %swap3A_459 : vector<1x16xf32> to vector<16xf32>
          %swap3A_461 = vector.shape_cast %mul3A_456 : vector<16xf32> to vector<1x16xf32>
          tpu.vector_store %arg12[%swap3A_457, %swap3A_458], %swap3A_461 {strides = array<i32>} : memref<128x128xf32, #tpu.memory_space<vmem>>, vector<1x16xf32>,
          %get3A_462 = arith.index_cast %add3A_441 : i32 to index
          %get3A_463 = arith.constant 32 : index
          %get3A_464 = tpu.vector_load %arg12[%get3A_462, %get3A_463] {strides = array<i32>} : memref<128x128xf32, #tpu.memory_space<vmem>>, vector<1x16xf32>,
          %get3A_465 = vector.shape_cast %get3A_464 : vector<1x16xf32> to vector<16xf32>
          %mul3A_466 = arith.mulf %get3A_465, %gather3A_437 : vector<16xf32>
          %swap3A_467 = arith.index_cast %add3A_441 : i32 to index
          %swap3A_468 = arith.constant 32 : index
          %swap3A_469 = tpu.vector_load %arg12[%swap3A_467, %swap3A_468] {strides = array<i32>} : memref<128x128xf32, #tpu.memory_space<vmem>>, vector<1x16xf32>,
          %swap3A_470 = vector.shape_cast %swap3A_469 : vector<1x16xf32> to vector<16xf32>
          %swap3A_471 = vector.shape_cast %mul3A_466 : vector<16xf32> to vector<1x16xf32>
          tpu.vector_store %arg12[%swap3A_467, %swap3A_468], %swap3A_471 {strides = array<i32>} : memref<128x128xf32, #tpu.memory_space<vmem>>, vector<1x16xf32>,
          %get3A_472 = arith.index_cast %add3A_441 : i32 to index
          %get3A_473 = arith.constant 48 : index
          %get3A_474 = tpu.vector_load %arg12[%get3A_472, %get3A_473] {strides = array<i32>} : memref<128x128xf32, #tpu.memory_space<vmem>>, vector<1x16xf32>,
          %get3A_475 = vector.shape_cast %get3A_474 : vector<1x16xf32> to vector<16xf32>
          %mul3A_476 = arith.mulf %get3A_475, %gather3A_437 : vector<16xf32>
          %swap3A_477 = arith.index_cast %add3A_441 : i32 to index
          %swap3A_478 = arith.constant 48 : index
          %swap3A_479 = tpu.vector_load %arg12[%swap3A_477, %swap3A_478] {strides = array<i32>} : memref<128x128xf32, #tpu.memory_space<vmem>>, vector<1x16xf32>,
          %swap3A_480 = vector.shape_cast %swap3A_479 : vector<1x16xf32> to vector<16xf32>
          %swap3A_481 = vector.shape_cast %mul3A_476 : vector<16xf32> to vector<1x16xf32>
          tpu.vector_store %arg12[%swap3A_477, %swap3A_478], %swap3A_481 {strides = array<i32>} : memref<128x128xf32, #tpu.memory_space<vmem>>, vector<1x16xf32>,
          %get3A_482 = arith.index_cast %add3A_441 : i32 to index
          %get3A_483 = arith.constant 64 : index
          %get3A_484 = tpu.vector_load %arg12[%get3A_482, %get3A_483] {strides = array<i32>} : memref<128x128xf32, #tpu.memory_space<vmem>>, vector<1x16xf32>,
          %get3A_485 = vector.shape_cast %get3A_484 : vector<1x16xf32> to vector<16xf32>
          %mul3A_486 = arith.mulf %get3A_485, %gather3A_437 : vector<16xf32>
          %swap3A_487 = arith.index_cast %add3A_441 : i32 to index
          %swap3A_488 = arith.constant 64 : index
          %swap3A_489 = tpu.vector_load %arg12[%swap3A_487, %swap3A_488] {strides = array<i32>} : memref<128x128xf32, #tpu.memory_space<vmem>>, vector<1x16xf32>,
          %swap3A_490 = vector.shape_cast %swap3A_489 : vector<1x16xf32> to vector<16xf32>
          %swap3A_491 = vector.shape_cast %mul3A_486 : vector<16xf32> to vector<1x16xf32>
          tpu.vector_store %arg12[%swap3A_487, %swap3A_488], %swap3A_491 {strides = array<i32>} : memref<128x128xf32, #tpu.memory_space<vmem>>, vector<1x16xf32>,
          %get3A_492 = arith.index_cast %add3A_441 : i32 to index
          %get3A_493 = arith.constant 80 : index
          %get3A_494 = tpu.vector_load %arg12[%get3A_492, %get3A_493] {strides = array<i32>} : memref<128x128xf32, #tpu.memory_space<vmem>>, vector<1x16xf32>,
          %get3A_495 = vector.shape_cast %get3A_494 : vector<1x16xf32> to vector<16xf32>
          %mul3A_496 = arith.mulf %get3A_495, %gather3A_437 : vector<16xf32>
          %swap3A_497 = arith.index_cast %add3A_441 : i32 to index
          %swap3A_498 = arith.constant 80 : index
          %swap3A_499 = tpu.vector_load %arg12[%swap3A_497, %swap3A_498] {strides = array<i32>} : memref<128x128xf32, #tpu.memory_space<vmem>>, vector<1x16xf32>,
          %swap3A_500 = vector.shape_cast %swap3A_499 : vector<1x16xf32> to vector<16xf32>
          %swap3A_501 = vector.shape_cast %mul3A_496 : vector<16xf32> to vector<1x16xf32>
          tpu.vector_store %arg12[%swap3A_497, %swap3A_498], %swap3A_501 {strides = array<i32>} : memref<128x128xf32, #tpu.memory_space<vmem>>, vector<1x16xf32>,
          %get3A_502 = arith.index_cast %add3A_441 : i32 to index
          %get3A_503 = arith.constant 96 : index
          %get3A_504 = tpu.vector_load %arg12[%get3A_502, %get3A_503] {strides = array<i32>} : memref<128x128xf32, #tpu.memory_space<vmem>>, vector<1x16xf32>,
          %get3A_505 = vector.shape_cast %get3A_504 : vector<1x16xf32> to vector<16xf32>
          %mul3A_506 = arith.mulf %get3A_505, %gather3A_437 : vector<16xf32>
          %swap3A_507 = arith.index_cast %add3A_441 : i32 to index
          %swap3A_508 = arith.constant 96 : index
          %swap3A_509 = tpu.vector_load %arg12[%swap3A_507, %swap3A_508] {strides = array<i32>} : memref<128x128xf32, #tpu.memory_space<vmem>>, vector<1x16xf32>,
          %swap3A_510 = vector.shape_cast %swap3A_509 : vector<1x16xf32> to vector<16xf32>
          %swap3A_511 = vector.shape_cast %mul3A_506 : vector<16xf32> to vector<1x16xf32>
          tpu.vector_store %arg12[%swap3A_507, %swap3A_508], %swap3A_511 {strides = array<i32>} : memref<128x128xf32, #tpu.memory_space<vmem>>, vector<1x16xf32>,
          %get3A_512 = arith.index_cast %add3A_441 : i32 to index
          %get3A_513 = arith.constant 112 : index
          %get3A_514 = tpu.vector_load %arg12[%get3A_512, %get3A_513] {strides = array<i32>} : memref<128x128xf32, #tpu.memory_space<vmem>>, vector<1x16xf32>,
          %get3A_515 = vector.shape_cast %get3A_514 : vector<1x16xf32> to vector<16xf32>
          %mul3A_516 = arith.mulf %get3A_515, %gather3A_437 : vector<16xf32>
          %swap3A_517 = arith.index_cast %add3A_441 : i32 to index
          %swap3A_518 = arith.constant 112 : index
          %swap3A_519 = tpu.vector_load %arg12[%swap3A_517, %swap3A_518] {strides = array<i32>} : memref<128x128xf32, #tpu.memory_space<vmem>>, vector<1x16xf32>,
          %swap3A_520 = vector.shape_cast %swap3A_519 : vector<1x16xf32> to vector<16xf32>
          %swap3A_521 = vector.shape_cast %mul3A_516 : vector<16xf32> to vector<1x16xf32>
          tpu.vector_store %arg12[%swap3A_517, %swap3A_518], %swap3A_521 {strides = array<i32>} : memref<128x128xf32, #tpu.memory_space<vmem>>, vector<1x16xf32>,
          %broadcast_in_dim3A_522 = arith.constant 3 : i32
          %broadcast_in_dim3A_523 = vector.broadcast %broadcast_in_dim3A_522 : i32 to vector<16x1xi32>
          %gather3A_524 = vector.shape_cast %broadcast_in_dim3A_523 : vector<16x1xi32> to vector<16xi32>
          %gather3A_525 = tpu.dynamic_gather %get3A_260[%gather3A_524] in [0] : vector<16xf32>, vector<16xi32> -> vector<16xf32>
          %mul3A_526 = arith.constant 16 : i32
          %mul3A_527 = arith.muli %add3A_255, %mul3A_526 : i32
          %add3A_528 = arith.constant 3 : i32
          %add3A_529 = arith.addi %mul3A_527, %add3A_528 : i32
          %get3A_530 = arith.index_cast %add3A_529 : i32 to index
          %get3A_531 = arith.constant 0 : index
          %get3A_532 = tpu.vector_load %arg12[%get3A_530, %get3A_531] {strides = array<i32>} : memref<128x128xf32, #tpu.memory_space<vmem>>, vector<1x16xf32>,
          %get3A_533 = vector.shape_cast %get3A_532 : vector<1x16xf32> to vector<16xf32>
          %mul3A_534 = arith.mulf %get3A_533, %gather3A_525 : vector<16xf32>
          %swap3A_535 = arith.index_cast %add3A_529 : i32 to index
          %swap3A_536 = arith.constant 0 : index
          %swap3A_537 = tpu.vector_load %arg12[%swap3A_535, %swap3A_536] {strides = array<i32>} : memref<128x128xf32, #tpu.memory_space<vmem>>, vector<1x16xf32>,
          %swap3A_538 = vector.shape_cast %swap3A_537 : vector<1x16xf32> to vector<16xf32>
          %swap3A_539 = vector.shape_cast %mul3A_534 : vector<16xf32> to vector<1x16xf32>
          tpu.vector_store %arg12[%swap3A_535, %swap3A_536], %swap3A_539 {strides = array<i32>} : memref<128x128xf32, #tpu.memory_space<vmem>>, vector<1x16xf32>,
          %get3A_540 = arith.index_cast %add3A_529 : i32 to index
          %get3A_541 = arith.constant 16 : index
          %get3A_542 = tpu.vector_load %arg12[%get3A_540, %get3A_541] {strides = array<i32>} : memref<128x128xf32, #tpu.memory_space<vmem>>, vector<1x16xf32>,
          %get3A_543 = vector.shape_cast %get3A_542 : vector<1x16xf32> to vector<16xf32>
          %mul3A_544 = arith.mulf %get3A_543, %gather3A_525 : vector<16xf32>
          %swap3A_545 = arith.index_cast %add3A_529 : i32 to index
          %swap3A_546 = arith.constant 16 : index
          %swap3A_547 = tpu.vector_load %arg12[%swap3A_545, %swap3A_546] {strides = array<i32>} : memref<128x128xf32, #tpu.memory_space<vmem>>, vector<1x16xf32>,
          %swap3A_548 = vector.shape_cast %swap3A_547 : vector<1x16xf32> to vector<16xf32>
          %swap3A_549 = vector.shape_cast %mul3A_544 : vector<16xf32> to vector<1x16xf32>
          tpu.vector_store %arg12[%swap3A_545, %swap3A_546], %swap3A_549 {strides = array<i32>} : memref<128x128xf32, #tpu.memory_space<vmem>>, vector<1x16xf32>,
          %get3A_550 = arith.index_cast %add3A_529 : i32 to index
          %get3A_551 = arith.constant 32 : index
          %get3A_552 = tpu.vector_load %arg12[%get3A_550, %get3A_551] {strides = array<i32>} : memref<128x128xf32, #tpu.memory_space<vmem>>, vector<1x16xf32>,
          %get3A_553 = vector.shape_cast %get3A_552 : vector<1x16xf32> to vector<16xf32>
          %mul3A_554 = arith.mulf %get3A_553, %gather3A_525 : vector<16xf32>
          %swap3A_555 = arith.index_cast %add3A_529 : i32 to index
          %swap3A_556 = arith.constant 32 : index
          %swap3A_557 = tpu.vector_load %arg12[%swap3A_555, %swap3A_556] {strides = array<i32>} : memref<128x128xf32, #tpu.memory_space<vmem>>, vector<1x16xf32>,
          %swap3A_558 = vector.shape_cast %swap3A_557 : vector<1x16xf32> to vector<16xf32>
          %swap3A_559 = vector.shape_cast %mul3A_554 : vector<16xf32> to vector<1x16xf32>
          tpu.vector_store %arg12[%swap3A_555, %swap3A_556], %swap3A_559 {strides = array<i32>} : memref<128x128xf32, #tpu.memory_space<vmem>>, vector<1x16xf32>,
          %get3A_560 = arith.index_cast %add3A_529 : i32 to index
          %get3A_561 = arith.constant 48 : index
          %get3A_562 = tpu.vector_load %arg12[%get3A_560, %get3A_561] {strides = array<i32>} : memref<128x128xf32, #tpu.memory_space<vmem>>, vector<1x16xf32>,
          %get3A_563 = vector.shape_cast %get3A_562 : vector<1x16xf32> to vector<16xf32>
          %mul3A_564 = arith.mulf %get3A_563, %gather3A_525 : vector<16xf32>
          %swap3A_565 = arith.index_cast %add3A_529 : i32 to index
          %swap3A_566 = arith.constant 48 : index
          %swap3A_567 = tpu.vector_load %arg12[%swap3A_565, %swap3A_566] {strides = array<i32>} : memref<128x128xf32, #tpu.memory_space<vmem>>, vector<1x16xf32>,
          %swap3A_568 = vector.shape_cast %swap3A_567 : vector<1x16xf32> to vector<16xf32>
          %swap3A_569 = vector.shape_cast %mul3A_564 : vector<16xf32> to vector<1x16xf32>
          tpu.vector_store %arg12[%swap3A_565, %swap3A_566], %swap3A_569 {strides = array<i32>} : memref<128x128xf32, #tpu.memory_space<vmem>>, vector<1x16xf32>,
          %get3A_570 = arith.index_cast %add3A_529 : i32 to index
          %get3A_571 = arith.constant 64 : index
          %get3A_572 = tpu.vector_load %arg12[%get3A_570, %get3A_571] {strides = array<i32>} : memref<128x128xf32, #tpu.memory_space<vmem>>, vector<1x16xf32>,
          %get3A_573 = vector.shape_cast %get3A_572 : vector<1x16xf32> to vector<16xf32>
          %mul3A_574 = arith.mulf %get3A_573, %gather3A_525 : vector<16xf32>
          %swap3A_575 = arith.index_cast %add3A_529 : i32 to index
          %swap3A_576 = arith.constant 64 : index
          %swap3A_577 = tpu.vector_load %arg12[%swap3A_575, %swap3A_576] {strides = array<i32>} : memref<128x128xf32, #tpu.memory_space<vmem>>, vector<1x16xf32>,
          %swap3A_578 = vector.shape_cast %swap3A_577 : vector<1x16xf32> to vector<16xf32>
          %swap3A_579 = vector.shape_cast %mul3A_574 : vector<16xf32> to vector<1x16xf32>
          tpu.vector_store %arg12[%swap3A_575, %swap3A_576], %swap3A_579 {strides = array<i32>} : memref<128x128xf32, #tpu.memory_space<vmem>>, vector<1x16xf32>,
          %get3A_580 = arith.index_cast %add3A_529 : i32 to index
          %get3A_581 = arith.constant 80 : index
          %get3A_582 = tpu.vector_load %arg12[%get3A_580, %get3A_581] {strides = array<i32>} : memref<128x128xf32, #tpu.memory_space<vmem>>, vector<1x16xf32>,
          %get3A_583 = vector.shape_cast %get3A_582 : vector<1x16xf32> to vector<16xf32>
          %mul3A_584 = arith.mulf %get3A_583, %gather3A_525 : vector<16xf32>
          %swap3A_585 = arith.index_cast %add3A_529 : i32 to index
          %swap3A_586 = arith.constant 80 : index
          %swap3A_587 = tpu.vector_load %arg12[%swap3A_585, %swap3A_586] {strides = array<i32>} : memref<128x128xf32, #tpu.memory_space<vmem>>, vector<1x16xf32>,
          %swap3A_588 = vector.shape_cast %swap3A_587 : vector<1x16xf32> to vector<16xf32>
          %swap3A_589 = vector.shape_cast %mul3A_584 : vector<16xf32> to vector<1x16xf32>
          tpu.vector_store %arg12[%swap3A_585, %swap3A_586], %swap3A_589 {strides = array<i32>} : memref<128x128xf32, #tpu.memory_space<vmem>>, vector<1x16xf32>,
          %get3A_590 = arith.index_cast %add3A_529 : i32 to index
          %get3A_591 = arith.constant 96 : index
          %get3A_592 = tpu.vector_load %arg12[%get3A_590, %get3A_591] {strides = array<i32>} : memref<128x128xf32, #tpu.memory_space<vmem>>, vector<1x16xf32>,
          %get3A_593 = vector.shape_cast %get3A_592 : vector<1x16xf32> to vector<16xf32>
          %mul3A_594 = arith.mulf %get3A_593, %gather3A_525 : vector<16xf32>
          %swap3A_595 = arith.index_cast %add3A_529 : i32 to index
          %swap3A_596 = arith.constant 96 : index
          %swap3A_597 = tpu.vector_load %arg12[%swap3A_595, %swap3A_596] {strides = array<i32>} : memref<128x128xf32, #tpu.memory_space<vmem>>, vector<1x16xf32>,
          %swap3A_598 = vector.shape_cast %swap3A_597 : vector<1x16xf32> to vector<16xf32>
          %swap3A_599 = vector.shape_cast %mul3A_594 : vector<16xf32> to vector<1x16xf32>
          tpu.vector_store %arg12[%swap3A_595, %swap3A_596], %swap3A_599 {strides = array<i32>} : memref<128x128xf32, #tpu.memory_space<vmem>>, vector<1x16xf32>,
          %get3A_600 = arith.index_cast %add3A_529 : i32 to index
          %get3A_601 = arith.constant 112 : index
          %get3A_602 = tpu.vector_load %arg12[%get3A_600, %get3A_601] {strides = array<i32>} : memref<128x128xf32, #tpu.memory_space<vmem>>, vector<1x16xf32>,
          %get3A_603 = vector.shape_cast %get3A_602 : vector<1x16xf32> to vector<16xf32>
          %mul3A_604 = arith.mulf %get3A_603, %gather3A_525 : vector<16xf32>
          %swap3A_605 = arith.index_cast %add3A_529 : i32 to index
          %swap3A_606 = arith.constant 112 : index
          %swap3A_607 = tpu.vector_load %arg12[%swap3A_605, %swap3A_606] {strides = array<i32>} : memref<128x128xf32, #tpu.memory_space<vmem>>, vector<1x16xf32>,
          %swap3A_608 = vector.shape_cast %swap3A_607 : vector<1x16xf32> to vector<16xf32>
          %swap3A_609 = vector.shape_cast %mul3A_604 : vector<16xf32> to vector<1x16xf32>
          tpu.vector_store %arg12[%swap3A_605, %swap3A_606], %swap3A_609 {strides = array<i32>} : memref<128x128xf32, #tpu.memory_space<vmem>>, vector<1x16xf32>,
          %broadcast_in_dim3A_610 = arith.constant 4 : i32
          %broadcast_in_dim3A_611 = vector.broadcast %broadcast_in_dim3A_610 : i32 to vector<16x1xi32>
          %gather3A_612 = vector.shape_cast %broadcast_in_dim3A_611 : vector<16x1xi32> to vector<16xi32>
          %gather3A_613 = tpu.dynamic_gather %get3A_260[%gather3A_612] in [0] : vector<16xf32>, vector<16xi32> -> vector<16xf32>
          %mul3A_614 = arith.constant 16 : i32
          %mul3A_615 = arith.muli %add3A_255, %mul3A_614 : i32
          %add3A_616 = arith.constant 4 : i32
          %add3A_617 = arith.addi %mul3A_615, %add3A_616 : i32
          %get3A_618 = arith.index_cast %add3A_617 : i32 to index
          %get3A_619 = arith.constant 0 : index
          %get3A_620 = tpu.vector_load %arg12[%get3A_618, %get3A_619] {strides = array<i32>} : memref<128x128xf32, #tpu.memory_space<vmem>>, vector<1x16xf32>,
          %get3A_621 = vector.shape_cast %get3A_620 : vector<1x16xf32> to vector<16xf32>
          %mul3A_622 = arith.mulf %get3A_621, %gather3A_613 : vector<16xf32>
          %swap3A_623 = arith.index_cast %add3A_617 : i32 to index
          %swap3A_624 = arith.constant 0 : index
          %swap3A_625 = tpu.vector_load %arg12[%swap3A_623, %swap3A_624] {strides = array<i32>} : memref<128x128xf32, #tpu.memory_space<vmem>>, vector<1x16xf32>,
          %swap3A_626 = vector.shape_cast %swap3A_625 : vector<1x16xf32> to vector<16xf32>
          %swap3A_627 = vector.shape_cast %mul3A_622 : vector<16xf32> to vector<1x16xf32>
          tpu.vector_store %arg12[%swap3A_623, %swap3A_624], %swap3A_627 {strides = array<i32>} : memref<128x128xf32, #tpu.memory_space<vmem>>, vector<1x16xf32>,
          %get3A_628 = arith.index_cast %add3A_617 : i32 to index
          %get3A_629 = arith.constant 16 : index
          %get3A_630 = tpu.vector_load %arg12[%get3A_628, %get3A_629] {strides = array<i32>} : memref<128x128xf32, #tpu.memory_space<vmem>>, vector<1x16xf32>,
          %get3A_631 = vector.shape_cast %get3A_630 : vector<1x16xf32> to vector<16xf32>
          %mul3A_632 = arith.mulf %get3A_631, %gather3A_613 : vector<16xf32>
          %swap3A_633 = arith.index_cast %add3A_617 : i32 to index
          %swap3A_634 = arith.constant 16 : index
          %swap3A_635 = tpu.vector_load %arg12[%swap3A_633, %swap3A_634] {strides = array<i32>} : memref<128x128xf32, #tpu.memory_space<vmem>>, vector<1x16xf32>,
          %swap3A_636 = vector.shape_cast %swap3A_635 : vector<1x16xf32> to vector<16xf32>
          %swap3A_637 = vector.shape_cast %mul3A_632 : vector<16xf32> to vector<1x16xf32>
          tpu.vector_store %arg12[%swap3A_633, %swap3A_634], %swap3A_637 {strides = array<i32>} : memref<128x128xf32, #tpu.memory_space<vmem>>, vector<1x16xf32>,
          %get3A_638 = arith.index_cast %add3A_617 : i32 to index
          %get3A_639 = arith.constant 32 : index
          %get3A_640 = tpu.vector_load %arg12[%get3A_638, %get3A_639] {strides = array<i32>} : memref<128x128xf32, #tpu.memory_space<vmem>>, vector<1x16xf32>,
          %get3A_641 = vector.shape_cast %get3A_640 : vector<1x16xf32> to vector<16xf32>
          %mul3A_642 = arith.mulf %get3A_641, %gather3A_613 : vector<16xf32>
          %swap3A_643 = arith.index_cast %add3A_617 : i32 to index
          %swap3A_644 = arith.constant 32 : index
          %swap3A_645 = tpu.vector_load %arg12[%swap3A_643, %swap3A_644] {strides = array<i32>} : memref<128x128xf32, #tpu.memory_space<vmem>>, vector<1x16xf32>,
          %swap3A_646 = vector.shape_cast %swap3A_645 : vector<1x16xf32> to vector<16xf32>
          %swap3A_647 = vector.shape_cast %mul3A_642 : vector<16xf32> to vector<1x16xf32>
          tpu.vector_store %arg12[%swap3A_643, %swap3A_644], %swap3A_647 {strides = array<i32>} : memref<128x128xf32, #tpu.memory_space<vmem>>, vector<1x16xf32>,
          %get3A_648 = arith.index_cast %add3A_617 : i32 to index
          %get3A_649 = arith.constant 48 : index
          %get3A_650 = tpu.vector_load %arg12[%get3A_648, %get3A_649] {strides = array<i32>} : memref<128x128xf32, #tpu.memory_space<vmem>>, vector<1x16xf32>,
          %get3A_651 = vector.shape_cast %get3A_650 : vector<1x16xf32> to vector<16xf32>
          %mul3A_652 = arith.mulf %get3A_651, %gather3A_613 : vector<16xf32>
          %swap3A_653 = arith.index_cast %add3A_617 : i32 to index
          %swap3A_654 = arith.constant 48 : index
          %swap3A_655 = tpu.vector_load %arg12[%swap3A_653, %swap3A_654] {strides = array<i32>} : memref<128x128xf32, #tpu.memory_space<vmem>>, vector<1x16xf32>,
          %swap3A_656 = vector.shape_cast %swap3A_655 : vector<1x16xf32> to vector<16xf32>
          %swap3A_657 = vector.shape_cast %mul3A_652 : vector<16xf32> to vector<1x16xf32>
          tpu.vector_store %arg12[%swap3A_653, %swap3A_654], %swap3A_657 {strides = array<i32>} : memref<128x128xf32, #tpu.memory_space<vmem>>, vector<1x16xf32>,
          %get3A_658 = arith.index_cast %add3A_617 : i32 to index
          %get3A_659 = arith.constant 64 : index
          %get3A_660 = tpu.vector_load %arg12[%get3A_658, %get3A_659] {strides = array<i32>} : memref<128x128xf32, #tpu.memory_space<vmem>>, vector<1x16xf32>,
          %get3A_661 = vector.shape_cast %get3A_660 : vector<1x16xf32> to vector<16xf32>
          %mul3A_662 = arith.mulf %get3A_661, %gather3A_613 : vector<16xf32>
          %swap3A_663 = arith.index_cast %add3A_617 : i32 to index
          %swap3A_664 = arith.constant 64 : index
          %swap3A_665 = tpu.vector_load %arg12[%swap3A_663, %swap3A_664] {strides = array<i32>} : memref<128x128xf32, #tpu.memory_space<vmem>>, vector<1x16xf32>,
          %swap3A_666 = vector.shape_cast %swap3A_665 : vector<1x16xf32> to vector<16xf32>
          %swap3A_667 = vector.shape_cast %mul3A_662 : vector<16xf32> to vector<1x16xf32>
          tpu.vector_store %arg12[%swap3A_663, %swap3A_664], %swap3A_667 {strides = array<i32>} : memref<128x128xf32, #tpu.memory_space<vmem>>, vector<1x16xf32>,
          %get3A_668 = arith.index_cast %add3A_617 : i32 to index
          %get3A_669 = arith.constant 80 : index
          %get3A_670 = tpu.vector_load %arg12[%get3A_668, %get3A_669] {strides = array<i32>} : memref<128x128xf32, #tpu.memory_space<vmem>>, vector<1x16xf32>,
          %get3A_671 = vector.shape_cast %get3A_670 : vector<1x16xf32> to vector<16xf32>
          %mul3A_672 = arith.mulf %get3A_671, %gather3A_613 : vector<16xf32>
          %swap3A_673 = arith.index_cast %add3A_617 : i32 to index
          %swap3A_674 = arith.constant 80 : index
          %swap3A_675 = tpu.vector_load %arg12[%swap3A_673, %swap3A_674] {strides = array<i32>} : memref<128x128xf32, #tpu.memory_space<vmem>>, vector<1x16xf32>,
          %swap3A_676 = vector.shape_cast %swap3A_675 : vector<1x16xf32> to vector<16xf32>
          %swap3A_677 = vector.shape_cast %mul3A_672 : vector<16xf32> to vector<1x16xf32>
          tpu.vector_store %arg12[%swap3A_673, %swap3A_674], %swap3A_677 {strides = array<i32>} : memref<128x128xf32, #tpu.memory_space<vmem>>, vector<1x16xf32>,
          %get3A_678 = arith.index_cast %add3A_617 : i32 to index
          %get3A_679 = arith.constant 96 : index
          %get3A_680 = tpu.vector_load %arg12[%get3A_678, %get3A_679] {strides = array<i32>} : memref<128x128xf32, #tpu.memory_space<vmem>>, vector<1x16xf32>,
          %get3A_681 = vector.shape_cast %get3A_680 : vector<1x16xf32> to vector<16xf32>
          %mul3A_682 = arith.mulf %get3A_681, %gather3A_613 : vector<16xf32>
          %swap3A_683 = arith.index_cast %add3A_617 : i32 to index
          %swap3A_684 = arith.constant 96 : index
          %swap3A_685 = tpu.vector_load %arg12[%swap3A_683, %swap3A_684] {strides = array<i32>} : memref<128x128xf32, #tpu.memory_space<vmem>>, vector<1x16xf32>,
          %swap3A_686 = vector.shape_cast %swap3A_685 : vector<1x16xf32> to vector<16xf32>
          %swap3A_687 = vector.shape_cast %mul3A_682 : vector<16xf32> to vector<1x16xf32>
          tpu.vector_store %arg12[%swap3A_683, %swap3A_684], %swap3A_687 {strides = array<i32>} : memref<128x128xf32, #tpu.memory_space<vmem>>, vector<1x16xf32>,
          %get3A_688 = arith.index_cast %add3A_617 : i32 to index
          %get3A_689 = arith.constant 112 : index
          %get3A_690 = tpu.vector_load %arg12[%get3A_688, %get3A_689] {strides = array<i32>} : memref<128x128xf32, #tpu.memory_space<vmem>>, vector<1x16xf32>,
          %get3A_691 = vector.shape_cast %get3A_690 : vector<1x16xf32> to vector<16xf32>
          %mul3A_692 = arith.mulf %get3A_691, %gather3A_613 : vector<16xf32>
          %swap3A_693 = arith.index_cast %add3A_617 : i32 to index
          %swap3A_694 = arith.constant 112 : index
          %swap3A_695 = tpu.vector_load %arg12[%swap3A_693, %swap3A_694] {strides = array<i32>} : memref<128x128xf32, #tpu.memory_space<vmem>>, vector<1x16xf32>,
          %swap3A_696 = vector.shape_cast %swap3A_695 : vector<1x16xf32> to vector<16xf32>
          %swap3A_697 = vector.shape_cast %mul3A_692 : vector<16xf32> to vector<1x16xf32>
          tpu.vector_store %arg12[%swap3A_693, %swap3A_694], %swap3A_697 {strides = array<i32>} : memref<128x128xf32, #tpu.memory_space<vmem>>, vector<1x16xf32>,
          %broadcast_in_dim3A_698 = arith.constant 5 : i32
          %broadcast_in_dim3A_699 = vector.broadcast %broadcast_in_dim3A_698 : i32 to vector<16x1xi32>
          %gather3A_700 = vector.shape_cast %broadcast_in_dim3A_699 : vector<16x1xi32> to vector<16xi32>
          %gather3A_701 = tpu.dynamic_gather %get3A_260[%gather3A_700] in [0] : vector<16xf32>, vector<16xi32> -> vector<16xf32>
          %mul3A_702 = arith.constant 16 : i32
          %mul3A_703 = arith.muli %add3A_255, %mul3A_702 : i32
          %add3A_704 = arith.constant 5 : i32
          %add3A_705 = arith.addi %mul3A_703, %add3A_704 : i32
          %get3A_706 = arith.index_cast %add3A_705 : i32 to index
          %get3A_707 = arith.constant 0 : index
          %get3A_708 = tpu.vector_load %arg12[%get3A_706, %get3A_707] {strides = array<i32>} : memref<128x128xf32, #tpu.memory_space<vmem>>, vector<1x16xf32>,
          %get3A_709 = vector.shape_cast %get3A_708 : vector<1x16xf32> to vector<16xf32>
          %mul3A_710 = arith.mulf %get3A_709, %gather3A_701 : vector<16xf32>
          %swap3A_711 = arith.index_cast %add3A_705 : i32 to index
          %swap3A_712 = arith.constant 0 : index
          %swap3A_713 = tpu.vector_load %arg12[%swap3A_711, %swap3A_712] {strides = array<i32>} : memref<128x128xf32, #tpu.memory_space<vmem>>, vector<1x16xf32>,
          %swap3A_714 = vector.shape_cast %swap3A_713 : vector<1x16xf32> to vector<16xf32>
          %swap3A_715 = vector.shape_cast %mul3A_710 : vector<16xf32> to vector<1x16xf32>
          tpu.vector_store %arg12[%swap3A_711, %swap3A_712], %swap3A_715 {strides = array<i32>} : memref<128x128xf32, #tpu.memory_space<vmem>>, vector<1x16xf32>,
          %get3A_716 = arith.index_cast %add3A_705 : i32 to index
          %get3A_717 = arith.constant 16 : index
          %get3A_718 = tpu.vector_load %arg12[%get3A_716, %get3A_717] {strides = array<i32>} : memref<128x128xf32, #tpu.memory_space<vmem>>, vector<1x16xf32>,
          %get3A_719 = vector.shape_cast %get3A_718 : vector<1x16xf32> to vector<16xf32>
          %mul3A_720 = arith.mulf %get3A_719, %gather3A_701 : vector<16xf32>
          %swap3A_721 = arith.index_cast %add3A_705 : i32 to index
          %swap3A_722 = arith.constant 16 : index
          %swap3A_723 = tpu.vector_load %arg12[%swap3A_721, %swap3A_722] {strides = array<i32>} : memref<128x128xf32, #tpu.memory_space<vmem>>, vector<1x16xf32>,
          %swap3A_724 = vector.shape_cast %swap3A_723 : vector<1x16xf32> to vector<16xf32>
          %swap3A_725 = vector.shape_cast %mul3A_720 : vector<16xf32> to vector<1x16xf32>
          tpu.vector_store %arg12[%swap3A_721, %swap3A_722], %swap3A_725 {strides = array<i32>} : memref<128x128xf32, #tpu.memory_space<vmem>>, vector<1x16xf32>,
          %get3A_726 = arith.index_cast %add3A_705 : i32 to index
          %get3A_727 = arith.constant 32 : index
          %get3A_728 = tpu.vector_load %arg12[%get3A_726, %get3A_727] {strides = array<i32>} : memref<128x128xf32, #tpu.memory_space<vmem>>, vector<1x16xf32>,
          %get3A_729 = vector.shape_cast %get3A_728 : vector<1x16xf32> to vector<16xf32>
          %mul3A_730 = arith.mulf %get3A_729, %gather3A_701 : vector<16xf32>
          %swap3A_731 = arith.index_cast %add3A_705 : i32 to index
          %swap3A_732 = arith.constant 32 : index
          %swap3A_733 = tpu.vector_load %arg12[%swap3A_731, %swap3A_732] {strides = array<i32>} : memref<128x128xf32, #tpu.memory_space<vmem>>, vector<1x16xf32>,
          %swap3A_734 = vector.shape_cast %swap3A_733 : vector<1x16xf32> to vector<16xf32>
          %swap3A_735 = vector.shape_cast %mul3A_730 : vector<16xf32> to vector<1x16xf32>
          tpu.vector_store %arg12[%swap3A_731, %swap3A_732], %swap3A_735 {strides = array<i32>} : memref<128x128xf32, #tpu.memory_space<vmem>>, vector<1x16xf32>,
          %get3A_736 = arith.index_cast %add3A_705 : i32 to index
          %get3A_737 = arith.constant 48 : index
          %get3A_738 = tpu.vector_load %arg12[%get3A_736, %get3A_737] {strides = array<i32>} : memref<128x128xf32, #tpu.memory_space<vmem>>, vector<1x16xf32>,
          %get3A_739 = vector.shape_cast %get3A_738 : vector<1x16xf32> to vector<16xf32>
          %mul3A_740 = arith.mulf %get3A_739, %gather3A_701 : vector<16xf32>
          %swap3A_741 = arith.index_cast %add3A_705 : i32 to index
          %swap3A_742 = arith.constant 48 : index
          %swap3A_743 = tpu.vector_load %arg12[%swap3A_741, %swap3A_742] {strides = array<i32>} : memref<128x128xf32, #tpu.memory_space<vmem>>, vector<1x16xf32>,
          %swap3A_744 = vector.shape_cast %swap3A_743 : vector<1x16xf32> to vector<16xf32>
          %swap3A_745 = vector.shape_cast %mul3A_740 : vector<16xf32> to vector<1x16xf32>
          tpu.vector_store %arg12[%swap3A_741, %swap3A_742], %swap3A_745 {strides = array<i32>} : memref<128x128xf32, #tpu.memory_space<vmem>>, vector<1x16xf32>,
          %get3A_746 = arith.index_cast %add3A_705 : i32 to index
          %get3A_747 = arith.constant 64 : index
          %get3A_748 = tpu.vector_load %arg12[%get3A_746, %get3A_747] {strides = array<i32>} : memref<128x128xf32, #tpu.memory_space<vmem>>, vector<1x16xf32>,
          %get3A_749 = vector.shape_cast %get3A_748 : vector<1x16xf32> to vector<16xf32>
          %mul3A_750 = arith.mulf %get3A_749, %gather3A_701 : vector<16xf32>
          %swap3A_751 = arith.index_cast %add3A_705 : i32 to index
          %swap3A_752 = arith.constant 64 : index
          %swap3A_753 = tpu.vector_load %arg12[%swap3A_751, %swap3A_752] {strides = array<i32>} : memref<128x128xf32, #tpu.memory_space<vmem>>, vector<1x16xf32>,
          %swap3A_754 = vector.shape_cast %swap3A_753 : vector<1x16xf32> to vector<16xf32>
          %swap3A_755 = vector.shape_cast %mul3A_750 : vector<16xf32> to vector<1x16xf32>
          tpu.vector_store %arg12[%swap3A_751, %swap3A_752], %swap3A_755 {strides = array<i32>} : memref<128x128xf32, #tpu.memory_space<vmem>>, vector<1x16xf32>,
          %get3A_756 = arith.index_cast %add3A_705 : i32 to index
          %get3A_757 = arith.constant 80 : index
          %get3A_758 = tpu.vector_load %arg12[%get3A_756, %get3A_757] {strides = array<i32>} : memref<128x128xf32, #tpu.memory_space<vmem>>, vector<1x16xf32>,
          %get3A_759 = vector.shape_cast %get3A_758 : vector<1x16xf32> to vector<16xf32>
          %mul3A_760 = arith.mulf %get3A_759, %gather3A_701 : vector<16xf32>
          %swap3A_761 = arith.index_cast %add3A_705 : i32 to index
          %swap3A_762 = arith.constant 80 : index
          %swap3A_763 = tpu.vector_load %arg12[%swap3A_761, %swap3A_762] {strides = array<i32>} : memref<128x128xf32, #tpu.memory_space<vmem>>, vector<1x16xf32>,
          %swap3A_764 = vector.shape_cast %swap3A_763 : vector<1x16xf32> to vector<16xf32>
          %swap3A_765 = vector.shape_cast %mul3A_760 : vector<16xf32> to vector<1x16xf32>
          tpu.vector_store %arg12[%swap3A_761, %swap3A_762], %swap3A_765 {strides = array<i32>} : memref<128x128xf32, #tpu.memory_space<vmem>>, vector<1x16xf32>,
          %get3A_766 = arith.index_cast %add3A_705 : i32 to index
          %get3A_767 = arith.constant 96 : index
          %get3A_768 = tpu.vector_load %arg12[%get3A_766, %get3A_767] {strides = array<i32>} : memref<128x128xf32, #tpu.memory_space<vmem>>, vector<1x16xf32>,
          %get3A_769 = vector.shape_cast %get3A_768 : vector<1x16xf32> to vector<16xf32>
          %mul3A_770 = arith.mulf %get3A_769, %gather3A_701 : vector<16xf32>
          %swap3A_771 = arith.index_cast %add3A_705 : i32 to index
          %swap3A_772 = arith.constant 96 : index
          %swap3A_773 = tpu.vector_load %arg12[%swap3A_771, %swap3A_772] {strides = array<i32>} : memref<128x128xf32, #tpu.memory_space<vmem>>, vector<1x16xf32>,
          %swap3A_774 = vector.shape_cast %swap3A_773 : vector<1x16xf32> to vector<16xf32>
          %swap3A_775 = vector.shape_cast %mul3A_770 : vector<16xf32> to vector<1x16xf32>
          tpu.vector_store %arg12[%swap3A_771, %swap3A_772], %swap3A_775 {strides = array<i32>} : memref<128x128xf32, #tpu.memory_space<vmem>>, vector<1x16xf32>,
          %get3A_776 = arith.index_cast %add3A_705 : i32 to index
          %get3A_777 = arith.constant 112 : index
          %get3A_778 = tpu.vector_load %arg12[%get3A_776, %get3A_777] {strides = array<i32>} : memref<128x128xf32, #tpu.memory_space<vmem>>, vector<1x16xf32>,
          %get3A_779 = vector.shape_cast %get3A_778 : vector<1x16xf32> to vector<16xf32>
          %mul3A_780 = arith.mulf %get3A_779, %gather3A_701 : vector<16xf32>
          %swap3A_781 = arith.index_cast %add3A_705 : i32 to index
          %swap3A_782 = arith.constant 112 : index
          %swap3A_783 = tpu.vector_load %arg12[%swap3A_781, %swap3A_782] {strides = array<i32>} : memref<128x128xf32, #tpu.memory_space<vmem>>, vector<1x16xf32>,
          %swap3A_784 = vector.shape_cast %swap3A_783 : vector<1x16xf32> to vector<16xf32>
          %swap3A_785 = vector.shape_cast %mul3A_780 : vector<16xf32> to vector<1x16xf32>
          tpu.vector_store %arg12[%swap3A_781, %swap3A_782], %swap3A_785 {strides = array<i32>} : memref<128x128xf32, #tpu.memory_space<vmem>>, vector<1x16xf32>,
          %broadcast_in_dim3A_786 = arith.constant 6 : i32
          %broadcast_in_dim3A_787 = vector.broadcast %broadcast_in_dim3A_786 : i32 to vector<16x1xi32>
          %gather3A_788 = vector.shape_cast %broadcast_in_dim3A_787 : vector<16x1xi32> to vector<16xi32>
          %gather3A_789 = tpu.dynamic_gather %get3A_260[%gather3A_788] in [0] : vector<16xf32>, vector<16xi32> -> vector<16xf32>
          %mul3A_790 = arith.constant 16 : i32
          %mul3A_791 = arith.muli %add3A_255, %mul3A_790 : i32
          %add3A_792 = arith.constant 6 : i32
          %add3A_793 = arith.addi %mul3A_791, %add3A_792 : i32
          %get3A_794 = arith.index_cast %add3A_793 : i32 to index
          %get3A_795 = arith.constant 0 : index
          %get3A_796 = tpu.vector_load %arg12[%get3A_794, %get3A_795] {strides = array<i32>} : memref<128x128xf32, #tpu.memory_space<vmem>>, vector<1x16xf32>,
          %get3A_797 = vector.shape_cast %get3A_796 : vector<1x16xf32> to vector<16xf32>
          %mul3A_798 = arith.mulf %get3A_797, %gather3A_789 : vector<16xf32>
          %swap3A_799 = arith.index_cast %add3A_793 : i32 to index
          %swap3A_800 = arith.constant 0 : index
          %swap3A_801 = tpu.vector_load %arg12[%swap3A_799, %swap3A_800] {strides = array<i32>} : memref<128x128xf32, #tpu.memory_space<vmem>>, vector<1x16xf32>,
          %swap3A_802 = vector.shape_cast %swap3A_801 : vector<1x16xf32> to vector<16xf32>
          %swap3A_803 = vector.shape_cast %mul3A_798 : vector<16xf32> to vector<1x16xf32>
          tpu.vector_store %arg12[%swap3A_799, %swap3A_800], %swap3A_803 {strides = array<i32>} : memref<128x128xf32, #tpu.memory_space<vmem>>, vector<1x16xf32>,
          %get3A_804 = arith.index_cast %add3A_793 : i32 to index
          %get3A_805 = arith.constant 16 : index
          %get3A_806 = tpu.vector_load %arg12[%get3A_804, %get3A_805] {strides = array<i32>} : memref<128x128xf32, #tpu.memory_space<vmem>>, vector<1x16xf32>,
          %get3A_807 = vector.shape_cast %get3A_806 : vector<1x16xf32> to vector<16xf32>
          %mul3A_808 = arith.mulf %get3A_807, %gather3A_789 : vector<16xf32>
          %swap3A_809 = arith.index_cast %add3A_793 : i32 to index
          %swap3A_810 = arith.constant 16 : index
          %swap3A_811 = tpu.vector_load %arg12[%swap3A_809, %swap3A_810] {strides = array<i32>} : memref<128x128xf32, #tpu.memory_space<vmem>>, vector<1x16xf32>,
          %swap3A_812 = vector.shape_cast %swap3A_811 : vector<1x16xf32> to vector<16xf32>
          %swap3A_813 = vector.shape_cast %mul3A_808 : vector<16xf32> to vector<1x16xf32>
          tpu.vector_store %arg12[%swap3A_809, %swap3A_810], %swap3A_813 {strides = array<i32>} : memref<128x128xf32, #tpu.memory_space<vmem>>, vector<1x16xf32>,
          %get3A_814 = arith.index_cast %add3A_793 : i32 to index
          %get3A_815 = arith.constant 32 : index
          %get3A_816 = tpu.vector_load %arg12[%get3A_814, %get3A_815] {strides = array<i32>} : memref<128x128xf32, #tpu.memory_space<vmem>>, vector<1x16xf32>,
          %get3A_817 = vector.shape_cast %get3A_816 : vector<1x16xf32> to vector<16xf32>
          %mul3A_818 = arith.mulf %get3A_817, %gather3A_789 : vector<16xf32>
          %swap3A_819 = arith.index_cast %add3A_793 : i32 to index
          %swap3A_820 = arith.constant 32 : index
          %swap3A_821 = tpu.vector_load %arg12[%swap3A_819, %swap3A_820] {strides = array<i32>} : memref<128x128xf32, #tpu.memory_space<vmem>>, vector<1x16xf32>,
          %swap3A_822 = vector.shape_cast %swap3A_821 : vector<1x16xf32> to vector<16xf32>
          %swap3A_823 = vector.shape_cast %mul3A_818 : vector<16xf32> to vector<1x16xf32>
          tpu.vector_store %arg12[%swap3A_819, %swap3A_820], %swap3A_823 {strides = array<i32>} : memref<128x128xf32, #tpu.memory_space<vmem>>, vector<1x16xf32>,
          %get3A_824 = arith.index_cast %add3A_793 : i32 to index
          %get3A_825 = arith.constant 48 : index
          %get3A_826 = tpu.vector_load %arg12[%get3A_824, %get3A_825] {strides = array<i32>} : memref<128x128xf32, #tpu.memory_space<vmem>>, vector<1x16xf32>,
          %get3A_827 = vector.shape_cast %get3A_826 : vector<1x16xf32> to vector<16xf32>
          %mul3A_828 = arith.mulf %get3A_827, %gather3A_789 : vector<16xf32>
          %swap3A_829 = arith.index_cast %add3A_793 : i32 to index
          %swap3A_830 = arith.constant 48 : index
          %swap3A_831 = tpu.vector_load %arg12[%swap3A_829, %swap3A_830] {strides = array<i32>} : memref<128x128xf32, #tpu.memory_space<vmem>>, vector<1x16xf32>,
          %swap3A_832 = vector.shape_cast %swap3A_831 : vector<1x16xf32> to vector<16xf32>
          %swap3A_833 = vector.shape_cast %mul3A_828 : vector<16xf32> to vector<1x16xf32>
          tpu.vector_store %arg12[%swap3A_829, %swap3A_830], %swap3A_833 {strides = array<i32>} : memref<128x128xf32, #tpu.memory_space<vmem>>, vector<1x16xf32>,
          %get3A_834 = arith.index_cast %add3A_793 : i32 to index
          %get3A_835 = arith.constant 64 : index
          %get3A_836 = tpu.vector_load %arg12[%get3A_834, %get3A_835] {strides = array<i32>} : memref<128x128xf32, #tpu.memory_space<vmem>>, vector<1x16xf32>,
          %get3A_837 = vector.shape_cast %get3A_836 : vector<1x16xf32> to vector<16xf32>
          %mul3A_838 = arith.mulf %get3A_837, %gather3A_789 : vector<16xf32>
          %swap3A_839 = arith.index_cast %add3A_793 : i32 to index
          %swap3A_840 = arith.constant 64 : index
          %swap3A_841 = tpu.vector_load %arg12[%swap3A_839, %swap3A_840] {strides = array<i32>} : memref<128x128xf32, #tpu.memory_space<vmem>>, vector<1x16xf32>,
          %swap3A_842 = vector.shape_cast %swap3A_841 : vector<1x16xf32> to vector<16xf32>
          %swap3A_843 = vector.shape_cast %mul3A_838 : vector<16xf32> to vector<1x16xf32>
          tpu.vector_store %arg12[%swap3A_839, %swap3A_840], %swap3A_843 {strides = array<i32>} : memref<128x128xf32, #tpu.memory_space<vmem>>, vector<1x16xf32>,
          %get3A_844 = arith.index_cast %add3A_793 : i32 to index
          %get3A_845 = arith.constant 80 : index
          %get3A_846 = tpu.vector_load %arg12[%get3A_844, %get3A_845] {strides = array<i32>} : memref<128x128xf32, #tpu.memory_space<vmem>>, vector<1x16xf32>,
          %get3A_847 = vector.shape_cast %get3A_846 : vector<1x16xf32> to vector<16xf32>
          %mul3A_848 = arith.mulf %get3A_847, %gather3A_789 : vector<16xf32>
          %swap3A_849 = arith.index_cast %add3A_793 : i32 to index
          %swap3A_850 = arith.constant 80 : index
          %swap3A_851 = tpu.vector_load %arg12[%swap3A_849, %swap3A_850] {strides = array<i32>} : memref<128x128xf32, #tpu.memory_space<vmem>>, vector<1x16xf32>,
          %swap3A_852 = vector.shape_cast %swap3A_851 : vector<1x16xf32> to vector<16xf32>
          %swap3A_853 = vector.shape_cast %mul3A_848 : vector<16xf32> to vector<1x16xf32>
          tpu.vector_store %arg12[%swap3A_849, %swap3A_850], %swap3A_853 {strides = array<i32>} : memref<128x128xf32, #tpu.memory_space<vmem>>, vector<1x16xf32>,
          %get3A_854 = arith.index_cast %add3A_793 : i32 to index
          %get3A_855 = arith.constant 96 : index
          %get3A_856 = tpu.vector_load %arg12[%get3A_854, %get3A_855] {strides = array<i32>} : memref<128x128xf32, #tpu.memory_space<vmem>>, vector<1x16xf32>,
          %get3A_857 = vector.shape_cast %get3A_856 : vector<1x16xf32> to vector<16xf32>
          %mul3A_858 = arith.mulf %get3A_857, %gather3A_789 : vector<16xf32>
          %swap3A_859 = arith.index_cast %add3A_793 : i32 to index
          %swap3A_860 = arith.constant 96 : index
          %swap3A_861 = tpu.vector_load %arg12[%swap3A_859, %swap3A_860] {strides = array<i32>} : memref<128x128xf32, #tpu.memory_space<vmem>>, vector<1x16xf32>,
          %swap3A_862 = vector.shape_cast %swap3A_861 : vector<1x16xf32> to vector<16xf32>
          %swap3A_863 = vector.shape_cast %mul3A_858 : vector<16xf32> to vector<1x16xf32>
          tpu.vector_store %arg12[%swap3A_859, %swap3A_860], %swap3A_863 {strides = array<i32>} : memref<128x128xf32, #tpu.memory_space<vmem>>, vector<1x16xf32>,
          %get3A_864 = arith.index_cast %add3A_793 : i32 to index
          %get3A_865 = arith.constant 112 : index
          %get3A_866 = tpu.vector_load %arg12[%get3A_864, %get3A_865] {strides = array<i32>} : memref<128x128xf32, #tpu.memory_space<vmem>>, vector<1x16xf32>,
          %get3A_867 = vector.shape_cast %get3A_866 : vector<1x16xf32> to vector<16xf32>
          %mul3A_868 = arith.mulf %get3A_867, %gather3A_789 : vector<16xf32>
          %swap3A_869 = arith.index_cast %add3A_793 : i32 to index
          %swap3A_870 = arith.constant 112 : index
          %swap3A_871 = tpu.vector_load %arg12[%swap3A_869, %swap3A_870] {strides = array<i32>} : memref<128x128xf32, #tpu.memory_space<vmem>>, vector<1x16xf32>,
          %swap3A_872 = vector.shape_cast %swap3A_871 : vector<1x16xf32> to vector<16xf32>
          %swap3A_873 = vector.shape_cast %mul3A_868 : vector<16xf32> to vector<1x16xf32>
          tpu.vector_store %arg12[%swap3A_869, %swap3A_870], %swap3A_873 {strides = array<i32>} : memref<128x128xf32, #tpu.memory_space<vmem>>, vector<1x16xf32>,
          %broadcast_in_dim3A_874 = arith.constant 7 : i32
          %broadcast_in_dim3A_875 = vector.broadcast %broadcast_in_dim3A_874 : i32 to vector<16x1xi32>
          %gather3A_876 = vector.shape_cast %broadcast_in_dim3A_875 : vector<16x1xi32> to vector<16xi32>
          %gather3A_877 = tpu.dynamic_gather %get3A_260[%gather3A_876] in [0] : vector<16xf32>, vector<16xi32> -> vector<16xf32>
          %mul3A_878 = arith.constant 16 : i32
          %mul3A_879 = arith.muli %add3A_255, %mul3A_878 : i32
          %add3A_880 = arith.constant 7 : i32
          %add3A_881 = arith.addi %mul3A_879, %add3A_880 : i32
          %get3A_882 = arith.index_cast %add3A_881 : i32 to index
          %get3A_883 = arith.constant 0 : index
          %get3A_884 = tpu.vector_load %arg12[%get3A_882, %get3A_883] {strides = array<i32>} : memref<128x128xf32, #tpu.memory_space<vmem>>, vector<1x16xf32>,
          %get3A_885 = vector.shape_cast %get3A_884 : vector<1x16xf32> to vector<16xf32>
          %mul3A_886 = arith.mulf %get3A_885, %gather3A_877 : vector<16xf32>
          %swap3A_887 = arith.index_cast %add3A_881 : i32 to index
          %swap3A_888 = arith.constant 0 : index
          %swap3A_889 = tpu.vector_load %arg12[%swap3A_887, %swap3A_888] {strides = array<i32>} : memref<128x128xf32, #tpu.memory_space<vmem>>, vector<1x16xf32>,
          %swap3A_890 = vector.shape_cast %swap3A_889 : vector<1x16xf32> to vector<16xf32>
          %swap3A_891 = vector.shape_cast %mul3A_886 : vector<16xf32> to vector<1x16xf32>
          tpu.vector_store %arg12[%swap3A_887, %swap3A_888], %swap3A_891 {strides = array<i32>} : memref<128x128xf32, #tpu.memory_space<vmem>>, vector<1x16xf32>,
          %get3A_892 = arith.index_cast %add3A_881 : i32 to index
          %get3A_893 = arith.constant 16 : index
          %get3A_894 = tpu.vector_load %arg12[%get3A_892, %get3A_893] {strides = array<i32>} : memref<128x128xf32, #tpu.memory_space<vmem>>, vector<1x16xf32>,
          %get3A_895 = vector.shape_cast %get3A_894 : vector<1x16xf32> to vector<16xf32>
          %mul3A_896 = arith.mulf %get3A_895, %gather3A_877 : vector<16xf32>
          %swap3A_897 = arith.index_cast %add3A_881 : i32 to index
          %swap3A_898 = arith.constant 16 : index
          %swap3A_899 = tpu.vector_load %arg12[%swap3A_897, %swap3A_898] {strides = array<i32>} : memref<128x128xf32, #tpu.memory_space<vmem>>, vector<1x16xf32>,
          %swap3A_900 = vector.shape_cast %swap3A_899 : vector<1x16xf32> to vector<16xf32>
          %swap3A_901 = vector.shape_cast %mul3A_896 : vector<16xf32> to vector<1x16xf32>
          tpu.vector_store %arg12[%swap3A_897, %swap3A_898], %swap3A_901 {strides = array<i32>} : memref<128x128xf32, #tpu.memory_space<vmem>>, vector<1x16xf32>,
          %get3A_902 = arith.index_cast %add3A_881 : i32 to index
          %get3A_903 = arith.constant 32 : index
          %get3A_904 = tpu.vector_load %arg12[%get3A_902, %get3A_903] {strides = array<i32>} : memref<128x128xf32, #tpu.memory_space<vmem>>, vector<1x16xf32>,
          %get3A_905 = vector.shape_cast %get3A_904 : vector<1x16xf32> to vector<16xf32>
          %mul3A_906 = arith.mulf %get3A_905, %gather3A_877 : vector<16xf32>
          %swap3A_907 = arith.index_cast %add3A_881 : i32 to index
          %swap3A_908 = arith.constant 32 : index
          %swap3A_909 = tpu.vector_load %arg12[%swap3A_907, %swap3A_908] {strides = array<i32>} : memref<128x128xf32, #tpu.memory_space<vmem>>, vector<1x16xf32>,
          %swap3A_910 = vector.shape_cast %swap3A_909 : vector<1x16xf32> to vector<16xf32>
          %swap3A_911 = vector.shape_cast %mul3A_906 : vector<16xf32> to vector<1x16xf32>
          tpu.vector_store %arg12[%swap3A_907, %swap3A_908], %swap3A_911 {strides = array<i32>} : memref<128x128xf32, #tpu.memory_space<vmem>>, vector<1x16xf32>,
          %get3A_912 = arith.index_cast %add3A_881 : i32 to index
          %get3A_913 = arith.constant 48 : index
          %get3A_914 = tpu.vector_load %arg12[%get3A_912, %get3A_913] {strides = array<i32>} : memref<128x128xf32, #tpu.memory_space<vmem>>, vector<1x16xf32>,
          %get3A_915 = vector.shape_cast %get3A_914 : vector<1x16xf32> to vector<16xf32>
          %mul3A_916 = arith.mulf %get3A_915, %gather3A_877 : vector<16xf32>
          %swap3A_917 = arith.index_cast %add3A_881 : i32 to index
          %swap3A_918 = arith.constant 48 : index
          %swap3A_919 = tpu.vector_load %arg12[%swap3A_917, %swap3A_918] {strides = array<i32>} : memref<128x128xf32, #tpu.memory_space<vmem>>, vector<1x16xf32>,
          %swap3A_920 = vector.shape_cast %swap3A_919 : vector<1x16xf32> to vector<16xf32>
          %swap3A_921 = vector.shape_cast %mul3A_916 : vector<16xf32> to vector<1x16xf32>
          tpu.vector_store %arg12[%swap3A_917, %swap3A_918], %swap3A_921 {strides = array<i32>} : memref<128x128xf32, #tpu.memory_space<vmem>>, vector<1x16xf32>,
          %get3A_922 = arith.index_cast %add3A_881 : i32 to index
          %get3A_923 = arith.constant 64 : index
          %get3A_924 = tpu.vector_load %arg12[%get3A_922, %get3A_923] {strides = array<i32>} : memref<128x128xf32, #tpu.memory_space<vmem>>, vector<1x16xf32>,
          %get3A_925 = vector.shape_cast %get3A_924 : vector<1x16xf32> to vector<16xf32>
          %mul3A_926 = arith.mulf %get3A_925, %gather3A_877 : vector<16xf32>
          %swap3A_927 = arith.index_cast %add3A_881 : i32 to index
          %swap3A_928 = arith.constant 64 : index
          %swap3A_929 = tpu.vector_load %arg12[%swap3A_927, %swap3A_928] {strides = array<i32>} : memref<128x128xf32, #tpu.memory_space<vmem>>, vector<1x16xf32>,
          %swap3A_930 = vector.shape_cast %swap3A_929 : vector<1x16xf32> to vector<16xf32>
          %swap3A_931 = vector.shape_cast %mul3A_926 : vector<16xf32> to vector<1x16xf32>
          tpu.vector_store %arg12[%swap3A_927, %swap3A_928], %swap3A_931 {strides = array<i32>} : memref<128x128xf32, #tpu.memory_space<vmem>>, vector<1x16xf32>,
          %get3A_932 = arith.index_cast %add3A_881 : i32 to index
          %get3A_933 = arith.constant 80 : index
          %get3A_934 = tpu.vector_load %arg12[%get3A_932, %get3A_933] {strides = array<i32>} : memref<128x128xf32, #tpu.memory_space<vmem>>, vector<1x16xf32>,
          %get3A_935 = vector.shape_cast %get3A_934 : vector<1x16xf32> to vector<16xf32>
          %mul3A_936 = arith.mulf %get3A_935, %gather3A_877 : vector<16xf32>
          %swap3A_937 = arith.index_cast %add3A_881 : i32 to index
          %swap3A_938 = arith.constant 80 : index
          %swap3A_939 = tpu.vector_load %arg12[%swap3A_937, %swap3A_938] {strides = array<i32>} : memref<128x128xf32, #tpu.memory_space<vmem>>, vector<1x16xf32>,
          %swap3A_940 = vector.shape_cast %swap3A_939 : vector<1x16xf32> to vector<16xf32>
          %swap3A_941 = vector.shape_cast %mul3A_936 : vector<16xf32> to vector<1x16xf32>
          tpu.vector_store %arg12[%swap3A_937, %swap3A_938], %swap3A_941 {strides = array<i32>} : memref<128x128xf32, #tpu.memory_space<vmem>>, vector<1x16xf32>,
          %get3A_942 = arith.index_cast %add3A_881 : i32 to index
          %get3A_943 = arith.constant 96 : index
          %get3A_944 = tpu.vector_load %arg12[%get3A_942, %get3A_943] {strides = array<i32>} : memref<128x128xf32, #tpu.memory_space<vmem>>, vector<1x16xf32>,
          %get3A_945 = vector.shape_cast %get3A_944 : vector<1x16xf32> to vector<16xf32>
          %mul3A_946 = arith.mulf %get3A_945, %gather3A_877 : vector<16xf32>
          %swap3A_947 = arith.index_cast %add3A_881 : i32 to index
          %swap3A_948 = arith.constant 96 : index
          %swap3A_949 = tpu.vector_load %arg12[%swap3A_947, %swap3A_948] {strides = array<i32>} : memref<128x128xf32, #tpu.memory_space<vmem>>, vector<1x16xf32>,
          %swap3A_950 = vector.shape_cast %swap3A_949 : vector<1x16xf32> to vector<16xf32>
          %swap3A_951 = vector.shape_cast %mul3A_946 : vector<16xf32> to vector<1x16xf32>
          tpu.vector_store %arg12[%swap3A_947, %swap3A_948], %swap3A_951 {strides = array<i32>} : memref<128x128xf32, #tpu.memory_space<vmem>>, vector<1x16xf32>,
          %get3A_952 = arith.index_cast %add3A_881 : i32 to index
          %get3A_953 = arith.constant 112 : index
          %get3A_954 = tpu.vector_load %arg12[%get3A_952, %get3A_953] {strides = array<i32>} : memref<128x128xf32, #tpu.memory_space<vmem>>, vector<1x16xf32>,
          %get3A_955 = vector.shape_cast %get3A_954 : vector<1x16xf32> to vector<16xf32>
          %mul3A_956 = arith.mulf %get3A_955, %gather3A_877 : vector<16xf32>
          %swap3A_957 = arith.index_cast %add3A_881 : i32 to index
          %swap3A_958 = arith.constant 112 : index
          %swap3A_959 = tpu.vector_load %arg12[%swap3A_957, %swap3A_958] {strides = array<i32>} : memref<128x128xf32, #tpu.memory_space<vmem>>, vector<1x16xf32>,
          %swap3A_960 = vector.shape_cast %swap3A_959 : vector<1x16xf32> to vector<16xf32>
          %swap3A_961 = vector.shape_cast %mul3A_956 : vector<16xf32> to vector<1x16xf32>
          tpu.vector_store %arg12[%swap3A_957, %swap3A_958], %swap3A_961 {strides = array<i32>} : memref<128x128xf32, #tpu.memory_space<vmem>>, vector<1x16xf32>,
          %broadcast_in_dim3A_962 = arith.constant 8 : i32
          %broadcast_in_dim3A_963 = vector.broadcast %broadcast_in_dim3A_962 : i32 to vector<16x1xi32>
          %gather3A_964 = vector.shape_cast %broadcast_in_dim3A_963 : vector<16x1xi32> to vector<16xi32>
          %gather3A_965 = tpu.dynamic_gather %get3A_260[%gather3A_964] in [0] : vector<16xf32>, vector<16xi32> -> vector<16xf32>
          %mul3A_966 = arith.constant 16 : i32
          %mul3A_967 = arith.muli %add3A_255, %mul3A_966 : i32
          %add3A_968 = arith.constant 8 : i32
          %add3A_969 = arith.addi %mul3A_967, %add3A_968 : i32
          %get3A_970 = arith.index_cast %add3A_969 : i32 to index
          %get3A_971 = arith.constant 0 : index
          %get3A_972 = tpu.vector_load %arg12[%get3A_970, %get3A_971] {strides = array<i32>} : memref<128x128xf32, #tpu.memory_space<vmem>>, vector<1x16xf32>,
          %get3A_973 = vector.shape_cast %get3A_972 : vector<1x16xf32> to vector<16xf32>
          %mul3A_974 = arith.mulf %get3A_973, %gather3A_965 : vector<16xf32>
          %swap3A_975 = arith.index_cast %add3A_969 : i32 to index
          %swap3A_976 = arith.constant 0 : index
          %swap3A_977 = tpu.vector_load %arg12[%swap3A_975, %swap3A_976] {strides = array<i32>} : memref<128x128xf32, #tpu.memory_space<vmem>>, vector<1x16xf32>,
          %swap3A_978 = vector.shape_cast %swap3A_977 : vector<1x16xf32> to vector<16xf32>
          %swap3A_979 = vector.shape_cast %mul3A_974 : vector<16xf32> to vector<1x16xf32>
          tpu.vector_store %arg12[%swap3A_975, %swap3A_976], %swap3A_979 {strides = array<i32>} : memref<128x128xf32, #tpu.memory_space<vmem>>, vector<1x16xf32>,
          %get3A_980 = arith.index_cast %add3A_969 : i32 to index
          %get3A_981 = arith.constant 16 : index
          %get3A_982 = tpu.vector_load %arg12[%get3A_980, %get3A_981] {strides = array<i32>} : memref<128x128xf32, #tpu.memory_space<vmem>>, vector<1x16xf32>,
          %get3A_983 = vector.shape_cast %get3A_982 : vector<1x16xf32> to vector<16xf32>
          %mul3A_984 = arith.mulf %get3A_983, %gather3A_965 : vector<16xf32>
          %swap3A_985 = arith.index_cast %add3A_969 : i32 to index
          %swap3A_986 = arith.constant 16 : index
          %swap3A_987 = tpu.vector_load %arg12[%swap3A_985, %swap3A_986] {strides = array<i32>} : memref<128x128xf32, #tpu.memory_space<vmem>>, vector<1x16xf32>,
          %swap3A_988 = vector.shape_cast %swap3A_987 : vector<1x16xf32> to vector<16xf32>
          %swap3A_989 = vector.shape_cast %mul3A_984 : vector<16xf32> to vector<1x16xf32>
          tpu.vector_store %arg12[%swap3A_985, %swap3A_986], %swap3A_989 {strides = array<i32>} : memref<128x128xf32, #tpu.memory_space<vmem>>, vector<1x16xf32>,
          %get3A_990 = arith.index_cast %add3A_969 : i32 to index
          %get3A_991 = arith.constant 32 : index
          %get3A_992 = tpu.vector_load %arg12[%get3A_990, %get3A_991] {strides = array<i32>} : memref<128x128xf32, #tpu.memory_space<vmem>>, vector<1x16xf32>,
          %get3A_993 = vector.shape_cast %get3A_992 : vector<1x16xf32> to vector<16xf32>
          %mul3A_994 = arith.mulf %get3A_993, %gather3A_965 : vector<16xf32>
          %swap3A_995 = arith.index_cast %add3A_969 : i32 to index
          %swap3A_996 = arith.constant 32 : index
          %swap3A_997 = tpu.vector_load %arg12[%swap3A_995, %swap3A_996] {strides = array<i32>} : memref<128x128xf32, #tpu.memory_space<vmem>>, vector<1x16xf32>,
          %swap3A_998 = vector.shape_cast %swap3A_997 : vector<1x16xf32> to vector<16xf32>
          %swap3A_999 = vector.shape_cast %mul3A_994 : vector<16xf32> to vector<1x16xf32>
          tpu.vector_store %arg12[%swap3A_995, %swap3A_996], %swap3A_999 {strides = array<i32>} : memref<128x128xf32, #tpu.memory_space<vmem>>, vector<1x16xf32>,
          %get3A_1000 = arith.index_cast %add3A_969 : i32 to index
          %get3A_1001 = arith.constant 48 : index
          %get3A_1002 = tpu.vector_load %arg12[%get3A_1000, %get3A_1001] {strides = array<i32>} : memref<128x128xf32, #tpu.memory_space<vmem>>, vector<1x16xf32>,
          %get3A_1003 = vector.shape_cast %get3A_1002 : vector<1x16xf32> to vector<16xf32>
          %mul3A_1004 = arith.mulf %get3A_1003, %gather3A_965 : vector<16xf32>
          %swap3A_1005 = arith.index_cast %add3A_969 : i32 to index
          %swap3A_1006 = arith.constant 48 : index
          %swap3A_1007 = tpu.vector_load %arg12[%swap3A_1005, %swap3A_1006] {strides = array<i32>} : memref<128x128xf32, #tpu.memory_space<vmem>>, vector<1x16xf32>,
          %swap3A_1008 = vector.shape_cast %swap3A_1007 : vector<1x16xf32> to vector<16xf32>
          %swap3A_1009 = vector.shape_cast %mul3A_1004 : vector<16xf32> to vector<1x16xf32>
          tpu.vector_store %arg12[%swap3A_1005, %swap3A_1006], %swap3A_1009 {strides = array<i32>} : memref<128x128xf32, #tpu.memory_space<vmem>>, vector<1x16xf32>,
          %get3A_1010 = arith.index_cast %add3A_969 : i32 to index
          %get3A_1011 = arith.constant 64 : index
          %get3A_1012 = tpu.vector_load %arg12[%get3A_1010, %get3A_1011] {strides = array<i32>} : memref<128x128xf32, #tpu.memory_space<vmem>>, vector<1x16xf32>,
          %get3A_1013 = vector.shape_cast %get3A_1012 : vector<1x16xf32> to vector<16xf32>
          %mul3A_1014 = arith.mulf %get3A_1013, %gather3A_965 : vector<16xf32>
          %swap3A_1015 = arith.index_cast %add3A_969 : i32 to index
          %swap3A_1016 = arith.constant 64 : index
          %swap3A_1017 = tpu.vector_load %arg12[%swap3A_1015, %swap3A_1016] {strides = array<i32>} : memref<128x128xf32, #tpu.memory_space<vmem>>, vector<1x16xf32>,
          %swap3A_1018 = vector.shape_cast %swap3A_1017 : vector<1x16xf32> to vector<16xf32>
          %swap3A_1019 = vector.shape_cast %mul3A_1014 : vector<16xf32> to vector<1x16xf32>
          tpu.vector_store %arg12[%swap3A_1015, %swap3A_1016], %swap3A_1019 {strides = array<i32>} : memref<128x128xf32, #tpu.memory_space<vmem>>, vector<1x16xf32>,
          %get3A_1020 = arith.index_cast %add3A_969 : i32 to index
          %get3A_1021 = arith.constant 80 : index
          %get3A_1022 = tpu.vector_load %arg12[%get3A_1020, %get3A_1021] {strides = array<i32>} : memref<128x128xf32, #tpu.memory_space<vmem>>, vector<1x16xf32>,
          %get3A_1023 = vector.shape_cast %get3A_1022 : vector<1x16xf32> to vector<16xf32>
          %mul3A_1024 = arith.mulf %get3A_1023, %gather3A_965 : vector<16xf32>
          %swap3A_1025 = arith.index_cast %add3A_969 : i32 to index
          %swap3A_1026 = arith.constant 80 : index
          %swap3A_1027 = tpu.vector_load %arg12[%swap3A_1025, %swap3A_1026] {strides = array<i32>} : memref<128x128xf32, #tpu.memory_space<vmem>>, vector<1x16xf32>,
          %swap3A_1028 = vector.shape_cast %swap3A_1027 : vector<1x16xf32> to vector<16xf32>
          %swap3A_1029 = vector.shape_cast %mul3A_1024 : vector<16xf32> to vector<1x16xf32>
          tpu.vector_store %arg12[%swap3A_1025, %swap3A_1026], %swap3A_1029 {strides = array<i32>} : memref<128x128xf32, #tpu.memory_space<vmem>>, vector<1x16xf32>,
          %get3A_1030 = arith.index_cast %add3A_969 : i32 to index
          %get3A_1031 = arith.constant 96 : index
          %get3A_1032 = tpu.vector_load %arg12[%get3A_1030, %get3A_1031] {strides = array<i32>} : memref<128x128xf32, #tpu.memory_space<vmem>>, vector<1x16xf32>,
          %get3A_1033 = vector.shape_cast %get3A_1032 : vector<1x16xf32> to vector<16xf32>
          %mul3A_1034 = arith.mulf %get3A_1033, %gather3A_965 : vector<16xf32>
          %swap3A_1035 = arith.index_cast %add3A_969 : i32 to index
          %swap3A_1036 = arith.constant 96 : index
          %swap3A_1037 = tpu.vector_load %arg12[%swap3A_1035, %swap3A_1036] {strides = array<i32>} : memref<128x128xf32, #tpu.memory_space<vmem>>, vector<1x16xf32>,
          %swap3A_1038 = vector.shape_cast %swap3A_1037 : vector<1x16xf32> to vector<16xf32>
          %swap3A_1039 = vector.shape_cast %mul3A_1034 : vector<16xf32> to vector<1x16xf32>
          tpu.vector_store %arg12[%swap3A_1035, %swap3A_1036], %swap3A_1039 {strides = array<i32>} : memref<128x128xf32, #tpu.memory_space<vmem>>, vector<1x16xf32>,
          %get3A_1040 = arith.index_cast %add3A_969 : i32 to index
          %get3A_1041 = arith.constant 112 : index
          %get3A_1042 = tpu.vector_load %arg12[%get3A_1040, %get3A_1041] {strides = array<i32>} : memref<128x128xf32, #tpu.memory_space<vmem>>, vector<1x16xf32>,
          %get3A_1043 = vector.shape_cast %get3A_1042 : vector<1x16xf32> to vector<16xf32>
          %mul3A_1044 = arith.mulf %get3A_1043, %gather3A_965 : vector<16xf32>
          %swap3A_1045 = arith.index_cast %add3A_969 : i32 to index
          %swap3A_1046 = arith.constant 112 : index
          %swap3A_1047 = tpu.vector_load %arg12[%swap3A_1045, %swap3A_1046] {strides = array<i32>} : memref<128x128xf32, #tpu.memory_space<vmem>>, vector<1x16xf32>,
          %swap3A_1048 = vector.shape_cast %swap3A_1047 : vector<1x16xf32> to vector<16xf32>
          %swap3A_1049 = vector.shape_cast %mul3A_1044 : vector<16xf32> to vector<1x16xf32>
          tpu.vector_store %arg12[%swap3A_1045, %swap3A_1046], %swap3A_1049 {strides = array<i32>} : memref<128x128xf32, #tpu.memory_space<vmem>>, vector<1x16xf32>,
          %broadcast_in_dim3A_1050 = arith.constant 9 : i32
          %broadcast_in_dim3A_1051 = vector.broadcast %broadcast_in_dim3A_1050 : i32 to vector<16x1xi32>
          %gather3A_1052 = vector.shape_cast %broadcast_in_dim3A_1051 : vector<16x1xi32> to vector<16xi32>
          %gather3A_1053 = tpu.dynamic_gather %get3A_260[%gather3A_1052] in [0] : vector<16xf32>, vector<16xi32> -> vector<16xf32>
          %mul3A_1054 = arith.constant 16 : i32
          %mul3A_1055 = arith.muli %add3A_255, %mul3A_1054 : i32
          %add3A_1056 = arith.constant 9 : i32
          %add3A_1057 = arith.addi %mul3A_1055, %add3A_1056 : i32
          %get3A_1058 = arith.index_cast %add3A_1057 : i32 to index
          %get3A_1059 = arith.constant 0 : index
          %get3A_1060 = tpu.vector_load %arg12[%get3A_1058, %get3A_1059] {strides = array<i32>} : memref<128x128xf32, #tpu.memory_space<vmem>>, vector<1x16xf32>,
          %get3A_1061 = vector.shape_cast %get3A_1060 : vector<1x16xf32> to vector<16xf32>
          %mul3A_1062 = arith.mulf %get3A_1061, %gather3A_1053 : vector<16xf32>
          %swap3A_1063 = arith.index_cast %add3A_1057 : i32 to index
          %swap3A_1064 = arith.constant 0 : index
          %swap3A_1065 = tpu.vector_load %arg12[%swap3A_1063, %swap3A_1064] {strides = array<i32>} : memref<128x128xf32, #tpu.memory_space<vmem>>, vector<1x16xf32>,
          %swap3A_1066 = vector.shape_cast %swap3A_1065 : vector<1x16xf32> to vector<16xf32>
          %swap3A_1067 = vector.shape_cast %mul3A_1062 : vector<16xf32> to vector<1x16xf32>
          tpu.vector_store %arg12[%swap3A_1063, %swap3A_1064], %swap3A_1067 {strides = array<i32>} : memref<128x128xf32, #tpu.memory_space<vmem>>, vector<1x16xf32>,
          %get3A_1068 = arith.index_cast %add3A_1057 : i32 to index
          %get3A_1069 = arith.constant 16 : index
          %get3A_1070 = tpu.vector_load %arg12[%get3A_1068, %get3A_1069] {strides = array<i32>} : memref<128x128xf32, #tpu.memory_space<vmem>>, vector<1x16xf32>,
          %get3A_1071 = vector.shape_cast %get3A_1070 : vector<1x16xf32> to vector<16xf32>
          %mul3A_1072 = arith.mulf %get3A_1071, %gather3A_1053 : vector<16xf32>
          %swap3A_1073 = arith.index_cast %add3A_1057 : i32 to index
          %swap3A_1074 = arith.constant 16 : index
          %swap3A_1075 = tpu.vector_load %arg12[%swap3A_1073, %swap3A_1074] {strides = array<i32>} : memref<128x128xf32, #tpu.memory_space<vmem>>, vector<1x16xf32>,
          %swap3A_1076 = vector.shape_cast %swap3A_1075 : vector<1x16xf32> to vector<16xf32>
          %swap3A_1077 = vector.shape_cast %mul3A_1072 : vector<16xf32> to vector<1x16xf32>
          tpu.vector_store %arg12[%swap3A_1073, %swap3A_1074], %swap3A_1077 {strides = array<i32>} : memref<128x128xf32, #tpu.memory_space<vmem>>, vector<1x16xf32>,
          %get3A_1078 = arith.index_cast %add3A_1057 : i32 to index
          %get3A_1079 = arith.constant 32 : index
          %get3A_1080 = tpu.vector_load %arg12[%get3A_1078, %get3A_1079] {strides = array<i32>} : memref<128x128xf32, #tpu.memory_space<vmem>>, vector<1x16xf32>,
          %get3A_1081 = vector.shape_cast %get3A_1080 : vector<1x16xf32> to vector<16xf32>
          %mul3A_1082 = arith.mulf %get3A_1081, %gather3A_1053 : vector<16xf32>
          %swap3A_1083 = arith.index_cast %add3A_1057 : i32 to index
          %swap3A_1084 = arith.constant 32 : index
          %swap3A_1085 = tpu.vector_load %arg12[%swap3A_1083, %swap3A_1084] {strides = array<i32>} : memref<128x128xf32, #tpu.memory_space<vmem>>, vector<1x16xf32>,
          %swap3A_1086 = vector.shape_cast %swap3A_1085 : vector<1x16xf32> to vector<16xf32>
          %swap3A_1087 = vector.shape_cast %mul3A_1082 : vector<16xf32> to vector<1x16xf32>
          tpu.vector_store %arg12[%swap3A_1083, %swap3A_1084], %swap3A_1087 {strides = array<i32>} : memref<128x128xf32, #tpu.memory_space<vmem>>, vector<1x16xf32>,
          %get3A_1088 = arith.index_cast %add3A_1057 : i32 to index
          %get3A_1089 = arith.constant 48 : index
          %get3A_1090 = tpu.vector_load %arg12[%get3A_1088, %get3A_1089] {strides = array<i32>} : memref<128x128xf32, #tpu.memory_space<vmem>>, vector<1x16xf32>,
          %get3A_1091 = vector.shape_cast %get3A_1090 : vector<1x16xf32> to vector<16xf32>
          %mul3A_1092 = arith.mulf %get3A_1091, %gather3A_1053 : vector<16xf32>
          %swap3A_1093 = arith.index_cast %add3A_1057 : i32 to index
          %swap3A_1094 = arith.constant 48 : index
          %swap3A_1095 = tpu.vector_load %arg12[%swap3A_1093, %swap3A_1094] {strides = array<i32>} : memref<128x128xf32, #tpu.memory_space<vmem>>, vector<1x16xf32>,
          %swap3A_1096 = vector.shape_cast %swap3A_1095 : vector<1x16xf32> to vector<16xf32>
          %swap3A_1097 = vector.shape_cast %mul3A_1092 : vector<16xf32> to vector<1x16xf32>
          tpu.vector_store %arg12[%swap3A_1093, %swap3A_1094], %swap3A_1097 {strides = array<i32>} : memref<128x128xf32, #tpu.memory_space<vmem>>, vector<1x16xf32>,
          %get3A_1098 = arith.index_cast %add3A_1057 : i32 to index
          %get3A_1099 = arith.constant 64 : index
          %get3A_1100 = tpu.vector_load %arg12[%get3A_1098, %get3A_1099] {strides = array<i32>} : memref<128x128xf32, #tpu.memory_space<vmem>>, vector<1x16xf32>,
          %get3A_1101 = vector.shape_cast %get3A_1100 : vector<1x16xf32> to vector<16xf32>
          %mul3A_1102 = arith.mulf %get3A_1101, %gather3A_1053 : vector<16xf32>
          %swap3A_1103 = arith.index_cast %add3A_1057 : i32 to index
          %swap3A_1104 = arith.constant 64 : index
          %swap3A_1105 = tpu.vector_load %arg12[%swap3A_1103, %swap3A_1104] {strides = array<i32>} : memref<128x128xf32, #tpu.memory_space<vmem>>, vector<1x16xf32>,
          %swap3A_1106 = vector.shape_cast %swap3A_1105 : vector<1x16xf32> to vector<16xf32>
          %swap3A_1107 = vector.shape_cast %mul3A_1102 : vector<16xf32> to vector<1x16xf32>
          tpu.vector_store %arg12[%swap3A_1103, %swap3A_1104], %swap3A_1107 {strides = array<i32>} : memref<128x128xf32, #tpu.memory_space<vmem>>, vector<1x16xf32>,
          %get3A_1108 = arith.index_cast %add3A_1057 : i32 to index
          %get3A_1109 = arith.constant 80 : index
          %get3A_1110 = tpu.vector_load %arg12[%get3A_1108, %get3A_1109] {strides = array<i32>} : memref<128x128xf32, #tpu.memory_space<vmem>>, vector<1x16xf32>,
          %get3A_1111 = vector.shape_cast %get3A_1110 : vector<1x16xf32> to vector<16xf32>
          %mul3A_1112 = arith.mulf %get3A_1111, %gather3A_1053 : vector<16xf32>
          %swap3A_1113 = arith.index_cast %add3A_1057 : i32 to index
          %swap3A_1114 = arith.constant 80 : index
          %swap3A_1115 = tpu.vector_load %arg12[%swap3A_1113, %swap3A_1114] {strides = array<i32>} : memref<128x128xf32, #tpu.memory_space<vmem>>, vector<1x16xf32>,
          %swap3A_1116 = vector.shape_cast %swap3A_1115 : vector<1x16xf32> to vector<16xf32>
          %swap3A_1117 = vector.shape_cast %mul3A_1112 : vector<16xf32> to vector<1x16xf32>
          tpu.vector_store %arg12[%swap3A_1113, %swap3A_1114], %swap3A_1117 {strides = array<i32>} : memref<128x128xf32, #tpu.memory_space<vmem>>, vector<1x16xf32>,
          %get3A_1118 = arith.index_cast %add3A_1057 : i32 to index
          %get3A_1119 = arith.constant 96 : index
          %get3A_1120 = tpu.vector_load %arg12[%get3A_1118, %get3A_1119] {strides = array<i32>} : memref<128x128xf32, #tpu.memory_space<vmem>>, vector<1x16xf32>,
          %get3A_1121 = vector.shape_cast %get3A_1120 : vector<1x16xf32> to vector<16xf32>
          %mul3A_1122 = arith.mulf %get3A_1121, %gather3A_1053 : vector<16xf32>
          %swap3A_1123 = arith.index_cast %add3A_1057 : i32 to index
          %swap3A_1124 = arith.constant 96 : index
          %swap3A_1125 = tpu.vector_load %arg12[%swap3A_1123, %swap3A_1124] {strides = array<i32>} : memref<128x128xf32, #tpu.memory_space<vmem>>, vector<1x16xf32>,
          %swap3A_1126 = vector.shape_cast %swap3A_1125 : vector<1x16xf32> to vector<16xf32>
          %swap3A_1127 = vector.shape_cast %mul3A_1122 : vector<16xf32> to vector<1x16xf32>
          tpu.vector_store %arg12[%swap3A_1123, %swap3A_1124], %swap3A_1127 {strides = array<i32>} : memref<128x128xf32, #tpu.memory_space<vmem>>, vector<1x16xf32>,
          %get3A_1128 = arith.index_cast %add3A_1057 : i32 to index
          %get3A_1129 = arith.constant 112 : index
          %get3A_1130 = tpu.vector_load %arg12[%get3A_1128, %get3A_1129] {strides = array<i32>} : memref<128x128xf32, #tpu.memory_space<vmem>>, vector<1x16xf32>,
          %get3A_1131 = vector.shape_cast %get3A_1130 : vector<1x16xf32> to vector<16xf32>
          %mul3A_1132 = arith.mulf %get3A_1131, %gather3A_1053 : vector<16xf32>
          %swap3A_1133 = arith.index_cast %add3A_1057 : i32 to index
          %swap3A_1134 = arith.constant 112 : index
          %swap3A_1135 = tpu.vector_load %arg12[%swap3A_1133, %swap3A_1134] {strides = array<i32>} : memref<128x128xf32, #tpu.memory_space<vmem>>, vector<1x16xf32>,
          %swap3A_1136 = vector.shape_cast %swap3A_1135 : vector<1x16xf32> to vector<16xf32>
          %swap3A_1137 = vector.shape_cast %mul3A_1132 : vector<16xf32> to vector<1x16xf32>
          tpu.vector_store %arg12[%swap3A_1133, %swap3A_1134], %swap3A_1137 {strides = array<i32>} : memref<128x128xf32, #tpu.memory_space<vmem>>, vector<1x16xf32>,
          %broadcast_in_dim3A_1138 = arith.constant 10 : i32
          %broadcast_in_dim3A_1139 = vector.broadcast %broadcast_in_dim3A_1138 : i32 to vector<16x1xi32>
          %gather3A_1140 = vector.shape_cast %broadcast_in_dim3A_1139 : vector<16x1xi32> to vector<16xi32>
          %gather3A_1141 = tpu.dynamic_gather %get3A_260[%gather3A_1140] in [0] : vector<16xf32>, vector<16xi32> -> vector<16xf32>
          %mul3A_1142 = arith.constant 16 : i32
          %mul3A_1143 = arith.muli %add3A_255, %mul3A_1142 : i32
          %add3A_1144 = arith.constant 10 : i32
          %add3A_1145 = arith.addi %mul3A_1143, %add3A_1144 : i32
          %get3A_1146 = arith.index_cast %add3A_1145 : i32 to index
          %get3A_1147 = arith.constant 0 : index
          %get3A_1148 = tpu.vector_load %arg12[%get3A_1146, %get3A_1147] {strides = array<i32>} : memref<128x128xf32, #tpu.memory_space<vmem>>, vector<1x16xf32>,
          %get3A_1149 = vector.shape_cast %get3A_1148 : vector<1x16xf32> to vector<16xf32>
          %mul3A_1150 = arith.mulf %get3A_1149, %gather3A_1141 : vector<16xf32>
          %swap3A_1151 = arith.index_cast %add3A_1145 : i32 to index
          %swap3A_1152 = arith.constant 0 : index
          %swap3A_1153 = tpu.vector_load %arg12[%swap3A_1151, %swap3A_1152] {strides = array<i32>} : memref<128x128xf32, #tpu.memory_space<vmem>>, vector<1x16xf32>,
          %swap3A_1154 = vector.shape_cast %swap3A_1153 : vector<1x16xf32> to vector<16xf32>
          %swap3A_1155 = vector.shape_cast %mul3A_1150 : vector<16xf32> to vector<1x16xf32>
          tpu.vector_store %arg12[%swap3A_1151, %swap3A_1152], %swap3A_1155 {strides = array<i32>} : memref<128x128xf32, #tpu.memory_space<vmem>>, vector<1x16xf32>,
          %get3A_1156 = arith.index_cast %add3A_1145 : i32 to index
          %get3A_1157 = arith.constant 16 : index
          %get3A_1158 = tpu.vector_load %arg12[%get3A_1156, %get3A_1157] {strides = array<i32>} : memref<128x128xf32, #tpu.memory_space<vmem>>, vector<1x16xf32>,
          %get3A_1159 = vector.shape_cast %get3A_1158 : vector<1x16xf32> to vector<16xf32>
          %mul3A_1160 = arith.mulf %get3A_1159, %gather3A_1141 : vector<16xf32>
          %swap3A_1161 = arith.index_cast %add3A_1145 : i32 to index
          %swap3A_1162 = arith.constant 16 : index
          %swap3A_1163 = tpu.vector_load %arg12[%swap3A_1161, %swap3A_1162] {strides = array<i32>} : memref<128x128xf32, #tpu.memory_space<vmem>>, vector<1x16xf32>,
          %swap3A_1164 = vector.shape_cast %swap3A_1163 : vector<1x16xf32> to vector<16xf32>
          %swap3A_1165 = vector.shape_cast %mul3A_1160 : vector<16xf32> to vector<1x16xf32>
          tpu.vector_store %arg12[%swap3A_1161, %swap3A_1162], %swap3A_1165 {strides = array<i32>} : memref<128x128xf32, #tpu.memory_space<vmem>>, vector<1x16xf32>,
          %get3A_1166 = arith.index_cast %add3A_1145 : i32 to index
          %get3A_1167 = arith.constant 32 : index
          %get3A_1168 = tpu.vector_load %arg12[%get3A_1166, %get3A_1167] {strides = array<i32>} : memref<128x128xf32, #tpu.memory_space<vmem>>, vector<1x16xf32>,
          %get3A_1169 = vector.shape_cast %get3A_1168 : vector<1x16xf32> to vector<16xf32>
          %mul3A_1170 = arith.mulf %get3A_1169, %gather3A_1141 : vector<16xf32>
          %swap3A_1171 = arith.index_cast %add3A_1145 : i32 to index
          %swap3A_1172 = arith.constant 32 : index
          %swap3A_1173 = tpu.vector_load %arg12[%swap3A_1171, %swap3A_1172] {strides = array<i32>} : memref<128x128xf32, #tpu.memory_space<vmem>>, vector<1x16xf32>,
          %swap3A_1174 = vector.shape_cast %swap3A_1173 : vector<1x16xf32> to vector<16xf32>
          %swap3A_1175 = vector.shape_cast %mul3A_1170 : vector<16xf32> to vector<1x16xf32>
          tpu.vector_store %arg12[%swap3A_1171, %swap3A_1172], %swap3A_1175 {strides = array<i32>} : memref<128x128xf32, #tpu.memory_space<vmem>>, vector<1x16xf32>,
          %get3A_1176 = arith.index_cast %add3A_1145 : i32 to index
          %get3A_1177 = arith.constant 48 : index
          %get3A_1178 = tpu.vector_load %arg12[%get3A_1176, %get3A_1177] {strides = array<i32>} : memref<128x128xf32, #tpu.memory_space<vmem>>, vector<1x16xf32>,
          %get3A_1179 = vector.shape_cast %get3A_1178 : vector<1x16xf32> to vector<16xf32>
          %mul3A_1180 = arith.mulf %get3A_1179, %gather3A_1141 : vector<16xf32>
          %swap3A_1181 = arith.index_cast %add3A_1145 : i32 to index
          %swap3A_1182 = arith.constant 48 : index
          %swap3A_1183 = tpu.vector_load %arg12[%swap3A_1181, %swap3A_1182] {strides = array<i32>} : memref<128x128xf32, #tpu.memory_space<vmem>>, vector<1x16xf32>,
          %swap3A_1184 = vector.shape_cast %swap3A_1183 : vector<1x16xf32> to vector<16xf32>
          %swap3A_1185 = vector.shape_cast %mul3A_1180 : vector<16xf32> to vector<1x16xf32>
          tpu.vector_store %arg12[%swap3A_1181, %swap3A_1182], %swap3A_1185 {strides = array<i32>} : memref<128x128xf32, #tpu.memory_space<vmem>>, vector<1x16xf32>,
          %get3A_1186 = arith.index_cast %add3A_1145 : i32 to index
          %get3A_1187 = arith.constant 64 : index
          %get3A_1188 = tpu.vector_load %arg12[%get3A_1186, %get3A_1187] {strides = array<i32>} : memref<128x128xf32, #tpu.memory_space<vmem>>, vector<1x16xf32>,
          %get3A_1189 = vector.shape_cast %get3A_1188 : vector<1x16xf32> to vector<16xf32>
          %mul3A_1190 = arith.mulf %get3A_1189, %gather3A_1141 : vector<16xf32>
          %swap3A_1191 = arith.index_cast %add3A_1145 : i32 to index
          %swap3A_1192 = arith.constant 64 : index
          %swap3A_1193 = tpu.vector_load %arg12[%swap3A_1191, %swap3A_1192] {strides = array<i32>} : memref<128x128xf32, #tpu.memory_space<vmem>>, vector<1x16xf32>,
          %swap3A_1194 = vector.shape_cast %swap3A_1193 : vector<1x16xf32> to vector<16xf32>
          %swap3A_1195 = vector.shape_cast %mul3A_1190 : vector<16xf32> to vector<1x16xf32>
          tpu.vector_store %arg12[%swap3A_1191, %swap3A_1192], %swap3A_1195 {strides = array<i32>} : memref<128x128xf32, #tpu.memory_space<vmem>>, vector<1x16xf32>,
          %get3A_1196 = arith.index_cast %add3A_1145 : i32 to index
          %get3A_1197 = arith.constant 80 : index
          %get3A_1198 = tpu.vector_load %arg12[%get3A_1196, %get3A_1197] {strides = array<i32>} : memref<128x128xf32, #tpu.memory_space<vmem>>, vector<1x16xf32>,
          %get3A_1199 = vector.shape_cast %get3A_1198 : vector<1x16xf32> to vector<16xf32>
          %mul3A_1200 = arith.mulf %get3A_1199, %gather3A_1141 : vector<16xf32>
          %swap3A_1201 = arith.index_cast %add3A_1145 : i32 to index
          %swap3A_1202 = arith.constant 80 : index
          %swap3A_1203 = tpu.vector_load %arg12[%swap3A_1201, %swap3A_1202] {strides = array<i32>} : memref<128x128xf32, #tpu.memory_space<vmem>>, vector<1x16xf32>,
          %swap3A_1204 = vector.shape_cast %swap3A_1203 : vector<1x16xf32> to vector<16xf32>
          %swap3A_1205 = vector.shape_cast %mul3A_1200 : vector<16xf32> to vector<1x16xf32>
          tpu.vector_store %arg12[%swap3A_1201, %swap3A_1202], %swap3A_1205 {strides = array<i32>} : memref<128x128xf32, #tpu.memory_space<vmem>>, vector<1x16xf32>,
          %get3A_1206 = arith.index_cast %add3A_1145 : i32 to index
          %get3A_1207 = arith.constant 96 : index
          %get3A_1208 = tpu.vector_load %arg12[%get3A_1206, %get3A_1207] {strides = array<i32>} : memref<128x128xf32, #tpu.memory_space<vmem>>, vector<1x16xf32>,
          %get3A_1209 = vector.shape_cast %get3A_1208 : vector<1x16xf32> to vector<16xf32>
          %mul3A_1210 = arith.mulf %get3A_1209, %gather3A_1141 : vector<16xf32>
          %swap3A_1211 = arith.index_cast %add3A_1145 : i32 to index
          %swap3A_1212 = arith.constant 96 : index
          %swap3A_1213 = tpu.vector_load %arg12[%swap3A_1211, %swap3A_1212] {strides = array<i32>} : memref<128x128xf32, #tpu.memory_space<vmem>>, vector<1x16xf32>,
          %swap3A_1214 = vector.shape_cast %swap3A_1213 : vector<1x16xf32> to vector<16xf32>
          %swap3A_1215 = vector.shape_cast %mul3A_1210 : vector<16xf32> to vector<1x16xf32>
          tpu.vector_store %arg12[%swap3A_1211, %swap3A_1212], %swap3A_1215 {strides = array<i32>} : memref<128x128xf32, #tpu.memory_space<vmem>>, vector<1x16xf32>,
          %get3A_1216 = arith.index_cast %add3A_1145 : i32 to index
          %get3A_1217 = arith.constant 112 : index
          %get3A_1218 = tpu.vector_load %arg12[%get3A_1216, %get3A_1217] {strides = array<i32>} : memref<128x128xf32, #tpu.memory_space<vmem>>, vector<1x16xf32>,
          %get3A_1219 = vector.shape_cast %get3A_1218 : vector<1x16xf32> to vector<16xf32>
          %mul3A_1220 = arith.mulf %get3A_1219, %gather3A_1141 : vector<16xf32>
          %swap3A_1221 = arith.index_cast %add3A_1145 : i32 to index
          %swap3A_1222 = arith.constant 112 : index
          %swap3A_1223 = tpu.vector_load %arg12[%swap3A_1221, %swap3A_1222] {strides = array<i32>} : memref<128x128xf32, #tpu.memory_space<vmem>>, vector<1x16xf32>,
          %swap3A_1224 = vector.shape_cast %swap3A_1223 : vector<1x16xf32> to vector<16xf32>
          %swap3A_1225 = vector.shape_cast %mul3A_1220 : vector<16xf32> to vector<1x16xf32>
          tpu.vector_store %arg12[%swap3A_1221, %swap3A_1222], %swap3A_1225 {strides = array<i32>} : memref<128x128xf32, #tpu.memory_space<vmem>>, vector<1x16xf32>,
          %broadcast_in_dim3A_1226 = arith.constant 11 : i32
          %broadcast_in_dim3A_1227 = vector.broadcast %broadcast_in_dim3A_1226 : i32 to vector<16x1xi32>
          %gather3A_1228 = vector.shape_cast %broadcast_in_dim3A_1227 : vector<16x1xi32> to vector<16xi32>
          %gather3A_1229 = tpu.dynamic_gather %get3A_260[%gather3A_1228] in [0] : vector<16xf32>, vector<16xi32> -> vector<16xf32>
          %mul3A_1230 = arith.constant 16 : i32
          %mul3A_1231 = arith.muli %add3A_255, %mul3A_1230 : i32
          %add3A_1232 = arith.constant 11 : i32
          %add3A_1233 = arith.addi %mul3A_1231, %add3A_1232 : i32
          %get3A_1234 = arith.index_cast %add3A_1233 : i32 to index
          %get3A_1235 = arith.constant 0 : index
          %get3A_1236 = tpu.vector_load %arg12[%get3A_1234, %get3A_1235] {strides = array<i32>} : memref<128x128xf32, #tpu.memory_space<vmem>>, vector<1x16xf32>,
          %get3A_1237 = vector.shape_cast %get3A_1236 : vector<1x16xf32> to vector<16xf32>
          %mul3A_1238 = arith.mulf %get3A_1237, %gather3A_1229 : vector<16xf32>
          %swap3A_1239 = arith.index_cast %add3A_1233 : i32 to index
          %swap3A_1240 = arith.constant 0 : index
          %swap3A_1241 = tpu.vector_load %arg12[%swap3A_1239, %swap3A_1240] {strides = array<i32>} : memref<128x128xf32, #tpu.memory_space<vmem>>, vector<1x16xf32>,
          %swap3A_1242 = vector.shape_cast %swap3A_1241 : vector<1x16xf32> to vector<16xf32>
          %swap3A_1243 = vector.shape_cast %mul3A_1238 : vector<16xf32> to vector<1x16xf32>
          tpu.vector_store %arg12[%swap3A_1239, %swap3A_1240], %swap3A_1243 {strides = array<i32>} : memref<128x128xf32, #tpu.memory_space<vmem>>, vector<1x16xf32>,
          %get3A_1244 = arith.index_cast %add3A_1233 : i32 to index
          %get3A_1245 = arith.constant 16 : index
          %get3A_1246 = tpu.vector_load %arg12[%get3A_1244, %get3A_1245] {strides = array<i32>} : memref<128x128xf32, #tpu.memory_space<vmem>>, vector<1x16xf32>,
          %get3A_1247 = vector.shape_cast %get3A_1246 : vector<1x16xf32> to vector<16xf32>
          %mul3A_1248 = arith.mulf %get3A_1247, %gather3A_1229 : vector<16xf32>
          %swap3A_1249 = arith.index_cast %add3A_1233 : i32 to index
          %swap3A_1250 = arith.constant 16 : index
          %swap3A_1251 = tpu.vector_load %arg12[%swap3A_1249, %swap3A_1250] {strides = array<i32>} : memref<128x128xf32, #tpu.memory_space<vmem>>, vector<1x16xf32>,
          %swap3A_1252 = vector.shape_cast %swap3A_1251 : vector<1x16xf32> to vector<16xf32>
          %swap3A_1253 = vector.shape_cast %mul3A_1248 : vector<16xf32> to vector<1x16xf32>
          tpu.vector_store %arg12[%swap3A_1249, %swap3A_1250], %swap3A_1253 {strides = array<i32>} : memref<128x128xf32, #tpu.memory_space<vmem>>, vector<1x16xf32>,
          %get3A_1254 = arith.index_cast %add3A_1233 : i32 to index
          %get3A_1255 = arith.constant 32 : index
          %get3A_1256 = tpu.vector_load %arg12[%get3A_1254, %get3A_1255] {strides = array<i32>} : memref<128x128xf32, #tpu.memory_space<vmem>>, vector<1x16xf32>,
          %get3A_1257 = vector.shape_cast %get3A_1256 : vector<1x16xf32> to vector<16xf32>
          %mul3A_1258 = arith.mulf %get3A_1257, %gather3A_1229 : vector<16xf32>
          %swap3A_1259 = arith.index_cast %add3A_1233 : i32 to index
          %swap3A_1260 = arith.constant 32 : index
          %swap3A_1261 = tpu.vector_load %arg12[%swap3A_1259, %swap3A_1260] {strides = array<i32>} : memref<128x128xf32, #tpu.memory_space<vmem>>, vector<1x16xf32>,
          %swap3A_1262 = vector.shape_cast %swap3A_1261 : vector<1x16xf32> to vector<16xf32>
          %swap3A_1263 = vector.shape_cast %mul3A_1258 : vector<16xf32> to vector<1x16xf32>
          tpu.vector_store %arg12[%swap3A_1259, %swap3A_1260], %swap3A_1263 {strides = array<i32>} : memref<128x128xf32, #tpu.memory_space<vmem>>, vector<1x16xf32>,
          %get3A_1264 = arith.index_cast %add3A_1233 : i32 to index
          %get3A_1265 = arith.constant 48 : index
          %get3A_1266 = tpu.vector_load %arg12[%get3A_1264, %get3A_1265] {strides = array<i32>} : memref<128x128xf32, #tpu.memory_space<vmem>>, vector<1x16xf32>,
          %get3A_1267 = vector.shape_cast %get3A_1266 : vector<1x16xf32> to vector<16xf32>
          %mul3A_1268 = arith.mulf %get3A_1267, %gather3A_1229 : vector<16xf32>
          %swap3A_1269 = arith.index_cast %add3A_1233 : i32 to index
          %swap3A_1270 = arith.constant 48 : index
          %swap3A_1271 = tpu.vector_load %arg12[%swap3A_1269, %swap3A_1270] {strides = array<i32>} : memref<128x128xf32, #tpu.memory_space<vmem>>, vector<1x16xf32>,
          %swap3A_1272 = vector.shape_cast %swap3A_1271 : vector<1x16xf32> to vector<16xf32>
          %swap3A_1273 = vector.shape_cast %mul3A_1268 : vector<16xf32> to vector<1x16xf32>
          tpu.vector_store %arg12[%swap3A_1269, %swap3A_1270], %swap3A_1273 {strides = array<i32>} : memref<128x128xf32, #tpu.memory_space<vmem>>, vector<1x16xf32>,
          %get3A_1274 = arith.index_cast %add3A_1233 : i32 to index
          %get3A_1275 = arith.constant 64 : index
          %get3A_1276 = tpu.vector_load %arg12[%get3A_1274, %get3A_1275] {strides = array<i32>} : memref<128x128xf32, #tpu.memory_space<vmem>>, vector<1x16xf32>,
          %get3A_1277 = vector.shape_cast %get3A_1276 : vector<1x16xf32> to vector<16xf32>
          %mul3A_1278 = arith.mulf %get3A_1277, %gather3A_1229 : vector<16xf32>
          %swap3A_1279 = arith.index_cast %add3A_1233 : i32 to index
          %swap3A_1280 = arith.constant 64 : index
          %swap3A_1281 = tpu.vector_load %arg12[%swap3A_1279, %swap3A_1280] {strides = array<i32>} : memref<128x128xf32, #tpu.memory_space<vmem>>, vector<1x16xf32>,
          %swap3A_1282 = vector.shape_cast %swap3A_1281 : vector<1x16xf32> to vector<16xf32>
          %swap3A_1283 = vector.shape_cast %mul3A_1278 : vector<16xf32> to vector<1x16xf32>
          tpu.vector_store %arg12[%swap3A_1279, %swap3A_1280], %swap3A_1283 {strides = array<i32>} : memref<128x128xf32, #tpu.memory_space<vmem>>, vector<1x16xf32>,
          %get3A_1284 = arith.index_cast %add3A_1233 : i32 to index
          %get3A_1285 = arith.constant 80 : index
          %get3A_1286 = tpu.vector_load %arg12[%get3A_1284, %get3A_1285] {strides = array<i32>} : memref<128x128xf32, #tpu.memory_space<vmem>>, vector<1x16xf32>,
          %get3A_1287 = vector.shape_cast %get3A_1286 : vector<1x16xf32> to vector<16xf32>
          %mul3A_1288 = arith.mulf %get3A_1287, %gather3A_1229 : vector<16xf32>
          %swap3A_1289 = arith.index_cast %add3A_1233 : i32 to index
          %swap3A_1290 = arith.constant 80 : index
          %swap3A_1291 = tpu.vector_load %arg12[%swap3A_1289, %swap3A_1290] {strides = array<i32>} : memref<128x128xf32, #tpu.memory_space<vmem>>, vector<1x16xf32>,
          %swap3A_1292 = vector.shape_cast %swap3A_1291 : vector<1x16xf32> to vector<16xf32>
          %swap3A_1293 = vector.shape_cast %mul3A_1288 : vector<16xf32> to vector<1x16xf32>
          tpu.vector_store %arg12[%swap3A_1289, %swap3A_1290], %swap3A_1293 {strides = array<i32>} : memref<128x128xf32, #tpu.memory_space<vmem>>, vector<1x16xf32>,
          %get3A_1294 = arith.index_cast %add3A_1233 : i32 to index
          %get3A_1295 = arith.constant 96 : index
          %get3A_1296 = tpu.vector_load %arg12[%get3A_1294, %get3A_1295] {strides = array<i32>} : memref<128x128xf32, #tpu.memory_space<vmem>>, vector<1x16xf32>,
          %get3A_1297 = vector.shape_cast %get3A_1296 : vector<1x16xf32> to vector<16xf32>
          %mul3A_1298 = arith.mulf %get3A_1297, %gather3A_1229 : vector<16xf32>
          %swap3A_1299 = arith.index_cast %add3A_1233 : i32 to index
          %swap3A_1300 = arith.constant 96 : index
          %swap3A_1301 = tpu.vector_load %arg12[%swap3A_1299, %swap3A_1300] {strides = array<i32>} : memref<128x128xf32, #tpu.memory_space<vmem>>, vector<1x16xf32>,
          %swap3A_1302 = vector.shape_cast %swap3A_1301 : vector<1x16xf32> to vector<16xf32>
          %swap3A_1303 = vector.shape_cast %mul3A_1298 : vector<16xf32> to vector<1x16xf32>
          tpu.vector_store %arg12[%swap3A_1299, %swap3A_1300], %swap3A_1303 {strides = array<i32>} : memref<128x128xf32, #tpu.memory_space<vmem>>, vector<1x16xf32>,
          %get3A_1304 = arith.index_cast %add3A_1233 : i32 to index
          %get3A_1305 = arith.constant 112 : index
          %get3A_1306 = tpu.vector_load %arg12[%get3A_1304, %get3A_1305] {strides = array<i32>} : memref<128x128xf32, #tpu.memory_space<vmem>>, vector<1x16xf32>,
          %get3A_1307 = vector.shape_cast %get3A_1306 : vector<1x16xf32> to vector<16xf32>
          %mul3A_1308 = arith.mulf %get3A_1307, %gather3A_1229 : vector<16xf32>
          %swap3A_1309 = arith.index_cast %add3A_1233 : i32 to index
          %swap3A_1310 = arith.constant 112 : index
          %swap3A_1311 = tpu.vector_load %arg12[%swap3A_1309, %swap3A_1310] {strides = array<i32>} : memref<128x128xf32, #tpu.memory_space<vmem>>, vector<1x16xf32>,
          %swap3A_1312 = vector.shape_cast %swap3A_1311 : vector<1x16xf32> to vector<16xf32>
          %swap3A_1313 = vector.shape_cast %mul3A_1308 : vector<16xf32> to vector<1x16xf32>
          tpu.vector_store %arg12[%swap3A_1309, %swap3A_1310], %swap3A_1313 {strides = array<i32>} : memref<128x128xf32, #tpu.memory_space<vmem>>, vector<1x16xf32>,
          %broadcast_in_dim3A_1314 = arith.constant 12 : i32
          %broadcast_in_dim3A_1315 = vector.broadcast %broadcast_in_dim3A_1314 : i32 to vector<16x1xi32>
          %gather3A_1316 = vector.shape_cast %broadcast_in_dim3A_1315 : vector<16x1xi32> to vector<16xi32>
          %gather3A_1317 = tpu.dynamic_gather %get3A_260[%gather3A_1316] in [0] : vector<16xf32>, vector<16xi32> -> vector<16xf32>
          %mul3A_1318 = arith.constant 16 : i32
          %mul3A_1319 = arith.muli %add3A_255, %mul3A_1318 : i32
          %add3A_1320 = arith.constant 12 : i32
          %add3A_1321 = arith.addi %mul3A_1319, %add3A_1320 : i32
          %get3A_1322 = arith.index_cast %add3A_1321 : i32 to index
          %get3A_1323 = arith.constant 0 : index
          %get3A_1324 = tpu.vector_load %arg12[%get3A_1322, %get3A_1323] {strides = array<i32>} : memref<128x128xf32, #tpu.memory_space<vmem>>, vector<1x16xf32>,
          %get3A_1325 = vector.shape_cast %get3A_1324 : vector<1x16xf32> to vector<16xf32>
          %mul3A_1326 = arith.mulf %get3A_1325, %gather3A_1317 : vector<16xf32>
          %swap3A_1327 = arith.index_cast %add3A_1321 : i32 to index
          %swap3A_1328 = arith.constant 0 : index
          %swap3A_1329 = tpu.vector_load %arg12[%swap3A_1327, %swap3A_1328] {strides = array<i32>} : memref<128x128xf32, #tpu.memory_space<vmem>>, vector<1x16xf32>,
          %swap3A_1330 = vector.shape_cast %swap3A_1329 : vector<1x16xf32> to vector<16xf32>
          %swap3A_1331 = vector.shape_cast %mul3A_1326 : vector<16xf32> to vector<1x16xf32>
          tpu.vector_store %arg12[%swap3A_1327, %swap3A_1328], %swap3A_1331 {strides = array<i32>} : memref<128x128xf32, #tpu.memory_space<vmem>>, vector<1x16xf32>,
          %get3A_1332 = arith.index_cast %add3A_1321 : i32 to index
          %get3A_1333 = arith.constant 16 : index
          %get3A_1334 = tpu.vector_load %arg12[%get3A_1332, %get3A_1333] {strides = array<i32>} : memref<128x128xf32, #tpu.memory_space<vmem>>, vector<1x16xf32>,
          %get3A_1335 = vector.shape_cast %get3A_1334 : vector<1x16xf32> to vector<16xf32>
          %mul3A_1336 = arith.mulf %get3A_1335, %gather3A_1317 : vector<16xf32>
          %swap3A_1337 = arith.index_cast %add3A_1321 : i32 to index
          %swap3A_1338 = arith.constant 16 : index
          %swap3A_1339 = tpu.vector_load %arg12[%swap3A_1337, %swap3A_1338] {strides = array<i32>} : memref<128x128xf32, #tpu.memory_space<vmem>>, vector<1x16xf32>,
          %swap3A_1340 = vector.shape_cast %swap3A_1339 : vector<1x16xf32> to vector<16xf32>
          %swap3A_1341 = vector.shape_cast %mul3A_1336 : vector<16xf32> to vector<1x16xf32>
          tpu.vector_store %arg12[%swap3A_1337, %swap3A_1338], %swap3A_1341 {strides = array<i32>} : memref<128x128xf32, #tpu.memory_space<vmem>>, vector<1x16xf32>,
          %get3A_1342 = arith.index_cast %add3A_1321 : i32 to index
          %get3A_1343 = arith.constant 32 : index
          %get3A_1344 = tpu.vector_load %arg12[%get3A_1342, %get3A_1343] {strides = array<i32>} : memref<128x128xf32, #tpu.memory_space<vmem>>, vector<1x16xf32>,
          %get3A_1345 = vector.shape_cast %get3A_1344 : vector<1x16xf32> to vector<16xf32>
          %mul3A_1346 = arith.mulf %get3A_1345, %gather3A_1317 : vector<16xf32>
          %swap3A_1347 = arith.index_cast %add3A_1321 : i32 to index
          %swap3A_1348 = arith.constant 32 : index
          %swap3A_1349 = tpu.vector_load %arg12[%swap3A_1347, %swap3A_1348] {strides = array<i32>} : memref<128x128xf32, #tpu.memory_space<vmem>>, vector<1x16xf32>,
          %swap3A_1350 = vector.shape_cast %swap3A_1349 : vector<1x16xf32> to vector<16xf32>
          %swap3A_1351 = vector.shape_cast %mul3A_1346 : vector<16xf32> to vector<1x16xf32>
          tpu.vector_store %arg12[%swap3A_1347, %swap3A_1348], %swap3A_1351 {strides = array<i32>} : memref<128x128xf32, #tpu.memory_space<vmem>>, vector<1x16xf32>,
          %get3A_1352 = arith.index_cast %add3A_1321 : i32 to index
          %get3A_1353 = arith.constant 48 : index
          %get3A_1354 = tpu.vector_load %arg12[%get3A_1352, %get3A_1353] {strides = array<i32>} : memref<128x128xf32, #tpu.memory_space<vmem>>, vector<1x16xf32>,
          %get3A_1355 = vector.shape_cast %get3A_1354 : vector<1x16xf32> to vector<16xf32>
          %mul3A_1356 = arith.mulf %get3A_1355, %gather3A_1317 : vector<16xf32>
          %swap3A_1357 = arith.index_cast %add3A_1321 : i32 to index
          %swap3A_1358 = arith.constant 48 : index
          %swap3A_1359 = tpu.vector_load %arg12[%swap3A_1357, %swap3A_1358] {strides = array<i32>} : memref<128x128xf32, #tpu.memory_space<vmem>>, vector<1x16xf32>,
          %swap3A_1360 = vector.shape_cast %swap3A_1359 : vector<1x16xf32> to vector<16xf32>
          %swap3A_1361 = vector.shape_cast %mul3A_1356 : vector<16xf32> to vector<1x16xf32>
          tpu.vector_store %arg12[%swap3A_1357, %swap3A_1358], %swap3A_1361 {strides = array<i32>} : memref<128x128xf32, #tpu.memory_space<vmem>>, vector<1x16xf32>,
          %get3A_1362 = arith.index_cast %add3A_1321 : i32 to index
          %get3A_1363 = arith.constant 64 : index
          %get3A_1364 = tpu.vector_load %arg12[%get3A_1362, %get3A_1363] {strides = array<i32>} : memref<128x128xf32, #tpu.memory_space<vmem>>, vector<1x16xf32>,
          %get3A_1365 = vector.shape_cast %get3A_1364 : vector<1x16xf32> to vector<16xf32>
          %mul3A_1366 = arith.mulf %get3A_1365, %gather3A_1317 : vector<16xf32>
          %swap3A_1367 = arith.index_cast %add3A_1321 : i32 to index
          %swap3A_1368 = arith.constant 64 : index
          %swap3A_1369 = tpu.vector_load %arg12[%swap3A_1367, %swap3A_1368] {strides = array<i32>} : memref<128x128xf32, #tpu.memory_space<vmem>>, vector<1x16xf32>,
          %swap3A_1370 = vector.shape_cast %swap3A_1369 : vector<1x16xf32> to vector<16xf32>
          %swap3A_1371 = vector.shape_cast %mul3A_1366 : vector<16xf32> to vector<1x16xf32>
          tpu.vector_store %arg12[%swap3A_1367, %swap3A_1368], %swap3A_1371 {strides = array<i32>} : memref<128x128xf32, #tpu.memory_space<vmem>>, vector<1x16xf32>,
          %get3A_1372 = arith.index_cast %add3A_1321 : i32 to index
          %get3A_1373 = arith.constant 80 : index
          %get3A_1374 = tpu.vector_load %arg12[%get3A_1372, %get3A_1373] {strides = array<i32>} : memref<128x128xf32, #tpu.memory_space<vmem>>, vector<1x16xf32>,
          %get3A_1375 = vector.shape_cast %get3A_1374 : vector<1x16xf32> to vector<16xf32>
          %mul3A_1376 = arith.mulf %get3A_1375, %gather3A_1317 : vector<16xf32>
          %swap3A_1377 = arith.index_cast %add3A_1321 : i32 to index
          %swap3A_1378 = arith.constant 80 : index
          %swap3A_1379 = tpu.vector_load %arg12[%swap3A_1377, %swap3A_1378] {strides = array<i32>} : memref<128x128xf32, #tpu.memory_space<vmem>>, vector<1x16xf32>,
          %swap3A_1380 = vector.shape_cast %swap3A_1379 : vector<1x16xf32> to vector<16xf32>
          %swap3A_1381 = vector.shape_cast %mul3A_1376 : vector<16xf32> to vector<1x16xf32>
          tpu.vector_store %arg12[%swap3A_1377, %swap3A_1378], %swap3A_1381 {strides = array<i32>} : memref<128x128xf32, #tpu.memory_space<vmem>>, vector<1x16xf32>,
          %get3A_1382 = arith.index_cast %add3A_1321 : i32 to index
          %get3A_1383 = arith.constant 96 : index
          %get3A_1384 = tpu.vector_load %arg12[%get3A_1382, %get3A_1383] {strides = array<i32>} : memref<128x128xf32, #tpu.memory_space<vmem>>, vector<1x16xf32>,
          %get3A_1385 = vector.shape_cast %get3A_1384 : vector<1x16xf32> to vector<16xf32>
          %mul3A_1386 = arith.mulf %get3A_1385, %gather3A_1317 : vector<16xf32>
          %swap3A_1387 = arith.index_cast %add3A_1321 : i32 to index
          %swap3A_1388 = arith.constant 96 : index
          %swap3A_1389 = tpu.vector_load %arg12[%swap3A_1387, %swap3A_1388] {strides = array<i32>} : memref<128x128xf32, #tpu.memory_space<vmem>>, vector<1x16xf32>,
          %swap3A_1390 = vector.shape_cast %swap3A_1389 : vector<1x16xf32> to vector<16xf32>
          %swap3A_1391 = vector.shape_cast %mul3A_1386 : vector<16xf32> to vector<1x16xf32>
          tpu.vector_store %arg12[%swap3A_1387, %swap3A_1388], %swap3A_1391 {strides = array<i32>} : memref<128x128xf32, #tpu.memory_space<vmem>>, vector<1x16xf32>,
          %get3A_1392 = arith.index_cast %add3A_1321 : i32 to index
          %get3A_1393 = arith.constant 112 : index
          %get3A_1394 = tpu.vector_load %arg12[%get3A_1392, %get3A_1393] {strides = array<i32>} : memref<128x128xf32, #tpu.memory_space<vmem>>, vector<1x16xf32>,
          %get3A_1395 = vector.shape_cast %get3A_1394 : vector<1x16xf32> to vector<16xf32>
          %mul3A_1396 = arith.mulf %get3A_1395, %gather3A_1317 : vector<16xf32>
          %swap3A_1397 = arith.index_cast %add3A_1321 : i32 to index
          %swap3A_1398 = arith.constant 112 : index
          %swap3A_1399 = tpu.vector_load %arg12[%swap3A_1397, %swap3A_1398] {strides = array<i32>} : memref<128x128xf32, #tpu.memory_space<vmem>>, vector<1x16xf32>,
          %swap3A_1400 = vector.shape_cast %swap3A_1399 : vector<1x16xf32> to vector<16xf32>
          %swap3A_1401 = vector.shape_cast %mul3A_1396 : vector<16xf32> to vector<1x16xf32>
          tpu.vector_store %arg12[%swap3A_1397, %swap3A_1398], %swap3A_1401 {strides = array<i32>} : memref<128x128xf32, #tpu.memory_space<vmem>>, vector<1x16xf32>,
          %broadcast_in_dim3A_1402 = arith.constant 13 : i32
          %broadcast_in_dim3A_1403 = vector.broadcast %broadcast_in_dim3A_1402 : i32 to vector<16x1xi32>
          %gather3A_1404 = vector.shape_cast %broadcast_in_dim3A_1403 : vector<16x1xi32> to vector<16xi32>
          %gather3A_1405 = tpu.dynamic_gather %get3A_260[%gather3A_1404] in [0] : vector<16xf32>, vector<16xi32> -> vector<16xf32>
          %mul3A_1406 = arith.constant 16 : i32
          %mul3A_1407 = arith.muli %add3A_255, %mul3A_1406 : i32
          %add3A_1408 = arith.constant 13 : i32
          %add3A_1409 = arith.addi %mul3A_1407, %add3A_1408 : i32
          %get3A_1410 = arith.index_cast %add3A_1409 : i32 to index
          %get3A_1411 = arith.constant 0 : index
          %get3A_1412 = tpu.vector_load %arg12[%get3A_1410, %get3A_1411] {strides = array<i32>} : memref<128x128xf32, #tpu.memory_space<vmem>>, vector<1x16xf32>,
          %get3A_1413 = vector.shape_cast %get3A_1412 : vector<1x16xf32> to vector<16xf32>
          %mul3A_1414 = arith.mulf %get3A_1413, %gather3A_1405 : vector<16xf32>
          %swap3A_1415 = arith.index_cast %add3A_1409 : i32 to index
          %swap3A_1416 = arith.constant 0 : index
          %swap3A_1417 = tpu.vector_load %arg12[%swap3A_1415, %swap3A_1416] {strides = array<i32>} : memref<128x128xf32, #tpu.memory_space<vmem>>, vector<1x16xf32>,
          %swap3A_1418 = vector.shape_cast %swap3A_1417 : vector<1x16xf32> to vector<16xf32>
          %swap3A_1419 = vector.shape_cast %mul3A_1414 : vector<16xf32> to vector<1x16xf32>
          tpu.vector_store %arg12[%swap3A_1415, %swap3A_1416], %swap3A_1419 {strides = array<i32>} : memref<128x128xf32, #tpu.memory_space<vmem>>, vector<1x16xf32>,
          %get3A_1420 = arith.index_cast %add3A_1409 : i32 to index
          %get3A_1421 = arith.constant 16 : index
          %get3A_1422 = tpu.vector_load %arg12[%get3A_1420, %get3A_1421] {strides = array<i32>} : memref<128x128xf32, #tpu.memory_space<vmem>>, vector<1x16xf32>,
          %get3A_1423 = vector.shape_cast %get3A_1422 : vector<1x16xf32> to vector<16xf32>
          %mul3A_1424 = arith.mulf %get3A_1423, %gather3A_1405 : vector<16xf32>
          %swap3A_1425 = arith.index_cast %add3A_1409 : i32 to index
          %swap3A_1426 = arith.constant 16 : index
          %swap3A_1427 = tpu.vector_load %arg12[%swap3A_1425, %swap3A_1426] {strides = array<i32>} : memref<128x128xf32, #tpu.memory_space<vmem>>, vector<1x16xf32>,
          %swap3A_1428 = vector.shape_cast %swap3A_1427 : vector<1x16xf32> to vector<16xf32>
          %swap3A_1429 = vector.shape_cast %mul3A_1424 : vector<16xf32> to vector<1x16xf32>
          tpu.vector_store %arg12[%swap3A_1425, %swap3A_1426], %swap3A_1429 {strides = array<i32>} : memref<128x128xf32, #tpu.memory_space<vmem>>, vector<1x16xf32>,
          %get3A_1430 = arith.index_cast %add3A_1409 : i32 to index
          %get3A_1431 = arith.constant 32 : index
          %get3A_1432 = tpu.vector_load %arg12[%get3A_1430, %get3A_1431] {strides = array<i32>} : memref<128x128xf32, #tpu.memory_space<vmem>>, vector<1x16xf32>,
          %get3A_1433 = vector.shape_cast %get3A_1432 : vector<1x16xf32> to vector<16xf32>
          %mul3A_1434 = arith.mulf %get3A_1433, %gather3A_1405 : vector<16xf32>
          %swap3A_1435 = arith.index_cast %add3A_1409 : i32 to index
          %swap3A_1436 = arith.constant 32 : index
          %swap3A_1437 = tpu.vector_load %arg12[%swap3A_1435, %swap3A_1436] {strides = array<i32>} : memref<128x128xf32, #tpu.memory_space<vmem>>, vector<1x16xf32>,
          %swap3A_1438 = vector.shape_cast %swap3A_1437 : vector<1x16xf32> to vector<16xf32>
          %swap3A_1439 = vector.shape_cast %mul3A_1434 : vector<16xf32> to vector<1x16xf32>
          tpu.vector_store %arg12[%swap3A_1435, %swap3A_1436], %swap3A_1439 {strides = array<i32>} : memref<128x128xf32, #tpu.memory_space<vmem>>, vector<1x16xf32>,
          %get3A_1440 = arith.index_cast %add3A_1409 : i32 to index
          %get3A_1441 = arith.constant 48 : index
          %get3A_1442 = tpu.vector_load %arg12[%get3A_1440, %get3A_1441] {strides = array<i32>} : memref<128x128xf32, #tpu.memory_space<vmem>>, vector<1x16xf32>,
          %get3A_1443 = vector.shape_cast %get3A_1442 : vector<1x16xf32> to vector<16xf32>
          %mul3A_1444 = arith.mulf %get3A_1443, %gather3A_1405 : vector<16xf32>
          %swap3A_1445 = arith.index_cast %add3A_1409 : i32 to index
          %swap3A_1446 = arith.constant 48 : index
          %swap3A_1447 = tpu.vector_load %arg12[%swap3A_1445, %swap3A_1446] {strides = array<i32>} : memref<128x128xf32, #tpu.memory_space<vmem>>, vector<1x16xf32>,
          %swap3A_1448 = vector.shape_cast %swap3A_1447 : vector<1x16xf32> to vector<16xf32>
          %swap3A_1449 = vector.shape_cast %mul3A_1444 : vector<16xf32> to vector<1x16xf32>
          tpu.vector_store %arg12[%swap3A_1445, %swap3A_1446], %swap3A_1449 {strides = array<i32>} : memref<128x128xf32, #tpu.memory_space<vmem>>, vector<1x16xf32>,
          %get3A_1450 = arith.index_cast %add3A_1409 : i32 to index
          %get3A_1451 = arith.constant 64 : index
          %get3A_1452 = tpu.vector_load %arg12[%get3A_1450, %get3A_1451] {strides = array<i32>} : memref<128x128xf32, #tpu.memory_space<vmem>>, vector<1x16xf32>,
          %get3A_1453 = vector.shape_cast %get3A_1452 : vector<1x16xf32> to vector<16xf32>
          %mul3A_1454 = arith.mulf %get3A_1453, %gather3A_1405 : vector<16xf32>
          %swap3A_1455 = arith.index_cast %add3A_1409 : i32 to index
          %swap3A_1456 = arith.constant 64 : index
          %swap3A_1457 = tpu.vector_load %arg12[%swap3A_1455, %swap3A_1456] {strides = array<i32>} : memref<128x128xf32, #tpu.memory_space<vmem>>, vector<1x16xf32>,
          %swap3A_1458 = vector.shape_cast %swap3A_1457 : vector<1x16xf32> to vector<16xf32>
          %swap3A_1459 = vector.shape_cast %mul3A_1454 : vector<16xf32> to vector<1x16xf32>
          tpu.vector_store %arg12[%swap3A_1455, %swap3A_1456], %swap3A_1459 {strides = array<i32>} : memref<128x128xf32, #tpu.memory_space<vmem>>, vector<1x16xf32>,
          %get3A_1460 = arith.index_cast %add3A_1409 : i32 to index
          %get3A_1461 = arith.constant 80 : index
          %get3A_1462 = tpu.vector_load %arg12[%get3A_1460, %get3A_1461] {strides = array<i32>} : memref<128x128xf32, #tpu.memory_space<vmem>>, vector<1x16xf32>,
          %get3A_1463 = vector.shape_cast %get3A_1462 : vector<1x16xf32> to vector<16xf32>
          %mul3A_1464 = arith.mulf %get3A_1463, %gather3A_1405 : vector<16xf32>
          %swap3A_1465 = arith.index_cast %add3A_1409 : i32 to index
          %swap3A_1466 = arith.constant 80 : index
          %swap3A_1467 = tpu.vector_load %arg12[%swap3A_1465, %swap3A_1466] {strides = array<i32>} : memref<128x128xf32, #tpu.memory_space<vmem>>, vector<1x16xf32>,
          %swap3A_1468 = vector.shape_cast %swap3A_1467 : vector<1x16xf32> to vector<16xf32>
          %swap3A_1469 = vector.shape_cast %mul3A_1464 : vector<16xf32> to vector<1x16xf32>
          tpu.vector_store %arg12[%swap3A_1465, %swap3A_1466], %swap3A_1469 {strides = array<i32>} : memref<128x128xf32, #tpu.memory_space<vmem>>, vector<1x16xf32>,
          %get3A_1470 = arith.index_cast %add3A_1409 : i32 to index
          %get3A_1471 = arith.constant 96 : index
          %get3A_1472 = tpu.vector_load %arg12[%get3A_1470, %get3A_1471] {strides = array<i32>} : memref<128x128xf32, #tpu.memory_space<vmem>>, vector<1x16xf32>,
          %get3A_1473 = vector.shape_cast %get3A_1472 : vector<1x16xf32> to vector<16xf32>
          %mul3A_1474 = arith.mulf %get3A_1473, %gather3A_1405 : vector<16xf32>
          %swap3A_1475 = arith.index_cast %add3A_1409 : i32 to index
          %swap3A_1476 = arith.constant 96 : index
          %swap3A_1477 = tpu.vector_load %arg12[%swap3A_1475, %swap3A_1476] {strides = array<i32>} : memref<128x128xf32, #tpu.memory_space<vmem>>, vector<1x16xf32>,
          %swap3A_1478 = vector.shape_cast %swap3A_1477 : vector<1x16xf32> to vector<16xf32>
          %swap3A_1479 = vector.shape_cast %mul3A_1474 : vector<16xf32> to vector<1x16xf32>
          tpu.vector_store %arg12[%swap3A_1475, %swap3A_1476], %swap3A_1479 {strides = array<i32>} : memref<128x128xf32, #tpu.memory_space<vmem>>, vector<1x16xf32>,
          %get3A_1480 = arith.index_cast %add3A_1409 : i32 to index
          %get3A_1481 = arith.constant 112 : index
          %get3A_1482 = tpu.vector_load %arg12[%get3A_1480, %get3A_1481] {strides = array<i32>} : memref<128x128xf32, #tpu.memory_space<vmem>>, vector<1x16xf32>,
          %get3A_1483 = vector.shape_cast %get3A_1482 : vector<1x16xf32> to vector<16xf32>
          %mul3A_1484 = arith.mulf %get3A_1483, %gather3A_1405 : vector<16xf32>
          %swap3A_1485 = arith.index_cast %add3A_1409 : i32 to index
          %swap3A_1486 = arith.constant 112 : index
          %swap3A_1487 = tpu.vector_load %arg12[%swap3A_1485, %swap3A_1486] {strides = array<i32>} : memref<128x128xf32, #tpu.memory_space<vmem>>, vector<1x16xf32>,
          %swap3A_1488 = vector.shape_cast %swap3A_1487 : vector<1x16xf32> to vector<16xf32>
          %swap3A_1489 = vector.shape_cast %mul3A_1484 : vector<16xf32> to vector<1x16xf32>
          tpu.vector_store %arg12[%swap3A_1485, %swap3A_1486], %swap3A_1489 {strides = array<i32>} : memref<128x128xf32, #tpu.memory_space<vmem>>, vector<1x16xf32>,
          %broadcast_in_dim3A_1490 = arith.constant 14 : i32
          %broadcast_in_dim3A_1491 = vector.broadcast %broadcast_in_dim3A_1490 : i32 to vector<16x1xi32>
          %gather3A_1492 = vector.shape_cast %broadcast_in_dim3A_1491 : vector<16x1xi32> to vector<16xi32>
          %gather3A_1493 = tpu.dynamic_gather %get3A_260[%gather3A_1492] in [0] : vector<16xf32>, vector<16xi32> -> vector<16xf32>
          %mul3A_1494 = arith.constant 16 : i32
          %mul3A_1495 = arith.muli %add3A_255, %mul3A_1494 : i32
          %add3A_1496 = arith.constant 14 : i32
          %add3A_1497 = arith.addi %mul3A_1495, %add3A_1496 : i32
          %get3A_1498 = arith.index_cast %add3A_1497 : i32 to index
          %get3A_1499 = arith.constant 0 : index
          %get3A_1500 = tpu.vector_load %arg12[%get3A_1498, %get3A_1499] {strides = array<i32>} : memref<128x128xf32, #tpu.memory_space<vmem>>, vector<1x16xf32>,
          %get3A_1501 = vector.shape_cast %get3A_1500 : vector<1x16xf32> to vector<16xf32>
          %mul3A_1502 = arith.mulf %get3A_1501, %gather3A_1493 : vector<16xf32>
          %swap3A_1503 = arith.index_cast %add3A_1497 : i32 to index
          %swap3A_1504 = arith.constant 0 : index
          %swap3A_1505 = tpu.vector_load %arg12[%swap3A_1503, %swap3A_1504] {strides = array<i32>} : memref<128x128xf32, #tpu.memory_space<vmem>>, vector<1x16xf32>,
          %swap3A_1506 = vector.shape_cast %swap3A_1505 : vector<1x16xf32> to vector<16xf32>
          %swap3A_1507 = vector.shape_cast %mul3A_1502 : vector<16xf32> to vector<1x16xf32>
          tpu.vector_store %arg12[%swap3A_1503, %swap3A_1504], %swap3A_1507 {strides = array<i32>} : memref<128x128xf32, #tpu.memory_space<vmem>>, vector<1x16xf32>,
          %get3A_1508 = arith.index_cast %add3A_1497 : i32 to index
          %get3A_1509 = arith.constant 16 : index
          %get3A_1510 = tpu.vector_load %arg12[%get3A_1508, %get3A_1509] {strides = array<i32>} : memref<128x128xf32, #tpu.memory_space<vmem>>, vector<1x16xf32>,
          %get3A_1511 = vector.shape_cast %get3A_1510 : vector<1x16xf32> to vector<16xf32>
          %mul3A_1512 = arith.mulf %get3A_1511, %gather3A_1493 : vector<16xf32>
          %swap3A_1513 = arith.index_cast %add3A_1497 : i32 to index
          %swap3A_1514 = arith.constant 16 : index
          %swap3A_1515 = tpu.vector_load %arg12[%swap3A_1513, %swap3A_1514] {strides = array<i32>} : memref<128x128xf32, #tpu.memory_space<vmem>>, vector<1x16xf32>,
          %swap3A_1516 = vector.shape_cast %swap3A_1515 : vector<1x16xf32> to vector<16xf32>
          %swap3A_1517 = vector.shape_cast %mul3A_1512 : vector<16xf32> to vector<1x16xf32>
          tpu.vector_store %arg12[%swap3A_1513, %swap3A_1514], %swap3A_1517 {strides = array<i32>} : memref<128x128xf32, #tpu.memory_space<vmem>>, vector<1x16xf32>,
          %get3A_1518 = arith.index_cast %add3A_1497 : i32 to index
          %get3A_1519 = arith.constant 32 : index
          %get3A_1520 = tpu.vector_load %arg12[%get3A_1518, %get3A_1519] {strides = array<i32>} : memref<128x128xf32, #tpu.memory_space<vmem>>, vector<1x16xf32>,
          %get3A_1521 = vector.shape_cast %get3A_1520 : vector<1x16xf32> to vector<16xf32>
          %mul3A_1522 = arith.mulf %get3A_1521, %gather3A_1493 : vector<16xf32>
          %swap3A_1523 = arith.index_cast %add3A_1497 : i32 to index
          %swap3A_1524 = arith.constant 32 : index
          %swap3A_1525 = tpu.vector_load %arg12[%swap3A_1523, %swap3A_1524] {strides = array<i32>} : memref<128x128xf32, #tpu.memory_space<vmem>>, vector<1x16xf32>,
          %swap3A_1526 = vector.shape_cast %swap3A_1525 : vector<1x16xf32> to vector<16xf32>
          %swap3A_1527 = vector.shape_cast %mul3A_1522 : vector<16xf32> to vector<1x16xf32>
          tpu.vector_store %arg12[%swap3A_1523, %swap3A_1524], %swap3A_1527 {strides = array<i32>} : memref<128x128xf32, #tpu.memory_space<vmem>>, vector<1x16xf32>,
          %get3A_1528 = arith.index_cast %add3A_1497 : i32 to index
          %get3A_1529 = arith.constant 48 : index
          %get3A_1530 = tpu.vector_load %arg12[%get3A_1528, %get3A_1529] {strides = array<i32>} : memref<128x128xf32, #tpu.memory_space<vmem>>, vector<1x16xf32>,
          %get3A_1531 = vector.shape_cast %get3A_1530 : vector<1x16xf32> to vector<16xf32>
          %mul3A_1532 = arith.mulf %get3A_1531, %gather3A_1493 : vector<16xf32>
          %swap3A_1533 = arith.index_cast %add3A_1497 : i32 to index
          %swap3A_1534 = arith.constant 48 : index
          %swap3A_1535 = tpu.vector_load %arg12[%swap3A_1533, %swap3A_1534] {strides = array<i32>} : memref<128x128xf32, #tpu.memory_space<vmem>>, vector<1x16xf32>,
          %swap3A_1536 = vector.shape_cast %swap3A_1535 : vector<1x16xf32> to vector<16xf32>
          %swap3A_1537 = vector.shape_cast %mul3A_1532 : vector<16xf32> to vector<1x16xf32>
          tpu.vector_store %arg12[%swap3A_1533, %swap3A_1534], %swap3A_1537 {strides = array<i32>} : memref<128x128xf32, #tpu.memory_space<vmem>>, vector<1x16xf32>,
          %get3A_1538 = arith.index_cast %add3A_1497 : i32 to index
          %get3A_1539 = arith.constant 64 : index
          %get3A_1540 = tpu.vector_load %arg12[%get3A_1538, %get3A_1539] {strides = array<i32>} : memref<128x128xf32, #tpu.memory_space<vmem>>, vector<1x16xf32>,
          %get3A_1541 = vector.shape_cast %get3A_1540 : vector<1x16xf32> to vector<16xf32>
          %mul3A_1542 = arith.mulf %get3A_1541, %gather3A_1493 : vector<16xf32>
          %swap3A_1543 = arith.index_cast %add3A_1497 : i32 to index
          %swap3A_1544 = arith.constant 64 : index
          %swap3A_1545 = tpu.vector_load %arg12[%swap3A_1543, %swap3A_1544] {strides = array<i32>} : memref<128x128xf32, #tpu.memory_space<vmem>>, vector<1x16xf32>,
          %swap3A_1546 = vector.shape_cast %swap3A_1545 : vector<1x16xf32> to vector<16xf32>
          %swap3A_1547 = vector.shape_cast %mul3A_1542 : vector<16xf32> to vector<1x16xf32>
          tpu.vector_store %arg12[%swap3A_1543, %swap3A_1544], %swap3A_1547 {strides = array<i32>} : memref<128x128xf32, #tpu.memory_space<vmem>>, vector<1x16xf32>,
          %get3A_1548 = arith.index_cast %add3A_1497 : i32 to index
          %get3A_1549 = arith.constant 80 : index
          %get3A_1550 = tpu.vector_load %arg12[%get3A_1548, %get3A_1549] {strides = array<i32>} : memref<128x128xf32, #tpu.memory_space<vmem>>, vector<1x16xf32>,
          %get3A_1551 = vector.shape_cast %get3A_1550 : vector<1x16xf32> to vector<16xf32>
          %mul3A_1552 = arith.mulf %get3A_1551, %gather3A_1493 : vector<16xf32>
          %swap3A_1553 = arith.index_cast %add3A_1497 : i32 to index
          %swap3A_1554 = arith.constant 80 : index
          %swap3A_1555 = tpu.vector_load %arg12[%swap3A_1553, %swap3A_1554] {strides = array<i32>} : memref<128x128xf32, #tpu.memory_space<vmem>>, vector<1x16xf32>,
          %swap3A_1556 = vector.shape_cast %swap3A_1555 : vector<1x16xf32> to vector<16xf32>
          %swap3A_1557 = vector.shape_cast %mul3A_1552 : vector<16xf32> to vector<1x16xf32>
          tpu.vector_store %arg12[%swap3A_1553, %swap3A_1554], %swap3A_1557 {strides = array<i32>} : memref<128x128xf32, #tpu.memory_space<vmem>>, vector<1x16xf32>,
          %get3A_1558 = arith.index_cast %add3A_1497 : i32 to index
          %get3A_1559 = arith.constant 96 : index
          %get3A_1560 = tpu.vector_load %arg12[%get3A_1558, %get3A_1559] {strides = array<i32>} : memref<128x128xf32, #tpu.memory_space<vmem>>, vector<1x16xf32>,
          %get3A_1561 = vector.shape_cast %get3A_1560 : vector<1x16xf32> to vector<16xf32>
          %mul3A_1562 = arith.mulf %get3A_1561, %gather3A_1493 : vector<16xf32>
          %swap3A_1563 = arith.index_cast %add3A_1497 : i32 to index
          %swap3A_1564 = arith.constant 96 : index
          %swap3A_1565 = tpu.vector_load %arg12[%swap3A_1563, %swap3A_1564] {strides = array<i32>} : memref<128x128xf32, #tpu.memory_space<vmem>>, vector<1x16xf32>,
          %swap3A_1566 = vector.shape_cast %swap3A_1565 : vector<1x16xf32> to vector<16xf32>
          %swap3A_1567 = vector.shape_cast %mul3A_1562 : vector<16xf32> to vector<1x16xf32>
          tpu.vector_store %arg12[%swap3A_1563, %swap3A_1564], %swap3A_1567 {strides = array<i32>} : memref<128x128xf32, #tpu.memory_space<vmem>>, vector<1x16xf32>,
          %get3A_1568 = arith.index_cast %add3A_1497 : i32 to index
          %get3A_1569 = arith.constant 112 : index
          %get3A_1570 = tpu.vector_load %arg12[%get3A_1568, %get3A_1569] {strides = array<i32>} : memref<128x128xf32, #tpu.memory_space<vmem>>, vector<1x16xf32>,
          %get3A_1571 = vector.shape_cast %get3A_1570 : vector<1x16xf32> to vector<16xf32>
          %mul3A_1572 = arith.mulf %get3A_1571, %gather3A_1493 : vector<16xf32>
          %swap3A_1573 = arith.index_cast %add3A_1497 : i32 to index
          %swap3A_1574 = arith.constant 112 : index
          %swap3A_1575 = tpu.vector_load %arg12[%swap3A_1573, %swap3A_1574] {strides = array<i32>} : memref<128x128xf32, #tpu.memory_space<vmem>>, vector<1x16xf32>,
          %swap3A_1576 = vector.shape_cast %swap3A_1575 : vector<1x16xf32> to vector<16xf32>
          %swap3A_1577 = vector.shape_cast %mul3A_1572 : vector<16xf32> to vector<1x16xf32>
          tpu.vector_store %arg12[%swap3A_1573, %swap3A_1574], %swap3A_1577 {strides = array<i32>} : memref<128x128xf32, #tpu.memory_space<vmem>>, vector<1x16xf32>,
          %broadcast_in_dim3A_1578 = arith.constant 15 : i32
          %broadcast_in_dim3A_1579 = vector.broadcast %broadcast_in_dim3A_1578 : i32 to vector<16x1xi32>
          %gather3A_1580 = vector.shape_cast %broadcast_in_dim3A_1579 : vector<16x1xi32> to vector<16xi32>
          %gather3A_1581 = tpu.dynamic_gather %get3A_260[%gather3A_1580] in [0] : vector<16xf32>, vector<16xi32> -> vector<16xf32>
          %mul3A_1582 = arith.constant 16 : i32
          %mul3A_1583 = arith.muli %add3A_255, %mul3A_1582 : i32
          %add3A_1584 = arith.constant 15 : i32
          %add3A_1585 = arith.addi %mul3A_1583, %add3A_1584 : i32
          %get3A_1586 = arith.index_cast %add3A_1585 : i32 to index
          %get3A_1587 = arith.constant 0 : index
          %get3A_1588 = tpu.vector_load %arg12[%get3A_1586, %get3A_1587] {strides = array<i32>} : memref<128x128xf32, #tpu.memory_space<vmem>>, vector<1x16xf32>,
          %get3A_1589 = vector.shape_cast %get3A_1588 : vector<1x16xf32> to vector<16xf32>
          %mul3A_1590 = arith.mulf %get3A_1589, %gather3A_1581 : vector<16xf32>
          %swap3A_1591 = arith.index_cast %add3A_1585 : i32 to index
          %swap3A_1592 = arith.constant 0 : index
          %swap3A_1593 = tpu.vector_load %arg12[%swap3A_1591, %swap3A_1592] {strides = array<i32>} : memref<128x128xf32, #tpu.memory_space<vmem>>, vector<1x16xf32>,
          %swap3A_1594 = vector.shape_cast %swap3A_1593 : vector<1x16xf32> to vector<16xf32>
          %swap3A_1595 = vector.shape_cast %mul3A_1590 : vector<16xf32> to vector<1x16xf32>
          tpu.vector_store %arg12[%swap3A_1591, %swap3A_1592], %swap3A_1595 {strides = array<i32>} : memref<128x128xf32, #tpu.memory_space<vmem>>, vector<1x16xf32>,
          %get3A_1596 = arith.index_cast %add3A_1585 : i32 to index
          %get3A_1597 = arith.constant 16 : index
          %get3A_1598 = tpu.vector_load %arg12[%get3A_1596, %get3A_1597] {strides = array<i32>} : memref<128x128xf32, #tpu.memory_space<vmem>>, vector<1x16xf32>,
          %get3A_1599 = vector.shape_cast %get3A_1598 : vector<1x16xf32> to vector<16xf32>
          %mul3A_1600 = arith.mulf %get3A_1599, %gather3A_1581 : vector<16xf32>
          %swap3A_1601 = arith.index_cast %add3A_1585 : i32 to index
          %swap3A_1602 = arith.constant 16 : index
          %swap3A_1603 = tpu.vector_load %arg12[%swap3A_1601, %swap3A_1602] {strides = array<i32>} : memref<128x128xf32, #tpu.memory_space<vmem>>, vector<1x16xf32>,
          %swap3A_1604 = vector.shape_cast %swap3A_1603 : vector<1x16xf32> to vector<16xf32>
          %swap3A_1605 = vector.shape_cast %mul3A_1600 : vector<16xf32> to vector<1x16xf32>
          tpu.vector_store %arg12[%swap3A_1601, %swap3A_1602], %swap3A_1605 {strides = array<i32>} : memref<128x128xf32, #tpu.memory_space<vmem>>, vector<1x16xf32>,
          %get3A_1606 = arith.index_cast %add3A_1585 : i32 to index
          %get3A_1607 = arith.constant 32 : index
          %get3A_1608 = tpu.vector_load %arg12[%get3A_1606, %get3A_1607] {strides = array<i32>} : memref<128x128xf32, #tpu.memory_space<vmem>>, vector<1x16xf32>,
          %get3A_1609 = vector.shape_cast %get3A_1608 : vector<1x16xf32> to vector<16xf32>
          %mul3A_1610 = arith.mulf %get3A_1609, %gather3A_1581 : vector<16xf32>
          %swap3A_1611 = arith.index_cast %add3A_1585 : i32 to index
          %swap3A_1612 = arith.constant 32 : index
          %swap3A_1613 = tpu.vector_load %arg12[%swap3A_1611, %swap3A_1612] {strides = array<i32>} : memref<128x128xf32, #tpu.memory_space<vmem>>, vector<1x16xf32>,
          %swap3A_1614 = vector.shape_cast %swap3A_1613 : vector<1x16xf32> to vector<16xf32>
          %swap3A_1615 = vector.shape_cast %mul3A_1610 : vector<16xf32> to vector<1x16xf32>
          tpu.vector_store %arg12[%swap3A_1611, %swap3A_1612], %swap3A_1615 {strides = array<i32>} : memref<128x128xf32, #tpu.memory_space<vmem>>, vector<1x16xf32>,
          %get3A_1616 = arith.index_cast %add3A_1585 : i32 to index
          %get3A_1617 = arith.constant 48 : index
          %get3A_1618 = tpu.vector_load %arg12[%get3A_1616, %get3A_1617] {strides = array<i32>} : memref<128x128xf32, #tpu.memory_space<vmem>>, vector<1x16xf32>,
          %get3A_1619 = vector.shape_cast %get3A_1618 : vector<1x16xf32> to vector<16xf32>
          %mul3A_1620 = arith.mulf %get3A_1619, %gather3A_1581 : vector<16xf32>
          %swap3A_1621 = arith.index_cast %add3A_1585 : i32 to index
          %swap3A_1622 = arith.constant 48 : index
          %swap3A_1623 = tpu.vector_load %arg12[%swap3A_1621, %swap3A_1622] {strides = array<i32>} : memref<128x128xf32, #tpu.memory_space<vmem>>, vector<1x16xf32>,
          %swap3A_1624 = vector.shape_cast %swap3A_1623 : vector<1x16xf32> to vector<16xf32>
          %swap3A_1625 = vector.shape_cast %mul3A_1620 : vector<16xf32> to vector<1x16xf32>
          tpu.vector_store %arg12[%swap3A_1621, %swap3A_1622], %swap3A_1625 {strides = array<i32>} : memref<128x128xf32, #tpu.memory_space<vmem>>, vector<1x16xf32>,
          %get3A_1626 = arith.index_cast %add3A_1585 : i32 to index
          %get3A_1627 = arith.constant 64 : index
          %get3A_1628 = tpu.vector_load %arg12[%get3A_1626, %get3A_1627] {strides = array<i32>} : memref<128x128xf32, #tpu.memory_space<vmem>>, vector<1x16xf32>,
          %get3A_1629 = vector.shape_cast %get3A_1628 : vector<1x16xf32> to vector<16xf32>
          %mul3A_1630 = arith.mulf %get3A_1629, %gather3A_1581 : vector<16xf32>
          %swap3A_1631 = arith.index_cast %add3A_1585 : i32 to index
          %swap3A_1632 = arith.constant 64 : index
          %swap3A_1633 = tpu.vector_load %arg12[%swap3A_1631, %swap3A_1632] {strides = array<i32>} : memref<128x128xf32, #tpu.memory_space<vmem>>, vector<1x16xf32>,
          %swap3A_1634 = vector.shape_cast %swap3A_1633 : vector<1x16xf32> to vector<16xf32>
          %swap3A_1635 = vector.shape_cast %mul3A_1630 : vector<16xf32> to vector<1x16xf32>
          tpu.vector_store %arg12[%swap3A_1631, %swap3A_1632], %swap3A_1635 {strides = array<i32>} : memref<128x128xf32, #tpu.memory_space<vmem>>, vector<1x16xf32>,
          %get3A_1636 = arith.index_cast %add3A_1585 : i32 to index
          %get3A_1637 = arith.constant 80 : index
          %get3A_1638 = tpu.vector_load %arg12[%get3A_1636, %get3A_1637] {strides = array<i32>} : memref<128x128xf32, #tpu.memory_space<vmem>>, vector<1x16xf32>,
          %get3A_1639 = vector.shape_cast %get3A_1638 : vector<1x16xf32> to vector<16xf32>
          %mul3A_1640 = arith.mulf %get3A_1639, %gather3A_1581 : vector<16xf32>
          %swap3A_1641 = arith.index_cast %add3A_1585 : i32 to index
          %swap3A_1642 = arith.constant 80 : index
          %swap3A_1643 = tpu.vector_load %arg12[%swap3A_1641, %swap3A_1642] {strides = array<i32>} : memref<128x128xf32, #tpu.memory_space<vmem>>, vector<1x16xf32>,
          %swap3A_1644 = vector.shape_cast %swap3A_1643 : vector<1x16xf32> to vector<16xf32>
          %swap3A_1645 = vector.shape_cast %mul3A_1640 : vector<16xf32> to vector<1x16xf32>
          tpu.vector_store %arg12[%swap3A_1641, %swap3A_1642], %swap3A_1645 {strides = array<i32>} : memref<128x128xf32, #tpu.memory_space<vmem>>, vector<1x16xf32>,
          %get3A_1646 = arith.index_cast %add3A_1585 : i32 to index
          %get3A_1647 = arith.constant 96 : index
          %get3A_1648 = tpu.vector_load %arg12[%get3A_1646, %get3A_1647] {strides = array<i32>} : memref<128x128xf32, #tpu.memory_space<vmem>>, vector<1x16xf32>,
          %get3A_1649 = vector.shape_cast %get3A_1648 : vector<1x16xf32> to vector<16xf32>
          %mul3A_1650 = arith.mulf %get3A_1649, %gather3A_1581 : vector<16xf32>
          %swap3A_1651 = arith.index_cast %add3A_1585 : i32 to index
          %swap3A_1652 = arith.constant 96 : index
          %swap3A_1653 = tpu.vector_load %arg12[%swap3A_1651, %swap3A_1652] {strides = array<i32>} : memref<128x128xf32, #tpu.memory_space<vmem>>, vector<1x16xf32>,
          %swap3A_1654 = vector.shape_cast %swap3A_1653 : vector<1x16xf32> to vector<16xf32>
          %swap3A_1655 = vector.shape_cast %mul3A_1650 : vector<16xf32> to vector<1x16xf32>
          tpu.vector_store %arg12[%swap3A_1651, %swap3A_1652], %swap3A_1655 {strides = array<i32>} : memref<128x128xf32, #tpu.memory_space<vmem>>, vector<1x16xf32>,
          %get3A_1656 = arith.index_cast %add3A_1585 : i32 to index
          %get3A_1657 = arith.constant 112 : index
          %get3A_1658 = tpu.vector_load %arg12[%get3A_1656, %get3A_1657] {strides = array<i32>} : memref<128x128xf32, #tpu.memory_space<vmem>>, vector<1x16xf32>,
          %get3A_1659 = vector.shape_cast %get3A_1658 : vector<1x16xf32> to vector<16xf32>
          %mul3A_1660 = arith.mulf %get3A_1659, %gather3A_1581 : vector<16xf32>
          %swap3A_1661 = arith.index_cast %add3A_1585 : i32 to index
          %swap3A_1662 = arith.constant 112 : index
          %swap3A_1663 = tpu.vector_load %arg12[%swap3A_1661, %swap3A_1662] {strides = array<i32>} : memref<128x128xf32, #tpu.memory_space<vmem>>, vector<1x16xf32>,
          %swap3A_1664 = vector.shape_cast %swap3A_1663 : vector<1x16xf32> to vector<16xf32>
          %swap3A_1665 = vector.shape_cast %mul3A_1660 : vector<16xf32> to vector<1x16xf32>
          tpu.vector_store %arg12[%swap3A_1661, %swap3A_1662], %swap3A_1665 {strides = array<i32>} : memref<128x128xf32, #tpu.memory_space<vmem>>, vector<1x16xf32>,
        }
        %scan3A_198 = arith.constant 8 : i32
        %mul3A_199 = arith.constant 2 : i32
        %mul3A_200 = arith.muli %mul3A_199, %add3A_90 : i32
        %dma_start3A_201 = arith.constant 0 : i32
        %dma_start3A_202 = arith.constant 0 : i32
        %dma_start3A_203 = tpu.memref_slice %arg12[%dma_start3A_201, %dma_start3A_202] : memref<128x128xf32, #tpu.memory_space<vmem>> -> memref<64x128xf32, #tpu.memory_space<vmem>>
        %dma_start3A_204 = arith.constant 0 : i32
        %dma_start3A_205 = tpu.memref_slice %arg9[%mul3A_200, %dma_start3A_204] : memref<40x64xi32, #tpu.memory_space<vmem>> -> memref<1x64xi32, #tpu.memory_space<vmem>>
        %dma_start3A_206 = tpu.memref_squeeze %dma_start3A_205 : memref<1x64xi32, #tpu.memory_space<vmem>> -> memref<64xi32, #tpu.memory_space<vmem>>
        %dma_start3A_207 = arith.constant 0 : i32
        %dma_start3A_208 = arith.constant 0 : i32
        %dma_start3A_209 = tpu.memref_slice %arg7[%dma_start3A_207, %dma_start3A_208] : memref<10112x128xf32, #tpu.memory_space<vmem_shared>> -> memref<10112x128xf32, #tpu.memory_space<vmem_shared>>
        tpu.enqueue_indirect_dma source(%dma_start3A_203 : memref<64x128xf32, #tpu.memory_space<vmem>>) target(%dma_start3A_209 : memref<10112x128xf32, #tpu.memory_space<vmem_shared>>) offsets(%dma_start3A_206 : memref<64xi32, #tpu.memory_space<vmem>>) semaphore(%arg16 : memref<!tpu.dma_semaphore, #tpu.memory_space<semaphore_mem>>) {add = true}
        %mul3A_210 = arith.constant 2 : i32
        %mul3A_211 = arith.muli %mul3A_210, %add3A_90 : i32
        %add3A_212 = arith.constant 1 : i32
        %add3A_213 = arith.addi %mul3A_211, %add3A_212 : i32
        %dma_start3A_214 = arith.constant 64 : i32
        %dma_start3A_215 = arith.constant 0 : i32
        %dma_start3A_216 = tpu.memref_slice %arg12[%dma_start3A_214, %dma_start3A_215] : memref<128x128xf32, #tpu.memory_space<vmem>> -> memref<64x128xf32, #tpu.memory_space<vmem>>
        %dma_start3A_217 = arith.constant 0 : i32
        %dma_start3A_218 = tpu.memref_slice %arg9[%add3A_213, %dma_start3A_217] : memref<40x64xi32, #tpu.memory_space<vmem>> -> memref<1x64xi32, #tpu.memory_space<vmem>>
        %dma_start3A_219 = tpu.memref_squeeze %dma_start3A_218 : memref<1x64xi32, #tpu.memory_space<vmem>> -> memref<64xi32, #tpu.memory_space<vmem>>
        %dma_start3A_220 = arith.constant 0 : i32
        %dma_start3A_221 = arith.constant 0 : i32
        %dma_start3A_222 = tpu.memref_slice %arg7[%dma_start3A_220, %dma_start3A_221] : memref<10112x128xf32, #tpu.memory_space<vmem_shared>> -> memref<10112x128xf32, #tpu.memory_space<vmem_shared>>
        tpu.enqueue_indirect_dma source(%dma_start3A_216 : memref<64x128xf32, #tpu.memory_space<vmem>>) target(%dma_start3A_222 : memref<10112x128xf32, #tpu.memory_space<vmem_shared>>) offsets(%dma_start3A_219 : memref<64xi32, #tpu.memory_space<vmem>>) semaphore(%arg16 : memref<!tpu.dma_semaphore, #tpu.memory_space<semaphore_mem>>) {add = true}
        %mul3A_223 = arith.constant 2 : i32
        %mul3A_224 = arith.muli %mul3A_223, %mul3A_86 : i32
        %dma_wait3A_225 = arith.constant 0 : i32
        %dma_wait3A_226 = arith.constant 0 : i32
        %dma_wait3A_227 = tpu.memref_slice %arg11[%dma_wait3A_225, %dma_wait3A_226] : memref<128x128xf32, #tpu.memory_space<vmem>> -> memref<64x128xf32, #tpu.memory_space<vmem>>
        %dma_wait3A_228 = arith.constant 0 : i32
        %dma_wait3A_229 = tpu.memref_slice %arg9[%mul3A_224, %dma_wait3A_228] : memref<40x64xi32, #tpu.memory_space<vmem>> -> memref<1x64xi32, #tpu.memory_space<vmem>>
        %dma_wait3A_230 = tpu.memref_squeeze %dma_wait3A_229 : memref<1x64xi32, #tpu.memory_space<vmem>> -> memref<64xi32, #tpu.memory_space<vmem>>
        %dma_wait3A_231 = arith.constant 0 : i32
        %dma_wait3A_232 = arith.constant 0 : i32
        %dma_wait3A_233 = tpu.memref_slice %arg7[%dma_wait3A_231, %dma_wait3A_232] : memref<10112x128xf32, #tpu.memory_space<vmem_shared>> -> memref<10112x128xf32, #tpu.memory_space<vmem_shared>>
        tpu.wait_indirect_dma semaphore(%arg15 : memref<!tpu.dma_semaphore, #tpu.memory_space<semaphore_mem>>) src(%dma_wait3A_227 : memref<64x128xf32, #tpu.memory_space<vmem>>) dst(%dma_wait3A_233 : memref<10112x128xf32, #tpu.memory_space<vmem_shared>>)
        %mul3A_234 = arith.constant 2 : i32
        %mul3A_235 = arith.muli %mul3A_234, %mul3A_86 : i32
        %add3A_236 = arith.constant 1 : i32
        %add3A_237 = arith.addi %mul3A_235, %add3A_236 : i32
        %dma_wait3A_238 = arith.constant 64 : i32
        %dma_wait3A_239 = arith.constant 0 : i32
        %dma_wait3A_240 = tpu.memref_slice %arg11[%dma_wait3A_238, %dma_wait3A_239] : memref<128x128xf32, #tpu.memory_space<vmem>> -> memref<64x128xf32, #tpu.memory_space<vmem>>
        %dma_wait3A_241 = arith.constant 0 : i32
        %dma_wait3A_242 = tpu.memref_slice %arg9[%add3A_237, %dma_wait3A_241] : memref<40x64xi32, #tpu.memory_space<vmem>> -> memref<1x64xi32, #tpu.memory_space<vmem>>
        %dma_wait3A_243 = tpu.memref_squeeze %dma_wait3A_242 : memref<1x64xi32, #tpu.memory_space<vmem>> -> memref<64xi32, #tpu.memory_space<vmem>>
        %dma_wait3A_244 = arith.constant 0 : i32
        %dma_wait3A_245 = arith.constant 0 : i32
        %dma_wait3A_246 = tpu.memref_slice %arg7[%dma_wait3A_244, %dma_wait3A_245] : memref<10112x128xf32, #tpu.memory_space<vmem_shared>> -> memref<10112x128xf32, #tpu.memory_space<vmem_shared>>
        tpu.wait_indirect_dma semaphore(%arg15 : memref<!tpu.dma_semaphore, #tpu.memory_space<semaphore_mem>>) src(%dma_wait3A_240 : memref<64x128xf32, #tpu.memory_space<vmem>>) dst(%dma_wait3A_246 : memref<10112x128xf32, #tpu.memory_space<vmem_shared>>)
        %lt3A = arith.constant 9 : i32
        %lt3A_247 = arith.cmpi slt, %add3A_84, %lt3A : i32
        %convert_element_type3A_248 = arith.extui %lt3A_247 : i1 to i32
        %cond3A_249 = arith.constant 0 : i32
        %cond3A_250 = arith.cmpi ne, %convert_element_type3A_248, %cond3A_249 : i32
        scf.if %cond3A_250 {
          %mul3A_251 = arith.constant 2 : i32
          %mul3A_252 = arith.muli %mul3A_251, %add3A_84 : i32
          %add3A_253 = arith.constant 2 : i32
          %add3A_254 = arith.addi %mul3A_252, %add3A_253 : i32
          %mul3A_255 = arith.constant 2 : i32
          %mul3A_256 = arith.muli %mul3A_255, %add3A_254 : i32
          %dma_start3A_257 = arith.constant 0 : i32
          %dma_start3A_258 = arith.constant 0 : i32
          %dma_start3A_259 = tpu.memref_slice %arg11[%dma_start3A_257, %dma_start3A_258] : memref<128x128xf32, #tpu.memory_space<vmem>> -> memref<64x128xf32, #tpu.memory_space<vmem>>
          %dma_start3A_260 = arith.constant 0 : i32
          %dma_start3A_261 = tpu.memref_slice %arg8[%mul3A_256, %dma_start3A_260] : memref<40x64xi32, #tpu.memory_space<vmem>> -> memref<1x64xi32, #tpu.memory_space<vmem>>
          %dma_start3A_262 = tpu.memref_squeeze %dma_start3A_261 : memref<1x64xi32, #tpu.memory_space<vmem>> -> memref<64xi32, #tpu.memory_space<vmem>>
          %dma_start3A_263 = arith.constant 0 : i32
          %dma_start3A_264 = arith.constant 0 : i32
          %dma_start3A_265 = tpu.memref_slice %arg2[%dma_start3A_263, %dma_start3A_264] : memref<10000x128xf32, #tpu.memory_space<hbm>> -> memref<10000x128xf32, #tpu.memory_space<hbm>>
          tpu.enqueue_indirect_dma source(%dma_start3A_265 : memref<10000x128xf32, #tpu.memory_space<hbm>>) target(%dma_start3A_259 : memref<64x128xf32, #tpu.memory_space<vmem>>) offsets(%dma_start3A_262 : memref<64xi32, #tpu.memory_space<vmem>>) semaphore(%arg13 : memref<!tpu.dma_semaphore, #tpu.memory_space<semaphore_mem>>)
          %mul3A_266 = arith.constant 2 : i32
          %mul3A_267 = arith.muli %mul3A_266, %add3A_254 : i32
          %add3A_268 = arith.constant 1 : i32
          %add3A_269 = arith.addi %mul3A_267, %add3A_268 : i32
          %dma_start3A_270 = arith.constant 64 : i32
          %dma_start3A_271 = arith.constant 0 : i32
          %dma_start3A_272 = tpu.memref_slice %arg11[%dma_start3A_270, %dma_start3A_271] : memref<128x128xf32, #tpu.memory_space<vmem>> -> memref<64x128xf32, #tpu.memory_space<vmem>>
          %dma_start3A_273 = arith.constant 0 : i32
          %dma_start3A_274 = tpu.memref_slice %arg8[%add3A_269, %dma_start3A_273] : memref<40x64xi32, #tpu.memory_space<vmem>> -> memref<1x64xi32, #tpu.memory_space<vmem>>
          %dma_start3A_275 = tpu.memref_squeeze %dma_start3A_274 : memref<1x64xi32, #tpu.memory_space<vmem>> -> memref<64xi32, #tpu.memory_space<vmem>>
          %dma_start3A_276 = arith.constant 0 : i32
          %dma_start3A_277 = arith.constant 0 : i32
          %dma_start3A_278 = tpu.memref_slice %arg2[%dma_start3A_276, %dma_start3A_277] : memref<10000x128xf32, #tpu.memory_space<hbm>> -> memref<10000x128xf32, #tpu.memory_space<hbm>>
          tpu.enqueue_indirect_dma source(%dma_start3A_278 : memref<10000x128xf32, #tpu.memory_space<hbm>>) target(%dma_start3A_272 : memref<64x128xf32, #tpu.memory_space<vmem>>) offsets(%dma_start3A_275 : memref<64xi32, #tpu.memory_space<vmem>>) semaphore(%arg13 : memref<!tpu.dma_semaphore, #tpu.memory_space<semaphore_mem>>)
        } else {
        }
      }
      %scan3A_60 = arith.constant 10 : i32
      %dma_wait3A = arith.constant 38 : i32
      %dma_wait3A_61 = arith.constant 0 : i32
      %dma_wait3A_62 = arith.constant 0 : i32
      %dma_wait3A_63 = tpu.memref_slice %arg12[%dma_wait3A_61, %dma_wait3A_62] : memref<128x128xf32, #tpu.memory_space<vmem>> -> memref<64x128xf32, #tpu.memory_space<vmem>>
      %dma_wait3A_64 = arith.constant 0 : i32
      %dma_wait3A_65 = tpu.memref_slice %arg9[%dma_wait3A, %dma_wait3A_64] : memref<40x64xi32, #tpu.memory_space<vmem>> -> memref<1x64xi32, #tpu.memory_space<vmem>>
      %dma_wait3A_66 = tpu.memref_squeeze %dma_wait3A_65 : memref<1x64xi32, #tpu.memory_space<vmem>> -> memref<64xi32, #tpu.memory_space<vmem>>
      %dma_wait3A_67 = arith.constant 0 : i32
      %dma_wait3A_68 = arith.constant 0 : i32
      %dma_wait3A_69 = tpu.memref_slice %arg7[%dma_wait3A_67, %dma_wait3A_68] : memref<10112x128xf32, #tpu.memory_space<vmem_shared>> -> memref<10112x128xf32, #tpu.memory_space<vmem_shared>>
      tpu.wait_indirect_dma semaphore(%arg16 : memref<!tpu.dma_semaphore, #tpu.memory_space<semaphore_mem>>) src(%dma_wait3A_63 : memref<64x128xf32, #tpu.memory_space<vmem>>) dst(%dma_wait3A_69 : memref<10112x128xf32, #tpu.memory_space<vmem_shared>>)
      %dma_wait3A_70 = arith.constant 39 : i32
      %dma_wait3A_71 = arith.constant 64 : i32
      %dma_wait3A_72 = arith.constant 0 : i32
      %dma_wait3A_73 = tpu.memref_slice %arg12[%dma_wait3A_71, %dma_wait3A_72] : memref<128x128xf32, #tpu.memory_space<vmem>> -> memref<64x128xf32, #tpu.memory_space<vmem>>
      %dma_wait3A_74 = arith.constant 0 : i32
      %dma_wait3A_75 = tpu.memref_slice %arg9[%dma_wait3A_70, %dma_wait3A_74] : memref<40x64xi32, #tpu.memory_space<vmem>> -> memref<1x64xi32, #tpu.memory_space<vmem>>
      %dma_wait3A_76 = tpu.memref_squeeze %dma_wait3A_75 : memref<1x64xi32, #tpu.memory_space<vmem>> -> memref<64xi32, #tpu.memory_space<vmem>>
      %dma_wait3A_77 = arith.constant 0 : i32
      %dma_wait3A_78 = arith.constant 0 : i32
      %dma_wait3A_79 = tpu.memref_slice %arg7[%dma_wait3A_77, %dma_wait3A_78] : memref<10112x128xf32, #tpu.memory_space<vmem_shared>> -> memref<10112x128xf32, #tpu.memory_space<vmem_shared>>
      tpu.wait_indirect_dma semaphore(%arg16 : memref<!tpu.dma_semaphore, #tpu.memory_space<semaphore_mem>>) src(%dma_wait3A_73 : memref<64x128xf32, #tpu.memory_space<vmem>>) dst(%dma_wait3A_79 : memref<10112x128xf32, #tpu.memory_space<vmem_shared>>)
    }
    %scan3A_23 = arith.constant 4 : i32
    %barrier3A_24 = arith.constant 0 : index
    tpu.barrier barrier_id(%barrier3A_24)
    "tpu.region"() ({
      %run_scoped3A = tpu.sem_alloc : memref<!tpu.dma_semaphore, #tpu.memory_space<semaphore_mem>>
      %dma_start3A = arith.constant 0 : i32
      %dma_start3A_25 = tpu.memref_slice %arg6[%arg0, %mul3A_4, %dma_start3A] : memref<2x10112x128xf32, #tpu.memory_space<hbm>> -> memref<1x632x128xf32, #tpu.memory_space<hbm>>
      %dma_start3A_26 = tpu.memref_squeeze %dma_start3A_25 : memref<1x632x128xf32, #tpu.memory_space<hbm>> -> memref<632x128xf32, #tpu.memory_space<hbm>>
      %dma_start3A_27 = arith.constant 0 : i32
      %dma_start3A_28 = tpu.memref_slice %arg7[%mul3A_4, %dma_start3A_27] : memref<10112x128xf32, #tpu.memory_space<vmem_shared>> -> memref<632x128xf32, #tpu.memory_space<vmem_shared>>
      tpu.enqueue_dma source(%dma_start3A_28 : memref<632x128xf32, #tpu.memory_space<vmem_shared>>) target(%dma_start3A_26 : memref<632x128xf32, #tpu.memory_space<hbm>>) target_semaphore(%run_scoped3A : memref<!tpu.dma_semaphore, #tpu.memory_space<semaphore_mem>>)
      %dma_wait3A = arith.constant 0 : i32
      %dma_wait3A_29 = tpu.memref_slice %arg6[%arg0, %mul3A_4, %dma_wait3A] : memref<2x10112x128xf32, #tpu.memory_space<hbm>> -> memref<1x632x128xf32, #tpu.memory_space<hbm>>
      %dma_wait3A_30 = tpu.memref_squeeze %dma_wait3A_29 : memref<1x632x128xf32, #tpu.memory_space<hbm>> -> memref<632x128xf32, #tpu.memory_space<hbm>>
      %dma_wait3A_31 = arith.constant 0 : i32
      %dma_wait3A_32 = tpu.memref_slice %arg7[%mul3A_4, %dma_wait3A_31] : memref<10112x128xf32, #tpu.memory_space<vmem_shared>> -> memref<632x128xf32, #tpu.memory_space<vmem_shared>>
      tpu.wait_dma2 semaphore(%run_scoped3A : memref<!tpu.dma_semaphore, #tpu.memory_space<semaphore_mem>>) src(%dma_wait3A_32 : memref<632x128xf32, #tpu.memory_space<vmem_shared>>) dst(%dma_wait3A_30 : memref<632x128xf32, #tpu.memory_space<hbm>>)
      tpu.yield
    }) : () -> ()
    return
  }
}

#map = affine_map<(d0, d1) -> (0, 0)>
#map1 = affine_map<(d0, d1) -> (0, 0, 0)>
module attributes {stable_mosaic.version = 14 : i64} {
  func.func @agg(%arg0: i32, %arg1: i32, %arg2: memref<10112x16xf32, #tpu.memory_space<hbm>>, %arg3: memref<5120x64xi32, #tpu.memory_space<hbm>>, %arg4: memref<5120x64xi32, #tpu.memory_space<hbm>>, %arg5: memref<2560x128xf32, #tpu.memory_space<hbm>>, %arg6: memref<2x10112x16xf32, #tpu.memory_space<hbm>>, %arg7: memref<10112x16xf32, #tpu.memory_space<vmem_shared>>, %arg8: memref<160x64xi32, #tpu.memory_space<vmem>>, %arg9: memref<160x64xi32, #tpu.memory_space<vmem>>, %arg10: memref<80x128xf32, #tpu.memory_space<vmem>>, %arg11: memref<128x16xf32, #tpu.memory_space<vmem>>, %arg12: memref<128x16xf32, #tpu.memory_space<vmem>>, %arg13: memref<!tpu.dma_semaphore, #tpu.memory_space<semaphore_mem>>, %arg14: memref<!tpu.dma_semaphore, #tpu.memory_space<semaphore_mem>>, %arg15: memref<!tpu.dma_semaphore, #tpu.memory_space<semaphore_mem>>, %arg16: memref<!tpu.dma_semaphore, #tpu.memory_space<semaphore_mem>>, %arg17: memref<10112x16xf32, #tpu.memory_space<vmem_shared>>) attributes {dimension_semantics = [#tpu.dimension_semantics<core_parallel>, #tpu.dimension_semantics<subcore_parallel>], iteration_bounds = array<i64: 2, 16>, scalar_prefetch = 0 : i64, scratch_operands = 11 : i64, tpu.core_type = #tpu.core_type<sc_vector_subcore>, window_params = [{transform_indices = #map}, {transform_indices = #map}, {transform_indices = #map}, {transform_indices = #map}, {transform_indices = #map1}]} {
    %scan3A = arith.constant 0 : i32
    %scan3A_0 = arith.constant 128 : i32
    %scan3A_1 = arith.addi %scan3A, %scan3A_0 : i32
    %scan3A_2 = arith.constant 1 : i32
    scf.for %scan3A_76 = %scan3A to %scan3A_1 step %scan3A_2  : i32 {
      %mul3A_77 = arith.constant 1 : i32
      %mul3A_78 = arith.muli %scan3A_76, %mul3A_77 : i32
      %add3A_79 = arith.constant 0 : i32
      %add3A_80 = arith.addi %add3A_79, %mul3A_78 : i32
      %broadcast_in_dim3A = arith.constant 0.000000e+00 : f32
      %broadcast_in_dim3A_81 = vector.broadcast %broadcast_in_dim3A : f32 to vector<16xf32>
      %swap3A = arith.index_cast %add3A_80 : i32 to index
      %swap3A_82 = arith.constant 0 : index
      %swap3A_83 = tpu.vector_load %arg11[%swap3A, %swap3A_82] {strides = array<i32>} : memref<128x16xf32, #tpu.memory_space<vmem>>, vector<1x16xf32>,
      %swap3A_84 = vector.shape_cast %swap3A_83 : vector<1x16xf32> to vector<16xf32>
      %swap3A_85 = vector.shape_cast %broadcast_in_dim3A_81 : vector<16xf32> to vector<1x16xf32>
      tpu.vector_store %arg11[%swap3A, %swap3A_82], %swap3A_85 {strides = array<i32>} : memref<128x16xf32, #tpu.memory_space<vmem>>, vector<1x16xf32>,
    }
    %scan3A_3 = arith.constant 128 : i32
    %mul3A = arith.constant 632 : i32
    %mul3A_4 = arith.muli %arg1, %mul3A : i32
    %add3A = arith.constant 0 : i32
    %add3A_5 = arith.addi %mul3A_4, %add3A : i32
    "tpu.region"() ({
      %run_scoped3A = tpu.sem_alloc : memref<!tpu.dma_semaphore, #tpu.memory_space<semaphore_mem>>
      %dma_start3A_76 = arith.constant 0 : i32
      %dma_start3A_77 = tpu.memref_slice %arg7[%add3A_5, %dma_start3A_76] : memref<10112x16xf32, #tpu.memory_space<vmem_shared>> -> memref<128x16xf32, #tpu.memory_space<vmem_shared>>
      %dma_start3A_78 = arith.constant 0 : i32
      %dma_start3A_79 = tpu.memref_slice %arg7[%add3A_5, %dma_start3A_78] : memref<10112x16xf32, #tpu.memory_space<vmem_shared>> -> memref<128x16xf32, #tpu.memory_space<vmem_shared>>
      tpu.enqueue_dma source(%arg11 : memref<128x16xf32, #tpu.memory_space<vmem>>) target(%dma_start3A_79 : memref<128x16xf32, #tpu.memory_space<vmem_shared>>) target_semaphore(%run_scoped3A : memref<!tpu.dma_semaphore, #tpu.memory_space<semaphore_mem>>)
      %dma_wait3A_80 = arith.constant 0 : i32
      %dma_wait3A_81 = tpu.memref_slice %arg7[%add3A_5, %dma_wait3A_80] : memref<10112x16xf32, #tpu.memory_space<vmem_shared>> -> memref<128x16xf32, #tpu.memory_space<vmem_shared>>
      %dma_wait3A_82 = arith.constant 0 : i32
      %dma_wait3A_83 = tpu.memref_slice %arg7[%add3A_5, %dma_wait3A_82] : memref<10112x16xf32, #tpu.memory_space<vmem_shared>> -> memref<128x16xf32, #tpu.memory_space<vmem_shared>>
      tpu.wait_dma2 semaphore(%run_scoped3A : memref<!tpu.dma_semaphore, #tpu.memory_space<semaphore_mem>>) src(%arg11 : memref<128x16xf32, #tpu.memory_space<vmem>>) dst(%dma_wait3A_83 : memref<128x16xf32, #tpu.memory_space<vmem_shared>>)
      tpu.yield
    }) : () -> ()
    %add3A_6 = arith.constant 128 : i32
    %add3A_7 = arith.addi %mul3A_4, %add3A_6 : i32
    "tpu.region"() ({
      %run_scoped3A = tpu.sem_alloc : memref<!tpu.dma_semaphore, #tpu.memory_space<semaphore_mem>>
      %dma_start3A_76 = arith.constant 0 : i32
      %dma_start3A_77 = tpu.memref_slice %arg7[%add3A_7, %dma_start3A_76] : memref<10112x16xf32, #tpu.memory_space<vmem_shared>> -> memref<128x16xf32, #tpu.memory_space<vmem_shared>>
      %dma_start3A_78 = arith.constant 0 : i32
      %dma_start3A_79 = tpu.memref_slice %arg7[%add3A_7, %dma_start3A_78] : memref<10112x16xf32, #tpu.memory_space<vmem_shared>> -> memref<128x16xf32, #tpu.memory_space<vmem_shared>>
      tpu.enqueue_dma source(%arg11 : memref<128x16xf32, #tpu.memory_space<vmem>>) target(%dma_start3A_79 : memref<128x16xf32, #tpu.memory_space<vmem_shared>>) target_semaphore(%run_scoped3A : memref<!tpu.dma_semaphore, #tpu.memory_space<semaphore_mem>>)
      %dma_wait3A_80 = arith.constant 0 : i32
      %dma_wait3A_81 = tpu.memref_slice %arg7[%add3A_7, %dma_wait3A_80] : memref<10112x16xf32, #tpu.memory_space<vmem_shared>> -> memref<128x16xf32, #tpu.memory_space<vmem_shared>>
      %dma_wait3A_82 = arith.constant 0 : i32
      %dma_wait3A_83 = tpu.memref_slice %arg7[%add3A_7, %dma_wait3A_82] : memref<10112x16xf32, #tpu.memory_space<vmem_shared>> -> memref<128x16xf32, #tpu.memory_space<vmem_shared>>
      tpu.wait_dma2 semaphore(%run_scoped3A : memref<!tpu.dma_semaphore, #tpu.memory_space<semaphore_mem>>) src(%arg11 : memref<128x16xf32, #tpu.memory_space<vmem>>) dst(%dma_wait3A_83 : memref<128x16xf32, #tpu.memory_space<vmem_shared>>)
      tpu.yield
    }) : () -> ()
    %add3A_8 = arith.constant 256 : i32
    %add3A_9 = arith.addi %mul3A_4, %add3A_8 : i32
    "tpu.region"() ({
      %run_scoped3A = tpu.sem_alloc : memref<!tpu.dma_semaphore, #tpu.memory_space<semaphore_mem>>
      %dma_start3A_76 = arith.constant 0 : i32
      %dma_start3A_77 = tpu.memref_slice %arg7[%add3A_9, %dma_start3A_76] : memref<10112x16xf32, #tpu.memory_space<vmem_shared>> -> memref<128x16xf32, #tpu.memory_space<vmem_shared>>
      %dma_start3A_78 = arith.constant 0 : i32
      %dma_start3A_79 = tpu.memref_slice %arg7[%add3A_9, %dma_start3A_78] : memref<10112x16xf32, #tpu.memory_space<vmem_shared>> -> memref<128x16xf32, #tpu.memory_space<vmem_shared>>
      tpu.enqueue_dma source(%arg11 : memref<128x16xf32, #tpu.memory_space<vmem>>) target(%dma_start3A_79 : memref<128x16xf32, #tpu.memory_space<vmem_shared>>) target_semaphore(%run_scoped3A : memref<!tpu.dma_semaphore, #tpu.memory_space<semaphore_mem>>)
      %dma_wait3A_80 = arith.constant 0 : i32
      %dma_wait3A_81 = tpu.memref_slice %arg7[%add3A_9, %dma_wait3A_80] : memref<10112x16xf32, #tpu.memory_space<vmem_shared>> -> memref<128x16xf32, #tpu.memory_space<vmem_shared>>
      %dma_wait3A_82 = arith.constant 0 : i32
      %dma_wait3A_83 = tpu.memref_slice %arg7[%add3A_9, %dma_wait3A_82] : memref<10112x16xf32, #tpu.memory_space<vmem_shared>> -> memref<128x16xf32, #tpu.memory_space<vmem_shared>>
      tpu.wait_dma2 semaphore(%run_scoped3A : memref<!tpu.dma_semaphore, #tpu.memory_space<semaphore_mem>>) src(%arg11 : memref<128x16xf32, #tpu.memory_space<vmem>>) dst(%dma_wait3A_83 : memref<128x16xf32, #tpu.memory_space<vmem_shared>>)
      tpu.yield
    }) : () -> ()
    %add3A_10 = arith.constant 384 : i32
    %add3A_11 = arith.addi %mul3A_4, %add3A_10 : i32
    "tpu.region"() ({
      %run_scoped3A = tpu.sem_alloc : memref<!tpu.dma_semaphore, #tpu.memory_space<semaphore_mem>>
      %dma_start3A_76 = arith.constant 0 : i32
      %dma_start3A_77 = tpu.memref_slice %arg7[%add3A_11, %dma_start3A_76] : memref<10112x16xf32, #tpu.memory_space<vmem_shared>> -> memref<128x16xf32, #tpu.memory_space<vmem_shared>>
      %dma_start3A_78 = arith.constant 0 : i32
      %dma_start3A_79 = tpu.memref_slice %arg7[%add3A_11, %dma_start3A_78] : memref<10112x16xf32, #tpu.memory_space<vmem_shared>> -> memref<128x16xf32, #tpu.memory_space<vmem_shared>>
      tpu.enqueue_dma source(%arg11 : memref<128x16xf32, #tpu.memory_space<vmem>>) target(%dma_start3A_79 : memref<128x16xf32, #tpu.memory_space<vmem_shared>>) target_semaphore(%run_scoped3A : memref<!tpu.dma_semaphore, #tpu.memory_space<semaphore_mem>>)
      %dma_wait3A_80 = arith.constant 0 : i32
      %dma_wait3A_81 = tpu.memref_slice %arg7[%add3A_11, %dma_wait3A_80] : memref<10112x16xf32, #tpu.memory_space<vmem_shared>> -> memref<128x16xf32, #tpu.memory_space<vmem_shared>>
      %dma_wait3A_82 = arith.constant 0 : i32
      %dma_wait3A_83 = tpu.memref_slice %arg7[%add3A_11, %dma_wait3A_82] : memref<10112x16xf32, #tpu.memory_space<vmem_shared>> -> memref<128x16xf32, #tpu.memory_space<vmem_shared>>
      tpu.wait_dma2 semaphore(%run_scoped3A : memref<!tpu.dma_semaphore, #tpu.memory_space<semaphore_mem>>) src(%arg11 : memref<128x16xf32, #tpu.memory_space<vmem>>) dst(%dma_wait3A_83 : memref<128x16xf32, #tpu.memory_space<vmem_shared>>)
      tpu.yield
    }) : () -> ()
    %add3A_12 = arith.constant 512 : i32
    %add3A_13 = arith.addi %mul3A_4, %add3A_12 : i32
    "tpu.region"() ({
      %run_scoped3A = tpu.sem_alloc : memref<!tpu.dma_semaphore, #tpu.memory_space<semaphore_mem>>
      %dma_start3A_76 = arith.constant 0 : i32
      %dma_start3A_77 = arith.constant 0 : i32
      %dma_start3A_78 = tpu.memref_slice %arg11[%dma_start3A_76, %dma_start3A_77] : memref<128x16xf32, #tpu.memory_space<vmem>> -> memref<120x16xf32, #tpu.memory_space<vmem>>
      %dma_start3A_79 = arith.constant 0 : i32
      %dma_start3A_80 = tpu.memref_slice %arg7[%add3A_13, %dma_start3A_79] : memref<10112x16xf32, #tpu.memory_space<vmem_shared>> -> memref<120x16xf32, #tpu.memory_space<vmem_shared>>
      %dma_start3A_81 = arith.constant 0 : i32
      %dma_start3A_82 = tpu.memref_slice %arg7[%add3A_13, %dma_start3A_81] : memref<10112x16xf32, #tpu.memory_space<vmem_shared>> -> memref<120x16xf32, #tpu.memory_space<vmem_shared>>
      %dma_start3A_83 = arith.constant 0 : i32
      %dma_start3A_84 = arith.constant 0 : i32
      %dma_start3A_85 = tpu.memref_slice %arg11[%dma_start3A_83, %dma_start3A_84] : memref<128x16xf32, #tpu.memory_space<vmem>> -> memref<120x16xf32, #tpu.memory_space<vmem>>
      tpu.enqueue_dma source(%dma_start3A_85 : memref<120x16xf32, #tpu.memory_space<vmem>>) target(%dma_start3A_82 : memref<120x16xf32, #tpu.memory_space<vmem_shared>>) target_semaphore(%run_scoped3A : memref<!tpu.dma_semaphore, #tpu.memory_space<semaphore_mem>>)
      %dma_wait3A_86 = arith.constant 0 : i32
      %dma_wait3A_87 = arith.constant 0 : i32
      %dma_wait3A_88 = tpu.memref_slice %arg11[%dma_wait3A_86, %dma_wait3A_87] : memref<128x16xf32, #tpu.memory_space<vmem>> -> memref<120x16xf32, #tpu.memory_space<vmem>>
      %dma_wait3A_89 = arith.constant 0 : i32
      %dma_wait3A_90 = tpu.memref_slice %arg7[%add3A_13, %dma_wait3A_89] : memref<10112x16xf32, #tpu.memory_space<vmem_shared>> -> memref<120x16xf32, #tpu.memory_space<vmem_shared>>
      %dma_wait3A_91 = arith.constant 0 : i32
      %dma_wait3A_92 = tpu.memref_slice %arg7[%add3A_13, %dma_wait3A_91] : memref<10112x16xf32, #tpu.memory_space<vmem_shared>> -> memref<120x16xf32, #tpu.memory_space<vmem_shared>>
      %dma_wait3A_93 = arith.constant 0 : i32
      %dma_wait3A_94 = arith.constant 0 : i32
      %dma_wait3A_95 = tpu.memref_slice %arg11[%dma_wait3A_93, %dma_wait3A_94] : memref<128x16xf32, #tpu.memory_space<vmem>> -> memref<120x16xf32, #tpu.memory_space<vmem>>
      tpu.wait_dma2 semaphore(%run_scoped3A : memref<!tpu.dma_semaphore, #tpu.memory_space<semaphore_mem>>) src(%dma_wait3A_95 : memref<120x16xf32, #tpu.memory_space<vmem>>) dst(%dma_wait3A_92 : memref<120x16xf32, #tpu.memory_space<vmem_shared>>)
      tpu.yield
    }) : () -> ()
    "tpu.region"() ({
      %run_scoped3A = tpu.sem_alloc : memref<!tpu.dma_semaphore, #tpu.memory_space<semaphore_mem>>
      %dma_start3A_76 = arith.constant 0 : i32
      %dma_start3A_77 = tpu.memref_slice %arg17[%mul3A_4, %dma_start3A_76] : memref<10112x16xf32, #tpu.memory_space<vmem_shared>> -> memref<632x16xf32, #tpu.memory_space<vmem_shared>>
      %dma_start3A_78 = arith.constant 0 : i32
      %dma_start3A_79 = tpu.memref_slice %arg2[%mul3A_4, %dma_start3A_78] : memref<10112x16xf32, #tpu.memory_space<hbm>> -> memref<632x16xf32, #tpu.memory_space<hbm>>
      tpu.enqueue_dma source(%dma_start3A_79 : memref<632x16xf32, #tpu.memory_space<hbm>>) target(%dma_start3A_77 : memref<632x16xf32, #tpu.memory_space<vmem_shared>>) target_semaphore(%run_scoped3A : memref<!tpu.dma_semaphore, #tpu.memory_space<semaphore_mem>>)
      %dma_wait3A_80 = arith.constant 0 : i32
      %dma_wait3A_81 = tpu.memref_slice %arg17[%mul3A_4, %dma_wait3A_80] : memref<10112x16xf32, #tpu.memory_space<vmem_shared>> -> memref<632x16xf32, #tpu.memory_space<vmem_shared>>
      %dma_wait3A_82 = arith.constant 0 : i32
      %dma_wait3A_83 = tpu.memref_slice %arg2[%mul3A_4, %dma_wait3A_82] : memref<10112x16xf32, #tpu.memory_space<hbm>> -> memref<632x16xf32, #tpu.memory_space<hbm>>
      tpu.wait_dma2 semaphore(%run_scoped3A : memref<!tpu.dma_semaphore, #tpu.memory_space<semaphore_mem>>) src(%dma_wait3A_83 : memref<632x16xf32, #tpu.memory_space<hbm>>) dst(%dma_wait3A_81 : memref<632x16xf32, #tpu.memory_space<vmem_shared>>)
      tpu.yield
    }) : () -> ()
    %barrier3A = arith.constant 0 : index
    tpu.barrier barrier_id(%barrier3A)
    %mul3A_14 = arith.constant 16 : i32
    %mul3A_15 = arith.muli %arg0, %mul3A_14 : i32
    %add3A_16 = arith.addi %mul3A_15, %arg1 : i32
    %mul3A_17 = arith.constant 80 : i32
    %mul3A_18 = arith.muli %add3A_16, %mul3A_17 : i32
    %scan3A_19 = arith.constant 0 : i32
    %mul3A_20 = arith.constant 1 : i32
    %mul3A_21 = arith.muli %scan3A_19, %mul3A_20 : i32
    %add3A_22 = arith.constant 0 : i32
    %add3A_23 = arith.addi %add3A_22, %mul3A_21 : i32
    %mul3A_24 = arith.constant 80 : i32
    %mul3A_25 = arith.muli %add3A_23, %mul3A_24 : i32
    %add3A_26 = arith.addi %mul3A_18, %mul3A_25 : i32
    %mul3A_27 = arith.constant 2 : i32
    %mul3A_28 = arith.muli %mul3A_27, %add3A_26 : i32
    "tpu.region"() ({
      %run_scoped3A = tpu.sem_alloc : memref<!tpu.dma_semaphore, #tpu.memory_space<semaphore_mem>>
      %dma_start3A_76 = arith.constant 0 : i32
      %dma_start3A_77 = tpu.memref_slice %arg3[%mul3A_28, %dma_start3A_76] : memref<5120x64xi32, #tpu.memory_space<hbm>> -> memref<160x64xi32, #tpu.memory_space<hbm>>
      %dma_start3A_78 = arith.constant 0 : i32
      %dma_start3A_79 = tpu.memref_slice %arg3[%mul3A_28, %dma_start3A_78] : memref<5120x64xi32, #tpu.memory_space<hbm>> -> memref<160x64xi32, #tpu.memory_space<hbm>>
      tpu.enqueue_dma source(%dma_start3A_79 : memref<160x64xi32, #tpu.memory_space<hbm>>) target(%arg8 : memref<160x64xi32, #tpu.memory_space<vmem>>) target_semaphore(%run_scoped3A : memref<!tpu.dma_semaphore, #tpu.memory_space<semaphore_mem>>)
      %dma_wait3A_80 = arith.constant 0 : i32
      %dma_wait3A_81 = tpu.memref_slice %arg3[%mul3A_28, %dma_wait3A_80] : memref<5120x64xi32, #tpu.memory_space<hbm>> -> memref<160x64xi32, #tpu.memory_space<hbm>>
      %dma_wait3A_82 = arith.constant 0 : i32
      %dma_wait3A_83 = tpu.memref_slice %arg3[%mul3A_28, %dma_wait3A_82] : memref<5120x64xi32, #tpu.memory_space<hbm>> -> memref<160x64xi32, #tpu.memory_space<hbm>>
      tpu.wait_dma2 semaphore(%run_scoped3A : memref<!tpu.dma_semaphore, #tpu.memory_space<semaphore_mem>>) src(%dma_wait3A_83 : memref<160x64xi32, #tpu.memory_space<hbm>>) dst(%arg8 : memref<160x64xi32, #tpu.memory_space<vmem>>)
      tpu.yield
    }) : () -> ()
    %mul3A_29 = arith.constant 2 : i32
    %mul3A_30 = arith.muli %mul3A_29, %add3A_26 : i32
    "tpu.region"() ({
      %run_scoped3A = tpu.sem_alloc : memref<!tpu.dma_semaphore, #tpu.memory_space<semaphore_mem>>
      %dma_start3A_76 = arith.constant 0 : i32
      %dma_start3A_77 = tpu.memref_slice %arg4[%mul3A_30, %dma_start3A_76] : memref<5120x64xi32, #tpu.memory_space<hbm>> -> memref<160x64xi32, #tpu.memory_space<hbm>>
      %dma_start3A_78 = arith.constant 0 : i32
      %dma_start3A_79 = tpu.memref_slice %arg4[%mul3A_30, %dma_start3A_78] : memref<5120x64xi32, #tpu.memory_space<hbm>> -> memref<160x64xi32, #tpu.memory_space<hbm>>
      tpu.enqueue_dma source(%dma_start3A_79 : memref<160x64xi32, #tpu.memory_space<hbm>>) target(%arg9 : memref<160x64xi32, #tpu.memory_space<vmem>>) target_semaphore(%run_scoped3A : memref<!tpu.dma_semaphore, #tpu.memory_space<semaphore_mem>>)
      %dma_wait3A_80 = arith.constant 0 : i32
      %dma_wait3A_81 = tpu.memref_slice %arg4[%mul3A_30, %dma_wait3A_80] : memref<5120x64xi32, #tpu.memory_space<hbm>> -> memref<160x64xi32, #tpu.memory_space<hbm>>
      %dma_wait3A_82 = arith.constant 0 : i32
      %dma_wait3A_83 = tpu.memref_slice %arg4[%mul3A_30, %dma_wait3A_82] : memref<5120x64xi32, #tpu.memory_space<hbm>> -> memref<160x64xi32, #tpu.memory_space<hbm>>
      tpu.wait_dma2 semaphore(%run_scoped3A : memref<!tpu.dma_semaphore, #tpu.memory_space<semaphore_mem>>) src(%dma_wait3A_83 : memref<160x64xi32, #tpu.memory_space<hbm>>) dst(%arg9 : memref<160x64xi32, #tpu.memory_space<vmem>>)
      tpu.yield
    }) : () -> ()
    "tpu.region"() ({
      %run_scoped3A = tpu.sem_alloc : memref<!tpu.dma_semaphore, #tpu.memory_space<semaphore_mem>>
      %dma_start3A_76 = arith.constant 0 : i32
      %dma_start3A_77 = tpu.memref_slice %arg5[%add3A_26, %dma_start3A_76] : memref<2560x128xf32, #tpu.memory_space<hbm>> -> memref<80x128xf32, #tpu.memory_space<hbm>>
      %dma_start3A_78 = arith.constant 0 : i32
      %dma_start3A_79 = tpu.memref_slice %arg5[%add3A_26, %dma_start3A_78] : memref<2560x128xf32, #tpu.memory_space<hbm>> -> memref<80x128xf32, #tpu.memory_space<hbm>>
      tpu.enqueue_dma source(%dma_start3A_79 : memref<80x128xf32, #tpu.memory_space<hbm>>) target(%arg10 : memref<80x128xf32, #tpu.memory_space<vmem>>) target_semaphore(%run_scoped3A : memref<!tpu.dma_semaphore, #tpu.memory_space<semaphore_mem>>)
      %dma_wait3A_80 = arith.constant 0 : i32
      %dma_wait3A_81 = tpu.memref_slice %arg5[%add3A_26, %dma_wait3A_80] : memref<2560x128xf32, #tpu.memory_space<hbm>> -> memref<80x128xf32, #tpu.memory_space<hbm>>
      %dma_wait3A_82 = arith.constant 0 : i32
      %dma_wait3A_83 = tpu.memref_slice %arg5[%add3A_26, %dma_wait3A_82] : memref<2560x128xf32, #tpu.memory_space<hbm>> -> memref<80x128xf32, #tpu.memory_space<hbm>>
      tpu.wait_dma2 semaphore(%run_scoped3A : memref<!tpu.dma_semaphore, #tpu.memory_space<semaphore_mem>>) src(%dma_wait3A_83 : memref<80x128xf32, #tpu.memory_space<hbm>>) dst(%arg10 : memref<80x128xf32, #tpu.memory_space<vmem>>)
      tpu.yield
    }) : () -> ()
    %dma_start3A = arith.constant 0 : i32
    %dma_start3A_31 = arith.constant 0 : i32
    %dma_start3A_32 = arith.constant 0 : i32
    %dma_start3A_33 = tpu.memref_slice %arg11[%dma_start3A_31, %dma_start3A_32] : memref<128x16xf32, #tpu.memory_space<vmem>> -> memref<64x16xf32, #tpu.memory_space<vmem>>
    %dma_start3A_34 = arith.constant 0 : i32
    %dma_start3A_35 = tpu.memref_slice %arg8[%dma_start3A, %dma_start3A_34] : memref<160x64xi32, #tpu.memory_space<vmem>> -> memref<1x64xi32, #tpu.memory_space<vmem>>
    %dma_start3A_36 = tpu.memref_squeeze %dma_start3A_35 : memref<1x64xi32, #tpu.memory_space<vmem>> -> memref<64xi32, #tpu.memory_space<vmem>>
    %dma_start3A_37 = arith.constant 0 : i32
    %dma_start3A_38 = arith.constant 0 : i32
    %dma_start3A_39 = tpu.memref_slice %arg17[%dma_start3A_37, %dma_start3A_38] : memref<10112x16xf32, #tpu.memory_space<vmem_shared>> -> memref<10112x16xf32, #tpu.memory_space<vmem_shared>>
    tpu.enqueue_indirect_dma source(%dma_start3A_39 : memref<10112x16xf32, #tpu.memory_space<vmem_shared>>) target(%dma_start3A_33 : memref<64x16xf32, #tpu.memory_space<vmem>>) offsets(%dma_start3A_36 : memref<64xi32, #tpu.memory_space<vmem>>) semaphore(%arg13 : memref<!tpu.dma_semaphore, #tpu.memory_space<semaphore_mem>>)
    %dma_start3A_40 = arith.constant 1 : i32
    %dma_start3A_41 = arith.constant 64 : i32
    %dma_start3A_42 = arith.constant 0 : i32
    %dma_start3A_43 = tpu.memref_slice %arg11[%dma_start3A_41, %dma_start3A_42] : memref<128x16xf32, #tpu.memory_space<vmem>> -> memref<64x16xf32, #tpu.memory_space<vmem>>
    %dma_start3A_44 = arith.constant 0 : i32
    %dma_start3A_45 = tpu.memref_slice %arg8[%dma_start3A_40, %dma_start3A_44] : memref<160x64xi32, #tpu.memory_space<vmem>> -> memref<1x64xi32, #tpu.memory_space<vmem>>
    %dma_start3A_46 = tpu.memref_squeeze %dma_start3A_45 : memref<1x64xi32, #tpu.memory_space<vmem>> -> memref<64xi32, #tpu.memory_space<vmem>>
    %dma_start3A_47 = arith.constant 0 : i32
    %dma_start3A_48 = arith.constant 0 : i32
    %dma_start3A_49 = tpu.memref_slice %arg17[%dma_start3A_47, %dma_start3A_48] : memref<10112x16xf32, #tpu.memory_space<vmem_shared>> -> memref<10112x16xf32, #tpu.memory_space<vmem_shared>>
    tpu.enqueue_indirect_dma source(%dma_start3A_49 : memref<10112x16xf32, #tpu.memory_space<vmem_shared>>) target(%dma_start3A_43 : memref<64x16xf32, #tpu.memory_space<vmem>>) offsets(%dma_start3A_46 : memref<64xi32, #tpu.memory_space<vmem>>) semaphore(%arg13 : memref<!tpu.dma_semaphore, #tpu.memory_space<semaphore_mem>>)
    %scan3A_50 = arith.constant 0 : i32
    %scan3A_51 = arith.constant 40 : i32
    %scan3A_52 = arith.addi %scan3A_50, %scan3A_51 : i32
    %scan3A_53 = arith.constant 1 : i32
    scf.for %scan3A_76 = %scan3A_50 to %scan3A_52 step %scan3A_53  : i32 {
      %mul3A_77 = arith.constant 1 : i32
      %mul3A_78 = arith.muli %scan3A_76, %mul3A_77 : i32
      %add3A_79 = arith.constant 0 : i32
      %add3A_80 = arith.addi %add3A_79, %mul3A_78 : i32
      %mul3A_81 = arith.constant 2 : i32
      %mul3A_82 = arith.muli %mul3A_81, %add3A_80 : i32
      %mul3A_83 = arith.constant 2 : i32
      %mul3A_84 = arith.muli %mul3A_83, %add3A_80 : i32
      %add3A_85 = arith.constant 1 : i32
      %add3A_86 = arith.addi %mul3A_84, %add3A_85 : i32
      %gt3A = arith.constant 0 : i32
      %gt3A_87 = arith.cmpi sgt, %add3A_80, %gt3A : i32
      %convert_element_type3A = arith.extui %gt3A_87 : i1 to i32
      %cond3A = arith.constant 0 : i32
      %cond3A_88 = arith.cmpi ne, %convert_element_type3A, %cond3A : i32
      scf.if %cond3A_88 {
        %mul3A_247 = arith.constant 2 : i32
        %mul3A_248 = arith.muli %mul3A_247, %add3A_86 : i32
        %dma_wait3A_249 = arith.constant 0 : i32
        %dma_wait3A_250 = arith.constant 0 : i32
        %dma_wait3A_251 = tpu.memref_slice %arg12[%dma_wait3A_249, %dma_wait3A_250] : memref<128x16xf32, #tpu.memory_space<vmem>> -> memref<64x16xf32, #tpu.memory_space<vmem>>
        %dma_wait3A_252 = arith.constant 0 : i32
        %dma_wait3A_253 = tpu.memref_slice %arg9[%mul3A_248, %dma_wait3A_252] : memref<160x64xi32, #tpu.memory_space<vmem>> -> memref<1x64xi32, #tpu.memory_space<vmem>>
        %dma_wait3A_254 = tpu.memref_squeeze %dma_wait3A_253 : memref<1x64xi32, #tpu.memory_space<vmem>> -> memref<64xi32, #tpu.memory_space<vmem>>
        %dma_wait3A_255 = arith.constant 0 : i32
        %dma_wait3A_256 = arith.constant 0 : i32
        %dma_wait3A_257 = tpu.memref_slice %arg7[%dma_wait3A_255, %dma_wait3A_256] : memref<10112x16xf32, #tpu.memory_space<vmem_shared>> -> memref<10112x16xf32, #tpu.memory_space<vmem_shared>>
        tpu.wait_indirect_dma semaphore(%arg16 : memref<!tpu.dma_semaphore, #tpu.memory_space<semaphore_mem>>) src(%dma_wait3A_251 : memref<64x16xf32, #tpu.memory_space<vmem>>) dst(%dma_wait3A_257 : memref<10112x16xf32, #tpu.memory_space<vmem_shared>>)
        %mul3A_258 = arith.constant 2 : i32
        %mul3A_259 = arith.muli %mul3A_258, %add3A_86 : i32
        %add3A_260 = arith.constant 1 : i32
        %add3A_261 = arith.addi %mul3A_259, %add3A_260 : i32
        %dma_wait3A_262 = arith.constant 64 : i32
        %dma_wait3A_263 = arith.constant 0 : i32
        %dma_wait3A_264 = tpu.memref_slice %arg12[%dma_wait3A_262, %dma_wait3A_263] : memref<128x16xf32, #tpu.memory_space<vmem>> -> memref<64x16xf32, #tpu.memory_space<vmem>>
        %dma_wait3A_265 = arith.constant 0 : i32
        %dma_wait3A_266 = tpu.memref_slice %arg9[%add3A_261, %dma_wait3A_265] : memref<160x64xi32, #tpu.memory_space<vmem>> -> memref<1x64xi32, #tpu.memory_space<vmem>>
        %dma_wait3A_267 = tpu.memref_squeeze %dma_wait3A_266 : memref<1x64xi32, #tpu.memory_space<vmem>> -> memref<64xi32, #tpu.memory_space<vmem>>
        %dma_wait3A_268 = arith.constant 0 : i32
        %dma_wait3A_269 = arith.constant 0 : i32
        %dma_wait3A_270 = tpu.memref_slice %arg7[%dma_wait3A_268, %dma_wait3A_269] : memref<10112x16xf32, #tpu.memory_space<vmem_shared>> -> memref<10112x16xf32, #tpu.memory_space<vmem_shared>>
        tpu.wait_indirect_dma semaphore(%arg16 : memref<!tpu.dma_semaphore, #tpu.memory_space<semaphore_mem>>) src(%dma_wait3A_264 : memref<64x16xf32, #tpu.memory_space<vmem>>) dst(%dma_wait3A_270 : memref<10112x16xf32, #tpu.memory_space<vmem_shared>>)
      } else {
      }
      %mul3A_89 = arith.constant 2 : i32
      %mul3A_90 = arith.muli %mul3A_89, %add3A_86 : i32
      %dma_start3A_91 = arith.constant 0 : i32
      %dma_start3A_92 = arith.constant 0 : i32
      %dma_start3A_93 = tpu.memref_slice %arg12[%dma_start3A_91, %dma_start3A_92] : memref<128x16xf32, #tpu.memory_space<vmem>> -> memref<64x16xf32, #tpu.memory_space<vmem>>
      %dma_start3A_94 = arith.constant 0 : i32
      %dma_start3A_95 = tpu.memref_slice %arg8[%mul3A_90, %dma_start3A_94] : memref<160x64xi32, #tpu.memory_space<vmem>> -> memref<1x64xi32, #tpu.memory_space<vmem>>
      %dma_start3A_96 = tpu.memref_squeeze %dma_start3A_95 : memref<1x64xi32, #tpu.memory_space<vmem>> -> memref<64xi32, #tpu.memory_space<vmem>>
      %dma_start3A_97 = arith.constant 0 : i32
      %dma_start3A_98 = arith.constant 0 : i32
      %dma_start3A_99 = tpu.memref_slice %arg17[%dma_start3A_97, %dma_start3A_98] : memref<10112x16xf32, #tpu.memory_space<vmem_shared>> -> memref<10112x16xf32, #tpu.memory_space<vmem_shared>>
      tpu.enqueue_indirect_dma source(%dma_start3A_99 : memref<10112x16xf32, #tpu.memory_space<vmem_shared>>) target(%dma_start3A_93 : memref<64x16xf32, #tpu.memory_space<vmem>>) offsets(%dma_start3A_96 : memref<64xi32, #tpu.memory_space<vmem>>) semaphore(%arg14 : memref<!tpu.dma_semaphore, #tpu.memory_space<semaphore_mem>>)
      %mul3A_100 = arith.constant 2 : i32
      %mul3A_101 = arith.muli %mul3A_100, %add3A_86 : i32
      %add3A_102 = arith.constant 1 : i32
      %add3A_103 = arith.addi %mul3A_101, %add3A_102 : i32
      %dma_start3A_104 = arith.constant 64 : i32
      %dma_start3A_105 = arith.constant 0 : i32
      %dma_start3A_106 = tpu.memref_slice %arg12[%dma_start3A_104, %dma_start3A_105] : memref<128x16xf32, #tpu.memory_space<vmem>> -> memref<64x16xf32, #tpu.memory_space<vmem>>
      %dma_start3A_107 = arith.constant 0 : i32
      %dma_start3A_108 = tpu.memref_slice %arg8[%add3A_103, %dma_start3A_107] : memref<160x64xi32, #tpu.memory_space<vmem>> -> memref<1x64xi32, #tpu.memory_space<vmem>>
      %dma_start3A_109 = tpu.memref_squeeze %dma_start3A_108 : memref<1x64xi32, #tpu.memory_space<vmem>> -> memref<64xi32, #tpu.memory_space<vmem>>
      %dma_start3A_110 = arith.constant 0 : i32
      %dma_start3A_111 = arith.constant 0 : i32
      %dma_start3A_112 = tpu.memref_slice %arg17[%dma_start3A_110, %dma_start3A_111] : memref<10112x16xf32, #tpu.memory_space<vmem_shared>> -> memref<10112x16xf32, #tpu.memory_space<vmem_shared>>
      tpu.enqueue_indirect_dma source(%dma_start3A_112 : memref<10112x16xf32, #tpu.memory_space<vmem_shared>>) target(%dma_start3A_106 : memref<64x16xf32, #tpu.memory_space<vmem>>) offsets(%dma_start3A_109 : memref<64xi32, #tpu.memory_space<vmem>>) semaphore(%arg14 : memref<!tpu.dma_semaphore, #tpu.memory_space<semaphore_mem>>)
      %mul3A_113 = arith.constant 2 : i32
      %mul3A_114 = arith.muli %mul3A_113, %mul3A_82 : i32
      %dma_wait3A_115 = arith.constant 0 : i32
      %dma_wait3A_116 = arith.constant 0 : i32
      %dma_wait3A_117 = tpu.memref_slice %arg11[%dma_wait3A_115, %dma_wait3A_116] : memref<128x16xf32, #tpu.memory_space<vmem>> -> memref<64x16xf32, #tpu.memory_space<vmem>>
      %dma_wait3A_118 = arith.constant 0 : i32
      %dma_wait3A_119 = tpu.memref_slice %arg8[%mul3A_114, %dma_wait3A_118] : memref<160x64xi32, #tpu.memory_space<vmem>> -> memref<1x64xi32, #tpu.memory_space<vmem>>
      %dma_wait3A_120 = tpu.memref_squeeze %dma_wait3A_119 : memref<1x64xi32, #tpu.memory_space<vmem>> -> memref<64xi32, #tpu.memory_space<vmem>>
      %dma_wait3A_121 = arith.constant 0 : i32
      %dma_wait3A_122 = arith.constant 0 : i32
      %dma_wait3A_123 = tpu.memref_slice %arg17[%dma_wait3A_121, %dma_wait3A_122] : memref<10112x16xf32, #tpu.memory_space<vmem_shared>> -> memref<10112x16xf32, #tpu.memory_space<vmem_shared>>
      tpu.wait_indirect_dma semaphore(%arg13 : memref<!tpu.dma_semaphore, #tpu.memory_space<semaphore_mem>>) src(%dma_wait3A_123 : memref<10112x16xf32, #tpu.memory_space<vmem_shared>>) dst(%dma_wait3A_117 : memref<64x16xf32, #tpu.memory_space<vmem>>)
      %mul3A_124 = arith.constant 2 : i32
      %mul3A_125 = arith.muli %mul3A_124, %mul3A_82 : i32
      %add3A_126 = arith.constant 1 : i32
      %add3A_127 = arith.addi %mul3A_125, %add3A_126 : i32
      %dma_wait3A_128 = arith.constant 64 : i32
      %dma_wait3A_129 = arith.constant 0 : i32
      %dma_wait3A_130 = tpu.memref_slice %arg11[%dma_wait3A_128, %dma_wait3A_129] : memref<128x16xf32, #tpu.memory_space<vmem>> -> memref<64x16xf32, #tpu.memory_space<vmem>>
      %dma_wait3A_131 = arith.constant 0 : i32
      %dma_wait3A_132 = tpu.memref_slice %arg8[%add3A_127, %dma_wait3A_131] : memref<160x64xi32, #tpu.memory_space<vmem>> -> memref<1x64xi32, #tpu.memory_space<vmem>>
      %dma_wait3A_133 = tpu.memref_squeeze %dma_wait3A_132 : memref<1x64xi32, #tpu.memory_space<vmem>> -> memref<64xi32, #tpu.memory_space<vmem>>
      %dma_wait3A_134 = arith.constant 0 : i32
      %dma_wait3A_135 = arith.constant 0 : i32
      %dma_wait3A_136 = tpu.memref_slice %arg17[%dma_wait3A_134, %dma_wait3A_135] : memref<10112x16xf32, #tpu.memory_space<vmem_shared>> -> memref<10112x16xf32, #tpu.memory_space<vmem_shared>>
      tpu.wait_indirect_dma semaphore(%arg13 : memref<!tpu.dma_semaphore, #tpu.memory_space<semaphore_mem>>) src(%dma_wait3A_136 : memref<10112x16xf32, #tpu.memory_space<vmem_shared>>) dst(%dma_wait3A_130 : memref<64x16xf32, #tpu.memory_space<vmem>>)
      %scan3A_137 = arith.constant 0 : i32
      %scan3A_138 = arith.constant 8 : i32
      %scan3A_139 = arith.addi %scan3A_137, %scan3A_138 : i32
      %scan3A_140 = arith.constant 1 : i32
      scf.for %scan3A_247 = %scan3A_137 to %scan3A_139 step %scan3A_140  : i32 {
        %mul3A_248 = arith.constant 1 : i32
        %mul3A_249 = arith.muli %scan3A_247, %mul3A_248 : i32
        %add3A_250 = arith.constant 0 : i32
        %add3A_251 = arith.addi %add3A_250, %mul3A_249 : i32
        %mul3A_252 = arith.constant 16 : i32
        %mul3A_253 = arith.muli %add3A_251, %mul3A_252 : i32
        %get3A = arith.index_cast %mul3A_82 : i32 to index
        %get3A_254 = arith.index_cast %mul3A_253 : i32 to index
        %get3A_255 = tpu.vector_load %arg10[%get3A, %get3A_254] {strides = array<i32>} : memref<80x128xf32, #tpu.memory_space<vmem>>, vector<1x16xf32>,
        %get3A_256 = vector.shape_cast %get3A_255 : vector<1x16xf32> to vector<16xf32>
        %broadcast_in_dim3A = arith.constant 0 : i32
        %broadcast_in_dim3A_257 = vector.broadcast %broadcast_in_dim3A : i32 to vector<16x1xi32>
        %gather3A = vector.shape_cast %broadcast_in_dim3A_257 : vector<16x1xi32> to vector<16xi32>
        %gather3A_258 = tpu.dynamic_gather %get3A_256[%gather3A] in [0] : vector<16xf32>, vector<16xi32> -> vector<16xf32>
        %mul3A_259 = arith.constant 16 : i32
        %mul3A_260 = arith.muli %add3A_251, %mul3A_259 : i32
        %add3A_261 = arith.constant 0 : i32
        %add3A_262 = arith.addi %mul3A_260, %add3A_261 : i32
        %get3A_263 = arith.index_cast %add3A_262 : i32 to index
        %get3A_264 = arith.constant 0 : index
        %get3A_265 = tpu.vector_load %arg11[%get3A_263, %get3A_264] {strides = array<i32>} : memref<128x16xf32, #tpu.memory_space<vmem>>, vector<1x16xf32>,
        %get3A_266 = vector.shape_cast %get3A_265 : vector<1x16xf32> to vector<16xf32>
        %mul3A_267 = arith.mulf %get3A_266, %gather3A_258 : vector<16xf32>
        %swap3A = arith.index_cast %add3A_262 : i32 to index
        %swap3A_268 = arith.constant 0 : index
        %swap3A_269 = tpu.vector_load %arg11[%swap3A, %swap3A_268] {strides = array<i32>} : memref<128x16xf32, #tpu.memory_space<vmem>>, vector<1x16xf32>,
        %swap3A_270 = vector.shape_cast %swap3A_269 : vector<1x16xf32> to vector<16xf32>
        %swap3A_271 = vector.shape_cast %mul3A_267 : vector<16xf32> to vector<1x16xf32>
        tpu.vector_store %arg11[%swap3A, %swap3A_268], %swap3A_271 {strides = array<i32>} : memref<128x16xf32, #tpu.memory_space<vmem>>, vector<1x16xf32>,
        %broadcast_in_dim3A_272 = arith.constant 1 : i32
        %broadcast_in_dim3A_273 = vector.broadcast %broadcast_in_dim3A_272 : i32 to vector<16x1xi32>
        %gather3A_274 = vector.shape_cast %broadcast_in_dim3A_273 : vector<16x1xi32> to vector<16xi32>
        %gather3A_275 = tpu.dynamic_gather %get3A_256[%gather3A_274] in [0] : vector<16xf32>, vector<16xi32> -> vector<16xf32>
        %mul3A_276 = arith.constant 16 : i32
        %mul3A_277 = arith.muli %add3A_251, %mul3A_276 : i32
        %add3A_278 = arith.constant 1 : i32
        %add3A_279 = arith.addi %mul3A_277, %add3A_278 : i32
        %get3A_280 = arith.index_cast %add3A_279 : i32 to index
        %get3A_281 = arith.constant 0 : index
        %get3A_282 = tpu.vector_load %arg11[%get3A_280, %get3A_281] {strides = array<i32>} : memref<128x16xf32, #tpu.memory_space<vmem>>, vector<1x16xf32>,
        %get3A_283 = vector.shape_cast %get3A_282 : vector<1x16xf32> to vector<16xf32>
        %mul3A_284 = arith.mulf %get3A_283, %gather3A_275 : vector<16xf32>
        %swap3A_285 = arith.index_cast %add3A_279 : i32 to index
        %swap3A_286 = arith.constant 0 : index
        %swap3A_287 = tpu.vector_load %arg11[%swap3A_285, %swap3A_286] {strides = array<i32>} : memref<128x16xf32, #tpu.memory_space<vmem>>, vector<1x16xf32>,
        %swap3A_288 = vector.shape_cast %swap3A_287 : vector<1x16xf32> to vector<16xf32>
        %swap3A_289 = vector.shape_cast %mul3A_284 : vector<16xf32> to vector<1x16xf32>
        tpu.vector_store %arg11[%swap3A_285, %swap3A_286], %swap3A_289 {strides = array<i32>} : memref<128x16xf32, #tpu.memory_space<vmem>>, vector<1x16xf32>,
        %broadcast_in_dim3A_290 = arith.constant 2 : i32
        %broadcast_in_dim3A_291 = vector.broadcast %broadcast_in_dim3A_290 : i32 to vector<16x1xi32>
        %gather3A_292 = vector.shape_cast %broadcast_in_dim3A_291 : vector<16x1xi32> to vector<16xi32>
        %gather3A_293 = tpu.dynamic_gather %get3A_256[%gather3A_292] in [0] : vector<16xf32>, vector<16xi32> -> vector<16xf32>
        %mul3A_294 = arith.constant 16 : i32
        %mul3A_295 = arith.muli %add3A_251, %mul3A_294 : i32
        %add3A_296 = arith.constant 2 : i32
        %add3A_297 = arith.addi %mul3A_295, %add3A_296 : i32
        %get3A_298 = arith.index_cast %add3A_297 : i32 to index
        %get3A_299 = arith.constant 0 : index
        %get3A_300 = tpu.vector_load %arg11[%get3A_298, %get3A_299] {strides = array<i32>} : memref<128x16xf32, #tpu.memory_space<vmem>>, vector<1x16xf32>,
        %get3A_301 = vector.shape_cast %get3A_300 : vector<1x16xf32> to vector<16xf32>
        %mul3A_302 = arith.mulf %get3A_301, %gather3A_293 : vector<16xf32>
        %swap3A_303 = arith.index_cast %add3A_297 : i32 to index
        %swap3A_304 = arith.constant 0 : index
        %swap3A_305 = tpu.vector_load %arg11[%swap3A_303, %swap3A_304] {strides = array<i32>} : memref<128x16xf32, #tpu.memory_space<vmem>>, vector<1x16xf32>,
        %swap3A_306 = vector.shape_cast %swap3A_305 : vector<1x16xf32> to vector<16xf32>
        %swap3A_307 = vector.shape_cast %mul3A_302 : vector<16xf32> to vector<1x16xf32>
        tpu.vector_store %arg11[%swap3A_303, %swap3A_304], %swap3A_307 {strides = array<i32>} : memref<128x16xf32, #tpu.memory_space<vmem>>, vector<1x16xf32>,
        %broadcast_in_dim3A_308 = arith.constant 3 : i32
        %broadcast_in_dim3A_309 = vector.broadcast %broadcast_in_dim3A_308 : i32 to vector<16x1xi32>
        %gather3A_310 = vector.shape_cast %broadcast_in_dim3A_309 : vector<16x1xi32> to vector<16xi32>
        %gather3A_311 = tpu.dynamic_gather %get3A_256[%gather3A_310] in [0] : vector<16xf32>, vector<16xi32> -> vector<16xf32>
        %mul3A_312 = arith.constant 16 : i32
        %mul3A_313 = arith.muli %add3A_251, %mul3A_312 : i32
        %add3A_314 = arith.constant 3 : i32
        %add3A_315 = arith.addi %mul3A_313, %add3A_314 : i32
        %get3A_316 = arith.index_cast %add3A_315 : i32 to index
        %get3A_317 = arith.constant 0 : index
        %get3A_318 = tpu.vector_load %arg11[%get3A_316, %get3A_317] {strides = array<i32>} : memref<128x16xf32, #tpu.memory_space<vmem>>, vector<1x16xf32>,
        %get3A_319 = vector.shape_cast %get3A_318 : vector<1x16xf32> to vector<16xf32>
        %mul3A_320 = arith.mulf %get3A_319, %gather3A_311 : vector<16xf32>
        %swap3A_321 = arith.index_cast %add3A_315 : i32 to index
        %swap3A_322 = arith.constant 0 : index
        %swap3A_323 = tpu.vector_load %arg11[%swap3A_321, %swap3A_322] {strides = array<i32>} : memref<128x16xf32, #tpu.memory_space<vmem>>, vector<1x16xf32>,
        %swap3A_324 = vector.shape_cast %swap3A_323 : vector<1x16xf32> to vector<16xf32>
        %swap3A_325 = vector.shape_cast %mul3A_320 : vector<16xf32> to vector<1x16xf32>
        tpu.vector_store %arg11[%swap3A_321, %swap3A_322], %swap3A_325 {strides = array<i32>} : memref<128x16xf32, #tpu.memory_space<vmem>>, vector<1x16xf32>,
        %broadcast_in_dim3A_326 = arith.constant 4 : i32
        %broadcast_in_dim3A_327 = vector.broadcast %broadcast_in_dim3A_326 : i32 to vector<16x1xi32>
        %gather3A_328 = vector.shape_cast %broadcast_in_dim3A_327 : vector<16x1xi32> to vector<16xi32>
        %gather3A_329 = tpu.dynamic_gather %get3A_256[%gather3A_328] in [0] : vector<16xf32>, vector<16xi32> -> vector<16xf32>
        %mul3A_330 = arith.constant 16 : i32
        %mul3A_331 = arith.muli %add3A_251, %mul3A_330 : i32
        %add3A_332 = arith.constant 4 : i32
        %add3A_333 = arith.addi %mul3A_331, %add3A_332 : i32
        %get3A_334 = arith.index_cast %add3A_333 : i32 to index
        %get3A_335 = arith.constant 0 : index
        %get3A_336 = tpu.vector_load %arg11[%get3A_334, %get3A_335] {strides = array<i32>} : memref<128x16xf32, #tpu.memory_space<vmem>>, vector<1x16xf32>,
        %get3A_337 = vector.shape_cast %get3A_336 : vector<1x16xf32> to vector<16xf32>
        %mul3A_338 = arith.mulf %get3A_337, %gather3A_329 : vector<16xf32>
        %swap3A_339 = arith.index_cast %add3A_333 : i32 to index
        %swap3A_340 = arith.constant 0 : index
        %swap3A_341 = tpu.vector_load %arg11[%swap3A_339, %swap3A_340] {strides = array<i32>} : memref<128x16xf32, #tpu.memory_space<vmem>>, vector<1x16xf32>,
        %swap3A_342 = vector.shape_cast %swap3A_341 : vector<1x16xf32> to vector<16xf32>
        %swap3A_343 = vector.shape_cast %mul3A_338 : vector<16xf32> to vector<1x16xf32>
        tpu.vector_store %arg11[%swap3A_339, %swap3A_340], %swap3A_343 {strides = array<i32>} : memref<128x16xf32, #tpu.memory_space<vmem>>, vector<1x16xf32>,
        %broadcast_in_dim3A_344 = arith.constant 5 : i32
        %broadcast_in_dim3A_345 = vector.broadcast %broadcast_in_dim3A_344 : i32 to vector<16x1xi32>
        %gather3A_346 = vector.shape_cast %broadcast_in_dim3A_345 : vector<16x1xi32> to vector<16xi32>
        %gather3A_347 = tpu.dynamic_gather %get3A_256[%gather3A_346] in [0] : vector<16xf32>, vector<16xi32> -> vector<16xf32>
        %mul3A_348 = arith.constant 16 : i32
        %mul3A_349 = arith.muli %add3A_251, %mul3A_348 : i32
        %add3A_350 = arith.constant 5 : i32
        %add3A_351 = arith.addi %mul3A_349, %add3A_350 : i32
        %get3A_352 = arith.index_cast %add3A_351 : i32 to index
        %get3A_353 = arith.constant 0 : index
        %get3A_354 = tpu.vector_load %arg11[%get3A_352, %get3A_353] {strides = array<i32>} : memref<128x16xf32, #tpu.memory_space<vmem>>, vector<1x16xf32>,
        %get3A_355 = vector.shape_cast %get3A_354 : vector<1x16xf32> to vector<16xf32>
        %mul3A_356 = arith.mulf %get3A_355, %gather3A_347 : vector<16xf32>
        %swap3A_357 = arith.index_cast %add3A_351 : i32 to index
        %swap3A_358 = arith.constant 0 : index
        %swap3A_359 = tpu.vector_load %arg11[%swap3A_357, %swap3A_358] {strides = array<i32>} : memref<128x16xf32, #tpu.memory_space<vmem>>, vector<1x16xf32>,
        %swap3A_360 = vector.shape_cast %swap3A_359 : vector<1x16xf32> to vector<16xf32>
        %swap3A_361 = vector.shape_cast %mul3A_356 : vector<16xf32> to vector<1x16xf32>
        tpu.vector_store %arg11[%swap3A_357, %swap3A_358], %swap3A_361 {strides = array<i32>} : memref<128x16xf32, #tpu.memory_space<vmem>>, vector<1x16xf32>,
        %broadcast_in_dim3A_362 = arith.constant 6 : i32
        %broadcast_in_dim3A_363 = vector.broadcast %broadcast_in_dim3A_362 : i32 to vector<16x1xi32>
        %gather3A_364 = vector.shape_cast %broadcast_in_dim3A_363 : vector<16x1xi32> to vector<16xi32>
        %gather3A_365 = tpu.dynamic_gather %get3A_256[%gather3A_364] in [0] : vector<16xf32>, vector<16xi32> -> vector<16xf32>
        %mul3A_366 = arith.constant 16 : i32
        %mul3A_367 = arith.muli %add3A_251, %mul3A_366 : i32
        %add3A_368 = arith.constant 6 : i32
        %add3A_369 = arith.addi %mul3A_367, %add3A_368 : i32
        %get3A_370 = arith.index_cast %add3A_369 : i32 to index
        %get3A_371 = arith.constant 0 : index
        %get3A_372 = tpu.vector_load %arg11[%get3A_370, %get3A_371] {strides = array<i32>} : memref<128x16xf32, #tpu.memory_space<vmem>>, vector<1x16xf32>,
        %get3A_373 = vector.shape_cast %get3A_372 : vector<1x16xf32> to vector<16xf32>
        %mul3A_374 = arith.mulf %get3A_373, %gather3A_365 : vector<16xf32>
        %swap3A_375 = arith.index_cast %add3A_369 : i32 to index
        %swap3A_376 = arith.constant 0 : index
        %swap3A_377 = tpu.vector_load %arg11[%swap3A_375, %swap3A_376] {strides = array<i32>} : memref<128x16xf32, #tpu.memory_space<vmem>>, vector<1x16xf32>,
        %swap3A_378 = vector.shape_cast %swap3A_377 : vector<1x16xf32> to vector<16xf32>
        %swap3A_379 = vector.shape_cast %mul3A_374 : vector<16xf32> to vector<1x16xf32>
        tpu.vector_store %arg11[%swap3A_375, %swap3A_376], %swap3A_379 {strides = array<i32>} : memref<128x16xf32, #tpu.memory_space<vmem>>, vector<1x16xf32>,
        %broadcast_in_dim3A_380 = arith.constant 7 : i32
        %broadcast_in_dim3A_381 = vector.broadcast %broadcast_in_dim3A_380 : i32 to vector<16x1xi32>
        %gather3A_382 = vector.shape_cast %broadcast_in_dim3A_381 : vector<16x1xi32> to vector<16xi32>
        %gather3A_383 = tpu.dynamic_gather %get3A_256[%gather3A_382] in [0] : vector<16xf32>, vector<16xi32> -> vector<16xf32>
        %mul3A_384 = arith.constant 16 : i32
        %mul3A_385 = arith.muli %add3A_251, %mul3A_384 : i32
        %add3A_386 = arith.constant 7 : i32
        %add3A_387 = arith.addi %mul3A_385, %add3A_386 : i32
        %get3A_388 = arith.index_cast %add3A_387 : i32 to index
        %get3A_389 = arith.constant 0 : index
        %get3A_390 = tpu.vector_load %arg11[%get3A_388, %get3A_389] {strides = array<i32>} : memref<128x16xf32, #tpu.memory_space<vmem>>, vector<1x16xf32>,
        %get3A_391 = vector.shape_cast %get3A_390 : vector<1x16xf32> to vector<16xf32>
        %mul3A_392 = arith.mulf %get3A_391, %gather3A_383 : vector<16xf32>
        %swap3A_393 = arith.index_cast %add3A_387 : i32 to index
        %swap3A_394 = arith.constant 0 : index
        %swap3A_395 = tpu.vector_load %arg11[%swap3A_393, %swap3A_394] {strides = array<i32>} : memref<128x16xf32, #tpu.memory_space<vmem>>, vector<1x16xf32>,
        %swap3A_396 = vector.shape_cast %swap3A_395 : vector<1x16xf32> to vector<16xf32>
        %swap3A_397 = vector.shape_cast %mul3A_392 : vector<16xf32> to vector<1x16xf32>
        tpu.vector_store %arg11[%swap3A_393, %swap3A_394], %swap3A_397 {strides = array<i32>} : memref<128x16xf32, #tpu.memory_space<vmem>>, vector<1x16xf32>,
        %broadcast_in_dim3A_398 = arith.constant 8 : i32
        %broadcast_in_dim3A_399 = vector.broadcast %broadcast_in_dim3A_398 : i32 to vector<16x1xi32>
        %gather3A_400 = vector.shape_cast %broadcast_in_dim3A_399 : vector<16x1xi32> to vector<16xi32>
        %gather3A_401 = tpu.dynamic_gather %get3A_256[%gather3A_400] in [0] : vector<16xf32>, vector<16xi32> -> vector<16xf32>
        %mul3A_402 = arith.constant 16 : i32
        %mul3A_403 = arith.muli %add3A_251, %mul3A_402 : i32
        %add3A_404 = arith.constant 8 : i32
        %add3A_405 = arith.addi %mul3A_403, %add3A_404 : i32
        %get3A_406 = arith.index_cast %add3A_405 : i32 to index
        %get3A_407 = arith.constant 0 : index
        %get3A_408 = tpu.vector_load %arg11[%get3A_406, %get3A_407] {strides = array<i32>} : memref<128x16xf32, #tpu.memory_space<vmem>>, vector<1x16xf32>,
        %get3A_409 = vector.shape_cast %get3A_408 : vector<1x16xf32> to vector<16xf32>
        %mul3A_410 = arith.mulf %get3A_409, %gather3A_401 : vector<16xf32>
        %swap3A_411 = arith.index_cast %add3A_405 : i32 to index
        %swap3A_412 = arith.constant 0 : index
        %swap3A_413 = tpu.vector_load %arg11[%swap3A_411, %swap3A_412] {strides = array<i32>} : memref<128x16xf32, #tpu.memory_space<vmem>>, vector<1x16xf32>,
        %swap3A_414 = vector.shape_cast %swap3A_413 : vector<1x16xf32> to vector<16xf32>
        %swap3A_415 = vector.shape_cast %mul3A_410 : vector<16xf32> to vector<1x16xf32>
        tpu.vector_store %arg11[%swap3A_411, %swap3A_412], %swap3A_415 {strides = array<i32>} : memref<128x16xf32, #tpu.memory_space<vmem>>, vector<1x16xf32>,
        %broadcast_in_dim3A_416 = arith.constant 9 : i32
        %broadcast_in_dim3A_417 = vector.broadcast %broadcast_in_dim3A_416 : i32 to vector<16x1xi32>
        %gather3A_418 = vector.shape_cast %broadcast_in_dim3A_417 : vector<16x1xi32> to vector<16xi32>
        %gather3A_419 = tpu.dynamic_gather %get3A_256[%gather3A_418] in [0] : vector<16xf32>, vector<16xi32> -> vector<16xf32>
        %mul3A_420 = arith.constant 16 : i32
        %mul3A_421 = arith.muli %add3A_251, %mul3A_420 : i32
        %add3A_422 = arith.constant 9 : i32
        %add3A_423 = arith.addi %mul3A_421, %add3A_422 : i32
        %get3A_424 = arith.index_cast %add3A_423 : i32 to index
        %get3A_425 = arith.constant 0 : index
        %get3A_426 = tpu.vector_load %arg11[%get3A_424, %get3A_425] {strides = array<i32>} : memref<128x16xf32, #tpu.memory_space<vmem>>, vector<1x16xf32>,
        %get3A_427 = vector.shape_cast %get3A_426 : vector<1x16xf32> to vector<16xf32>
        %mul3A_428 = arith.mulf %get3A_427, %gather3A_419 : vector<16xf32>
        %swap3A_429 = arith.index_cast %add3A_423 : i32 to index
        %swap3A_430 = arith.constant 0 : index
        %swap3A_431 = tpu.vector_load %arg11[%swap3A_429, %swap3A_430] {strides = array<i32>} : memref<128x16xf32, #tpu.memory_space<vmem>>, vector<1x16xf32>,
        %swap3A_432 = vector.shape_cast %swap3A_431 : vector<1x16xf32> to vector<16xf32>
        %swap3A_433 = vector.shape_cast %mul3A_428 : vector<16xf32> to vector<1x16xf32>
        tpu.vector_store %arg11[%swap3A_429, %swap3A_430], %swap3A_433 {strides = array<i32>} : memref<128x16xf32, #tpu.memory_space<vmem>>, vector<1x16xf32>,
        %broadcast_in_dim3A_434 = arith.constant 10 : i32
        %broadcast_in_dim3A_435 = vector.broadcast %broadcast_in_dim3A_434 : i32 to vector<16x1xi32>
        %gather3A_436 = vector.shape_cast %broadcast_in_dim3A_435 : vector<16x1xi32> to vector<16xi32>
        %gather3A_437 = tpu.dynamic_gather %get3A_256[%gather3A_436] in [0] : vector<16xf32>, vector<16xi32> -> vector<16xf32>
        %mul3A_438 = arith.constant 16 : i32
        %mul3A_439 = arith.muli %add3A_251, %mul3A_438 : i32
        %add3A_440 = arith.constant 10 : i32
        %add3A_441 = arith.addi %mul3A_439, %add3A_440 : i32
        %get3A_442 = arith.index_cast %add3A_441 : i32 to index
        %get3A_443 = arith.constant 0 : index
        %get3A_444 = tpu.vector_load %arg11[%get3A_442, %get3A_443] {strides = array<i32>} : memref<128x16xf32, #tpu.memory_space<vmem>>, vector<1x16xf32>,
        %get3A_445 = vector.shape_cast %get3A_444 : vector<1x16xf32> to vector<16xf32>
        %mul3A_446 = arith.mulf %get3A_445, %gather3A_437 : vector<16xf32>
        %swap3A_447 = arith.index_cast %add3A_441 : i32 to index
        %swap3A_448 = arith.constant 0 : index
        %swap3A_449 = tpu.vector_load %arg11[%swap3A_447, %swap3A_448] {strides = array<i32>} : memref<128x16xf32, #tpu.memory_space<vmem>>, vector<1x16xf32>,
        %swap3A_450 = vector.shape_cast %swap3A_449 : vector<1x16xf32> to vector<16xf32>
        %swap3A_451 = vector.shape_cast %mul3A_446 : vector<16xf32> to vector<1x16xf32>
        tpu.vector_store %arg11[%swap3A_447, %swap3A_448], %swap3A_451 {strides = array<i32>} : memref<128x16xf32, #tpu.memory_space<vmem>>, vector<1x16xf32>,
        %broadcast_in_dim3A_452 = arith.constant 11 : i32
        %broadcast_in_dim3A_453 = vector.broadcast %broadcast_in_dim3A_452 : i32 to vector<16x1xi32>
        %gather3A_454 = vector.shape_cast %broadcast_in_dim3A_453 : vector<16x1xi32> to vector<16xi32>
        %gather3A_455 = tpu.dynamic_gather %get3A_256[%gather3A_454] in [0] : vector<16xf32>, vector<16xi32> -> vector<16xf32>
        %mul3A_456 = arith.constant 16 : i32
        %mul3A_457 = arith.muli %add3A_251, %mul3A_456 : i32
        %add3A_458 = arith.constant 11 : i32
        %add3A_459 = arith.addi %mul3A_457, %add3A_458 : i32
        %get3A_460 = arith.index_cast %add3A_459 : i32 to index
        %get3A_461 = arith.constant 0 : index
        %get3A_462 = tpu.vector_load %arg11[%get3A_460, %get3A_461] {strides = array<i32>} : memref<128x16xf32, #tpu.memory_space<vmem>>, vector<1x16xf32>,
        %get3A_463 = vector.shape_cast %get3A_462 : vector<1x16xf32> to vector<16xf32>
        %mul3A_464 = arith.mulf %get3A_463, %gather3A_455 : vector<16xf32>
        %swap3A_465 = arith.index_cast %add3A_459 : i32 to index
        %swap3A_466 = arith.constant 0 : index
        %swap3A_467 = tpu.vector_load %arg11[%swap3A_465, %swap3A_466] {strides = array<i32>} : memref<128x16xf32, #tpu.memory_space<vmem>>, vector<1x16xf32>,
        %swap3A_468 = vector.shape_cast %swap3A_467 : vector<1x16xf32> to vector<16xf32>
        %swap3A_469 = vector.shape_cast %mul3A_464 : vector<16xf32> to vector<1x16xf32>
        tpu.vector_store %arg11[%swap3A_465, %swap3A_466], %swap3A_469 {strides = array<i32>} : memref<128x16xf32, #tpu.memory_space<vmem>>, vector<1x16xf32>,
        %broadcast_in_dim3A_470 = arith.constant 12 : i32
        %broadcast_in_dim3A_471 = vector.broadcast %broadcast_in_dim3A_470 : i32 to vector<16x1xi32>
        %gather3A_472 = vector.shape_cast %broadcast_in_dim3A_471 : vector<16x1xi32> to vector<16xi32>
        %gather3A_473 = tpu.dynamic_gather %get3A_256[%gather3A_472] in [0] : vector<16xf32>, vector<16xi32> -> vector<16xf32>
        %mul3A_474 = arith.constant 16 : i32
        %mul3A_475 = arith.muli %add3A_251, %mul3A_474 : i32
        %add3A_476 = arith.constant 12 : i32
        %add3A_477 = arith.addi %mul3A_475, %add3A_476 : i32
        %get3A_478 = arith.index_cast %add3A_477 : i32 to index
        %get3A_479 = arith.constant 0 : index
        %get3A_480 = tpu.vector_load %arg11[%get3A_478, %get3A_479] {strides = array<i32>} : memref<128x16xf32, #tpu.memory_space<vmem>>, vector<1x16xf32>,
        %get3A_481 = vector.shape_cast %get3A_480 : vector<1x16xf32> to vector<16xf32>
        %mul3A_482 = arith.mulf %get3A_481, %gather3A_473 : vector<16xf32>
        %swap3A_483 = arith.index_cast %add3A_477 : i32 to index
        %swap3A_484 = arith.constant 0 : index
        %swap3A_485 = tpu.vector_load %arg11[%swap3A_483, %swap3A_484] {strides = array<i32>} : memref<128x16xf32, #tpu.memory_space<vmem>>, vector<1x16xf32>,
        %swap3A_486 = vector.shape_cast %swap3A_485 : vector<1x16xf32> to vector<16xf32>
        %swap3A_487 = vector.shape_cast %mul3A_482 : vector<16xf32> to vector<1x16xf32>
        tpu.vector_store %arg11[%swap3A_483, %swap3A_484], %swap3A_487 {strides = array<i32>} : memref<128x16xf32, #tpu.memory_space<vmem>>, vector<1x16xf32>,
        %broadcast_in_dim3A_488 = arith.constant 13 : i32
        %broadcast_in_dim3A_489 = vector.broadcast %broadcast_in_dim3A_488 : i32 to vector<16x1xi32>
        %gather3A_490 = vector.shape_cast %broadcast_in_dim3A_489 : vector<16x1xi32> to vector<16xi32>
        %gather3A_491 = tpu.dynamic_gather %get3A_256[%gather3A_490] in [0] : vector<16xf32>, vector<16xi32> -> vector<16xf32>
        %mul3A_492 = arith.constant 16 : i32
        %mul3A_493 = arith.muli %add3A_251, %mul3A_492 : i32
        %add3A_494 = arith.constant 13 : i32
        %add3A_495 = arith.addi %mul3A_493, %add3A_494 : i32
        %get3A_496 = arith.index_cast %add3A_495 : i32 to index
        %get3A_497 = arith.constant 0 : index
        %get3A_498 = tpu.vector_load %arg11[%get3A_496, %get3A_497] {strides = array<i32>} : memref<128x16xf32, #tpu.memory_space<vmem>>, vector<1x16xf32>,
        %get3A_499 = vector.shape_cast %get3A_498 : vector<1x16xf32> to vector<16xf32>
        %mul3A_500 = arith.mulf %get3A_499, %gather3A_491 : vector<16xf32>
        %swap3A_501 = arith.index_cast %add3A_495 : i32 to index
        %swap3A_502 = arith.constant 0 : index
        %swap3A_503 = tpu.vector_load %arg11[%swap3A_501, %swap3A_502] {strides = array<i32>} : memref<128x16xf32, #tpu.memory_space<vmem>>, vector<1x16xf32>,
        %swap3A_504 = vector.shape_cast %swap3A_503 : vector<1x16xf32> to vector<16xf32>
        %swap3A_505 = vector.shape_cast %mul3A_500 : vector<16xf32> to vector<1x16xf32>
        tpu.vector_store %arg11[%swap3A_501, %swap3A_502], %swap3A_505 {strides = array<i32>} : memref<128x16xf32, #tpu.memory_space<vmem>>, vector<1x16xf32>,
        %broadcast_in_dim3A_506 = arith.constant 14 : i32
        %broadcast_in_dim3A_507 = vector.broadcast %broadcast_in_dim3A_506 : i32 to vector<16x1xi32>
        %gather3A_508 = vector.shape_cast %broadcast_in_dim3A_507 : vector<16x1xi32> to vector<16xi32>
        %gather3A_509 = tpu.dynamic_gather %get3A_256[%gather3A_508] in [0] : vector<16xf32>, vector<16xi32> -> vector<16xf32>
        %mul3A_510 = arith.constant 16 : i32
        %mul3A_511 = arith.muli %add3A_251, %mul3A_510 : i32
        %add3A_512 = arith.constant 14 : i32
        %add3A_513 = arith.addi %mul3A_511, %add3A_512 : i32
        %get3A_514 = arith.index_cast %add3A_513 : i32 to index
        %get3A_515 = arith.constant 0 : index
        %get3A_516 = tpu.vector_load %arg11[%get3A_514, %get3A_515] {strides = array<i32>} : memref<128x16xf32, #tpu.memory_space<vmem>>, vector<1x16xf32>,
        %get3A_517 = vector.shape_cast %get3A_516 : vector<1x16xf32> to vector<16xf32>
        %mul3A_518 = arith.mulf %get3A_517, %gather3A_509 : vector<16xf32>
        %swap3A_519 = arith.index_cast %add3A_513 : i32 to index
        %swap3A_520 = arith.constant 0 : index
        %swap3A_521 = tpu.vector_load %arg11[%swap3A_519, %swap3A_520] {strides = array<i32>} : memref<128x16xf32, #tpu.memory_space<vmem>>, vector<1x16xf32>,
        %swap3A_522 = vector.shape_cast %swap3A_521 : vector<1x16xf32> to vector<16xf32>
        %swap3A_523 = vector.shape_cast %mul3A_518 : vector<16xf32> to vector<1x16xf32>
        tpu.vector_store %arg11[%swap3A_519, %swap3A_520], %swap3A_523 {strides = array<i32>} : memref<128x16xf32, #tpu.memory_space<vmem>>, vector<1x16xf32>,
        %broadcast_in_dim3A_524 = arith.constant 15 : i32
        %broadcast_in_dim3A_525 = vector.broadcast %broadcast_in_dim3A_524 : i32 to vector<16x1xi32>
        %gather3A_526 = vector.shape_cast %broadcast_in_dim3A_525 : vector<16x1xi32> to vector<16xi32>
        %gather3A_527 = tpu.dynamic_gather %get3A_256[%gather3A_526] in [0] : vector<16xf32>, vector<16xi32> -> vector<16xf32>
        %mul3A_528 = arith.constant 16 : i32
        %mul3A_529 = arith.muli %add3A_251, %mul3A_528 : i32
        %add3A_530 = arith.constant 15 : i32
        %add3A_531 = arith.addi %mul3A_529, %add3A_530 : i32
        %get3A_532 = arith.index_cast %add3A_531 : i32 to index
        %get3A_533 = arith.constant 0 : index
        %get3A_534 = tpu.vector_load %arg11[%get3A_532, %get3A_533] {strides = array<i32>} : memref<128x16xf32, #tpu.memory_space<vmem>>, vector<1x16xf32>,
        %get3A_535 = vector.shape_cast %get3A_534 : vector<1x16xf32> to vector<16xf32>
        %mul3A_536 = arith.mulf %get3A_535, %gather3A_527 : vector<16xf32>
        %swap3A_537 = arith.index_cast %add3A_531 : i32 to index
        %swap3A_538 = arith.constant 0 : index
        %swap3A_539 = tpu.vector_load %arg11[%swap3A_537, %swap3A_538] {strides = array<i32>} : memref<128x16xf32, #tpu.memory_space<vmem>>, vector<1x16xf32>,
        %swap3A_540 = vector.shape_cast %swap3A_539 : vector<1x16xf32> to vector<16xf32>
        %swap3A_541 = vector.shape_cast %mul3A_536 : vector<16xf32> to vector<1x16xf32>
        tpu.vector_store %arg11[%swap3A_537, %swap3A_538], %swap3A_541 {strides = array<i32>} : memref<128x16xf32, #tpu.memory_space<vmem>>, vector<1x16xf32>,
      }
      %scan3A_141 = arith.constant 8 : i32
      %mul3A_142 = arith.constant 2 : i32
      %mul3A_143 = arith.muli %mul3A_142, %mul3A_82 : i32
      %dma_start3A_144 = arith.constant 0 : i32
      %dma_start3A_145 = arith.constant 0 : i32
      %dma_start3A_146 = tpu.memref_slice %arg11[%dma_start3A_144, %dma_start3A_145] : memref<128x16xf32, #tpu.memory_space<vmem>> -> memref<64x16xf32, #tpu.memory_space<vmem>>
      %dma_start3A_147 = arith.constant 0 : i32
      %dma_start3A_148 = tpu.memref_slice %arg9[%mul3A_143, %dma_start3A_147] : memref<160x64xi32, #tpu.memory_space<vmem>> -> memref<1x64xi32, #tpu.memory_space<vmem>>
      %dma_start3A_149 = tpu.memref_squeeze %dma_start3A_148 : memref<1x64xi32, #tpu.memory_space<vmem>> -> memref<64xi32, #tpu.memory_space<vmem>>
      %dma_start3A_150 = arith.constant 0 : i32
      %dma_start3A_151 = arith.constant 0 : i32
      %dma_start3A_152 = tpu.memref_slice %arg7[%dma_start3A_150, %dma_start3A_151] : memref<10112x16xf32, #tpu.memory_space<vmem_shared>> -> memref<10112x16xf32, #tpu.memory_space<vmem_shared>>
      tpu.enqueue_indirect_dma source(%dma_start3A_146 : memref<64x16xf32, #tpu.memory_space<vmem>>) target(%dma_start3A_152 : memref<10112x16xf32, #tpu.memory_space<vmem_shared>>) offsets(%dma_start3A_149 : memref<64xi32, #tpu.memory_space<vmem>>) semaphore(%arg15 : memref<!tpu.dma_semaphore, #tpu.memory_space<semaphore_mem>>) {add = true}
      %mul3A_153 = arith.constant 2 : i32
      %mul3A_154 = arith.muli %mul3A_153, %mul3A_82 : i32
      %add3A_155 = arith.constant 1 : i32
      %add3A_156 = arith.addi %mul3A_154, %add3A_155 : i32
      %dma_start3A_157 = arith.constant 64 : i32
      %dma_start3A_158 = arith.constant 0 : i32
      %dma_start3A_159 = tpu.memref_slice %arg11[%dma_start3A_157, %dma_start3A_158] : memref<128x16xf32, #tpu.memory_space<vmem>> -> memref<64x16xf32, #tpu.memory_space<vmem>>
      %dma_start3A_160 = arith.constant 0 : i32
      %dma_start3A_161 = tpu.memref_slice %arg9[%add3A_156, %dma_start3A_160] : memref<160x64xi32, #tpu.memory_space<vmem>> -> memref<1x64xi32, #tpu.memory_space<vmem>>
      %dma_start3A_162 = tpu.memref_squeeze %dma_start3A_161 : memref<1x64xi32, #tpu.memory_space<vmem>> -> memref<64xi32, #tpu.memory_space<vmem>>
      %dma_start3A_163 = arith.constant 0 : i32
      %dma_start3A_164 = arith.constant 0 : i32
      %dma_start3A_165 = tpu.memref_slice %arg7[%dma_start3A_163, %dma_start3A_164] : memref<10112x16xf32, #tpu.memory_space<vmem_shared>> -> memref<10112x16xf32, #tpu.memory_space<vmem_shared>>
      tpu.enqueue_indirect_dma source(%dma_start3A_159 : memref<64x16xf32, #tpu.memory_space<vmem>>) target(%dma_start3A_165 : memref<10112x16xf32, #tpu.memory_space<vmem_shared>>) offsets(%dma_start3A_162 : memref<64xi32, #tpu.memory_space<vmem>>) semaphore(%arg15 : memref<!tpu.dma_semaphore, #tpu.memory_space<semaphore_mem>>) {add = true}
      %mul3A_166 = arith.constant 2 : i32
      %mul3A_167 = arith.muli %mul3A_166, %add3A_86 : i32
      %dma_wait3A_168 = arith.constant 0 : i32
      %dma_wait3A_169 = arith.constant 0 : i32
      %dma_wait3A_170 = tpu.memref_slice %arg12[%dma_wait3A_168, %dma_wait3A_169] : memref<128x16xf32, #tpu.memory_space<vmem>> -> memref<64x16xf32, #tpu.memory_space<vmem>>
      %dma_wait3A_171 = arith.constant 0 : i32
      %dma_wait3A_172 = tpu.memref_slice %arg8[%mul3A_167, %dma_wait3A_171] : memref<160x64xi32, #tpu.memory_space<vmem>> -> memref<1x64xi32, #tpu.memory_space<vmem>>
      %dma_wait3A_173 = tpu.memref_squeeze %dma_wait3A_172 : memref<1x64xi32, #tpu.memory_space<vmem>> -> memref<64xi32, #tpu.memory_space<vmem>>
      %dma_wait3A_174 = arith.constant 0 : i32
      %dma_wait3A_175 = arith.constant 0 : i32
      %dma_wait3A_176 = tpu.memref_slice %arg17[%dma_wait3A_174, %dma_wait3A_175] : memref<10112x16xf32, #tpu.memory_space<vmem_shared>> -> memref<10112x16xf32, #tpu.memory_space<vmem_shared>>
      tpu.wait_indirect_dma semaphore(%arg14 : memref<!tpu.dma_semaphore, #tpu.memory_space<semaphore_mem>>) src(%dma_wait3A_176 : memref<10112x16xf32, #tpu.memory_space<vmem_shared>>) dst(%dma_wait3A_170 : memref<64x16xf32, #tpu.memory_space<vmem>>)
      %mul3A_177 = arith.constant 2 : i32
      %mul3A_178 = arith.muli %mul3A_177, %add3A_86 : i32
      %add3A_179 = arith.constant 1 : i32
      %add3A_180 = arith.addi %mul3A_178, %add3A_179 : i32
      %dma_wait3A_181 = arith.constant 64 : i32
      %dma_wait3A_182 = arith.constant 0 : i32
      %dma_wait3A_183 = tpu.memref_slice %arg12[%dma_wait3A_181, %dma_wait3A_182] : memref<128x16xf32, #tpu.memory_space<vmem>> -> memref<64x16xf32, #tpu.memory_space<vmem>>
      %dma_wait3A_184 = arith.constant 0 : i32
      %dma_wait3A_185 = tpu.memref_slice %arg8[%add3A_180, %dma_wait3A_184] : memref<160x64xi32, #tpu.memory_space<vmem>> -> memref<1x64xi32, #tpu.memory_space<vmem>>
      %dma_wait3A_186 = tpu.memref_squeeze %dma_wait3A_185 : memref<1x64xi32, #tpu.memory_space<vmem>> -> memref<64xi32, #tpu.memory_space<vmem>>
      %dma_wait3A_187 = arith.constant 0 : i32
      %dma_wait3A_188 = arith.constant 0 : i32
      %dma_wait3A_189 = tpu.memref_slice %arg17[%dma_wait3A_187, %dma_wait3A_188] : memref<10112x16xf32, #tpu.memory_space<vmem_shared>> -> memref<10112x16xf32, #tpu.memory_space<vmem_shared>>
      tpu.wait_indirect_dma semaphore(%arg14 : memref<!tpu.dma_semaphore, #tpu.memory_space<semaphore_mem>>) src(%dma_wait3A_189 : memref<10112x16xf32, #tpu.memory_space<vmem_shared>>) dst(%dma_wait3A_183 : memref<64x16xf32, #tpu.memory_space<vmem>>)
      %scan3A_190 = arith.constant 0 : i32
      %scan3A_191 = arith.constant 8 : i32
      %scan3A_192 = arith.addi %scan3A_190, %scan3A_191 : i32
      %scan3A_193 = arith.constant 1 : i32
      scf.for %scan3A_247 = %scan3A_190 to %scan3A_192 step %scan3A_193  : i32 {
        %mul3A_248 = arith.constant 1 : i32
        %mul3A_249 = arith.muli %scan3A_247, %mul3A_248 : i32
        %add3A_250 = arith.constant 0 : i32
        %add3A_251 = arith.addi %add3A_250, %mul3A_249 : i32
        %mul3A_252 = arith.constant 16 : i32
        %mul3A_253 = arith.muli %add3A_251, %mul3A_252 : i32
        %get3A = arith.index_cast %add3A_86 : i32 to index
        %get3A_254 = arith.index_cast %mul3A_253 : i32 to index
        %get3A_255 = tpu.vector_load %arg10[%get3A, %get3A_254] {strides = array<i32>} : memref<80x128xf32, #tpu.memory_space<vmem>>, vector<1x16xf32>,
        %get3A_256 = vector.shape_cast %get3A_255 : vector<1x16xf32> to vector<16xf32>
        %broadcast_in_dim3A = arith.constant 0 : i32
        %broadcast_in_dim3A_257 = vector.broadcast %broadcast_in_dim3A : i32 to vector<16x1xi32>
        %gather3A = vector.shape_cast %broadcast_in_dim3A_257 : vector<16x1xi32> to vector<16xi32>
        %gather3A_258 = tpu.dynamic_gather %get3A_256[%gather3A] in [0] : vector<16xf32>, vector<16xi32> -> vector<16xf32>
        %mul3A_259 = arith.constant 16 : i32
        %mul3A_260 = arith.muli %add3A_251, %mul3A_259 : i32
        %add3A_261 = arith.constant 0 : i32
        %add3A_262 = arith.addi %mul3A_260, %add3A_261 : i32
        %get3A_263 = arith.index_cast %add3A_262 : i32 to index
        %get3A_264 = arith.constant 0 : index
        %get3A_265 = tpu.vector_load %arg12[%get3A_263, %get3A_264] {strides = array<i32>} : memref<128x16xf32, #tpu.memory_space<vmem>>, vector<1x16xf32>,
        %get3A_266 = vector.shape_cast %get3A_265 : vector<1x16xf32> to vector<16xf32>
        %mul3A_267 = arith.mulf %get3A_266, %gather3A_258 : vector<16xf32>
        %swap3A = arith.index_cast %add3A_262 : i32 to index
        %swap3A_268 = arith.constant 0 : index
        %swap3A_269 = tpu.vector_load %arg12[%swap3A, %swap3A_268] {strides = array<i32>} : memref<128x16xf32, #tpu.memory_space<vmem>>, vector<1x16xf32>,
        %swap3A_270 = vector.shape_cast %swap3A_269 : vector<1x16xf32> to vector<16xf32>
        %swap3A_271 = vector.shape_cast %mul3A_267 : vector<16xf32> to vector<1x16xf32>
        tpu.vector_store %arg12[%swap3A, %swap3A_268], %swap3A_271 {strides = array<i32>} : memref<128x16xf32, #tpu.memory_space<vmem>>, vector<1x16xf32>,
        %broadcast_in_dim3A_272 = arith.constant 1 : i32
        %broadcast_in_dim3A_273 = vector.broadcast %broadcast_in_dim3A_272 : i32 to vector<16x1xi32>
        %gather3A_274 = vector.shape_cast %broadcast_in_dim3A_273 : vector<16x1xi32> to vector<16xi32>
        %gather3A_275 = tpu.dynamic_gather %get3A_256[%gather3A_274] in [0] : vector<16xf32>, vector<16xi32> -> vector<16xf32>
        %mul3A_276 = arith.constant 16 : i32
        %mul3A_277 = arith.muli %add3A_251, %mul3A_276 : i32
        %add3A_278 = arith.constant 1 : i32
        %add3A_279 = arith.addi %mul3A_277, %add3A_278 : i32
        %get3A_280 = arith.index_cast %add3A_279 : i32 to index
        %get3A_281 = arith.constant 0 : index
        %get3A_282 = tpu.vector_load %arg12[%get3A_280, %get3A_281] {strides = array<i32>} : memref<128x16xf32, #tpu.memory_space<vmem>>, vector<1x16xf32>,
        %get3A_283 = vector.shape_cast %get3A_282 : vector<1x16xf32> to vector<16xf32>
        %mul3A_284 = arith.mulf %get3A_283, %gather3A_275 : vector<16xf32>
        %swap3A_285 = arith.index_cast %add3A_279 : i32 to index
        %swap3A_286 = arith.constant 0 : index
        %swap3A_287 = tpu.vector_load %arg12[%swap3A_285, %swap3A_286] {strides = array<i32>} : memref<128x16xf32, #tpu.memory_space<vmem>>, vector<1x16xf32>,
        %swap3A_288 = vector.shape_cast %swap3A_287 : vector<1x16xf32> to vector<16xf32>
        %swap3A_289 = vector.shape_cast %mul3A_284 : vector<16xf32> to vector<1x16xf32>
        tpu.vector_store %arg12[%swap3A_285, %swap3A_286], %swap3A_289 {strides = array<i32>} : memref<128x16xf32, #tpu.memory_space<vmem>>, vector<1x16xf32>,
        %broadcast_in_dim3A_290 = arith.constant 2 : i32
        %broadcast_in_dim3A_291 = vector.broadcast %broadcast_in_dim3A_290 : i32 to vector<16x1xi32>
        %gather3A_292 = vector.shape_cast %broadcast_in_dim3A_291 : vector<16x1xi32> to vector<16xi32>
        %gather3A_293 = tpu.dynamic_gather %get3A_256[%gather3A_292] in [0] : vector<16xf32>, vector<16xi32> -> vector<16xf32>
        %mul3A_294 = arith.constant 16 : i32
        %mul3A_295 = arith.muli %add3A_251, %mul3A_294 : i32
        %add3A_296 = arith.constant 2 : i32
        %add3A_297 = arith.addi %mul3A_295, %add3A_296 : i32
        %get3A_298 = arith.index_cast %add3A_297 : i32 to index
        %get3A_299 = arith.constant 0 : index
        %get3A_300 = tpu.vector_load %arg12[%get3A_298, %get3A_299] {strides = array<i32>} : memref<128x16xf32, #tpu.memory_space<vmem>>, vector<1x16xf32>,
        %get3A_301 = vector.shape_cast %get3A_300 : vector<1x16xf32> to vector<16xf32>
        %mul3A_302 = arith.mulf %get3A_301, %gather3A_293 : vector<16xf32>
        %swap3A_303 = arith.index_cast %add3A_297 : i32 to index
        %swap3A_304 = arith.constant 0 : index
        %swap3A_305 = tpu.vector_load %arg12[%swap3A_303, %swap3A_304] {strides = array<i32>} : memref<128x16xf32, #tpu.memory_space<vmem>>, vector<1x16xf32>,
        %swap3A_306 = vector.shape_cast %swap3A_305 : vector<1x16xf32> to vector<16xf32>
        %swap3A_307 = vector.shape_cast %mul3A_302 : vector<16xf32> to vector<1x16xf32>
        tpu.vector_store %arg12[%swap3A_303, %swap3A_304], %swap3A_307 {strides = array<i32>} : memref<128x16xf32, #tpu.memory_space<vmem>>, vector<1x16xf32>,
        %broadcast_in_dim3A_308 = arith.constant 3 : i32
        %broadcast_in_dim3A_309 = vector.broadcast %broadcast_in_dim3A_308 : i32 to vector<16x1xi32>
        %gather3A_310 = vector.shape_cast %broadcast_in_dim3A_309 : vector<16x1xi32> to vector<16xi32>
        %gather3A_311 = tpu.dynamic_gather %get3A_256[%gather3A_310] in [0] : vector<16xf32>, vector<16xi32> -> vector<16xf32>
        %mul3A_312 = arith.constant 16 : i32
        %mul3A_313 = arith.muli %add3A_251, %mul3A_312 : i32
        %add3A_314 = arith.constant 3 : i32
        %add3A_315 = arith.addi %mul3A_313, %add3A_314 : i32
        %get3A_316 = arith.index_cast %add3A_315 : i32 to index
        %get3A_317 = arith.constant 0 : index
        %get3A_318 = tpu.vector_load %arg12[%get3A_316, %get3A_317] {strides = array<i32>} : memref<128x16xf32, #tpu.memory_space<vmem>>, vector<1x16xf32>,
        %get3A_319 = vector.shape_cast %get3A_318 : vector<1x16xf32> to vector<16xf32>
        %mul3A_320 = arith.mulf %get3A_319, %gather3A_311 : vector<16xf32>
        %swap3A_321 = arith.index_cast %add3A_315 : i32 to index
        %swap3A_322 = arith.constant 0 : index
        %swap3A_323 = tpu.vector_load %arg12[%swap3A_321, %swap3A_322] {strides = array<i32>} : memref<128x16xf32, #tpu.memory_space<vmem>>, vector<1x16xf32>,
        %swap3A_324 = vector.shape_cast %swap3A_323 : vector<1x16xf32> to vector<16xf32>
        %swap3A_325 = vector.shape_cast %mul3A_320 : vector<16xf32> to vector<1x16xf32>
        tpu.vector_store %arg12[%swap3A_321, %swap3A_322], %swap3A_325 {strides = array<i32>} : memref<128x16xf32, #tpu.memory_space<vmem>>, vector<1x16xf32>,
        %broadcast_in_dim3A_326 = arith.constant 4 : i32
        %broadcast_in_dim3A_327 = vector.broadcast %broadcast_in_dim3A_326 : i32 to vector<16x1xi32>
        %gather3A_328 = vector.shape_cast %broadcast_in_dim3A_327 : vector<16x1xi32> to vector<16xi32>
        %gather3A_329 = tpu.dynamic_gather %get3A_256[%gather3A_328] in [0] : vector<16xf32>, vector<16xi32> -> vector<16xf32>
        %mul3A_330 = arith.constant 16 : i32
        %mul3A_331 = arith.muli %add3A_251, %mul3A_330 : i32
        %add3A_332 = arith.constant 4 : i32
        %add3A_333 = arith.addi %mul3A_331, %add3A_332 : i32
        %get3A_334 = arith.index_cast %add3A_333 : i32 to index
        %get3A_335 = arith.constant 0 : index
        %get3A_336 = tpu.vector_load %arg12[%get3A_334, %get3A_335] {strides = array<i32>} : memref<128x16xf32, #tpu.memory_space<vmem>>, vector<1x16xf32>,
        %get3A_337 = vector.shape_cast %get3A_336 : vector<1x16xf32> to vector<16xf32>
        %mul3A_338 = arith.mulf %get3A_337, %gather3A_329 : vector<16xf32>
        %swap3A_339 = arith.index_cast %add3A_333 : i32 to index
        %swap3A_340 = arith.constant 0 : index
        %swap3A_341 = tpu.vector_load %arg12[%swap3A_339, %swap3A_340] {strides = array<i32>} : memref<128x16xf32, #tpu.memory_space<vmem>>, vector<1x16xf32>,
        %swap3A_342 = vector.shape_cast %swap3A_341 : vector<1x16xf32> to vector<16xf32>
        %swap3A_343 = vector.shape_cast %mul3A_338 : vector<16xf32> to vector<1x16xf32>
        tpu.vector_store %arg12[%swap3A_339, %swap3A_340], %swap3A_343 {strides = array<i32>} : memref<128x16xf32, #tpu.memory_space<vmem>>, vector<1x16xf32>,
        %broadcast_in_dim3A_344 = arith.constant 5 : i32
        %broadcast_in_dim3A_345 = vector.broadcast %broadcast_in_dim3A_344 : i32 to vector<16x1xi32>
        %gather3A_346 = vector.shape_cast %broadcast_in_dim3A_345 : vector<16x1xi32> to vector<16xi32>
        %gather3A_347 = tpu.dynamic_gather %get3A_256[%gather3A_346] in [0] : vector<16xf32>, vector<16xi32> -> vector<16xf32>
        %mul3A_348 = arith.constant 16 : i32
        %mul3A_349 = arith.muli %add3A_251, %mul3A_348 : i32
        %add3A_350 = arith.constant 5 : i32
        %add3A_351 = arith.addi %mul3A_349, %add3A_350 : i32
        %get3A_352 = arith.index_cast %add3A_351 : i32 to index
        %get3A_353 = arith.constant 0 : index
        %get3A_354 = tpu.vector_load %arg12[%get3A_352, %get3A_353] {strides = array<i32>} : memref<128x16xf32, #tpu.memory_space<vmem>>, vector<1x16xf32>,
        %get3A_355 = vector.shape_cast %get3A_354 : vector<1x16xf32> to vector<16xf32>
        %mul3A_356 = arith.mulf %get3A_355, %gather3A_347 : vector<16xf32>
        %swap3A_357 = arith.index_cast %add3A_351 : i32 to index
        %swap3A_358 = arith.constant 0 : index
        %swap3A_359 = tpu.vector_load %arg12[%swap3A_357, %swap3A_358] {strides = array<i32>} : memref<128x16xf32, #tpu.memory_space<vmem>>, vector<1x16xf32>,
        %swap3A_360 = vector.shape_cast %swap3A_359 : vector<1x16xf32> to vector<16xf32>
        %swap3A_361 = vector.shape_cast %mul3A_356 : vector<16xf32> to vector<1x16xf32>
        tpu.vector_store %arg12[%swap3A_357, %swap3A_358], %swap3A_361 {strides = array<i32>} : memref<128x16xf32, #tpu.memory_space<vmem>>, vector<1x16xf32>,
        %broadcast_in_dim3A_362 = arith.constant 6 : i32
        %broadcast_in_dim3A_363 = vector.broadcast %broadcast_in_dim3A_362 : i32 to vector<16x1xi32>
        %gather3A_364 = vector.shape_cast %broadcast_in_dim3A_363 : vector<16x1xi32> to vector<16xi32>
        %gather3A_365 = tpu.dynamic_gather %get3A_256[%gather3A_364] in [0] : vector<16xf32>, vector<16xi32> -> vector<16xf32>
        %mul3A_366 = arith.constant 16 : i32
        %mul3A_367 = arith.muli %add3A_251, %mul3A_366 : i32
        %add3A_368 = arith.constant 6 : i32
        %add3A_369 = arith.addi %mul3A_367, %add3A_368 : i32
        %get3A_370 = arith.index_cast %add3A_369 : i32 to index
        %get3A_371 = arith.constant 0 : index
        %get3A_372 = tpu.vector_load %arg12[%get3A_370, %get3A_371] {strides = array<i32>} : memref<128x16xf32, #tpu.memory_space<vmem>>, vector<1x16xf32>,
        %get3A_373 = vector.shape_cast %get3A_372 : vector<1x16xf32> to vector<16xf32>
        %mul3A_374 = arith.mulf %get3A_373, %gather3A_365 : vector<16xf32>
        %swap3A_375 = arith.index_cast %add3A_369 : i32 to index
        %swap3A_376 = arith.constant 0 : index
        %swap3A_377 = tpu.vector_load %arg12[%swap3A_375, %swap3A_376] {strides = array<i32>} : memref<128x16xf32, #tpu.memory_space<vmem>>, vector<1x16xf32>,
        %swap3A_378 = vector.shape_cast %swap3A_377 : vector<1x16xf32> to vector<16xf32>
        %swap3A_379 = vector.shape_cast %mul3A_374 : vector<16xf32> to vector<1x16xf32>
        tpu.vector_store %arg12[%swap3A_375, %swap3A_376], %swap3A_379 {strides = array<i32>} : memref<128x16xf32, #tpu.memory_space<vmem>>, vector<1x16xf32>,
        %broadcast_in_dim3A_380 = arith.constant 7 : i32
        %broadcast_in_dim3A_381 = vector.broadcast %broadcast_in_dim3A_380 : i32 to vector<16x1xi32>
        %gather3A_382 = vector.shape_cast %broadcast_in_dim3A_381 : vector<16x1xi32> to vector<16xi32>
        %gather3A_383 = tpu.dynamic_gather %get3A_256[%gather3A_382] in [0] : vector<16xf32>, vector<16xi32> -> vector<16xf32>
        %mul3A_384 = arith.constant 16 : i32
        %mul3A_385 = arith.muli %add3A_251, %mul3A_384 : i32
        %add3A_386 = arith.constant 7 : i32
        %add3A_387 = arith.addi %mul3A_385, %add3A_386 : i32
        %get3A_388 = arith.index_cast %add3A_387 : i32 to index
        %get3A_389 = arith.constant 0 : index
        %get3A_390 = tpu.vector_load %arg12[%get3A_388, %get3A_389] {strides = array<i32>} : memref<128x16xf32, #tpu.memory_space<vmem>>, vector<1x16xf32>,
        %get3A_391 = vector.shape_cast %get3A_390 : vector<1x16xf32> to vector<16xf32>
        %mul3A_392 = arith.mulf %get3A_391, %gather3A_383 : vector<16xf32>
        %swap3A_393 = arith.index_cast %add3A_387 : i32 to index
        %swap3A_394 = arith.constant 0 : index
        %swap3A_395 = tpu.vector_load %arg12[%swap3A_393, %swap3A_394] {strides = array<i32>} : memref<128x16xf32, #tpu.memory_space<vmem>>, vector<1x16xf32>,
        %swap3A_396 = vector.shape_cast %swap3A_395 : vector<1x16xf32> to vector<16xf32>
        %swap3A_397 = vector.shape_cast %mul3A_392 : vector<16xf32> to vector<1x16xf32>
        tpu.vector_store %arg12[%swap3A_393, %swap3A_394], %swap3A_397 {strides = array<i32>} : memref<128x16xf32, #tpu.memory_space<vmem>>, vector<1x16xf32>,
        %broadcast_in_dim3A_398 = arith.constant 8 : i32
        %broadcast_in_dim3A_399 = vector.broadcast %broadcast_in_dim3A_398 : i32 to vector<16x1xi32>
        %gather3A_400 = vector.shape_cast %broadcast_in_dim3A_399 : vector<16x1xi32> to vector<16xi32>
        %gather3A_401 = tpu.dynamic_gather %get3A_256[%gather3A_400] in [0] : vector<16xf32>, vector<16xi32> -> vector<16xf32>
        %mul3A_402 = arith.constant 16 : i32
        %mul3A_403 = arith.muli %add3A_251, %mul3A_402 : i32
        %add3A_404 = arith.constant 8 : i32
        %add3A_405 = arith.addi %mul3A_403, %add3A_404 : i32
        %get3A_406 = arith.index_cast %add3A_405 : i32 to index
        %get3A_407 = arith.constant 0 : index
        %get3A_408 = tpu.vector_load %arg12[%get3A_406, %get3A_407] {strides = array<i32>} : memref<128x16xf32, #tpu.memory_space<vmem>>, vector<1x16xf32>,
        %get3A_409 = vector.shape_cast %get3A_408 : vector<1x16xf32> to vector<16xf32>
        %mul3A_410 = arith.mulf %get3A_409, %gather3A_401 : vector<16xf32>
        %swap3A_411 = arith.index_cast %add3A_405 : i32 to index
        %swap3A_412 = arith.constant 0 : index
        %swap3A_413 = tpu.vector_load %arg12[%swap3A_411, %swap3A_412] {strides = array<i32>} : memref<128x16xf32, #tpu.memory_space<vmem>>, vector<1x16xf32>,
        %swap3A_414 = vector.shape_cast %swap3A_413 : vector<1x16xf32> to vector<16xf32>
        %swap3A_415 = vector.shape_cast %mul3A_410 : vector<16xf32> to vector<1x16xf32>
        tpu.vector_store %arg12[%swap3A_411, %swap3A_412], %swap3A_415 {strides = array<i32>} : memref<128x16xf32, #tpu.memory_space<vmem>>, vector<1x16xf32>,
        %broadcast_in_dim3A_416 = arith.constant 9 : i32
        %broadcast_in_dim3A_417 = vector.broadcast %broadcast_in_dim3A_416 : i32 to vector<16x1xi32>
        %gather3A_418 = vector.shape_cast %broadcast_in_dim3A_417 : vector<16x1xi32> to vector<16xi32>
        %gather3A_419 = tpu.dynamic_gather %get3A_256[%gather3A_418] in [0] : vector<16xf32>, vector<16xi32> -> vector<16xf32>
        %mul3A_420 = arith.constant 16 : i32
        %mul3A_421 = arith.muli %add3A_251, %mul3A_420 : i32
        %add3A_422 = arith.constant 9 : i32
        %add3A_423 = arith.addi %mul3A_421, %add3A_422 : i32
        %get3A_424 = arith.index_cast %add3A_423 : i32 to index
        %get3A_425 = arith.constant 0 : index
        %get3A_426 = tpu.vector_load %arg12[%get3A_424, %get3A_425] {strides = array<i32>} : memref<128x16xf32, #tpu.memory_space<vmem>>, vector<1x16xf32>,
        %get3A_427 = vector.shape_cast %get3A_426 : vector<1x16xf32> to vector<16xf32>
        %mul3A_428 = arith.mulf %get3A_427, %gather3A_419 : vector<16xf32>
        %swap3A_429 = arith.index_cast %add3A_423 : i32 to index
        %swap3A_430 = arith.constant 0 : index
        %swap3A_431 = tpu.vector_load %arg12[%swap3A_429, %swap3A_430] {strides = array<i32>} : memref<128x16xf32, #tpu.memory_space<vmem>>, vector<1x16xf32>,
        %swap3A_432 = vector.shape_cast %swap3A_431 : vector<1x16xf32> to vector<16xf32>
        %swap3A_433 = vector.shape_cast %mul3A_428 : vector<16xf32> to vector<1x16xf32>
        tpu.vector_store %arg12[%swap3A_429, %swap3A_430], %swap3A_433 {strides = array<i32>} : memref<128x16xf32, #tpu.memory_space<vmem>>, vector<1x16xf32>,
        %broadcast_in_dim3A_434 = arith.constant 10 : i32
        %broadcast_in_dim3A_435 = vector.broadcast %broadcast_in_dim3A_434 : i32 to vector<16x1xi32>
        %gather3A_436 = vector.shape_cast %broadcast_in_dim3A_435 : vector<16x1xi32> to vector<16xi32>
        %gather3A_437 = tpu.dynamic_gather %get3A_256[%gather3A_436] in [0] : vector<16xf32>, vector<16xi32> -> vector<16xf32>
        %mul3A_438 = arith.constant 16 : i32
        %mul3A_439 = arith.muli %add3A_251, %mul3A_438 : i32
        %add3A_440 = arith.constant 10 : i32
        %add3A_441 = arith.addi %mul3A_439, %add3A_440 : i32
        %get3A_442 = arith.index_cast %add3A_441 : i32 to index
        %get3A_443 = arith.constant 0 : index
        %get3A_444 = tpu.vector_load %arg12[%get3A_442, %get3A_443] {strides = array<i32>} : memref<128x16xf32, #tpu.memory_space<vmem>>, vector<1x16xf32>,
        %get3A_445 = vector.shape_cast %get3A_444 : vector<1x16xf32> to vector<16xf32>
        %mul3A_446 = arith.mulf %get3A_445, %gather3A_437 : vector<16xf32>
        %swap3A_447 = arith.index_cast %add3A_441 : i32 to index
        %swap3A_448 = arith.constant 0 : index
        %swap3A_449 = tpu.vector_load %arg12[%swap3A_447, %swap3A_448] {strides = array<i32>} : memref<128x16xf32, #tpu.memory_space<vmem>>, vector<1x16xf32>,
        %swap3A_450 = vector.shape_cast %swap3A_449 : vector<1x16xf32> to vector<16xf32>
        %swap3A_451 = vector.shape_cast %mul3A_446 : vector<16xf32> to vector<1x16xf32>
        tpu.vector_store %arg12[%swap3A_447, %swap3A_448], %swap3A_451 {strides = array<i32>} : memref<128x16xf32, #tpu.memory_space<vmem>>, vector<1x16xf32>,
        %broadcast_in_dim3A_452 = arith.constant 11 : i32
        %broadcast_in_dim3A_453 = vector.broadcast %broadcast_in_dim3A_452 : i32 to vector<16x1xi32>
        %gather3A_454 = vector.shape_cast %broadcast_in_dim3A_453 : vector<16x1xi32> to vector<16xi32>
        %gather3A_455 = tpu.dynamic_gather %get3A_256[%gather3A_454] in [0] : vector<16xf32>, vector<16xi32> -> vector<16xf32>
        %mul3A_456 = arith.constant 16 : i32
        %mul3A_457 = arith.muli %add3A_251, %mul3A_456 : i32
        %add3A_458 = arith.constant 11 : i32
        %add3A_459 = arith.addi %mul3A_457, %add3A_458 : i32
        %get3A_460 = arith.index_cast %add3A_459 : i32 to index
        %get3A_461 = arith.constant 0 : index
        %get3A_462 = tpu.vector_load %arg12[%get3A_460, %get3A_461] {strides = array<i32>} : memref<128x16xf32, #tpu.memory_space<vmem>>, vector<1x16xf32>,
        %get3A_463 = vector.shape_cast %get3A_462 : vector<1x16xf32> to vector<16xf32>
        %mul3A_464 = arith.mulf %get3A_463, %gather3A_455 : vector<16xf32>
        %swap3A_465 = arith.index_cast %add3A_459 : i32 to index
        %swap3A_466 = arith.constant 0 : index
        %swap3A_467 = tpu.vector_load %arg12[%swap3A_465, %swap3A_466] {strides = array<i32>} : memref<128x16xf32, #tpu.memory_space<vmem>>, vector<1x16xf32>,
        %swap3A_468 = vector.shape_cast %swap3A_467 : vector<1x16xf32> to vector<16xf32>
        %swap3A_469 = vector.shape_cast %mul3A_464 : vector<16xf32> to vector<1x16xf32>
        tpu.vector_store %arg12[%swap3A_465, %swap3A_466], %swap3A_469 {strides = array<i32>} : memref<128x16xf32, #tpu.memory_space<vmem>>, vector<1x16xf32>,
        %broadcast_in_dim3A_470 = arith.constant 12 : i32
        %broadcast_in_dim3A_471 = vector.broadcast %broadcast_in_dim3A_470 : i32 to vector<16x1xi32>
        %gather3A_472 = vector.shape_cast %broadcast_in_dim3A_471 : vector<16x1xi32> to vector<16xi32>
        %gather3A_473 = tpu.dynamic_gather %get3A_256[%gather3A_472] in [0] : vector<16xf32>, vector<16xi32> -> vector<16xf32>
        %mul3A_474 = arith.constant 16 : i32
        %mul3A_475 = arith.muli %add3A_251, %mul3A_474 : i32
        %add3A_476 = arith.constant 12 : i32
        %add3A_477 = arith.addi %mul3A_475, %add3A_476 : i32
        %get3A_478 = arith.index_cast %add3A_477 : i32 to index
        %get3A_479 = arith.constant 0 : index
        %get3A_480 = tpu.vector_load %arg12[%get3A_478, %get3A_479] {strides = array<i32>} : memref<128x16xf32, #tpu.memory_space<vmem>>, vector<1x16xf32>,
        %get3A_481 = vector.shape_cast %get3A_480 : vector<1x16xf32> to vector<16xf32>
        %mul3A_482 = arith.mulf %get3A_481, %gather3A_473 : vector<16xf32>
        %swap3A_483 = arith.index_cast %add3A_477 : i32 to index
        %swap3A_484 = arith.constant 0 : index
        %swap3A_485 = tpu.vector_load %arg12[%swap3A_483, %swap3A_484] {strides = array<i32>} : memref<128x16xf32, #tpu.memory_space<vmem>>, vector<1x16xf32>,
        %swap3A_486 = vector.shape_cast %swap3A_485 : vector<1x16xf32> to vector<16xf32>
        %swap3A_487 = vector.shape_cast %mul3A_482 : vector<16xf32> to vector<1x16xf32>
        tpu.vector_store %arg12[%swap3A_483, %swap3A_484], %swap3A_487 {strides = array<i32>} : memref<128x16xf32, #tpu.memory_space<vmem>>, vector<1x16xf32>,
        %broadcast_in_dim3A_488 = arith.constant 13 : i32
        %broadcast_in_dim3A_489 = vector.broadcast %broadcast_in_dim3A_488 : i32 to vector<16x1xi32>
        %gather3A_490 = vector.shape_cast %broadcast_in_dim3A_489 : vector<16x1xi32> to vector<16xi32>
        %gather3A_491 = tpu.dynamic_gather %get3A_256[%gather3A_490] in [0] : vector<16xf32>, vector<16xi32> -> vector<16xf32>
        %mul3A_492 = arith.constant 16 : i32
        %mul3A_493 = arith.muli %add3A_251, %mul3A_492 : i32
        %add3A_494 = arith.constant 13 : i32
        %add3A_495 = arith.addi %mul3A_493, %add3A_494 : i32
        %get3A_496 = arith.index_cast %add3A_495 : i32 to index
        %get3A_497 = arith.constant 0 : index
        %get3A_498 = tpu.vector_load %arg12[%get3A_496, %get3A_497] {strides = array<i32>} : memref<128x16xf32, #tpu.memory_space<vmem>>, vector<1x16xf32>,
        %get3A_499 = vector.shape_cast %get3A_498 : vector<1x16xf32> to vector<16xf32>
        %mul3A_500 = arith.mulf %get3A_499, %gather3A_491 : vector<16xf32>
        %swap3A_501 = arith.index_cast %add3A_495 : i32 to index
        %swap3A_502 = arith.constant 0 : index
        %swap3A_503 = tpu.vector_load %arg12[%swap3A_501, %swap3A_502] {strides = array<i32>} : memref<128x16xf32, #tpu.memory_space<vmem>>, vector<1x16xf32>,
        %swap3A_504 = vector.shape_cast %swap3A_503 : vector<1x16xf32> to vector<16xf32>
        %swap3A_505 = vector.shape_cast %mul3A_500 : vector<16xf32> to vector<1x16xf32>
        tpu.vector_store %arg12[%swap3A_501, %swap3A_502], %swap3A_505 {strides = array<i32>} : memref<128x16xf32, #tpu.memory_space<vmem>>, vector<1x16xf32>,
        %broadcast_in_dim3A_506 = arith.constant 14 : i32
        %broadcast_in_dim3A_507 = vector.broadcast %broadcast_in_dim3A_506 : i32 to vector<16x1xi32>
        %gather3A_508 = vector.shape_cast %broadcast_in_dim3A_507 : vector<16x1xi32> to vector<16xi32>
        %gather3A_509 = tpu.dynamic_gather %get3A_256[%gather3A_508] in [0] : vector<16xf32>, vector<16xi32> -> vector<16xf32>
        %mul3A_510 = arith.constant 16 : i32
        %mul3A_511 = arith.muli %add3A_251, %mul3A_510 : i32
        %add3A_512 = arith.constant 14 : i32
        %add3A_513 = arith.addi %mul3A_511, %add3A_512 : i32
        %get3A_514 = arith.index_cast %add3A_513 : i32 to index
        %get3A_515 = arith.constant 0 : index
        %get3A_516 = tpu.vector_load %arg12[%get3A_514, %get3A_515] {strides = array<i32>} : memref<128x16xf32, #tpu.memory_space<vmem>>, vector<1x16xf32>,
        %get3A_517 = vector.shape_cast %get3A_516 : vector<1x16xf32> to vector<16xf32>
        %mul3A_518 = arith.mulf %get3A_517, %gather3A_509 : vector<16xf32>
        %swap3A_519 = arith.index_cast %add3A_513 : i32 to index
        %swap3A_520 = arith.constant 0 : index
        %swap3A_521 = tpu.vector_load %arg12[%swap3A_519, %swap3A_520] {strides = array<i32>} : memref<128x16xf32, #tpu.memory_space<vmem>>, vector<1x16xf32>,
        %swap3A_522 = vector.shape_cast %swap3A_521 : vector<1x16xf32> to vector<16xf32>
        %swap3A_523 = vector.shape_cast %mul3A_518 : vector<16xf32> to vector<1x16xf32>
        tpu.vector_store %arg12[%swap3A_519, %swap3A_520], %swap3A_523 {strides = array<i32>} : memref<128x16xf32, #tpu.memory_space<vmem>>, vector<1x16xf32>,
        %broadcast_in_dim3A_524 = arith.constant 15 : i32
        %broadcast_in_dim3A_525 = vector.broadcast %broadcast_in_dim3A_524 : i32 to vector<16x1xi32>
        %gather3A_526 = vector.shape_cast %broadcast_in_dim3A_525 : vector<16x1xi32> to vector<16xi32>
        %gather3A_527 = tpu.dynamic_gather %get3A_256[%gather3A_526] in [0] : vector<16xf32>, vector<16xi32> -> vector<16xf32>
        %mul3A_528 = arith.constant 16 : i32
        %mul3A_529 = arith.muli %add3A_251, %mul3A_528 : i32
        %add3A_530 = arith.constant 15 : i32
        %add3A_531 = arith.addi %mul3A_529, %add3A_530 : i32
        %get3A_532 = arith.index_cast %add3A_531 : i32 to index
        %get3A_533 = arith.constant 0 : index
        %get3A_534 = tpu.vector_load %arg12[%get3A_532, %get3A_533] {strides = array<i32>} : memref<128x16xf32, #tpu.memory_space<vmem>>, vector<1x16xf32>,
        %get3A_535 = vector.shape_cast %get3A_534 : vector<1x16xf32> to vector<16xf32>
        %mul3A_536 = arith.mulf %get3A_535, %gather3A_527 : vector<16xf32>
        %swap3A_537 = arith.index_cast %add3A_531 : i32 to index
        %swap3A_538 = arith.constant 0 : index
        %swap3A_539 = tpu.vector_load %arg12[%swap3A_537, %swap3A_538] {strides = array<i32>} : memref<128x16xf32, #tpu.memory_space<vmem>>, vector<1x16xf32>,
        %swap3A_540 = vector.shape_cast %swap3A_539 : vector<1x16xf32> to vector<16xf32>
        %swap3A_541 = vector.shape_cast %mul3A_536 : vector<16xf32> to vector<1x16xf32>
        tpu.vector_store %arg12[%swap3A_537, %swap3A_538], %swap3A_541 {strides = array<i32>} : memref<128x16xf32, #tpu.memory_space<vmem>>, vector<1x16xf32>,
      }
      %scan3A_194 = arith.constant 8 : i32
      %mul3A_195 = arith.constant 2 : i32
      %mul3A_196 = arith.muli %mul3A_195, %add3A_86 : i32
      %dma_start3A_197 = arith.constant 0 : i32
      %dma_start3A_198 = arith.constant 0 : i32
      %dma_start3A_199 = tpu.memref_slice %arg12[%dma_start3A_197, %dma_start3A_198] : memref<128x16xf32, #tpu.memory_space<vmem>> -> memref<64x16xf32, #tpu.memory_space<vmem>>
      %dma_start3A_200 = arith.constant 0 : i32
      %dma_start3A_201 = tpu.memref_slice %arg9[%mul3A_196, %dma_start3A_200] : memref<160x64xi32, #tpu.memory_space<vmem>> -> memref<1x64xi32, #tpu.memory_space<vmem>>
      %dma_start3A_202 = tpu.memref_squeeze %dma_start3A_201 : memref<1x64xi32, #tpu.memory_space<vmem>> -> memref<64xi32, #tpu.memory_space<vmem>>
      %dma_start3A_203 = arith.constant 0 : i32
      %dma_start3A_204 = arith.constant 0 : i32
      %dma_start3A_205 = tpu.memref_slice %arg7[%dma_start3A_203, %dma_start3A_204] : memref<10112x16xf32, #tpu.memory_space<vmem_shared>> -> memref<10112x16xf32, #tpu.memory_space<vmem_shared>>
      tpu.enqueue_indirect_dma source(%dma_start3A_199 : memref<64x16xf32, #tpu.memory_space<vmem>>) target(%dma_start3A_205 : memref<10112x16xf32, #tpu.memory_space<vmem_shared>>) offsets(%dma_start3A_202 : memref<64xi32, #tpu.memory_space<vmem>>) semaphore(%arg16 : memref<!tpu.dma_semaphore, #tpu.memory_space<semaphore_mem>>) {add = true}
      %mul3A_206 = arith.constant 2 : i32
      %mul3A_207 = arith.muli %mul3A_206, %add3A_86 : i32
      %add3A_208 = arith.constant 1 : i32
      %add3A_209 = arith.addi %mul3A_207, %add3A_208 : i32
      %dma_start3A_210 = arith.constant 64 : i32
      %dma_start3A_211 = arith.constant 0 : i32
      %dma_start3A_212 = tpu.memref_slice %arg12[%dma_start3A_210, %dma_start3A_211] : memref<128x16xf32, #tpu.memory_space<vmem>> -> memref<64x16xf32, #tpu.memory_space<vmem>>
      %dma_start3A_213 = arith.constant 0 : i32
      %dma_start3A_214 = tpu.memref_slice %arg9[%add3A_209, %dma_start3A_213] : memref<160x64xi32, #tpu.memory_space<vmem>> -> memref<1x64xi32, #tpu.memory_space<vmem>>
      %dma_start3A_215 = tpu.memref_squeeze %dma_start3A_214 : memref<1x64xi32, #tpu.memory_space<vmem>> -> memref<64xi32, #tpu.memory_space<vmem>>
      %dma_start3A_216 = arith.constant 0 : i32
      %dma_start3A_217 = arith.constant 0 : i32
      %dma_start3A_218 = tpu.memref_slice %arg7[%dma_start3A_216, %dma_start3A_217] : memref<10112x16xf32, #tpu.memory_space<vmem_shared>> -> memref<10112x16xf32, #tpu.memory_space<vmem_shared>>
      tpu.enqueue_indirect_dma source(%dma_start3A_212 : memref<64x16xf32, #tpu.memory_space<vmem>>) target(%dma_start3A_218 : memref<10112x16xf32, #tpu.memory_space<vmem_shared>>) offsets(%dma_start3A_215 : memref<64xi32, #tpu.memory_space<vmem>>) semaphore(%arg16 : memref<!tpu.dma_semaphore, #tpu.memory_space<semaphore_mem>>) {add = true}
      %mul3A_219 = arith.constant 2 : i32
      %mul3A_220 = arith.muli %mul3A_219, %mul3A_82 : i32
      %dma_wait3A_221 = arith.constant 0 : i32
      %dma_wait3A_222 = arith.constant 0 : i32
      %dma_wait3A_223 = tpu.memref_slice %arg11[%dma_wait3A_221, %dma_wait3A_222] : memref<128x16xf32, #tpu.memory_space<vmem>> -> memref<64x16xf32, #tpu.memory_space<vmem>>
      %dma_wait3A_224 = arith.constant 0 : i32
      %dma_wait3A_225 = tpu.memref_slice %arg9[%mul3A_220, %dma_wait3A_224] : memref<160x64xi32, #tpu.memory_space<vmem>> -> memref<1x64xi32, #tpu.memory_space<vmem>>
      %dma_wait3A_226 = tpu.memref_squeeze %dma_wait3A_225 : memref<1x64xi32, #tpu.memory_space<vmem>> -> memref<64xi32, #tpu.memory_space<vmem>>
      %dma_wait3A_227 = arith.constant 0 : i32
      %dma_wait3A_228 = arith.constant 0 : i32
      %dma_wait3A_229 = tpu.memref_slice %arg7[%dma_wait3A_227, %dma_wait3A_228] : memref<10112x16xf32, #tpu.memory_space<vmem_shared>> -> memref<10112x16xf32, #tpu.memory_space<vmem_shared>>
      tpu.wait_indirect_dma semaphore(%arg15 : memref<!tpu.dma_semaphore, #tpu.memory_space<semaphore_mem>>) src(%dma_wait3A_223 : memref<64x16xf32, #tpu.memory_space<vmem>>) dst(%dma_wait3A_229 : memref<10112x16xf32, #tpu.memory_space<vmem_shared>>)
      %mul3A_230 = arith.constant 2 : i32
      %mul3A_231 = arith.muli %mul3A_230, %mul3A_82 : i32
      %add3A_232 = arith.constant 1 : i32
      %add3A_233 = arith.addi %mul3A_231, %add3A_232 : i32
      %dma_wait3A_234 = arith.constant 64 : i32
      %dma_wait3A_235 = arith.constant 0 : i32
      %dma_wait3A_236 = tpu.memref_slice %arg11[%dma_wait3A_234, %dma_wait3A_235] : memref<128x16xf32, #tpu.memory_space<vmem>> -> memref<64x16xf32, #tpu.memory_space<vmem>>
      %dma_wait3A_237 = arith.constant 0 : i32
      %dma_wait3A_238 = tpu.memref_slice %arg9[%add3A_233, %dma_wait3A_237] : memref<160x64xi32, #tpu.memory_space<vmem>> -> memref<1x64xi32, #tpu.memory_space<vmem>>
      %dma_wait3A_239 = tpu.memref_squeeze %dma_wait3A_238 : memref<1x64xi32, #tpu.memory_space<vmem>> -> memref<64xi32, #tpu.memory_space<vmem>>
      %dma_wait3A_240 = arith.constant 0 : i32
      %dma_wait3A_241 = arith.constant 0 : i32
      %dma_wait3A_242 = tpu.memref_slice %arg7[%dma_wait3A_240, %dma_wait3A_241] : memref<10112x16xf32, #tpu.memory_space<vmem_shared>> -> memref<10112x16xf32, #tpu.memory_space<vmem_shared>>
      tpu.wait_indirect_dma semaphore(%arg15 : memref<!tpu.dma_semaphore, #tpu.memory_space<semaphore_mem>>) src(%dma_wait3A_236 : memref<64x16xf32, #tpu.memory_space<vmem>>) dst(%dma_wait3A_242 : memref<10112x16xf32, #tpu.memory_space<vmem_shared>>)
      %lt3A = arith.constant 39 : i32
      %lt3A_243 = arith.cmpi slt, %add3A_80, %lt3A : i32
      %convert_element_type3A_244 = arith.extui %lt3A_243 : i1 to i32
      %cond3A_245 = arith.constant 0 : i32
      %cond3A_246 = arith.cmpi ne, %convert_element_type3A_244, %cond3A_245 : i32
      scf.if %cond3A_246 {
        %mul3A_247 = arith.constant 2 : i32
        %mul3A_248 = arith.muli %mul3A_247, %add3A_80 : i32
        %add3A_249 = arith.constant 2 : i32
        %add3A_250 = arith.addi %mul3A_248, %add3A_249 : i32
        %mul3A_251 = arith.constant 2 : i32
        %mul3A_252 = arith.muli %mul3A_251, %add3A_250 : i32
        %dma_start3A_253 = arith.constant 0 : i32
        %dma_start3A_254 = arith.constant 0 : i32
        %dma_start3A_255 = tpu.memref_slice %arg11[%dma_start3A_253, %dma_start3A_254] : memref<128x16xf32, #tpu.memory_space<vmem>> -> memref<64x16xf32, #tpu.memory_space<vmem>>
        %dma_start3A_256 = arith.constant 0 : i32
        %dma_start3A_257 = tpu.memref_slice %arg8[%mul3A_252, %dma_start3A_256] : memref<160x64xi32, #tpu.memory_space<vmem>> -> memref<1x64xi32, #tpu.memory_space<vmem>>
        %dma_start3A_258 = tpu.memref_squeeze %dma_start3A_257 : memref<1x64xi32, #tpu.memory_space<vmem>> -> memref<64xi32, #tpu.memory_space<vmem>>
        %dma_start3A_259 = arith.constant 0 : i32
        %dma_start3A_260 = arith.constant 0 : i32
        %dma_start3A_261 = tpu.memref_slice %arg17[%dma_start3A_259, %dma_start3A_260] : memref<10112x16xf32, #tpu.memory_space<vmem_shared>> -> memref<10112x16xf32, #tpu.memory_space<vmem_shared>>
        tpu.enqueue_indirect_dma source(%dma_start3A_261 : memref<10112x16xf32, #tpu.memory_space<vmem_shared>>) target(%dma_start3A_255 : memref<64x16xf32, #tpu.memory_space<vmem>>) offsets(%dma_start3A_258 : memref<64xi32, #tpu.memory_space<vmem>>) semaphore(%arg13 : memref<!tpu.dma_semaphore, #tpu.memory_space<semaphore_mem>>)
        %mul3A_262 = arith.constant 2 : i32
        %mul3A_263 = arith.muli %mul3A_262, %add3A_250 : i32
        %add3A_264 = arith.constant 1 : i32
        %add3A_265 = arith.addi %mul3A_263, %add3A_264 : i32
        %dma_start3A_266 = arith.constant 64 : i32
        %dma_start3A_267 = arith.constant 0 : i32
        %dma_start3A_268 = tpu.memref_slice %arg11[%dma_start3A_266, %dma_start3A_267] : memref<128x16xf32, #tpu.memory_space<vmem>> -> memref<64x16xf32, #tpu.memory_space<vmem>>
        %dma_start3A_269 = arith.constant 0 : i32
        %dma_start3A_270 = tpu.memref_slice %arg8[%add3A_265, %dma_start3A_269] : memref<160x64xi32, #tpu.memory_space<vmem>> -> memref<1x64xi32, #tpu.memory_space<vmem>>
        %dma_start3A_271 = tpu.memref_squeeze %dma_start3A_270 : memref<1x64xi32, #tpu.memory_space<vmem>> -> memref<64xi32, #tpu.memory_space<vmem>>
        %dma_start3A_272 = arith.constant 0 : i32
        %dma_start3A_273 = arith.constant 0 : i32
        %dma_start3A_274 = tpu.memref_slice %arg17[%dma_start3A_272, %dma_start3A_273] : memref<10112x16xf32, #tpu.memory_space<vmem_shared>> -> memref<10112x16xf32, #tpu.memory_space<vmem_shared>>
        tpu.enqueue_indirect_dma source(%dma_start3A_274 : memref<10112x16xf32, #tpu.memory_space<vmem_shared>>) target(%dma_start3A_268 : memref<64x16xf32, #tpu.memory_space<vmem>>) offsets(%dma_start3A_271 : memref<64xi32, #tpu.memory_space<vmem>>) semaphore(%arg13 : memref<!tpu.dma_semaphore, #tpu.memory_space<semaphore_mem>>)
      } else {
      }
    }
    %scan3A_54 = arith.constant 40 : i32
    %dma_wait3A = arith.constant 158 : i32
    %dma_wait3A_55 = arith.constant 0 : i32
    %dma_wait3A_56 = arith.constant 0 : i32
    %dma_wait3A_57 = tpu.memref_slice %arg12[%dma_wait3A_55, %dma_wait3A_56] : memref<128x16xf32, #tpu.memory_space<vmem>> -> memref<64x16xf32, #tpu.memory_space<vmem>>
    %dma_wait3A_58 = arith.constant 0 : i32
    %dma_wait3A_59 = tpu.memref_slice %arg9[%dma_wait3A, %dma_wait3A_58] : memref<160x64xi32, #tpu.memory_space<vmem>> -> memref<1x64xi32, #tpu.memory_space<vmem>>
    %dma_wait3A_60 = tpu.memref_squeeze %dma_wait3A_59 : memref<1x64xi32, #tpu.memory_space<vmem>> -> memref<64xi32, #tpu.memory_space<vmem>>
    %dma_wait3A_61 = arith.constant 0 : i32
    %dma_wait3A_62 = arith.constant 0 : i32
    %dma_wait3A_63 = tpu.memref_slice %arg7[%dma_wait3A_61, %dma_wait3A_62] : memref<10112x16xf32, #tpu.memory_space<vmem_shared>> -> memref<10112x16xf32, #tpu.memory_space<vmem_shared>>
    tpu.wait_indirect_dma semaphore(%arg16 : memref<!tpu.dma_semaphore, #tpu.memory_space<semaphore_mem>>) src(%dma_wait3A_57 : memref<64x16xf32, #tpu.memory_space<vmem>>) dst(%dma_wait3A_63 : memref<10112x16xf32, #tpu.memory_space<vmem_shared>>)
    %dma_wait3A_64 = arith.constant 159 : i32
    %dma_wait3A_65 = arith.constant 64 : i32
    %dma_wait3A_66 = arith.constant 0 : i32
    %dma_wait3A_67 = tpu.memref_slice %arg12[%dma_wait3A_65, %dma_wait3A_66] : memref<128x16xf32, #tpu.memory_space<vmem>> -> memref<64x16xf32, #tpu.memory_space<vmem>>
    %dma_wait3A_68 = arith.constant 0 : i32
    %dma_wait3A_69 = tpu.memref_slice %arg9[%dma_wait3A_64, %dma_wait3A_68] : memref<160x64xi32, #tpu.memory_space<vmem>> -> memref<1x64xi32, #tpu.memory_space<vmem>>
    %dma_wait3A_70 = tpu.memref_squeeze %dma_wait3A_69 : memref<1x64xi32, #tpu.memory_space<vmem>> -> memref<64xi32, #tpu.memory_space<vmem>>
    %dma_wait3A_71 = arith.constant 0 : i32
    %dma_wait3A_72 = arith.constant 0 : i32
    %dma_wait3A_73 = tpu.memref_slice %arg7[%dma_wait3A_71, %dma_wait3A_72] : memref<10112x16xf32, #tpu.memory_space<vmem_shared>> -> memref<10112x16xf32, #tpu.memory_space<vmem_shared>>
    tpu.wait_indirect_dma semaphore(%arg16 : memref<!tpu.dma_semaphore, #tpu.memory_space<semaphore_mem>>) src(%dma_wait3A_67 : memref<64x16xf32, #tpu.memory_space<vmem>>) dst(%dma_wait3A_73 : memref<10112x16xf32, #tpu.memory_space<vmem_shared>>)
    %scan3A_74 = arith.constant 1 : i32
    %barrier3A_75 = arith.constant 0 : index
    tpu.barrier barrier_id(%barrier3A_75)
    "tpu.region"() ({
      %run_scoped3A = tpu.sem_alloc : memref<!tpu.dma_semaphore, #tpu.memory_space<semaphore_mem>>
      %dma_start3A_76 = arith.constant 0 : i32
      %dma_start3A_77 = tpu.memref_slice %arg6[%arg0, %mul3A_4, %dma_start3A_76] : memref<2x10112x16xf32, #tpu.memory_space<hbm>> -> memref<1x632x16xf32, #tpu.memory_space<hbm>>
      %dma_start3A_78 = tpu.memref_squeeze %dma_start3A_77 : memref<1x632x16xf32, #tpu.memory_space<hbm>> -> memref<632x16xf32, #tpu.memory_space<hbm>>
      %dma_start3A_79 = arith.constant 0 : i32
      %dma_start3A_80 = tpu.memref_slice %arg7[%mul3A_4, %dma_start3A_79] : memref<10112x16xf32, #tpu.memory_space<vmem_shared>> -> memref<632x16xf32, #tpu.memory_space<vmem_shared>>
      tpu.enqueue_dma source(%dma_start3A_80 : memref<632x16xf32, #tpu.memory_space<vmem_shared>>) target(%dma_start3A_78 : memref<632x16xf32, #tpu.memory_space<hbm>>) target_semaphore(%run_scoped3A : memref<!tpu.dma_semaphore, #tpu.memory_space<semaphore_mem>>)
      %dma_wait3A_81 = arith.constant 0 : i32
      %dma_wait3A_82 = tpu.memref_slice %arg6[%arg0, %mul3A_4, %dma_wait3A_81] : memref<2x10112x16xf32, #tpu.memory_space<hbm>> -> memref<1x632x16xf32, #tpu.memory_space<hbm>>
      %dma_wait3A_83 = tpu.memref_squeeze %dma_wait3A_82 : memref<1x632x16xf32, #tpu.memory_space<hbm>> -> memref<632x16xf32, #tpu.memory_space<hbm>>
      %dma_wait3A_84 = arith.constant 0 : i32
      %dma_wait3A_85 = tpu.memref_slice %arg7[%mul3A_4, %dma_wait3A_84] : memref<10112x16xf32, #tpu.memory_space<vmem_shared>> -> memref<632x16xf32, #tpu.memory_space<vmem_shared>>
      tpu.wait_dma2 semaphore(%run_scoped3A : memref<!tpu.dma_semaphore, #tpu.memory_space<semaphore_mem>>) src(%dma_wait3A_85 : memref<632x16xf32, #tpu.memory_space<vmem_shared>>) dst(%dma_wait3A_83 : memref<632x16xf32, #tpu.memory_space<hbm>>)
      tpu.yield
    }) : () -> ()
    return
  }
}

module attributes {stable_mosaic.version = 14 : i64} {
  func.func @_mm_body(%arg0: memref<10000x128xf32, #tpu.memory_space<vmem>>, %arg1: memref<128x128xf32, #tpu.memory_space<vmem>>, %arg2: memref<10000x128xf32, #tpu.memory_space<vmem>>) attributes {dimension_semantics = [], scalar_prefetch = 0 : i64, scratch_operands = 0 : i64, tpu.core_type = #tpu.core_type<tc>} {
    %get3A = arith.constant 0 : index
    %get3A_0 = arith.constant 0 : index
    %get3A_1 = vector.load %arg0[%get3A, %get3A_0] : memref<10000x128xf32, #tpu.memory_space<vmem>>, vector<10000x128xf32>
    %get3A_2 = arith.constant 0 : index
    %get3A_3 = arith.constant 0 : index
    %get3A_4 = vector.load %arg1[%get3A_2, %get3A_3] : memref<128x128xf32, #tpu.memory_space<vmem>>, vector<128x128xf32>
    %dot_general3A = arith.constant dense<0.000000e+00> : vector<10000x128xf32>
    %dot_general3A_5 = tpu.matmul %get3A_1, %get3A_4, %dot_general3A {dimension_numbers = #tpu.dot_dimension_numbers<[1], [0], [0], [1], [0, 0, 1, 1], [], []>, precision = #tpu.contract_precision<fp32>, transpose_lhs_hint = false} : vector<10000x128xf32>, vector<128x128xf32>, vector<10000x128xf32> -> vector<10000x128xf32>
    %swap3A = arith.constant 0 : index
    %swap3A_6 = arith.constant 0 : index
    %swap3A_7 = vector.load %arg2[%swap3A, %swap3A_6] : memref<10000x128xf32, #tpu.memory_space<vmem>>, vector<10000x128xf32>
    tpu.vector_store %arg2[%swap3A, %swap3A_6], %dot_general3A_5 {strides = array<i32>} : memref<10000x128xf32, #tpu.memory_space<vmem>>, vector<10000x128xf32>,
    return
  }
}

module attributes {stable_mosaic.version = 14 : i64} {
  func.func @_relu_mm_body(%arg0: memref<2x10112x128xf32, #tpu.memory_space<vmem>>, %arg1: memref<128x16xf32, #tpu.memory_space<vmem>>, %arg2: memref<10112x16xf32, #tpu.memory_space<vmem>>) attributes {dimension_semantics = [], scalar_prefetch = 0 : i64, scratch_operands = 0 : i64, tpu.core_type = #tpu.core_type<tc>} {
    %get3A = arith.constant 0 : index
    %get3A_0 = arith.constant 0 : index
    %get3A_1 = arith.constant 0 : index
    %get3A_2 = vector.load %arg0[%get3A, %get3A_0, %get3A_1] : memref<2x10112x128xf32, #tpu.memory_space<vmem>>, vector<1x10112x128xf32>
    %get3A_3 = vector.shape_cast %get3A_2 : vector<1x10112x128xf32> to vector<10112x128xf32>
    %get3A_4 = arith.constant 1 : index
    %get3A_5 = arith.constant 0 : index
    %get3A_6 = arith.constant 0 : index
    %get3A_7 = vector.load %arg0[%get3A_4, %get3A_5, %get3A_6] : memref<2x10112x128xf32, #tpu.memory_space<vmem>>, vector<1x10112x128xf32>
    %get3A_8 = vector.shape_cast %get3A_7 : vector<1x10112x128xf32> to vector<10112x128xf32>
    %add3A = arith.addf %get3A_3, %get3A_8 : vector<10112x128xf32>
    %max3A = arith.constant 0.000000e+00 : f32
    %max3A_9 = vector.broadcast %max3A : f32 to vector<10112x128xf32>
    %max3A_10 = arith.maximumf %add3A, %max3A_9 : vector<10112x128xf32>
    %get3A_11 = arith.constant 0 : index
    %get3A_12 = arith.constant 0 : index
    %get3A_13 = vector.load %arg1[%get3A_11, %get3A_12] : memref<128x16xf32, #tpu.memory_space<vmem>>, vector<128x16xf32>
    %dot_general3A = arith.constant dense<0.000000e+00> : vector<10112x16xf32>
    %dot_general3A_14 = tpu.matmul %max3A_10, %get3A_13, %dot_general3A {dimension_numbers = #tpu.dot_dimension_numbers<[1], [0], [0], [1], [0, 0, 1, 1], [], []>, precision = #tpu.contract_precision<fp32>, transpose_lhs_hint = false} : vector<10112x128xf32>, vector<128x16xf32>, vector<10112x16xf32> -> vector<10112x16xf32>
    %swap3A = arith.constant 0 : index
    %swap3A_15 = arith.constant 0 : index
    %swap3A_16 = vector.load %arg2[%swap3A, %swap3A_15] : memref<10112x16xf32, #tpu.memory_space<vmem>>, vector<10112x16xf32>
    tpu.vector_store %arg2[%swap3A, %swap3A_15], %dot_general3A_14 {strides = array<i32>} : memref<10112x16xf32, #tpu.memory_space<vmem>>, vector<10112x16xf32>,
    return
  }
}

module attributes {stable_mosaic.version = 14 : i64} {
  func.func @_add2_body(%arg0: memref<2x10112x16xf32, #tpu.memory_space<vmem>>, %arg1: memref<10000x16xf32, #tpu.memory_space<vmem>>) attributes {dimension_semantics = [], scalar_prefetch = 0 : i64, scratch_operands = 0 : i64, tpu.core_type = #tpu.core_type<tc>} {
    %get3A = arith.constant 0 : index
    %get3A_0 = arith.constant 0 : index
    %get3A_1 = arith.constant 0 : index
    %get3A_2 = vector.load %arg0[%get3A, %get3A_0, %get3A_1] : memref<2x10112x16xf32, #tpu.memory_space<vmem>>, vector<1x10000x16xf32>
    %get3A_3 = vector.shape_cast %get3A_2 : vector<1x10000x16xf32> to vector<10000x16xf32>
    %get3A_4 = arith.constant 1 : index
    %get3A_5 = arith.constant 0 : index
    %get3A_6 = arith.constant 0 : index
    %get3A_7 = vector.load %arg0[%get3A_4, %get3A_5, %get3A_6] : memref<2x10112x16xf32, #tpu.memory_space<vmem>>, vector<1x10000x16xf32>
    %get3A_8 = vector.shape_cast %get3A_7 : vector<1x10000x16xf32> to vector<10000x16xf32>
    %add3A = arith.addf %get3A_3, %get3A_8 : vector<10000x16xf32>
    %swap3A = arith.constant 0 : index
    %swap3A_9 = arith.constant 0 : index
    %swap3A_10 = vector.load %arg1[%swap3A, %swap3A_9] : memref<10000x16xf32, #tpu.memory_space<vmem>>, vector<10000x16xf32>
    tpu.vector_store %arg1[%swap3A, %swap3A_9], %add3A {strides = array<i32>} : memref<10000x16xf32, #tpu.memory_space<vmem>>, vector<10000x16xf32>,
    return
  }
}

</mosaic_0001>

<sc_bundles>
// kernel: kernel.10.cloned.1.call-start
scs
__scs_entry_jumppad:
0x0: {  	(pc) =	sbr.rel $0x88, $3  }
0x1: {  	(tag) =	ssettag $0x0;
	lr =	simm.s32 $0x1  }
0x2: {  	[smem:$0x3F9C] =	sst lr;
	_ =	strace $0xD0000000  }
0x3: {  	_ = 	snop  }
0x4: {  	_ = 	snop  }
0x5: {  	_ = 	snop  }
0x6: {  	_ = 	snop  }
0x7: {  	_ = 	snop  }
__scs_overlays_trampoline_lowered:
0x8: {  	[smem:$0x3FAB] =	sst s0  }
0x9: {  	[smem:$0x3FAC] =	sst s1  }
0xa: {  	[smem:$0x3FAD] =	sst s2  }
0xb: {  	[smem:$0x3FAE] =	sst s3  }
0xc: {  	[smem:$0x3FAF] =	sst s4  }
0xd: {  	[smem:$0x3FB0] =	sst s5  }
0xe: {  	[smem:$0x3FB1] =	sst s6  }
0xf: {  	[smem:$0x3FB2] =	sst s7  }
0x10: {  	[smem:$0x3FB3] =	sst s8  }
0x11: {  	[smem:$0x3FB4] =	sst s9;
	s0 =	simm.s32 @!p0 $0x0  }
0x12: {  	s1 =	sld [smem:$0x3F9A];
	s0 =	simm.s32 @p0 $0x1  }
0x13: {  	[smem:$0x3FB5] =	sst s0;
	s0 =	simm.s32 @!p1 $0x0  }
0x14: {  	s2 =	sld [smem:$0x3F99];
	s0 =	simm.s32 @p1 $0x1  }
0x15: {  	[smem:$0x3FB6] =	sst s0;
	s0 =	simm.s32 @!p2 $0x0  }
0x16: {  	s3 =	sld [smem:$0x3FDB];
	s0 =	simm.s32 @p2 $0x1  }
0x17: {  	s4 =	simm.s32 $0x1BF5;
	[smem:$0x3FB8] =	sst s0  }
0x18: {  	s0 =	sld [smem:$0x3F9B];
	_ =	swait.ge [sflag:s4], $0x0  }
0x19: {  	s7 =	sld [smem:$0x3F9C]  }
0x1a: {  	s8 =	sadd.s32 $0xFFFFE003, lr  }
0x1b: {  	s9 =	sadd.s32 $0xFFFFFEF7, lr;
	s5 =	simm.s32 $0xFFFFFFFF;
	p2 =	slt.u32 s8, $0xFFFFF086  }
0x1c: {  	p1 =	slt.u32 s9, $0xF7A;
	s5 =	simm.s32 @!p2 $0x0  }
0x1d: {  	s5 =	simm.s32 @p1 $0x1;
	p0 =	seq.s32 s7, s2  }
0x1e: {  	s7 =	smul.u32 @!p0 $0xF7A, s2;
	p2 =	seq.s32 @!p0 s5, $0x0  }
0x1f: {  	s9 =	smul.u32 $0xF7A, s1;
	s8 =	simm.s32 @!p0 $0x1BF5;
	p2 =	por !p2, p0  }
0x20: {  	[sflag:s8] =	ssyncset.s32 @!p0 $0xFFFFF086;
	s6 =	sadd.s32 @!p0 s3, s7;
	s7 =	simm.s32 @!p0 $0x108  }
0x21: {  	s3 =	sadd.s32 s3, s9;
	s6 =	sadd.s32 @!p0 $0x88, s6;
	s7 =	simm.s32 @p2 $0x1082  }
0x22: {  	[simem:s7], [sflag:s8] =	dma.local @!p0 [hbm:s6], $0xF7A  }
0x23: {  	s9 =	sor.u32 $0xD0000000, s2;
	s6 =	simm.s32 $0x108;
	_ =	swait.ge @!p0 [sflag:s8], $0x0  }
0x24: {  	s3 =	sadd.s32 $0x88, s3;
	s6 =	simm.s32 @!p1 $0x1082;
	[sflag:s4] =	ssyncset.s32 $0xFFFFF086  }
0x25: {  	[simem:s6], [sflag:s4] =	dma.local [hbm:s3], $0xF7A  }
0x26: {  	[smem:$0x3F9C] =	sst s1;
	(tag) =	ssettag s2;
	_ =	strace s9  }
0x27: {  	s1 =	sld [smem:$0x3FAC]  }
0x28: {  	s2 =	sld [smem:$0x3FAD]  }
0x29: {  	s4 =	sld [smem:$0x3FAF]  }
0x2a: {  	p0 =	seq.s32 s5, $0x0;
	s5 =	sld [smem:$0x3FB0]  }
0x2b: {  	s6 =	sld [smem:$0x3FB1]  }
0x2c: {  	s7 =	sld [smem:$0x3FB2]  }
0x2d: {  	s3 =	simm.s32 $0x108;
	s8 =	sld [smem:$0x3FB3]  }
0x2e: {  	s3 =	simm.s32 @!p0 $0x1082;
	s9 =	sld [smem:$0x3FB4]  }
0x2f: {  	lr =	sadd.s32 s0, s3;
	s0 =	sld [smem:$0x3FAB]  }
0x30: {  	s3 =	sld [smem:$0x3FAE]  }
0x31: {  	[smem:$0x3FB7] =	sst s10  }
0x32: {  	s10 =	sld [smem:$0x3FB5];
	_ =	sdelay $0x3  }
0x33: {  	p0 =	seq.s32 s10, $0x1;
	s10 =	sld [smem:$0x3FB7];
	_ =	sdelay $0x3  }
0x34: {  	[smem:$0x3FB7] =	sst s10  }
0x35: {  	s10 =	sld [smem:$0x3FB6];
	_ =	sdelay $0x3  }
0x36: {  	p1 =	seq.s32 s10, $0x1;
	s10 =	sld [smem:$0x3FB7];
	_ =	sdelay $0x3  }
0x37: {  	[smem:$0x3FB7] =	sst s10  }
0x38: {  	s10 =	sld [smem:$0x3FB8]  }
0x39: {  	_ = 	snop;
	(pc) =	sbr.ind lr, $3  }
0x3a: {  	_ = 	snop  }
0x3b: {  	_ = 	snop  }
0x3c: {  	p2 =	seq.s32 s10, $0x1;
	s10 =	sld [smem:$0x3FB7]  }
0x3d: {  	_ =	shalt  }
0x3e: {  	_ =	shalt  }
0x3f: {  	_ =	shalt  }
0x40: {  	_ =	shalt  }
0x41: {  	_ =	shalt  }
0x42: {  	_ =	shalt  }
0x43: {  	_ =	shalt  }
0x44: {  	_ =	shalt  }
0x45: {  	_ =	shalt  }
0x46: {  	_ =	shalt  }
0x47: {  	_ =	shalt  }
0x48: {  	_ =	shalt  }
0x49: {  	_ =	shalt  }
0x4a: {  	_ =	shalt  }
0x4b: {  	_ =	shalt  }
0x4c: {  	_ =	shalt  }
0x4d: {  	_ =	shalt  }
0x4e: {  	_ =	shalt  }
0x4f: {  	_ =	shalt  }
0x50: {  	_ =	shalt  }
0x51: {  	_ =	shalt  }
0x52: {  	_ =	shalt  }
0x53: {  	_ =	shalt  }
0x54: {  	_ =	shalt  }
0x55: {  	_ =	shalt  }
0x56: {  	_ =	shalt  }
0x57: {  	_ =	shalt  }
0x58: {  	_ =	shalt  }
0x59: {  	_ =	shalt  }
0x5a: {  	_ =	shalt  }
0x5b: {  	_ =	shalt  }
0x5c: {  	_ =	shalt  }
0x5d: {  	_ =	shalt  }
0x5e: {  	_ =	shalt  }
0x5f: {  	_ =	shalt  }
0x60: {  	_ =	shalt  }
0x61: {  	_ =	shalt  }
0x62: {  	_ =	shalt  }
0x63: {  	_ =	shalt  }
0x64: {  	_ =	shalt  }
0x65: {  	_ =	shalt  }
0x66: {  	_ =	shalt  }
0x67: {  	_ =	shalt  }
0x68: {  	_ =	shalt  }
0x69: {  	_ =	shalt  }
0x6a: {  	_ =	shalt  }
0x6b: {  	_ =	shalt  }
0x6c: {  	_ =	shalt  }
0x6d: {  	_ =	shalt  }
0x6e: {  	_ =	shalt  }
0x6f: {  	_ =	shalt  }
0x70: {  	_ =	shalt  }
0x71: {  	_ =	shalt  }
0x72: {  	_ =	shalt  }
0x73: {  	_ =	shalt  }
0x74: {  	_ =	shalt  }
0x75: {  	_ =	shalt  }
0x76: {  	_ =	shalt  }
0x77: {  	_ =	shalt  }
0x78: {  	_ =	shalt  }
0x79: {  	_ =	shalt  }
0x7a: {  	_ =	shalt  }
0x7b: {  	_ =	shalt  }
0x7c: {  	_ =	shalt  }
0x7d: {  	_ =	shalt  }
0x7e: {  	_ =	shalt  }
0x7f: {  	_ =	shalt  }
0x80: {  	_ =	shalt  }
0x81: {  	_ =	shalt  }
0x82: {  	_ =	shalt  }
0x83: {  	_ =	shalt  }
0x84: {  	_ =	shalt  }
0x85: {  	_ =	shalt  }
0x86: {  	_ =	shalt  }
0x87: {  	_ =	shalt  }
.Lfunc_end0:
.L_simem_size_0:
called_computation.1_lowered:
.L_overlay_start_0:
0x88: {  	s2 =	sld [smem:$0x3FD9]  }
0x89: {  	s3 =	sld [smem:$0x3FFE];
	_ =	sdelay $0x1  }
0x8a: {  	s1 =	srdreg.scid  }
0x8b: {  	s0 =	sand.u32 $0x1, s1  }
0x8c: {  	s17 =	sshll.u32 s0, $0xA;
	s2 =	sadd.s32 s3, s2  }
0x8d: {  	s2 =	sadd.s32 s2, s17  }
0x8e: {  	[smem:$0x3FC3] =	sst s2  }
0x8f: {  	_ = 	snop  }
0x90: {  	s2 =	sld [smem:$0x3FD0];
	(tm) =	ssettm $0x1  }
0x91: {  	s18 =	sld [smem:$0x3FFB];
	_ =	sdelay $0x3  }
0x92: {  	_ =	strace s18  }
0x93: {  	s3 =	sld [smem:$0x3FFC];
	_ =	sdelay $0x3  }
0x94: {  	_ =	strace s3  }
0x95: {  	s3 =	sld [smem:$0x3FFD];
	_ =	sdelay $0x3  }
0x96: {  	_ =	strace s3  }
0x97: {  	_ =	strace $0x8FFFFFFF  }
0x98: {  	s19 =	sld [smem:$0x3FDB];
	_ =	sdelay $0x1  }
0x99: {  	s4 =	simm.s32 $_scs_section_size  }
0x9a: {  	s5 =	simm.s32 $_size__tile_overlayer_lowered;
	s6 =	simm.s32 $_tile_overlayer_lowered  }
0x9b: {  	s22 =	simm.s32 $0x1BFF;
	s21 =	sshll.u32 s6, $0x1;
	s3 =	sadd.s32 s4, s19  }
0x9c: {  	s7 =	simm.s32 $0x0;
	s20 =	sshll.u32 s5, $0x1;
	s5 =	sadd.s32 s21, s3  }
0x9d: {  	[timem:s7], [sflag:s22] =	dma.local [hbm:s5], s20  }
0x9e: {  	_ =	swait.ge [sflag:s22], s20  }
0x9f: {  	s4 =	ssub.s32 $0x0, s20;
	[sflag:s22] =	ssyncset.done $0x0  }
0xa0: {  	[sflag:s22] =	ssyncadd.s32 s4;
	_ =	sdelay $0x1  }
0xa1: {  	s23 =	simm.s32 $0x1B8B  }
0xa2: {  	_ =	swait.ge [sflag:s23], $0x1  }
0xa3: {  	[sflag:s23] =	ssyncset.done $0x0  }
0xa4: {  	s25 =	simm.s32 $0x1B8E;
	s24 =	sld [smem:$0x3FFE];
	[sflag:s23] =	ssyncadd.s32 $0xFFFFFFFF  }
0xa5: {  	s26 =	simm.s32 $execute0_lowered;
	[smem:$0x3FD2] =	sst s25  }
0xa6: {  	s5 =	sshll.u32 s26, $0x1;
	_ =	strace $0x80000049;
	[dreg:$0x1] =	wrdreg $0xFFFFFFFF  }
0xa7: {  	s28 =	simm.s32 $_size_execute0_lowered;
	s3 =	sadd.s32 s3, s5;
	[dreg:$0x0] =	wrdreg $0x0  }
0xa8: {  	s5 =	sshll.u32 s28, $0x1;
	[dreg:$0x2] =	wrdreg s3  }
0xa9: {  	[dreg:$0x3] =	wrdreg s5  }
0xaa: {  	[dreg:$0x4] =	wrdreg $0xC0  }
0xab: {  	_ =	task [dreg:s7], $0x5FFFF  }
0xac: {  	[dreg:$0x1] =	wrdreg $0xFFFFFFFF  }
0xad: {  	[dreg:$0x0] =	wrdreg $0x60  }
0xae: {  	[dreg:$0x2] =	wrdreg s2  }
0xaf: {  	[dreg:$0x3] =	wrdreg s24  }
0xb0: {  	[dreg:$0x4] =	wrdreg $0x0  }
0xb1: {  	[dreg:$0x5] =	wrdreg $0xAF800  }
0xb2: {  	[dreg:$0x6] =	wrdreg $0x9  }
0xb3: {  	_ =	task.clear_ibuf [dreg:s7], $0x7FFFF;
	_ =	strace $0x90000049  }
0xb4: {  	s29 =	simm.s32 $0x9;
	_ =	strace $0x8000004B  }
0xb5: {  	_ =	swait.ge [sflag:s29], $0x1  }
0xb6: {  	[sflag:s29] =	ssyncadd.s32 $0xFFFFFFFF  }
0xb7: {  	_ =	strace $0x9000004B  }
0xb8: {  	_ =	sfence  }
0xb9: {  	s30 =	sld [smem:$0x0];
	_ =	sdelay $0x2  }
0xba: {  	s31 =	sshll.u32 s1, $0xD;
	s1 =	sshrl.u32 s1, $0x2  }
0xbb: {  	s3 =	sand.u32 $0x4000, s31;
	s1 =	sadd.s32 s1, s30  }
0xbc: {  	s0 =	sor.u32 s3, s0;
	s1 =	sshll.u32 s1, $0x11  }
0xbd: {  	s0 =	sor.u32 s1, s0  }
0xbe: {  	s0 =	sadd.s32 $0x8F2B, s0  }
0xbf: {  	[sflag:s0] =	ssyncadd.remote.s32 $0x1  }
0xc0: {  	_ =	sfence.sel $0xFFFF  }
0xc1: {  	[dreg:$0x0] =	wrdreg $0xFFFFFFFF;
	(pc) =	sbr.abs _section_cstart, $3  }
0xc2: {  	[dreg:$0x1] =	wrdreg $0xFFFFFFFF  }
0xc3: {  	_ =	task.clear_ibuf [dreg:s7], $0x2FFFF;
	_ =	strace $0x9FFFFFFF  }
0xc4: {  	(tm) =	ssettm $0x7FFFFFFF  }
0xc5: {  	_ =	shalt  }
tec
execute0_lowered:
.L_overlay_start_1:
0x0: {  	(tag) =	ssettag $0x1  }
0x1: {  	s0 =	srdreg.scid;
	s1 =	rddreg [dreg:$0x0]  }
0x2: {  	s16 =	stileid.u32;
	s5 =	rddreg [dreg:$0x1]  }
0x3: {  	s4 =	simm.s32 $0x0;
	s17 =	simm.s32 $0x5;
	s20 =	simm.s32 $0x2780  }
0x4: {  	s28 =	simm.s32 $0x1;
	s29 =	simm.s32 $0x2;
	s30 =	simm.s32 $0x3  }
0x5: {  	s31 =	simm.s32 $0x4;
	s0 =	sand.u32 $0x1, s0;
	s7 =	smul.u32 $0x2780, s16  }
0x6: {  	[smem:$0x7FF] =	sst s4;
	s9 =	smul.u32 $0x9E00, s16;
	s26 =	sshll.u32 s16, $0x6  }
0x7: {  	s2 =	sshll.u32 s0, $0x4;
	s8 =	smul.u32 $0x27800, s0;
	s0 =	ssub.s32 $0x2, s0  }
0x8: {  	s18 =	sor.u32 $0x1C05, s26;
	s26 =	simm.s32 $0xAB80;
	s3 =	sor.u32 s16, s2  }
0x9: {  	s2 =	rddreg [dreg:$0x2];
	s9 =	sshrl.u32 s9, $0x2;
	s22 =	sshrl.u32 s0, $0x1  }
0xa: {  	s25 =	sshrl.u32 s7, $0x3;
	s16 =	simm.s32 $0x9F80;
	s6 =	smul.u32 $0x500, s3  }
0xb: {  	s3 =	rddreg [dreg:$0x3];
	_ =	strace $0x8000004A;
	s8 =	sadd.s32 s7, s8  }
0xc: {  	s9 =	sadd.s32 s9, s2;
	s0 =	ssub.s32 s0, s22;
	s1 =	sadd.s32 s1, s25  }
0xd: {  	s22 =	simm.s32 $0x40;
	s25 =	simm.s32 $0xA780;
	s8 =	sshrl.u32 s8, $0x3  }
0xe: {  	s10 =	sadd.s32 $0x800, s9;
	s23 =	sadd.s32 $0x1000, s9;
	[dreg:$0x9] =	wrdreg s1  }
0xf: {  	v0 =	vimm.f32 $0.0e+00;
	v1 =	vimm.s32 $0x0;
	s24 =	sadd.s32 $0x1800, s9;
	s9 =	sadd.s32 $0x2000, s9;
	[dreg:$0x5] =	wrdreg s10  }
.Ltmp0:
0x10: {  	v2 =	vimm.s32 $0x1;
	v3 =	vimm.s32 $0x2;
	v4 =	vimm.s32 $0x3;
	s15 =	smax.u32 s0, $0x1;
	[dreg:$0x6] =	wrdreg s23;
	(pc) =	sbr.rel .LBB2_1-.Ltmp0, $4  }
0x11: {  	v5 =	vimm.s32 $0x4;
	v6 =	vimm.s32 $0x5;
	v7 =	vimm.s32 $0x6;
	s6 =	sadd.s32 s6, s5;
	s8 =	sadd.s32 s8, s5;
	[dreg:$0x7] =	wrdreg s24  }
0x12: {  	v8 =	vimm.s32 $0x7;
	v9 =	vimm.s32 $0x8;
	v10 =	vimm.s32 $0x9;
	s5 =	sadd.s32 s7, s2;
	[dreg:$0x8] =	wrdreg s9;
	s7 =	sadd.s32 s7, s3  }
0x13: {  	v11 =	vimm.s32 $0xA;
	v12 =	vimm.s32 $0xB;
	v13 =	vimm.s32 $0xC;
	s24 =	simm.s32 $0xA380;
	s11 =	sadd.s32 $0x3BE00, s6;
	s12 =	sadd.s32 $0x31E00, s6  }
0x14: {  	v14 =	vimm.s32 $0xD;
	v15 =	vimm.s32 $0xE;
	v16 =	vimm.s32 $0xF;
	s13 =	sadd.s32 $0xC00, s6;
	s14 =	sadd.s32 $0xAC00, s8;
	s19 =	sshrl.u32 s7, $0x3  }
.LBB2_10:
0x15: {  	_ =	swait.ge [sflag:s31], $0x400  }
0x16: {  	[sflag:s31] =	ssyncset.done $0x0  }
0x17: {  	[sflag:s31] =	ssyncadd.s32 $0xFFFFFC00  }
0x18: {  	_ =	swait.ge [sflag:s31], $0x400  }
0x19: {  	s4 =	sadd.s32 $0x1, s4;
	[sflag:s31] =	ssyncset.done $0x0  }
0x1a: {  	p0 =	sne.s32 s4, s15;
	[sflag:s31] =	ssyncadd.s32 $0xFFFFFC00  }
.Ltmp1:
0x1b: {  	s0 =	sshrl.u32 s5, $0x3;
	[bflag:$0x0] =	sbarrier.arrive $0xFFFF;
	(pc) =	sbr.rel @!p0 .LBB2_11-.Ltmp1, $4  }
0x1c: {  	[hbm:s14], [sflag:s18] =	dma.local [spmem:s0], $0x4F0  }
0x1d: {  	_ =	swait.ge [sflag:s17], $0x4F0  }
0x1e: {  	[sflag:s17] =	ssyncset.done $0x0  }
0x1f: {  	[sflag:s17] =	ssyncadd.s32 $0xFFFFFB10  }
.LBB2_1:
0x20: {  	s0 =	simm.s32 $0x40;
	s1 =	simm.s32 $0x0  }
.LBB2_2:
0x21: {  	p0 =	sne.s32 s0, $0x1FC0;
	[tilespmem:s1+$0x9F80] =	vst v0;
	s1 =	smov.u32 s0;
	s0 =	sadd.s32 $0x40, s0  }
.Ltmp2:
0x22: {  	(pc) =	sbr.rel @p0 .LBB2_2-.Ltmp2, $2  }
0x23: {  	_ =	sdelay $0x2  }
0x24: {  	s1 =	sshra.s32 s1, $0x2  }
0x25: {  	[tilespmem:s1+$0x9F80] =	vst v0  }
0x26: {  	[spmem:s5] =	stream.linear.scatter [tilespmem:s16], [sflag:$0x5], $0x800, $0x38;
	[tilespmem:$0xD700] =	vst v63  }
0x27: {  	_ =	swait.ge [sflag:s17], $0x800  }
0x28: {  	[sflag:s17] =	ssyncset.done $0x0  }
0x29: {  	s0 =	rddreg [dreg:$0x5];
	[sflag:s17] =	ssyncadd.s32 $0xFFFFF800  }
0x2a: {  	[spmem:s0] =	stream.linear.scatter [tilespmem:s16], [sflag:$0x5], $0x800, $0x38;
	[tilespmem:$0xD700] =	vst v63  }
0x2b: {  	_ =	swait.ge [sflag:s17], $0x800  }
0x2c: {  	[sflag:s17] =	ssyncset.done $0x0  }
0x2d: {  	s8 =	rddreg [dreg:$0x6];
	[sflag:s17] =	ssyncadd.s32 $0xFFFFF800  }
0x2e: {  	[spmem:s8] =	stream.linear.scatter [tilespmem:s16], [sflag:$0x5], $0x800, $0x38;
	[tilespmem:$0xD700] =	vst v63  }
0x2f: {  	_ =	swait.ge [sflag:s17], $0x800  }
0x30: {  	[sflag:s17] =	ssyncset.done $0x0  }
0x31: {  	s9 =	rddreg [dreg:$0x7];
	[sflag:s17] =	ssyncadd.s32 $0xFFFFF800  }
0x32: {  	[spmem:s9] =	stream.linear.scatter [tilespmem:s16], [sflag:$0x5], $0x800, $0x38;
	[tilespmem:$0xD700] =	vst v63  }
0x33: {  	_ =	swait.ge [sflag:s17], $0x800  }
0x34: {  	[sflag:s17] =	ssyncset.done $0x0  }
0x35: {  	s10 =	rddreg [dreg:$0x8];
	[sflag:s17] =	ssyncadd.s32 $0xFFFFF800  }
0x36: {  	[spmem:s10] =	stream.linear.scatter [tilespmem:s16], [sflag:$0x5], $0x780, $0x38;
	[tilespmem:$0xD700] =	vst v63  }
0x37: {  	_ =	swait.ge [sflag:s17], $0x780  }
0x38: {  	[sflag:s17] =	ssyncset.done $0x0  }
0x39: {  	s21 =	rddreg [dreg:$0x9];
	[sflag:s17] =	ssyncadd.s32 $0xFFFFF880  }
0x3a: {  	[spmem:s19], [sflag:s18] =	dma.local [hbm:s21], $0x4F0  }
0x3b: {  	_ =	swait.ge [sflag:s17], $0x4F0  }
0x3c: {  	[sflag:s17] =	ssyncset.done $0x0  }
0x3d: {  	[sflag:s17] =	ssyncadd.s32 $0xFFFFFB10  }
0x3e: {  	s1 =	simm.s32 $0x0;
	[bflag:$0x0] =	sbarrier.arrive $0xFFFF  }
0x3f: {  	[tilespmem:s20], [sflag:$0x5] =	stream.linear.gather [hbm4b:s11+s1], $0x2800, $0x38;
	[tilespmem:$0xD700] =	vst v63  }
0x40: {  	_ =	swait.ge [sflag:s17], $0x2800  }
0x41: {  	[sflag:s17] =	ssyncset.done $0x0  }
0x42: {  	s23 =	simm.s32 $0x4F80;
	[sflag:s17] =	ssyncadd.s32 $0xFFFFD800  }
0x43: {  	[tilespmem:s23], [sflag:$0x5] =	stream.linear.gather [hbm4b:s12+s1], $0x2800, $0x38;
	[tilespmem:$0xD700] =	vst v63  }
0x44: {  	_ =	swait.ge [sflag:s17], $0x2800  }
0x45: {  	[sflag:s17] =	ssyncset.done $0x0  }
0x46: {  	s0 =	simm.s32 $0x7780;
	[sflag:s17] =	ssyncadd.s32 $0xFFFFD800  }
0x47: {  	[tilespmem:s0], [sflag:$0x5] =	stream.linear.gather [hbm4b:s13+s1], $0x2800, $0x38;
	[tilespmem:$0xD700] =	vst v63  }
0x48: {  	_ =	swait.ge [sflag:s17], $0x2800  }
0x49: {  	[sflag:s17] =	ssyncset.done $0x0  }
0x4a: {  	[sflag:s17] =	ssyncadd.s32 $0xFFFFD800  }
0x4b: {  	[tilespmem:s16], [sflag:$0x1] =	stream.indirect.gather [spmem:s3], $0x10, s20, s22, $0xb8;
	[tilespmem:$0xD700] =	vst v63  }
0x4c: {  	s6 =	simm.s32 $0x27C0;
	s21 =	simm.s32 $0x7800  }
0x4d: {  	[tilespmem:s24], [sflag:$0x1] =	stream.indirect.gather [spmem:s3], $0x10, s6, s22, $0xb8;
	[tilespmem:$0xD700] =	vst v63  }
.LBB2_4:
0x4e: {  	p0 =	seq.s32 s1, $0x0  }
0x4f: {  	s6 =	simm.s32 @!p0 $0x4  }
0x50: {  	_ =	swait.ge @!p0 [sflag:s6], $0x400  }
0x51: {  	[sflag:s6] =	ssyncset.done @!p0 $0x0  }
0x52: {  	[sflag:s6] =	ssyncadd.s32 @!p0 $0xFFFFFC00  }
0x53: {  	s7 =	sshllo.u32 s1, $0x1;
	_ =	swait.ge @!p0 [sflag:s6], $0x400  }
0x54: {  	s23 =	sshll.u32 s7, $0x7;
	[sflag:s6] =	ssyncset.done @!p0 $0x0  }
0x55: {  	s8 =	sadd.s32 $0x2780, s23;
	[sflag:s6] =	ssyncadd.s32 @!p0 $0xFFFFFC00  }
0x56: {  	[tilespmem:s25], [sflag:$0x2] =	stream.indirect.gather [spmem:s3], $0x10, s8, s22, $0xb8;
	[tilespmem:$0xD700] =	vst v63  }
0x57: {  	s9 =	sadd.s32 $0x27C0, s23  }
0x58: {  	[tilespmem:s26], [sflag:$0x2] =	stream.indirect.gather [spmem:s3], $0x10, s9, s22, $0xb8;
	[tilespmem:$0xD700] =	vst v63  }
0x59: {  	_ =	swait.ge [sflag:s28], $0x400  }
0x5a: {  	v17 =	vmov s0;
	[sflag:s28] =	ssyncset.done $0x0  }
0x5b: {  	[sflag:s28] =	ssyncadd.s32 $0xFFFFFC00  }
0x5c: {  	_ =	swait.ge [sflag:s28], $0x400  }
0x5d: {  	[sflag:s28] =	ssyncset.done $0x0  }
0x5e: {  	s10 =	simm.s32 $0x0;
	[sflag:s28] =	ssyncadd.s32 $0xFFFFFC00  }
0x5f: {  	v18 =	vld.idx.msk [tilespmem:v17+s10+$0x0 ss:$0x1], $0xffff  }
0x60: {  	s7 =	simm.s32 $0xA000  }
0x61: {  	v19 =	vld [tilespmem:s7+$0xFFFFFF80]  }
0x62: {  	v20 =	vld [tilespmem:s7+$0xFFFFFF90]  }
0x63: {  	v21 =	vld [tilespmem:s7+$0xFFFFFFA0]  }
0x64: {  	v22 =	vld [tilespmem:s7+$0xFFFFFFB0];
	v23 =	vperm.xlane v18, v1  }
0x65: {  	v26 =	vld [tilespmem:s7+$0xFFFFFFD0];
	v24 =	vperm.xlane v18, v2  }
0x66: {  	v46 =	vld [tilespmem:s7+$0xFFFFFFE0];
	v27 =	vperm.xlane v18, v3;
	v19 =	vmul.f32 v19, v23  }
0x67: {  	v25 =	vld [tilespmem:s7+$0xFFFFFFC0];
	v45 =	vperm.xlane v18, v4;
	v20 =	vmul.f32 v20, v24  }
0x68: {  	v49 =	vld [tilespmem:s7+$0x10];
	v47 =	vperm.xlane v18, v6;
	v21 =	vmul.f32 v21, v27;
	[tilespmem:s7+$0xFFFFFF80] =	vst v19  }
0x69: {  	v59 =	vld [tilespmem:s7+$0x60];
	v29 =	vperm.xlane v18, v7;
	v22 =	vmul.f32 v22, v45;
	[tilespmem:s7+$0xFFFFFF90] =	vst v20  }
0x6a: {  	v28 =	vld [tilespmem:s7+$0xFFFFFFF0];
	v23 =	vmul.f32 v26, v47;
	v19 =	vperm.xlane v18, v5;
	[tilespmem:s7+$0xFFFFFFA0] =	vst v21  }
0x6b: {  	v48 =	vld [tilespmem:s7+$0x0];
	v53 =	vperm.xlane v18, v10;
	v24 =	vmul.f32 v46, v29;
	[tilespmem:s7+$0xFFFFFFB0] =	vst v22  }
0x6c: {  	v52 =	vld [tilespmem:s7+$0x30];
	v62 =	vperm.xlane v18, v15;
	[tilespmem:s7+$0xFFFFFFD0] =	vst v23;
	v19 =	vmul.f32 v25, v19  }
0x6d: {  	v55 =	vld [tilespmem:s7+$0x50];
	v50 =	vperm.xlane v18, v8;
	v58 =	vmul.f32 v49, v53;
	[tilespmem:s7+$0xFFFFFFE0] =	vst v24  }
0x6e: {  	v51 =	vld [tilespmem:s7+$0x20];
	v63 =	vmul.f32 v59, v62;
	[tilespmem:s7+$0xFFFFFFC0] =	vst v19;
	v19 =	vperm.xlane v18, v9  }
0x6f: {  	v54 =	vld [tilespmem:s7+$0x40];
	v57 =	vperm.xlane v18, v12;
	v21 =	vmul.f32 v28, v50;
	[tilespmem:s7+$0x10] =	vst v58  }
0x70: {  	v60 =	vld [tilespmem:s7+$0x70];
	v61 =	vperm.xlane v18, v14;
	[tilespmem:s7+$0x60] =	vst v63;
	v19 =	vmul.f32 v48, v19  }
0x71: {  	v56 =	vperm.xlane v18, v11;
	v20 =	vmul.f32 v52, v57;
	[tilespmem:s7+$0xFFFFFFF0] =	vst v21  }
0x72: {  	v22 =	vmul.f32 v55, v61;
	[tilespmem:s7+$0x0] =	vst v19;
	v19 =	vperm.xlane v18, v13  }
0x73: {  	v25 =	vmul.f32 v51, v56;
	[tilespmem:s7+$0x30] =	vst v20;
	v18 =	vperm.xlane v18, v16  }
0x74: {  	[tilespmem:s7+$0x50] =	vst v22;
	v19 =	vmul.f32 v54, v19  }
0x75: {  	[tilespmem:s7+$0x20] =	vst v25;
	v18 =	vmul.f32 v60, v18  }
0x76: {  	s6 =	sor.u32 $0x40, s23;
	[tilespmem:s7+$0x40] =	vst v19  }
0x77: {  	s8 =	sshll.u32 s1, $0xA;
	s9 =	simm.s32 $0x80;
	s10 =	simm.s32 $0x10;
	[tilespmem:s7+$0x70] =	vst v18  }
.LBB2_5:
0x78: {  	p0 =	sne.s32 s9, $0x1C0;
	v18 =	vld.idx.msk [tilespmem:v17+s10+$0x0 ss:$0x1], $0xffff;
	s7 =	sadd.s32 $0x100, s7  }
0x79: {  	v19 =	vld [tilespmem:s7+$0xFFFFFFB0]  }
0x7a: {  	v20 =	vld [tilespmem:s7+$0xFFFFFF90]  }
0x7b: {  	v21 =	vld [tilespmem:s7+$0xFFFFFF80]  }
0x7c: {  	v22 =	vld [tilespmem:s7+$0xFFFFFFA0]  }
0x7d: {  	v23 =	vld [tilespmem:s7+$0xFFFFFFF0]  }
0x7e: {  	v24 =	vperm.xlane v18, v1;
	v25 =	vperm.xlane v18, v2;
	v26 =	vld [tilespmem:s7+$0xFFFFFFD0]  }
0x7f: {  	v27 =	vperm.xlane v18, v3;
	v28 =	vperm.xlane v18, v4;
	v29 =	vld [tilespmem:s7+$0xFFFFFFC0]  }
0x80: {  	v20 =	vmul.f32 v20, v25;
	v21 =	vmul.f32 v21, v24;
	v24 =	vld [tilespmem:s7+$0xFFFFFFE0]  }
0x81: {  	v19 =	vmul.f32 v19, v28;
	v22 =	vmul.f32 v22, v27;
	v25 =	vld [tilespmem:s7+$0x30]  }
0x82: {  	v27 =	vperm.xlane v18, v6;
	[tilespmem:s7+$0xFFFFFF80] =	vst v21;
	v21 =	vperm.xlane v18, v5;
	v28 =	vld [tilespmem:s7+$0x10]  }
0x83: {  	v30 =	vperm.xlane v18, v8;
	[tilespmem:s7+$0xFFFFFF90] =	vst v20;
	v20 =	vperm.xlane v18, v7;
	v31 =	vld [tilespmem:s7+$0x0]  }
0x84: {  	[tilespmem:s7+$0xFFFFFFA0] =	vst v22;
	v21 =	vmul.f32 v29, v21;
	v22 =	vmul.f32 v26, v27;
	v26 =	vld [tilespmem:s7+$0x20]  }
0x85: {  	[tilespmem:s7+$0xFFFFFFB0] =	vst v19;
	v19 =	vmul.f32 v24, v20;
	v20 =	vmul.f32 v23, v30;
	v23 =	vld [tilespmem:s7+$0x70]  }
0x86: {  	v24 =	vperm.xlane v18, v10;
	[tilespmem:s7+$0xFFFFFFC0] =	vst v21;
	v21 =	vperm.xlane v18, v9;
	v27 =	vld [tilespmem:s7+$0x50]  }
0x87: {  	v29 =	vperm.xlane v18, v12;
	[tilespmem:s7+$0xFFFFFFD0] =	vst v22;
	v22 =	vperm.xlane v18, v11;
	v30 =	vld [tilespmem:s7+$0x40]  }
0x88: {  	[tilespmem:s7+$0xFFFFFFE0] =	vst v19;
	v19 =	vmul.f32 v31, v21;
	v21 =	vmul.f32 v28, v24;
	v24 =	vld [tilespmem:s7+$0x60]  }
0x89: {  	[tilespmem:s7+$0xFFFFFFF0] =	vst v20;
	v20 =	vmul.f32 v26, v22;
	v22 =	vmul.f32 v25, v29  }
0x8a: {  	v25 =	vperm.xlane v18, v14;
	[tilespmem:s7+$0x0] =	vst v19;
	v19 =	vperm.xlane v18, v13  }
0x8b: {  	[tilespmem:s7+$0x10] =	vst v21;
	v21 =	vperm.xlane v18, v15;
	v18 =	vperm.xlane v18, v16  }
0x8c: {  	[tilespmem:s7+$0x20] =	vst v20;
	v19 =	vmul.f32 v30, v19;
	v20 =	vmul.f32 v27, v25  }
.Ltmp3:
0x8d: {  	[tilespmem:s7+$0x30] =	vst v22;
	v21 =	vmul.f32 v24, v21;
	v18 =	vmul.f32 v23, v18;
	(pc) =	sbr.rel @p0 .LBB2_5-.Ltmp3, $4  }
0x8e: {  	[tilespmem:s7+$0x40] =	vst v19  }
0x8f: {  	[tilespmem:s7+$0x50] =	vst v20  }
0x90: {  	[tilespmem:s7+$0x60] =	vst v21  }
0x91: {  	s10 =	sshra.s32 s9, $0x2;
	s9 =	sadd.s32 $0x40, s9;
	[tilespmem:s7+$0x70] =	vst v18  }
0x92: {  	_ =	sdelay $0x3  }
0x93: {  	v17 =	vld.idx.msk [tilespmem:v17+s10+$0x0 ss:$0x1], $0xffff  }
0x94: {  	s9 =	sadd.s32 $0x100, s7  }
0x95: {  	v18 =	vld [tilespmem:s9+$0xFFFFFF80]  }
0x96: {  	v19 =	vld [tilespmem:s9+$0xFFFFFF90]  }
0x97: {  	v20 =	vld [tilespmem:s9+$0xFFFFFFA0]  }
0x98: {  	v21 =	vld [tilespmem:s9+$0xFFFFFFB0];
	v22 =	vperm.xlane v17, v1  }
0x99: {  	v25 =	vld [tilespmem:s9+$0xFFFFFFD0];
	v23 =	vperm.xlane v17, v2  }
0x9a: {  	v24 =	vld [tilespmem:s9+$0xFFFFFFC0];
	v26 =	vperm.xlane v17, v3;
	v18 =	vmul.f32 v18, v22  }
0x9b: {  	v54 =	vld [tilespmem:s9+$0xFFFFFFE0];
	v53 =	vperm.xlane v17, v4;
	v19 =	vmul.f32 v19, v23  }
0x9c: {  	v56 =	vld [tilespmem:s9+$0x10];
	v55 =	vperm.xlane v17, v6;
	v20 =	vmul.f32 v20, v26;
	[tilespmem:s9+$0xFFFFFF80] =	vst v18  }
0x9d: {  	v27 =	vld [tilespmem:s9+$0xFFFFFFF0];
	v21 =	vmul.f32 v21, v53;
	v18 =	vperm.xlane v17, v5;
	[tilespmem:s9+$0xFFFFFF90] =	vst v19  }
0x9e: {  	v28 =	vperm.xlane v17, v7;
	v22 =	vmul.f32 v25, v55;
	v19 =	vld [tilespmem:s9+$0x0];
	[tilespmem:s9+$0xFFFFFFA0] =	vst v20  }
0x9f: {  	v62 =	vld [tilespmem:s9+$0x50];
	v60 =	vperm.xlane v17, v10;
	[tilespmem:s9+$0xFFFFFFB0] =	vst v21;
	v18 =	vmul.f32 v24, v18  }
0xa0: {  	v58 =	vld [tilespmem:s9+$0x20];
	v57 =	vperm.xlane v17, v8;
	v23 =	vmul.f32 v54, v28;
	[tilespmem:s9+$0xFFFFFFD0] =	vst v22  }
0xa1: {  	v59 =	vld [tilespmem:s9+$0x30];
	v31 =	vmul.f32 v56, v60;
	[tilespmem:s9+$0xFFFFFFC0] =	vst v18;
	v18 =	vperm.xlane v17, v9  }
0xa2: {  	v61 =	vld [tilespmem:s9+$0x40];
	v34 =	vperm.xlane v17, v14;
	v20 =	vmul.f32 v27, v57;
	[tilespmem:s9+$0xFFFFFFE0] =	vst v23  }
0xa3: {  	v32 =	vld [tilespmem:s9+$0x60];
	v63 =	vperm.xlane v17, v11;
	[tilespmem:s9+$0x10] =	vst v31;
	v18 =	vmul.f32 v19, v18  }
0xa4: {  	v33 =	vld [tilespmem:s9+$0x70];
	v21 =	vmul.f32 v62, v34;
	[tilespmem:s9+$0xFFFFFFF0] =	vst v20;
	v19 =	vperm.xlane v17, v12  }
0xa5: {  	v24 =	vmul.f32 v58, v63;
	[tilespmem:s9+$0x0] =	vst v18;
	v18 =	vperm.xlane v17, v13  }
0xa6: {  	v35 =	vperm.xlane v17, v15;
	[tilespmem:s9+$0x50] =	vst v21;
	v19 =	vmul.f32 v59, v19  }
0xa7: {  	[tilespmem:s9+$0x20] =	vst v24;
	v17 =	vperm.xlane v17, v16;
	v18 =	vmul.f32 v61, v18  }
0xa8: {  	[tilespmem:s9+$0x30] =	vst v19;
	v19 =	vmul.f32 v32, v35  }
0xa9: {  	v17 =	vmul.f32 v33, v17;
	[tilespmem:s9+$0x40] =	vst v18  }
0xaa: {  	s7 =	sshrl.u32 s8, $0x2;
	[tilespmem:s9+$0x60] =	vst v19  }
0xab: {  	s8 =	sadd.s32 $0x4F80, s7;
	[tilespmem:s9+$0x70] =	vst v17  }
0xac: {  	[spmem:s2] =	stream.indirect.scatter.add.f32 [tilespmem:s16], [sflag:$0x3], $0x10, s8, s22, $0xb8;
	[tilespmem:$0xD700] =	vst v63  }
0xad: {  	s9 =	sadd.s32 $0x4FC0, s7  }
0xae: {  	[spmem:s2] =	stream.indirect.scatter.add.f32 [tilespmem:s24], [sflag:$0x3], $0x10, s9, s22, $0xb8;
	[tilespmem:$0xD700] =	vst v63  }
0xaf: {  	_ =	swait.ge [sflag:s29], $0x400  }
0xb0: {  	v17 =	vmov s21;
	[sflag:s29] =	ssyncset.done $0x0  }
0xb1: {  	[sflag:s29] =	ssyncadd.s32 $0xFFFFFC00  }
0xb2: {  	_ =	swait.ge [sflag:s29], $0x400  }
0xb3: {  	[sflag:s29] =	ssyncset.done $0x0  }
0xb4: {  	s10 =	simm.s32 $0x0;
	[sflag:s29] =	ssyncadd.s32 $0xFFFFFC00  }
0xb5: {  	v18 =	vld.idx.msk [tilespmem:v17+s10+$0x0 ss:$0x1], $0xffff  }
0xb6: {  	s8 =	simm.s32 $0xA800  }
0xb7: {  	v19 =	vld [tilespmem:s8+$0xFFFFFF80]  }
0xb8: {  	v36 =	vld [tilespmem:s8+$0xFFFFFF90]  }
0xb9: {  	v37 =	vld [tilespmem:s8+$0xFFFFFFA0]  }
0xba: {  	v38 =	vld [tilespmem:s8+$0xFFFFFFB0];
	v39 =	vperm.xlane v18, v1  }
0xbb: {  	v42 =	vld [tilespmem:s8+$0xFFFFFFD0];
	v40 =	vperm.xlane v18, v2  }
0xbc: {  	v45 =	vld [tilespmem:s8+$0xFFFFFFE0];
	v43 =	vperm.xlane v18, v3;
	v19 =	vmul.f32 v19, v39  }
0xbd: {  	v41 =	vld [tilespmem:s8+$0xFFFFFFC0];
	v44 =	vperm.xlane v18, v4;
	v20 =	vmul.f32 v36, v40  }
0xbe: {  	v49 =	vld [tilespmem:s8+$0x10];
	v47 =	vperm.xlane v18, v6;
	v21 =	vmul.f32 v37, v43;
	[tilespmem:s8+$0xFFFFFF80] =	vst v19  }
0xbf: {  	v51 =	vld [tilespmem:s8+$0x20];
	v29 =	vperm.xlane v18, v7;
	v22 =	vmul.f32 v38, v44;
	[tilespmem:s8+$0xFFFFFF90] =	vst v20  }
0xc0: {  	v59 =	vld [tilespmem:s8+$0x60];
	v23 =	vmul.f32 v42, v47;
	v19 =	vperm.xlane v18, v5;
	[tilespmem:s8+$0xFFFFFFA0] =	vst v21  }
0xc1: {  	v48 =	vld [tilespmem:s8+$0x0];
	v53 =	vperm.xlane v18, v10;
	v24 =	vmul.f32 v45, v29;
	[tilespmem:s8+$0xFFFFFFB0] =	vst v22  }
0xc2: {  	v46 =	vld [tilespmem:s8+$0xFFFFFFF0];
	v56 =	vperm.xlane v18, v11;
	[tilespmem:s8+$0xFFFFFFD0] =	vst v23;
	v19 =	vmul.f32 v41, v19  }
0xc3: {  	v52 =	vld [tilespmem:s8+$0x30];
	v62 =	vperm.xlane v18, v15;
	v58 =	vmul.f32 v49, v53;
	[tilespmem:s8+$0xFFFFFFE0] =	vst v24  }
0xc4: {  	v55 =	vld [tilespmem:s8+$0x50];
	v25 =	vmul.f32 v51, v56;
	[tilespmem:s8+$0xFFFFFFC0] =	vst v19;
	v19 =	vperm.xlane v18, v9  }
0xc5: {  	v54 =	vld [tilespmem:s8+$0x40];
	v50 =	vperm.xlane v18, v8;
	v63 =	vmul.f32 v59, v62;
	[tilespmem:s8+$0x10] =	vst v58  }
0xc6: {  	v60 =	vld [tilespmem:s8+$0x70];
	v57 =	vperm.xlane v18, v12;
	[tilespmem:s8+$0x20] =	vst v25;
	v19 =	vmul.f32 v48, v19  }
0xc7: {  	v61 =	vperm.xlane v18, v14;
	v21 =	vmul.f32 v46, v50;
	[tilespmem:s8+$0x60] =	vst v63  }
0xc8: {  	v20 =	vmul.f32 v52, v57;
	[tilespmem:s8+$0x0] =	vst v19;
	v19 =	vperm.xlane v18, v13  }
0xc9: {  	v22 =	vmul.f32 v55, v61;
	[tilespmem:s8+$0xFFFFFFF0] =	vst v21;
	v18 =	vperm.xlane v18, v16  }
0xca: {  	[tilespmem:s8+$0x30] =	vst v20;
	v19 =	vmul.f32 v54, v19  }
0xcb: {  	[tilespmem:s8+$0x50] =	vst v22;
	v18 =	vmul.f32 v60, v18  }
0xcc: {  	[tilespmem:s8+$0x40] =	vst v19  }
0xcd: {  	s9 =	simm.s32 $0x80;
	s10 =	simm.s32 $0x10;
	[tilespmem:s8+$0x70] =	vst v18  }
.LBB2_7:
0xce: {  	p0 =	sne.s32 s9, $0x1C0;
	v18 =	vld.idx.msk [tilespmem:v17+s10+$0x0 ss:$0x1], $0xffff;
	s8 =	sadd.s32 $0x100, s8  }
0xcf: {  	v19 =	vld [tilespmem:s8+$0xFFFFFFB0]  }
0xd0: {  	v20 =	vld [tilespmem:s8+$0xFFFFFF90]  }
0xd1: {  	v21 =	vld [tilespmem:s8+$0xFFFFFF80]  }
0xd2: {  	v22 =	vld [tilespmem:s8+$0xFFFFFFA0]  }
0xd3: {  	v23 =	vld [tilespmem:s8+$0xFFFFFFF0]  }
0xd4: {  	v24 =	vperm.xlane v18, v1;
	v25 =	vperm.xlane v18, v2;
	v26 =	vld [tilespmem:s8+$0xFFFFFFD0]  }
0xd5: {  	v27 =	vperm.xlane v18, v3;
	v28 =	vperm.xlane v18, v4;
	v29 =	vld [tilespmem:s8+$0xFFFFFFC0]  }
0xd6: {  	v20 =	vmul.f32 v20, v25;
	v21 =	vmul.f32 v21, v24;
	v24 =	vld [tilespmem:s8+$0xFFFFFFE0]  }
0xd7: {  	v19 =	vmul.f32 v19, v28;
	v22 =	vmul.f32 v22, v27;
	v25 =	vld [tilespmem:s8+$0x30]  }
0xd8: {  	v27 =	vperm.xlane v18, v6;
	[tilespmem:s8+$0xFFFFFF80] =	vst v21;
	v21 =	vperm.xlane v18, v5;
	v28 =	vld [tilespmem:s8+$0x10]  }
0xd9: {  	v30 =	vperm.xlane v18, v8;
	[tilespmem:s8+$0xFFFFFF90] =	vst v20;
	v20 =	vperm.xlane v18, v7;
	v31 =	vld [tilespmem:s8+$0x0]  }
0xda: {  	[tilespmem:s8+$0xFFFFFFA0] =	vst v22;
	v21 =	vmul.f32 v29, v21;
	v22 =	vmul.f32 v26, v27;
	v26 =	vld [tilespmem:s8+$0x20]  }
0xdb: {  	[tilespmem:s8+$0xFFFFFFB0] =	vst v19;
	v19 =	vmul.f32 v24, v20;
	v20 =	vmul.f32 v23, v30;
	v23 =	vld [tilespmem:s8+$0x70]  }
0xdc: {  	v24 =	vperm.xlane v18, v10;
	[tilespmem:s8+$0xFFFFFFC0] =	vst v21;
	v21 =	vperm.xlane v18, v9;
	v27 =	vld [tilespmem:s8+$0x50]  }
0xdd: {  	v29 =	vperm.xlane v18, v12;
	[tilespmem:s8+$0xFFFFFFD0] =	vst v22;
	v22 =	vperm.xlane v18, v11;
	v30 =	vld [tilespmem:s8+$0x40]  }
0xde: {  	[tilespmem:s8+$0xFFFFFFE0] =	vst v19;
	v19 =	vmul.f32 v31, v21;
	v21 =	vmul.f32 v28, v24;
	v24 =	vld [tilespmem:s8+$0x60]  }
0xdf: {  	[tilespmem:s8+$0xFFFFFFF0] =	vst v20;
	v20 =	vmul.f32 v26, v22;
	v22 =	vmul.f32 v25, v29  }
0xe0: {  	v25 =	vperm.xlane v18, v14;
	[tilespmem:s8+$0x0] =	vst v19;
	v19 =	vperm.xlane v18, v13  }
0xe1: {  	[tilespmem:s8+$0x10] =	vst v21;
	v21 =	vperm.xlane v18, v15;
	v18 =	vperm.xlane v18, v16  }
0xe2: {  	[tilespmem:s8+$0x20] =	vst v20;
	v19 =	vmul.f32 v30, v19;
	v20 =	vmul.f32 v27, v25  }
.Ltmp4:
0xe3: {  	[tilespmem:s8+$0x30] =	vst v22;
	v21 =	vmul.f32 v24, v21;
	v18 =	vmul.f32 v23, v18;
	(pc) =	sbr.rel @p0 .LBB2_7-.Ltmp4, $4  }
0xe4: {  	[tilespmem:s8+$0x40] =	vst v19  }
0xe5: {  	[tilespmem:s8+$0x50] =	vst v20  }
0xe6: {  	[tilespmem:s8+$0x60] =	vst v21  }
0xe7: {  	s10 =	sshra.s32 s9, $0x2;
	s9 =	sadd.s32 $0x40, s9;
	[tilespmem:s8+$0x70] =	vst v18  }
0xe8: {  	_ =	sdelay $0x3  }
0xe9: {  	v17 =	vld.idx.msk [tilespmem:v17+s10+$0x0 ss:$0x1], $0xffff  }
0xea: {  	s8 =	sadd.s32 $0x100, s8  }
0xeb: {  	v18 =	vld [tilespmem:s8+$0xFFFFFF80]  }
0xec: {  	v19 =	vld [tilespmem:s8+$0xFFFFFF90]  }
0xed: {  	v20 =	vld [tilespmem:s8+$0xFFFFFFA0]  }
0xee: {  	v21 =	vld [tilespmem:s8+$0xFFFFFFB0];
	v22 =	vperm.xlane v17, v1  }
0xef: {  	v25 =	vld [tilespmem:s8+$0xFFFFFFD0];
	v23 =	vperm.xlane v17, v2  }
0xf0: {  	v24 =	vld [tilespmem:s8+$0xFFFFFFC0];
	v26 =	vperm.xlane v17, v3;
	v18 =	vmul.f32 v18, v22  }
0xf1: {  	v49 =	vld [tilespmem:s8+$0xFFFFFFE0];
	v48 =	vperm.xlane v17, v4;
	v19 =	vmul.f32 v19, v23  }
0xf2: {  	v51 =	vld [tilespmem:s8+$0x10];
	v50 =	vperm.xlane v17, v6;
	v20 =	vmul.f32 v20, v26;
	[tilespmem:s8+$0xFFFFFF80] =	vst v18  }
0xf3: {  	v27 =	vld [tilespmem:s8+$0xFFFFFFF0];
	v21 =	vmul.f32 v21, v48;
	v18 =	vperm.xlane v17, v5;
	[tilespmem:s8+$0xFFFFFF90] =	vst v19  }
0xf4: {  	v28 =	vperm.xlane v17, v7;
	v22 =	vmul.f32 v25, v50;
	v19 =	vld [tilespmem:s8+$0x0];
	[tilespmem:s8+$0xFFFFFFA0] =	vst v20  }
0xf5: {  	v57 =	vld [tilespmem:s8+$0x50];
	v55 =	vperm.xlane v17, v10;
	[tilespmem:s8+$0xFFFFFFB0] =	vst v21;
	v18 =	vmul.f32 v24, v18  }
0xf6: {  	v53 =	vld [tilespmem:s8+$0x20];
	v52 =	vperm.xlane v17, v8;
	v23 =	vmul.f32 v49, v28;
	[tilespmem:s8+$0xFFFFFFD0] =	vst v22  }
0xf7: {  	v54 =	vld [tilespmem:s8+$0x30];
	v59 =	vmul.f32 v51, v55;
	[tilespmem:s8+$0xFFFFFFC0] =	vst v18;
	v18 =	vperm.xlane v17, v9  }
0xf8: {  	v56 =	vld [tilespmem:s8+$0x40];
	v62 =	vperm.xlane v17, v14;
	v20 =	vmul.f32 v27, v52;
	[tilespmem:s8+$0xFFFFFFE0] =	vst v23  }
0xf9: {  	v60 =	vld [tilespmem:s8+$0x60];
	v58 =	vperm.xlane v17, v11;
	[tilespmem:s8+$0x10] =	vst v59;
	v18 =	vmul.f32 v19, v18  }
0xfa: {  	v61 =	vld [tilespmem:s8+$0x70];
	v21 =	vmul.f32 v57, v62;
	[tilespmem:s8+$0xFFFFFFF0] =	vst v20;
	v19 =	vperm.xlane v17, v12  }
0xfb: {  	v24 =	vmul.f32 v53, v58;
	[tilespmem:s8+$0x0] =	vst v18;
	v18 =	vperm.xlane v17, v13  }
0xfc: {  	v63 =	vperm.xlane v17, v15;
	[tilespmem:s8+$0x50] =	vst v21;
	v19 =	vmul.f32 v54, v19  }
0xfd: {  	[tilespmem:s8+$0x20] =	vst v24;
	v17 =	vperm.xlane v17, v16;
	v18 =	vmul.f32 v56, v18  }
0xfe: {  	[tilespmem:s8+$0x30] =	vst v19;
	v19 =	vmul.f32 v60, v63  }
0xff: {  	v17 =	vmul.f32 v61, v17;
	[tilespmem:s8+$0x40] =	vst v18  }
0x100: {  	[tilespmem:s8+$0x60] =	vst v19  }
0x101: {  	s23 =	sadd.s32 $0x4F80, s23;
	[tilespmem:s8+$0x70] =	vst v17  }
0x102: {  	[spmem:s2] =	stream.indirect.scatter.add.f32 [tilespmem:s25], [sflag:$0x4], $0x10, s23, s22, $0xb8;
	[tilespmem:$0xD700] =	vst v63  }
0x103: {  	s6 =	sadd.s32 $0x4F80, s6  }
0x104: {  	[spmem:s2] =	stream.indirect.scatter.add.f32 [tilespmem:s26], [sflag:$0x4], $0x10, s6, s22, $0xb8;
	[tilespmem:$0xD700] =	vst v63  }
0x105: {  	p0 =	seq.s32 s1, $0x27;
	_ =	swait.ge [sflag:s30], $0x400  }
.Ltmp5:
0x106: {  	[sflag:s30] =	ssyncset.done $0x0;
	(pc) =	sbr.rel @p0 .LBB2_10-.Ltmp5, $4  }
0x107: {  	[sflag:s30] =	ssyncadd.s32 $0xFFFFFC00  }
0x108: {  	_ =	swait.ge [sflag:s30], $0x400  }
0x109: {  	[sflag:s30] =	ssyncset.done $0x0  }
0x10a: {  	[sflag:s30] =	ssyncadd.s32 $0xFFFFFC00  }
.Ltmp6:
0x10b: {  	(pc) =	sbr.rel .LBB2_4-.Ltmp6, $4  }
0x10c: {  	s6 =	sadd.s32 $0x2880, s7;
	s23 =	sadd.s32 $0x28C0, s7  }
0x10d: {  	[tilespmem:s16], [sflag:$0x1] =	stream.indirect.gather [spmem:s3], $0x10, s6, s22, $0xb8;
	[tilespmem:$0xD700] =	vst v63  }
0x10e: {  	s1 =	sadd.s32 $0x1, s1;
	s0 =	sadd.s32 $0x100, s0;
	s21 =	sadd.s32 $0x100, s21  }
0x10f: {  	[tilespmem:s24], [sflag:$0x1] =	stream.indirect.gather [spmem:s3], $0x10, s23, s22, $0xb8;
	[tilespmem:$0xD700] =	vst v63  }
.LBB2_11:
0x110: {  	_ =	sfence.sel $0x180000  }
0x111: {  	[bflag:$0x0] =	sbarrier.arrive $0xFFFF  }
0x112: {  	_ =	strace $0x9000004A  }
0x113: {  	s0 =	stileid.u32;
	[bflag:$0x2] =	sbarrier.arrive $0xFFFF  }
0x114: {  	p0 =	sne.s32 s0, $0x0;
	s0 =	rddreg [dreg:$0x4]  }
0x115: {  	s0 =	sadd.s32 @!p0 $0x100000, s0  }
0x116: {  	[sflag:s0] =	ssyncadd.tile.s32 @!p0 $0x1;
	_ =	shalt  }
.Lfunc_end2:
_tile_overlayer_lowered:
.L_overlay_start_2:
0x117: {  	(tag) =	ssettag $0x2  }
0x118: {  	s0 =	rddreg [dreg:$0x0];
	s2 =	stileid.u32  }
0x119: {  	s1 =	rddreg [dreg:$0x1];
	p0 =	sne.s32 s2, $0x0  }
0x11a: {  	s3 =	rddreg [dreg:$0x2];
	[bflag:$0x3] =	sbarrier.arrive $0xFFFF;
	s2 =	simm.s32 @!p0 $0x1C05  }
0x11b: {  	[timem:s3], [sflag:s2] =	dma.local @!p0 [hbm:s0], s1  }
0x11c: {  	s0 =	simm.s32 @!p0 $0x5  }
0x11d: {  	_ =	swait.ge @!p0 [sflag:s0], s1  }
0x11e: {  	s1 =	ssub.s32 @!p0 $0x0, s1;
	[sflag:s0] =	ssyncset.done @!p0 $0x0  }
0x11f: {  	[sflag:s0] =	ssyncadd.s32 @!p0 s1  }
0x120: {  	[bflag:$0x3] =	sbarrier.arrive $0xFFFF  }
0x121: {  	_ =	shalt  }

// kernel: kernel.7.cloned.1.call-start
scs
__scs_entry_jumppad:
0x0: {  	(pc) =	sbr.rel $0x88, $3  }
0x1: {  	(tag) =	ssettag $0x0;
	lr =	simm.s32 $0x1  }
0x2: {  	[smem:$0x3F9C] =	sst lr;
	_ =	strace $0xD0000000  }
0x3: {  	_ = 	snop  }
0x4: {  	_ = 	snop  }
0x5: {  	_ = 	snop  }
0x6: {  	_ = 	snop  }
0x7: {  	_ = 	snop  }
__scs_overlays_trampoline_lowered:
0x8: {  	[smem:$0x3FAB] =	sst s0  }
0x9: {  	[smem:$0x3FAC] =	sst s1  }
0xa: {  	[smem:$0x3FAD] =	sst s2  }
0xb: {  	[smem:$0x3FAE] =	sst s3  }
0xc: {  	[smem:$0x3FAF] =	sst s4  }
0xd: {  	[smem:$0x3FB0] =	sst s5  }
0xe: {  	[smem:$0x3FB1] =	sst s6  }
0xf: {  	[smem:$0x3FB2] =	sst s7  }
0x10: {  	[smem:$0x3FB3] =	sst s8  }
0x11: {  	[smem:$0x3FB4] =	sst s9;
	s0 =	simm.s32 @!p0 $0x0  }
0x12: {  	s1 =	sld [smem:$0x3F9A];
	s0 =	simm.s32 @p0 $0x1  }
0x13: {  	[smem:$0x3FB5] =	sst s0;
	s0 =	simm.s32 @!p1 $0x0  }
0x14: {  	s2 =	sld [smem:$0x3F99];
	s0 =	simm.s32 @p1 $0x1  }
0x15: {  	[smem:$0x3FB6] =	sst s0;
	s0 =	simm.s32 @!p2 $0x0  }
0x16: {  	s3 =	sld [smem:$0x3FDB];
	s0 =	simm.s32 @p2 $0x1  }
0x17: {  	s4 =	simm.s32 $0x1BF5;
	[smem:$0x3FB8] =	sst s0  }
0x18: {  	s0 =	sld [smem:$0x3F9B];
	_ =	swait.ge [sflag:s4], $0x0  }
0x19: {  	s7 =	sld [smem:$0x3F9C]  }
0x1a: {  	s8 =	sadd.s32 $0xFFFFE003, lr  }
0x1b: {  	s9 =	sadd.s32 $0xFFFFFEF7, lr;
	s5 =	simm.s32 $0xFFFFFFFF;
	p2 =	slt.u32 s8, $0xFFFFF086  }
0x1c: {  	p1 =	slt.u32 s9, $0xF7A;
	s5 =	simm.s32 @!p2 $0x0  }
0x1d: {  	s5 =	simm.s32 @p1 $0x1;
	p0 =	seq.s32 s7, s2  }
0x1e: {  	s7 =	smul.u32 @!p0 $0xF7A, s2;
	p2 =	seq.s32 @!p0 s5, $0x0  }
0x1f: {  	s9 =	smul.u32 $0xF7A, s1;
	s8 =	simm.s32 @!p0 $0x1BF5;
	p2 =	por !p2, p0  }
0x20: {  	[sflag:s8] =	ssyncset.s32 @!p0 $0xFFFFF086;
	s6 =	sadd.s32 @!p0 s3, s7;
	s7 =	simm.s32 @!p0 $0x108  }
0x21: {  	s3 =	sadd.s32 s3, s9;
	s6 =	sadd.s32 @!p0 $0x88, s6;
	s7 =	simm.s32 @p2 $0x1082  }
0x22: {  	[simem:s7], [sflag:s8] =	dma.local @!p0 [hbm:s6], $0xF7A  }
0x23: {  	s9 =	sor.u32 $0xD0000000, s2;
	s6 =	simm.s32 $0x108;
	_ =	swait.ge @!p0 [sflag:s8], $0x0  }
0x24: {  	s3 =	sadd.s32 $0x88, s3;
	s6 =	simm.s32 @!p1 $0x1082;
	[sflag:s4] =	ssyncset.s32 $0xFFFFF086  }
0x25: {  	[simem:s6], [sflag:s4] =	dma.local [hbm:s3], $0xF7A  }
0x26: {  	[smem:$0x3F9C] =	sst s1;
	(tag) =	ssettag s2;
	_ =	strace s9  }
0x27: {  	s1 =	sld [smem:$0x3FAC]  }
0x28: {  	s2 =	sld [smem:$0x3FAD]  }
0x29: {  	s4 =	sld [smem:$0x3FAF]  }
0x2a: {  	p0 =	seq.s32 s5, $0x0;
	s5 =	sld [smem:$0x3FB0]  }
0x2b: {  	s6 =	sld [smem:$0x3FB1]  }
0x2c: {  	s7 =	sld [smem:$0x3FB2]  }
0x2d: {  	s3 =	simm.s32 $0x108;
	s8 =	sld [smem:$0x3FB3]  }
0x2e: {  	s3 =	simm.s32 @!p0 $0x1082;
	s9 =	sld [smem:$0x3FB4]  }
0x2f: {  	lr =	sadd.s32 s0, s3;
	s0 =	sld [smem:$0x3FAB]  }
0x30: {  	s3 =	sld [smem:$0x3FAE]  }
0x31: {  	[smem:$0x3FB7] =	sst s10  }
0x32: {  	s10 =	sld [smem:$0x3FB5];
	_ =	sdelay $0x3  }
0x33: {  	p0 =	seq.s32 s10, $0x1;
	s10 =	sld [smem:$0x3FB7];
	_ =	sdelay $0x3  }
0x34: {  	[smem:$0x3FB7] =	sst s10  }
0x35: {  	s10 =	sld [smem:$0x3FB6];
	_ =	sdelay $0x3  }
0x36: {  	p1 =	seq.s32 s10, $0x1;
	s10 =	sld [smem:$0x3FB7];
	_ =	sdelay $0x3  }
0x37: {  	[smem:$0x3FB7] =	sst s10  }
0x38: {  	s10 =	sld [smem:$0x3FB8]  }
0x39: {  	_ = 	snop;
	(pc) =	sbr.ind lr, $3  }
0x3a: {  	_ = 	snop  }
0x3b: {  	_ = 	snop  }
0x3c: {  	p2 =	seq.s32 s10, $0x1;
	s10 =	sld [smem:$0x3FB7]  }
0x3d: {  	_ =	shalt  }
0x3e: {  	_ =	shalt  }
0x3f: {  	_ =	shalt  }
0x40: {  	_ =	shalt  }
0x41: {  	_ =	shalt  }
0x42: {  	_ =	shalt  }
0x43: {  	_ =	shalt  }
0x44: {  	_ =	shalt  }
0x45: {  	_ =	shalt  }
0x46: {  	_ =	shalt  }
0x47: {  	_ =	shalt  }
0x48: {  	_ =	shalt  }
0x49: {  	_ =	shalt  }
0x4a: {  	_ =	shalt  }
0x4b: {  	_ =	shalt  }
0x4c: {  	_ =	shalt  }
0x4d: {  	_ =	shalt  }
0x4e: {  	_ =	shalt  }
0x4f: {  	_ =	shalt  }
0x50: {  	_ =	shalt  }
0x51: {  	_ =	shalt  }
0x52: {  	_ =	shalt  }
0x53: {  	_ =	shalt  }
0x54: {  	_ =	shalt  }
0x55: {  	_ =	shalt  }
0x56: {  	_ =	shalt  }
0x57: {  	_ =	shalt  }
0x58: {  	_ =	shalt  }
0x59: {  	_ =	shalt  }
0x5a: {  	_ =	shalt  }
0x5b: {  	_ =	shalt  }
0x5c: {  	_ =	shalt  }
0x5d: {  	_ =	shalt  }
0x5e: {  	_ =	shalt  }
0x5f: {  	_ =	shalt  }
0x60: {  	_ =	shalt  }
0x61: {  	_ =	shalt  }
0x62: {  	_ =	shalt  }
0x63: {  	_ =	shalt  }
0x64: {  	_ =	shalt  }
0x65: {  	_ =	shalt  }
0x66: {  	_ =	shalt  }
0x67: {  	_ =	shalt  }
0x68: {  	_ =	shalt  }
0x69: {  	_ =	shalt  }
0x6a: {  	_ =	shalt  }
0x6b: {  	_ =	shalt  }
0x6c: {  	_ =	shalt  }
0x6d: {  	_ =	shalt  }
0x6e: {  	_ =	shalt  }
0x6f: {  	_ =	shalt  }
0x70: {  	_ =	shalt  }
0x71: {  	_ =	shalt  }
0x72: {  	_ =	shalt  }
0x73: {  	_ =	shalt  }
0x74: {  	_ =	shalt  }
0x75: {  	_ =	shalt  }
0x76: {  	_ =	shalt  }
0x77: {  	_ =	shalt  }
0x78: {  	_ =	shalt  }
0x79: {  	_ =	shalt  }
0x7a: {  	_ =	shalt  }
0x7b: {  	_ =	shalt  }
0x7c: {  	_ =	shalt  }
0x7d: {  	_ =	shalt  }
0x7e: {  	_ =	shalt  }
0x7f: {  	_ =	shalt  }
0x80: {  	_ =	shalt  }
0x81: {  	_ =	shalt  }
0x82: {  	_ =	shalt  }
0x83: {  	_ =	shalt  }
0x84: {  	_ =	shalt  }
0x85: {  	_ =	shalt  }
0x86: {  	_ =	shalt  }
0x87: {  	_ =	shalt  }
.Lfunc_end0:
.L_simem_size_0:
called_computation_lowered:
.L_overlay_start_0:
0x88: {  	s2 =	sld [smem:$0x3FD9]  }
0x89: {  	s3 =	sld [smem:$0x3FFE];
	_ =	sdelay $0x1  }
0x8a: {  	s1 =	srdreg.scid  }
0x8b: {  	s0 =	sand.u32 $0x1, s1  }
0x8c: {  	s16 =	sshll.u32 s0, $0xA;
	s2 =	sadd.s32 s3, s2  }
0x8d: {  	s2 =	sadd.s32 s2, s16  }
0x8e: {  	[smem:$0x3FC3] =	sst s2  }
0x8f: {  	_ = 	snop  }
0x90: {  	(tm) =	ssettm $0x1  }
0x91: {  	s17 =	sld [smem:$0x3FFB];
	_ =	sdelay $0x3  }
0x92: {  	_ =	strace s17  }
0x93: {  	s2 =	sld [smem:$0x3FFC];
	_ =	sdelay $0x3  }
0x94: {  	_ =	strace s2  }
0x95: {  	s2 =	sld [smem:$0x3FFD];
	_ =	sdelay $0x3  }
0x96: {  	_ =	strace s2  }
0x97: {  	_ =	strace $0x8FFFFFFF  }
0x98: {  	s18 =	sld [smem:$0x3FDB];
	_ =	sdelay $0x1  }
0x99: {  	s19 =	simm.s32 $_scs_section_size  }
0x9a: {  	s4 =	simm.s32 $_size__tile_overlayer_lowered;
	s5 =	simm.s32 $_tile_overlayer_lowered  }
0x9b: {  	s22 =	simm.s32 $0x1BFF;
	s21 =	sshll.u32 s5, $0x1;
	s2 =	sadd.s32 s19, s18  }
0x9c: {  	s6 =	simm.s32 $0x0;
	s20 =	sshll.u32 s4, $0x1;
	s4 =	sadd.s32 s21, s2  }
0x9d: {  	[timem:s6], [sflag:s22] =	dma.local [hbm:s4], s20  }
0x9e: {  	_ =	swait.ge [sflag:s22], s20  }
0x9f: {  	s3 =	ssub.s32 $0x0, s20;
	[sflag:s22] =	ssyncset.done $0x0  }
0xa0: {  	[sflag:s22] =	ssyncadd.s32 s3;
	_ =	sdelay $0x1  }
0xa1: {  	s23 =	simm.s32 $0x1B8B  }
0xa2: {  	_ =	swait.ge [sflag:s23], $0x1  }
0xa3: {  	[sflag:s23] =	ssyncset.done $0x0  }
0xa4: {  	s25 =	simm.s32 $0x1B8E;
	s24 =	sld [smem:$0x3FFE];
	[sflag:s23] =	ssyncadd.s32 $0xFFFFFFFF  }
0xa5: {  	s26 =	simm.s32 $execute0_lowered;
	[smem:$0x3FD2] =	sst s25  }
0xa6: {  	s4 =	sshll.u32 s26, $0x1;
	_ =	strace $0x80000046;
	[dreg:$0x1] =	wrdreg $0xFFFFFFFF  }
0xa7: {  	s28 =	simm.s32 $_size_execute0_lowered;
	s2 =	sadd.s32 s2, s4;
	[dreg:$0x0] =	wrdreg $0x0  }
0xa8: {  	s4 =	sshll.u32 s28, $0x1;
	[dreg:$0x2] =	wrdreg s2  }
0xa9: {  	[dreg:$0x3] =	wrdreg s4  }
0xaa: {  	[dreg:$0x4] =	wrdreg $0xC0  }
0xab: {  	_ =	task [dreg:s6], $0x5FFFF  }
0xac: {  	[dreg:$0x1] =	wrdreg $0xFFFFFFFF  }
0xad: {  	[dreg:$0x0] =	wrdreg $0x60  }
0xae: {  	[dreg:$0x2] =	wrdreg s24  }
0xaf: {  	[dreg:$0x3] =	wrdreg $0x0  }
0xb0: {  	[dreg:$0x4] =	wrdreg $0x9  }
0xb1: {  	_ =	task.clear_ibuf [dreg:s6], $0x5FFFF;
	_ =	strace $0x90000046  }
0xb2: {  	s29 =	simm.s32 $0x9;
	_ =	strace $0x80000048  }
0xb3: {  	_ =	swait.ge [sflag:s29], $0x1  }
0xb4: {  	[sflag:s29] =	ssyncadd.s32 $0xFFFFFFFF  }
0xb5: {  	_ =	strace $0x90000048  }
0xb6: {  	_ =	sfence  }
0xb7: {  	s30 =	sld [smem:$0x0];
	_ =	sdelay $0x2  }
0xb8: {  	s31 =	sshll.u32 s1, $0xD;
	s1 =	sshrl.u32 s1, $0x2  }
0xb9: {  	s3 =	sand.u32 $0x4000, s31;
	s1 =	sadd.s32 s1, s30  }
0xba: {  	s0 =	sor.u32 s3, s0;
	s1 =	sshll.u32 s1, $0x11  }
0xbb: {  	s0 =	sor.u32 s1, s0  }
0xbc: {  	s0 =	sadd.s32 $0x8F2B, s0  }
0xbd: {  	[sflag:s0] =	ssyncadd.remote.s32 $0x1  }
0xbe: {  	_ =	sfence.sel $0xFFFF  }
0xbf: {  	[dreg:$0x0] =	wrdreg $0xFFFFFFFF;
	(pc) =	sbr.abs _section_cstart, $3  }
0xc0: {  	[dreg:$0x1] =	wrdreg $0xFFFFFFFF  }
0xc1: {  	_ =	task.clear_ibuf [dreg:s6], $0x2FFFF;
	_ =	strace $0x9FFFFFFF  }
0xc2: {  	(tm) =	ssettm $0x7FFFFFFF  }
0xc3: {  	_ =	shalt  }
tec
execute0_lowered:
.L_overlay_start_1:
0x0: {  	(tag) =	ssettag $0x1  }
0x1: {  	s0 =	rddreg [dreg:$0x0]  }
0x2: {  	s2 =	rddreg [dreg:$0x1];
	s3 =	simm.s32 $0x0  }
0x3: {  	s1 =	srdreg.scid;
	s13 =	stileid.u32;
	s16 =	simm.s32 $0x15A00  }
0x4: {  	s17 =	simm.s32 $0x5;
	s18 =	simm.s32 $0x13C00;
	s19 =	simm.s32 $0x14600  }
0x5: {  	s20 =	simm.s32 $0x15000;
	s21 =	simm.s32 $0x40;
	s22 =	simm.s32 $0x13C40  }
0x6: {  	s28 =	simm.s32 $0x2;
	s29 =	simm.s32 $0x3;
	s30 =	simm.s32 $0x4  }
0x7: {  	s31 =	simm.s32 $0x0;
	[smem:$0x7FF] =	sst s3;
	s1 =	sand.u32 $0x1, s1  }
0x8: {  	s8 =	smul.u32 $0x13C00, s13;
	s4 =	sadd.s32 $0xAC00, s0;
	s5 =	sadd.s32 $0x3BE00, s0  }
0x9: {  	s6 =	sadd.s32 $0x31E00, s0;
	s10 =	smul.u32 $0x4F000, s13;
	s7 =	sadd.s32 $0xC00, s0  }
0xa: {  	_ =	strace $0x80000047;
	s9 =	smul.u32 $0x13C000, s1;
	s11 =	ssub.s32 $0x2, s1  }
0xb: {  	s1 =	sshll.u32 s1, $0x4;
	s12 =	sshrl.u32 s11, $0x1;
	s10 =	sshrl.u32 s10, $0x2  }
0xc: {  	s1 =	sor.u32 s13, s1;
	s9 =	sadd.s32 s8, s9;
	s23 =	ssub.s32 s11, s12  }
0xd: {  	s10 =	sadd.s32 s10, s2;
	s8 =	sadd.s32 s8, s2;
	s13 =	smul.u32 $0x50, s1  }
0xe: {  	v0 =	vimm.f32 $0.0e+00;
	v1 =	vimm.s32 $0x0;
	s9 =	sshrl.u32 s9, $0x3;
	s24 =	sadd.s32 $0x4000, s10;
	s25 =	sadd.s32 $0x8000, s10  }
.Ltmp0:
0xf: {  	v2 =	vimm.s32 $0x1;
	v3 =	vimm.s32 $0x2;
	v4 =	vimm.s32 $0x3;
	s26 =	sadd.s32 $0xC000, s10;
	[dreg:$0x3] =	wrdreg s24;
	(pc) =	sbr.rel .LBB2_1-.Ltmp0, $4  }
0x10: {  	v5 =	vimm.s32 $0x4;
	v6 =	vimm.s32 $0x5;
	v7 =	vimm.s32 $0x6;
	s10 =	sadd.s32 $0x10000, s10;
	s15 =	smax.u32 s23, $0x1;
	[dreg:$0x4] =	wrdreg s25  }
0x11: {  	v8 =	vimm.s32 $0x7;
	v9 =	vimm.s32 $0x8;
	v10 =	vimm.s32 $0x9;
	s23 =	simm.s32 $0x17A00;
	s0 =	sadd.s32 s9, s0;
	[dreg:$0x5] =	wrdreg s26  }
0x12: {  	v11 =	vimm.s32 $0xA;
	v12 =	vimm.s32 $0xB;
	v13 =	vimm.s32 $0xC;
	[dreg:$0x6] =	wrdreg s10;
	s24 =	simm.s32 $0x19A00;
	s0 =	sadd.s32 $0x45E00, s0  }
0x13: {  	v14 =	vimm.s32 $0xD;
	v15 =	vimm.s32 $0xE;
	v16 =	vimm.s32 $0xF;
	s25 =	simm.s32 $0x1BA00;
	s26 =	simm.s32 $0x1;
	[dreg:$0x7] =	wrdreg s0  }
.LBB2_12:
0x14: {  	s0 =	stileid.u32;
	[bflag:$0x0] =	sbarrier.arrive $0xFFFF;
	s3 =	sadd.s32 $0x1, s3  }
0x15: {  	s1 =	sshrl.u32 s8, $0x3;
	s0 =	sshll.u32 s0, $0x6;
	p0 =	sne.s32 s3, s15  }
.Ltmp1:
0x16: {  	s9 =	rddreg [dreg:$0x7];
	s0 =	sor.u32 $0x1C05, s0;
	(pc) =	sbr.rel @!p0 .LBB2_13-.Ltmp1, $4  }
0x17: {  	[hbm:s9], [sflag:s0] =	dma.local [spmem:s1], $0x2780  }
0x18: {  	_ =	swait.ge [sflag:s17], $0x2780  }
0x19: {  	[sflag:s17] =	ssyncset.done $0x0  }
0x1a: {  	[sflag:s17] =	ssyncadd.s32 $0xFFFFD880  }
.LBB2_1:
0x1b: {  	s0 =	simm.s32 $0x0;
	s1 =	simm.s32 $0x200  }
.LBB2_2:
0x1c: {  	p0 =	sne.s32 s1, $0xFE00;
	[tilespmem:s0+$0x15A70] =	vst v0  }
0x1d: {  	[tilespmem:s0+$0x15A00] =	vst v0  }
0x1e: {  	[tilespmem:s0+$0x15A10] =	vst v0  }
.Ltmp2:
0x1f: {  	[tilespmem:s0+$0x15A20] =	vst v0;
	(pc) =	sbr.rel @p0 .LBB2_2-.Ltmp2, $4  }
0x20: {  	[tilespmem:s0+$0x15A30] =	vst v0  }
0x21: {  	[tilespmem:s0+$0x15A40] =	vst v0  }
0x22: {  	[tilespmem:s0+$0x15A50] =	vst v0  }
0x23: {  	[tilespmem:s0+$0x15A60] =	vst v0;
	s0 =	sshra.s32 s1, $0x2;
	s1 =	sadd.s32 $0x200, s1  }
0x24: {  	[tilespmem:s0+$0x15A70] =	vst v0  }
0x25: {  	[tilespmem:s0+$0x15A00] =	vst v0  }
0x26: {  	[tilespmem:s0+$0x15A10] =	vst v0  }
0x27: {  	[tilespmem:s0+$0x15A20] =	vst v0  }
0x28: {  	[tilespmem:s0+$0x15A30] =	vst v0  }
0x29: {  	[tilespmem:s0+$0x15A40] =	vst v0  }
0x2a: {  	[tilespmem:s0+$0x15A50] =	vst v0  }
0x2b: {  	[tilespmem:s0+$0x15A60] =	vst v0  }
0x2c: {  	[spmem:s8] =	stream.linear.scatter [tilespmem:s16], [sflag:$0x5], $0x4000, $0x38;
	[tilespmem:$0x1DA00] =	vst v63  }
0x2d: {  	_ =	swait.ge [sflag:s17], $0x4000  }
0x2e: {  	[sflag:s17] =	ssyncset.done $0x0  }
0x2f: {  	s10 =	rddreg [dreg:$0x3];
	[sflag:s17] =	ssyncadd.s32 $0xFFFFC000  }
0x30: {  	[spmem:s10] =	stream.linear.scatter [tilespmem:s16], [sflag:$0x5], $0x4000, $0x38;
	[tilespmem:$0x1DA00] =	vst v63  }
0x31: {  	_ =	swait.ge [sflag:s17], $0x4000  }
0x32: {  	[sflag:s17] =	ssyncset.done $0x0  }
0x33: {  	s11 =	rddreg [dreg:$0x4];
	[sflag:s17] =	ssyncadd.s32 $0xFFFFC000  }
0x34: {  	[spmem:s11] =	stream.linear.scatter [tilespmem:s16], [sflag:$0x5], $0x4000, $0x38;
	[tilespmem:$0x1DA00] =	vst v63  }
0x35: {  	_ =	swait.ge [sflag:s17], $0x4000  }
0x36: {  	[sflag:s17] =	ssyncset.done $0x0  }
0x37: {  	s12 =	rddreg [dreg:$0x5];
	[sflag:s17] =	ssyncadd.s32 $0xFFFFC000  }
0x38: {  	[spmem:s12] =	stream.linear.scatter [tilespmem:s16], [sflag:$0x5], $0x4000, $0x38;
	[tilespmem:$0x1DA00] =	vst v63  }
0x39: {  	_ =	swait.ge [sflag:s17], $0x4000  }
0x3a: {  	[sflag:s17] =	ssyncset.done $0x0  }
0x3b: {  	s14 =	rddreg [dreg:$0x6];
	[sflag:s17] =	ssyncadd.s32 $0xFFFFC000  }
0x3c: {  	[spmem:s14] =	stream.linear.scatter [tilespmem:s16], [sflag:$0x5], $0x3C00, $0x38;
	[tilespmem:$0x1DA00] =	vst v63  }
.Ltmp3:
0x3d: {  	_ =	swait.ge [sflag:s17], $0x3C00;
	(pc) =	sbr.rel .LBB2_4-.Ltmp3, $4  }
0x3e: {  	[sflag:s17] =	ssyncset.done $0x0  }
0x3f: {  	[sflag:s17] =	ssyncadd.s32 $0xFFFFC400  }
0x40: {  	[bflag:$0x0] =	sbarrier.arrive $0xFFFF  }
0x41: {  	s0 =	simm.s32 $0x0  }
.LBB2_11:
0x42: {  	s0 =	sadd.s32 $0x1, s0  }
0x43: {  	_ =	swait.ge [sflag:s30], $0x2000;
	p0 =	sne.s32 s0, $0x4  }
.Ltmp4:
0x44: {  	[sflag:s30] =	ssyncset.done $0x0;
	(pc) =	sbr.rel @!p0 .LBB2_12-.Ltmp4, $4  }
0x45: {  	[sflag:s30] =	ssyncadd.s32 $0xFFFFE000  }
0x46: {  	_ =	swait.ge [sflag:s30], $0x2000  }
0x47: {  	[sflag:s30] =	ssyncset.done $0x0  }
0x48: {  	[sflag:s30] =	ssyncadd.s32 $0xFFFFE000  }
.LBB2_4:
0x49: {  	s1 =	smul.u32 $0x14, s0;
	_ =	sdelay $0x1  }
0x4a: {  	s1 =	sadd.s32 s13, s1  }
0x4b: {  	s1 =	sshll.u32 s1, $0x4  }
0x4c: {  	s9 =	sadd.s32 s5, s1  }
0x4d: {  	[tilespmem:s18], [sflag:$0x5] =	stream.linear.gather [hbm4b:s9+s31], $0xA00, $0x38;
	[tilespmem:$0x1DA00] =	vst v63  }
0x4e: {  	_ =	swait.ge [sflag:s17], $0xA00  }
0x4f: {  	[sflag:s17] =	ssyncset.done $0x0  }
0x50: {  	s14 =	sadd.s32 s6, s1;
	[sflag:s17] =	ssyncadd.s32 $0xFFFFF600  }
0x51: {  	[tilespmem:s19], [sflag:$0x5] =	stream.linear.gather [hbm4b:s14+s31], $0xA00, $0x38;
	[tilespmem:$0x1DA00] =	vst v63  }
0x52: {  	_ =	swait.ge [sflag:s17], $0xA00  }
0x53: {  	[sflag:s17] =	ssyncset.done $0x0  }
0x54: {  	s1 =	sadd.s32 s7, s1;
	[sflag:s17] =	ssyncadd.s32 $0xFFFFF600  }
0x55: {  	[tilespmem:s20], [sflag:$0x5] =	stream.linear.gather [hbm4b:s1+s31], $0xA00, $0x38;
	[tilespmem:$0x1DA00] =	vst v63  }
0x56: {  	_ =	swait.ge [sflag:s17], $0xA00  }
0x57: {  	[sflag:s17] =	ssyncset.done $0x0  }
0x58: {  	[sflag:s17] =	ssyncadd.s32 $0xFFFFF600  }
0x59: {  	[tilespmem:s16], [sflag:$0x1] =	stream.indirect.gather [hbm4b:s4+s21], $0x80, s18, s21, $0xb8;
	[tilespmem:$0x1DA00] =	vst v63  }
0x5a: {  	s1 =	simm.s32 $0x0  }
0x5b: {  	[tilespmem:s23], [sflag:$0x1] =	stream.indirect.gather [hbm4b:s4+s21], $0x80, s22, s21, $0xb8;
	[tilespmem:$0x1DA00] =	vst v63  }
.LBB2_5:
0x5c: {  	p0 =	seq.s32 s1, $0x0  }
0x5d: {  	s9 =	simm.s32 @!p0 $0x4  }
0x5e: {  	_ =	swait.ge @!p0 [sflag:s9], $0x2000  }
0x5f: {  	[sflag:s9] =	ssyncset.done @!p0 $0x0  }
0x60: {  	[sflag:s9] =	ssyncadd.s32 @!p0 $0xFFFFE000  }
0x61: {  	s10 =	sshllo.u32 s1, $0x1;
	_ =	swait.ge @!p0 [sflag:s9], $0x2000  }
0x62: {  	s10 =	sshll.u32 s10, $0x7;
	[sflag:s9] =	ssyncset.done @!p0 $0x0  }
0x63: {  	s11 =	sadd.s32 $0x13C00, s10;
	[sflag:s9] =	ssyncadd.s32 @!p0 $0xFFFFE000  }
0x64: {  	[tilespmem:s24], [sflag:$0x2] =	stream.indirect.gather [hbm4b:s4+s21], $0x80, s11, s21, $0xb8;
	[tilespmem:$0x1DA00] =	vst v63  }
0x65: {  	s12 =	sadd.s32 $0x13C40, s10  }
0x66: {  	[tilespmem:s25], [sflag:$0x2] =	stream.indirect.gather [hbm4b:s4+s21], $0x80, s12, s21, $0xb8;
	[tilespmem:$0x1DA00] =	vst v63  }
0x67: {  	s14 =	sshll.u32 s1, $0xA;
	_ =	swait.ge [sflag:s26], $0x2000  }
0x68: {  	s9 =	sshrl.u32 s14, $0x2;
	[sflag:s26] =	ssyncset.done $0x0  }
0x69: {  	s14 =	sadd.s32 $0x15000, s9;
	[sflag:s26] =	ssyncadd.s32 $0xFFFFE000  }
0x6a: {  	v17 =	vmov s14;
	_ =	swait.ge [sflag:s26], $0x2000  }
0x6b: {  	[sflag:s26] =	ssyncset.done $0x0  }
0x6c: {  	s11 =	sor.u32 $0x40, s10;
	s12 =	simm.s32 $0x0;
	[sflag:s26] =	ssyncadd.s32 $0xFFFFE000  }
.LBB2_6:
0x6d: {  	s14 =	sshll.u32 s12, $0x4  }
0x6e: {  	s14 =	sand.u32 $0x3FFFFFF0, s14  }
0x6f: {  	v18 =	vld.idx.msk [tilespmem:v17+s14+$0x0 ss:$0x1], $0xffff;
	s14 =	sshll.u32 s12, $0xB  }
0x70: {  	s14 =	sand.u32 $0x3FFFF800, s14  }
0x71: {  	v19 =	vld [tilespmem:s14+$0x15A00]  }
0x72: {  	v20 =	vld [tilespmem:s14+$0x15A10]  }
0x73: {  	v21 =	vld [tilespmem:s14+$0x15A20]  }
0x74: {  	v23 =	vld [tilespmem:s14+$0x15A30];
	v22 =	vperm.xlane v18, v1  }
0x75: {  	v24 =	vld [tilespmem:s14+$0x15A40]  }
0x76: {  	v25 =	vld [tilespmem:s14+$0x15A50];
	v19 =	vmul.f32 v19, v22  }
0x77: {  	v26 =	vld [tilespmem:s14+$0x15A60];
	v20 =	vmul.f32 v20, v22  }
0x78: {  	v43 =	vld [tilespmem:s14+$0x15A70];
	[tilespmem:s14+$0x15A00] =	vst v19;
	v19 =	vmul.f32 v21, v22  }
0x79: {  	v45 =	vld [tilespmem:s14+$0x15A80];
	v44 =	vmul.f32 v23, v22;
	[tilespmem:s14+$0x15A10] =	vst v20  }
0x7a: {  	v46 =	vld [tilespmem:s14+$0x15A90];
	[tilespmem:s14+$0x15A20] =	vst v19;
	v19 =	vmul.f32 v24, v22  }
0x7b: {  	v48 =	vld [tilespmem:s14+$0x15AA0];
	v47 =	vmul.f32 v25, v22;
	[tilespmem:s14+$0x15A30] =	vst v44  }
0x7c: {  	v27 =	vld [tilespmem:s14+$0x15AB0];
	v49 =	vperm.xlane v18, v2;
	[tilespmem:s14+$0x15A40] =	vst v19;
	v19 =	vmul.f32 v26, v22  }
0x7d: {  	v51 =	vld [tilespmem:s14+$0x15AC0];
	v50 =	vmul.f32 v43, v22;
	[tilespmem:s14+$0x15A50] =	vst v47  }
0x7e: {  	v52 =	vld [tilespmem:s14+$0x15AD0];
	[tilespmem:s14+$0x15A60] =	vst v19;
	v19 =	vmul.f32 v45, v49  }
0x7f: {  	v54 =	vld [tilespmem:s14+$0x15AE0];
	v53 =	vmul.f32 v46, v49;
	[tilespmem:s14+$0x15A70] =	vst v50  }
0x80: {  	v55 =	vld [tilespmem:s14+$0x15AF0];
	[tilespmem:s14+$0x15A80] =	vst v19;
	v19 =	vmul.f32 v48, v49  }
0x81: {  	v57 =	vld [tilespmem:s14+$0x15B00];
	v56 =	vmul.f32 v27, v49;
	[tilespmem:s14+$0x15A90] =	vst v53  }
0x82: {  	v58 =	vld [tilespmem:s14+$0x15B10];
	[tilespmem:s14+$0x15AA0] =	vst v19;
	v19 =	vmul.f32 v51, v49  }
0x83: {  	v60 =	vld [tilespmem:s14+$0x15B20];
	v59 =	vmul.f32 v52, v49;
	[tilespmem:s14+$0x15AB0] =	vst v56  }
0x84: {  	v62 =	vld [tilespmem:s14+$0x15B30];
	v61 =	vperm.xlane v18, v3;
	[tilespmem:s14+$0x15AC0] =	vst v19;
	v19 =	vmul.f32 v54, v49  }
0x85: {  	v28 =	vld [tilespmem:s14+$0x15B40];
	v63 =	vmul.f32 v55, v49;
	[tilespmem:s14+$0x15AD0] =	vst v59  }
0x86: {  	v29 =	vld [tilespmem:s14+$0x15B50];
	[tilespmem:s14+$0x15AE0] =	vst v19;
	v19 =	vmul.f32 v57, v61  }
0x87: {  	v31 =	vld [tilespmem:s14+$0x15B60];
	v30 =	vmul.f32 v58, v61;
	[tilespmem:s14+$0x15AF0] =	vst v63  }
0x88: {  	v32 =	vld [tilespmem:s14+$0x15B70];
	[tilespmem:s14+$0x15B00] =	vst v19;
	v19 =	vmul.f32 v60, v61  }
0x89: {  	v34 =	vld [tilespmem:s14+$0x15B80];
	v33 =	vmul.f32 v62, v61;
	[tilespmem:s14+$0x15B10] =	vst v30  }
0x8a: {  	v35 =	vld [tilespmem:s14+$0x15B90];
	[tilespmem:s14+$0x15B20] =	vst v19;
	v19 =	vmul.f32 v28, v61  }
0x8b: {  	v37 =	vld [tilespmem:s14+$0x15BA0];
	v36 =	vmul.f32 v29, v61;
	[tilespmem:s14+$0x15B30] =	vst v33  }
0x8c: {  	v39 =	vld [tilespmem:s14+$0x15BB0];
	v38 =	vperm.xlane v18, v4;
	[tilespmem:s14+$0x15B40] =	vst v19;
	v19 =	vmul.f32 v31, v61  }
0x8d: {  	v41 =	vld [tilespmem:s14+$0x15BC0];
	v40 =	vmul.f32 v32, v61;
	[tilespmem:s14+$0x15B50] =	vst v36  }
0x8e: {  	v45 =	vld [tilespmem:s14+$0x15BF0];
	[tilespmem:s14+$0x15B60] =	vst v19;
	v19 =	vmul.f32 v34, v38  }
0x8f: {  	v43 =	vmul.f32 v35, v38;
	[tilespmem:s14+$0x15B70] =	vst v40;
	v44 =	vld [tilespmem:s14+$0x15BE0]  }
0x90: {  	v42 =	vld [tilespmem:s14+$0x15BD0];
	[tilespmem:s14+$0x15B80] =	vst v19;
	v19 =	vmul.f32 v37, v38  }
0x91: {  	v46 =	vmul.f32 v39, v38;
	[tilespmem:s14+$0x15B90] =	vst v43;
	v47 =	vld [tilespmem:s14+$0x15C00]  }
0x92: {  	v52 =	vld [tilespmem:s14+$0x15C30];
	[tilespmem:s14+$0x15BA0] =	vst v19;
	v19 =	vmul.f32 v41, v38  }
0x93: {  	[tilespmem:s14+$0x15BB0] =	vst v46;
	v50 =	vld [tilespmem:s14+$0x15C20];
	v53 =	vmul.f32 v45, v38  }
0x94: {  	v55 =	vld [tilespmem:s14+$0x15C50];
	v51 =	vperm.xlane v18, v5;
	[tilespmem:s14+$0x15BC0] =	vst v19;
	v19 =	vmul.f32 v44, v38  }
0x95: {  	v49 =	vmul.f32 v42, v38;
	v54 =	vld [tilespmem:s14+$0x15C40];
	[tilespmem:s14+$0x15BF0] =	vst v53  }
0x96: {  	v58 =	vld [tilespmem:s14+$0x15C70];
	[tilespmem:s14+$0x15BE0] =	vst v19;
	v19 =	vmul.f32 v47, v51  }
0x97: {  	v59 =	vmul.f32 v52, v51;
	[tilespmem:s14+$0x15BD0] =	vst v49;
	v57 =	vld [tilespmem:s14+$0x15C60]  }
0x98: {  	v48 =	vld [tilespmem:s14+$0x15C10];
	[tilespmem:s14+$0x15C00] =	vst v19;
	v19 =	vmul.f32 v50, v51  }
0x99: {  	v62 =	vmul.f32 v55, v51;
	[tilespmem:s14+$0x15C30] =	vst v59;
	v60 =	vld [tilespmem:s14+$0x15C80]  }
0x9a: {  	v40 =	vld [tilespmem:s14+$0x15D10];
	[tilespmem:s14+$0x15C20] =	vst v19;
	v19 =	vmul.f32 v54, v51  }
0x9b: {  	v63 =	vld [tilespmem:s14+$0x15CA0];
	v32 =	vmul.f32 v58, v51;
	[tilespmem:s14+$0x15C50] =	vst v62  }
0x9c: {  	v30 =	vperm.xlane v18, v6;
	v61 =	vld [tilespmem:s14+$0x15C90];
	[tilespmem:s14+$0x15C40] =	vst v19;
	v19 =	vmul.f32 v57, v51  }
0x9d: {  	v33 =	vld [tilespmem:s14+$0x15CC0];
	v43 =	vperm.xlane v18, v7;
	v56 =	vmul.f32 v48, v51;
	[tilespmem:s14+$0x15C70] =	vst v32  }
0x9e: {  	v53 =	vld [tilespmem:s14+$0x15D90];
	[tilespmem:s14+$0x15C60] =	vst v19;
	v19 =	vmul.f32 v60, v30  }
0x9f: {  	v36 =	vld [tilespmem:s14+$0x15CE0];
	v48 =	vmul.f32 v40, v43;
	[tilespmem:s14+$0x15C10] =	vst v56  }
0xa0: {  	v31 =	vld [tilespmem:s14+$0x15CB0];
	[tilespmem:s14+$0x15C80] =	vst v19;
	v19 =	vmul.f32 v63, v30  }
0xa1: {  	v39 =	vld [tilespmem:s14+$0x15D00];
	[tilespmem:s14+$0x15D10] =	vst v48;
	v56 =	vperm.xlane v18, v8;
	v35 =	vmul.f32 v61, v30  }
0xa2: {  	v34 =	vld [tilespmem:s14+$0x15CD0];
	[tilespmem:s14+$0x15CA0] =	vst v19;
	v19 =	vmul.f32 v33, v30  }
0xa3: {  	v42 =	vld [tilespmem:s14+$0x15D20];
	v61 =	vmul.f32 v53, v56;
	[tilespmem:s14+$0x15C90] =	vst v35  }
0xa4: {  	v37 =	vld [tilespmem:s14+$0x15CF0];
	[tilespmem:s14+$0x15CC0] =	vst v19;
	v19 =	vmul.f32 v36, v30  }
0xa5: {  	v46 =	vld [tilespmem:s14+$0x15D40];
	[tilespmem:s14+$0x15D90] =	vst v61;
	v38 =	vmul.f32 v31, v30  }
0xa6: {  	v47 =	vld [tilespmem:s14+$0x15D50];
	[tilespmem:s14+$0x15CE0] =	vst v19;
	v19 =	vmul.f32 v39, v43  }
0xa7: {  	v49 =	vld [tilespmem:s14+$0x15D60];
	v41 =	vmul.f32 v34, v30;
	[tilespmem:s14+$0x15CB0] =	vst v38  }
0xa8: {  	v38 =	vld [tilespmem:s14+$0x15E50];
	[tilespmem:s14+$0x15D00] =	vst v19;
	v19 =	vmul.f32 v42, v43  }
0xa9: {  	v52 =	vld [tilespmem:s14+$0x15D80];
	[tilespmem:s14+$0x15CD0] =	vst v41;
	v45 =	vmul.f32 v37, v30  }
0xaa: {  	v44 =	vld [tilespmem:s14+$0x15D30];
	[tilespmem:s14+$0x15D20] =	vst v19;
	v19 =	vmul.f32 v46, v43  }
0xab: {  	v55 =	vld [tilespmem:s14+$0x15DA0];
	v34 =	vperm.xlane v18, v9;
	[tilespmem:s14+$0x15CF0] =	vst v45;
	v54 =	vmul.f32 v47, v43  }
0xac: {  	v50 =	vld [tilespmem:s14+$0x15D70];
	[tilespmem:s14+$0x15D40] =	vst v19;
	v19 =	vmul.f32 v49, v43  }
0xad: {  	v59 =	vld [tilespmem:s14+$0x15DC0];
	v45 =	vmul.f32 v38, v34;
	[tilespmem:s14+$0x15D50] =	vst v54  }
0xae: {  	v57 =	vld [tilespmem:s14+$0x15DB0];
	[tilespmem:s14+$0x15D60] =	vst v19;
	v19 =	vmul.f32 v52, v56  }
0xaf: {  	v62 =	vld [tilespmem:s14+$0x15DE0];
	v51 =	vmul.f32 v44, v43;
	[tilespmem:s14+$0x15E50] =	vst v45  }
0xb0: {  	v60 =	vld [tilespmem:s14+$0x15DD0];
	[tilespmem:s14+$0x15D80] =	vst v19;
	v19 =	vmul.f32 v55, v56  }
0xb1: {  	v58 =	vmul.f32 v50, v43;
	[tilespmem:s14+$0x15D30] =	vst v51;
	v30 =	vld [tilespmem:s14+$0x15E00]  }
0xb2: {  	v51 =	vld [tilespmem:s14+$0x15ED0];
	[tilespmem:s14+$0x15DA0] =	vst v19;
	v19 =	vmul.f32 v59, v56  }
0xb3: {  	[tilespmem:s14+$0x15D70] =	vst v58;
	v29 =	vmul.f32 v57, v56;
	v33 =	vld [tilespmem:s14+$0x15E20]  }
0xb4: {  	v63 =	vld [tilespmem:s14+$0x15DF0];
	[tilespmem:s14+$0x15DC0] =	vst v19;
	v19 =	vmul.f32 v62, v56  }
0xb5: {  	v37 =	vld [tilespmem:s14+$0x15E40];
	v47 =	vperm.xlane v18, v10;
	[tilespmem:s14+$0x15DB0] =	vst v29;
	v32 =	vmul.f32 v60, v56  }
0xb6: {  	v61 =	vld [tilespmem:s14+$0x15F30];
	[tilespmem:s14+$0x15DE0] =	vst v19;
	v19 =	vmul.f32 v30, v34  }
0xb7: {  	v40 =	vld [tilespmem:s14+$0x15E60];
	v58 =	vmul.f32 v51, v47;
	[tilespmem:s14+$0x15DD0] =	vst v32  }
0xb8: {  	v31 =	vld [tilespmem:s14+$0x15E10];
	[tilespmem:s14+$0x15E00] =	vst v19;
	v19 =	vmul.f32 v33, v34  }
0xb9: {  	v60 =	vperm.xlane v18, v11;
	v36 =	vmul.f32 v63, v56;
	[tilespmem:s14+$0x15ED0] =	vst v58;
	v43 =	vld [tilespmem:s14+$0x15E80]  }
0xba: {  	v57 =	vld [tilespmem:s14+$0x15F10];
	[tilespmem:s14+$0x15E20] =	vst v19;
	v19 =	vmul.f32 v37, v34  }
0xbb: {  	v32 =	vmul.f32 v61, v60;
	[tilespmem:s14+$0x15DF0] =	vst v36;
	v46 =	vld [tilespmem:s14+$0x15EA0]  }
0xbc: {  	v35 =	vld [tilespmem:s14+$0x15E30];
	[tilespmem:s14+$0x15E40] =	vst v19;
	v19 =	vmul.f32 v40, v34  }
0xbd: {  	v50 =	vld [tilespmem:s14+$0x15EC0];
	v39 =	vmul.f32 v31, v34;
	[tilespmem:s14+$0x15F30] =	vst v32  }
0xbe: {  	v28 =	vld [tilespmem:s14+$0x15F50];
	[tilespmem:s14+$0x15E60] =	vst v19;
	v19 =	vmul.f32 v43, v47  }
0xbf: {  	v53 =	vld [tilespmem:s14+$0x15EE0];
	v29 =	vmul.f32 v57, v60;
	[tilespmem:s14+$0x15E10] =	vst v39  }
0xc0: {  	v31 =	vld [tilespmem:s14+$0x15F70];
	[tilespmem:s14+$0x15E80] =	vst v19;
	v19 =	vmul.f32 v46, v47  }
0xc1: {  	v42 =	vmul.f32 v35, v34;
	[tilespmem:s14+$0x15F10] =	vst v29;
	v56 =	vld [tilespmem:s14+$0x15F00]  }
0xc2: {  	v41 =	vld [tilespmem:s14+$0x15E70];
	[tilespmem:s14+$0x15EA0] =	vst v19;
	v19 =	vmul.f32 v50, v47  }
0xc3: {  	v35 =	vmul.f32 v28, v60;
	[tilespmem:s14+$0x15E30] =	vst v42;
	v59 =	vld [tilespmem:s14+$0x15F20]  }
0xc4: {  	v44 =	vld [tilespmem:s14+$0x15E90];
	[tilespmem:s14+$0x15EC0] =	vst v19;
	v19 =	vmul.f32 v53, v47  }
0xc5: {  	v63 =	vld [tilespmem:s14+$0x15F40];
	[tilespmem:s14+$0x15F50] =	vst v35;
	v39 =	vmul.f32 v31, v60  }
0xc6: {  	v48 =	vld [tilespmem:s14+$0x15EB0];
	[tilespmem:s14+$0x15EE0] =	vst v19;
	v19 =	vmul.f32 v56, v60  }
0xc7: {  	v49 =	vmul.f32 v41, v34;
	[tilespmem:s14+$0x15F70] =	vst v39;
	v30 =	vld [tilespmem:s14+$0x15F60]  }
0xc8: {  	v54 =	vld [tilespmem:s14+$0x15EF0];
	[tilespmem:s14+$0x15F00] =	vst v19;
	v19 =	vmul.f32 v59, v60  }
0xc9: {  	[tilespmem:s14+$0x15E70] =	vst v49;
	v52 =	vmul.f32 v44, v47;
	v33 =	vld [tilespmem:s14+$0x15F80]  }
0xca: {  	v38 =	vld [tilespmem:s14+$0x15FB0];
	[tilespmem:s14+$0x15F20] =	vst v19;
	v19 =	vmul.f32 v63, v60  }
0xcb: {  	v36 =	vld [tilespmem:s14+$0x15FA0];
	[tilespmem:s14+$0x15E90] =	vst v52;
	v55 =	vmul.f32 v48, v47  }
0xcc: {  	v41 =	vld [tilespmem:s14+$0x15FD0];
	v37 =	vperm.xlane v18, v12;
	[tilespmem:s14+$0x15F40] =	vst v19;
	v19 =	vmul.f32 v30, v60  }
0xcd: {  	[tilespmem:s14+$0x15EB0] =	vst v55;
	v62 =	vmul.f32 v54, v47;
	v40 =	vld [tilespmem:s14+$0x15FC0]  }
0xce: {  	v44 =	vld [tilespmem:s14+$0x15FF0];
	[tilespmem:s14+$0x15F60] =	vst v19;
	v19 =	vmul.f32 v33, v37  }
0xcf: {  	[tilespmem:s14+$0x15EF0] =	vst v62;
	v45 =	vmul.f32 v38, v37;
	v43 =	vld [tilespmem:s14+$0x15FE0]  }
0xd0: {  	v34 =	vld [tilespmem:s14+$0x15F90];
	[tilespmem:s14+$0x15F80] =	vst v19;
	v19 =	vmul.f32 v36, v37  }
0xd1: {  	v48 =	vmul.f32 v41, v37;
	[tilespmem:s14+$0x15FB0] =	vst v45;
	v46 =	vld [tilespmem:s14+$0x16000]  }
0xd2: {  	v51 =	vld [tilespmem:s14+$0x16030];
	[tilespmem:s14+$0x15FA0] =	vst v19;
	v19 =	vmul.f32 v40, v37  }
0xd3: {  	v49 =	vld [tilespmem:s14+$0x16020];
	v52 =	vmul.f32 v44, v37;
	[tilespmem:s14+$0x15FD0] =	vst v48  }
0xd4: {  	v54 =	vld [tilespmem:s14+$0x16050];
	v50 =	vperm.xlane v18, v13;
	[tilespmem:s14+$0x15FC0] =	vst v19;
	v19 =	vmul.f32 v43, v37  }
0xd5: {  	[tilespmem:s14+$0x15FF0] =	vst v52;
	v42 =	vmul.f32 v34, v37;
	v53 =	vld [tilespmem:s14+$0x16040]  }
0xd6: {  	v57 =	vld [tilespmem:s14+$0x16070];
	[tilespmem:s14+$0x15FE0] =	vst v19;
	v19 =	vmul.f32 v46, v50  }
0xd7: {  	[tilespmem:s14+$0x15F90] =	vst v42;
	v58 =	vmul.f32 v51, v50;
	v56 =	vld [tilespmem:s14+$0x16060]  }
0xd8: {  	v47 =	vld [tilespmem:s14+$0x16010];
	[tilespmem:s14+$0x16000] =	vst v19;
	v19 =	vmul.f32 v49, v50  }
0xd9: {  	v61 =	vmul.f32 v54, v50;
	[tilespmem:s14+$0x16030] =	vst v58;
	v59 =	vld [tilespmem:s14+$0x16080]  }
0xda: {  	v39 =	vld [tilespmem:s14+$0x16110];
	[tilespmem:s14+$0x16020] =	vst v19;
	v19 =	vmul.f32 v53, v50  }
0xdb: {  	v62 =	vld [tilespmem:s14+$0x160A0];
	v31 =	vmul.f32 v57, v50;
	[tilespmem:s14+$0x16050] =	vst v61  }
0xdc: {  	v63 =	vperm.xlane v18, v14;
	v60 =	vld [tilespmem:s14+$0x16090];
	[tilespmem:s14+$0x16040] =	vst v19;
	v19 =	vmul.f32 v56, v50  }
0xdd: {  	v32 =	vld [tilespmem:s14+$0x160C0];
	v42 =	vperm.xlane v18, v15;
	[tilespmem:s14+$0x16070] =	vst v31;
	v55 =	vmul.f32 v47, v50  }
0xde: {  	v33 =	vld [tilespmem:s14+$0x160D0];
	[tilespmem:s14+$0x16060] =	vst v19;
	v19 =	vmul.f32 v59, v63  }
0xdf: {  	v35 =	vld [tilespmem:s14+$0x160E0];
	v47 =	vmul.f32 v39, v42;
	[tilespmem:s14+$0x16010] =	vst v55  }
0xe0: {  	v30 =	vld [tilespmem:s14+$0x160B0];
	[tilespmem:s14+$0x16080] =	vst v19;
	v19 =	vmul.f32 v62, v63  }
0xe1: {  	v38 =	vld [tilespmem:s14+$0x16100];
	[tilespmem:s14+$0x16110] =	vst v47;
	v34 =	vmul.f32 v60, v63  }
0xe2: {  	v36 =	vld [tilespmem:s14+$0x160F0];
	[tilespmem:s14+$0x160A0] =	vst v19;
	v19 =	vmul.f32 v32, v63  }
0xe3: {  	v41 =	vld [tilespmem:s14+$0x16120];
	[tilespmem:s14+$0x16090] =	vst v34;
	v40 =	vmul.f32 v33, v63  }
0xe4: {  	v46 =	vld [tilespmem:s14+$0x16150];
	[tilespmem:s14+$0x160C0] =	vst v19;
	v19 =	vmul.f32 v35, v63  }
0xe5: {  	v45 =	vld [tilespmem:s14+$0x16140];
	v37 =	vmul.f32 v30, v63;
	[tilespmem:s14+$0x160D0] =	vst v40  }
0xe6: {  	v43 =	vld [tilespmem:s14+$0x16130];
	[tilespmem:s14+$0x160E0] =	vst v19;
	v19 =	vmul.f32 v38, v42  }
0xe7: {  	v48 =	vld [tilespmem:s14+$0x16160];
	v44 =	vmul.f32 v36, v63;
	[tilespmem:s14+$0x160B0] =	vst v37  }
0xe8: {  	v49 =	vld [tilespmem:s14+$0x16170];
	[tilespmem:s14+$0x16100] =	vst v19;
	v19 =	vmul.f32 v41, v42  }
0xe9: {  	v51 =	vld [tilespmem:s14+$0x16180];
	[tilespmem:s14+$0x160F0] =	vst v44;
	v53 =	vmul.f32 v46, v42  }
0xea: {  	v52 =	vld [tilespmem:s14+$0x16190];
	[tilespmem:s14+$0x16120] =	vst v19;
	v19 =	vmul.f32 v45, v42  }
0xeb: {  	v54 =	vld [tilespmem:s14+$0x161A0];
	v50 =	vmul.f32 v43, v42;
	[tilespmem:s14+$0x16150] =	vst v53  }
0xec: {  	v18 =	vperm.xlane v18, v16;
	v55 =	vld [tilespmem:s14+$0x161B0];
	[tilespmem:s14+$0x16140] =	vst v19;
	v19 =	vmul.f32 v48, v42  }
0xed: {  	v57 =	vld [tilespmem:s14+$0x161C0];
	v56 =	vmul.f32 v49, v42;
	[tilespmem:s14+$0x16130] =	vst v50  }
0xee: {  	v58 =	vld [tilespmem:s14+$0x161D0];
	[tilespmem:s14+$0x16160] =	vst v19;
	v19 =	vmul.f32 v51, v18  }
0xef: {  	v60 =	vld [tilespmem:s14+$0x161E0];
	v59 =	vmul.f32 v52, v18;
	[tilespmem:s14+$0x16170] =	vst v56  }
0xf0: {  	v61 =	vld [tilespmem:s14+$0x161F0];
	[tilespmem:s14+$0x16180] =	vst v19;
	v19 =	vmul.f32 v54, v18  }
0xf1: {  	[tilespmem:s14+$0x16190] =	vst v59;
	v62 =	vmul.f32 v55, v18  }
0xf2: {  	p0 =	sne.s32 s12, $0x7;
	[tilespmem:s14+$0x161A0] =	vst v19;
	v19 =	vmul.f32 v57, v18  }
.Ltmp5:
0xf3: {  	[tilespmem:s14+$0x161B0] =	vst v62;
	v63 =	vmul.f32 v58, v18;
	(pc) =	sbr.rel @p0 .LBB2_6-.Ltmp5, $4  }
0xf4: {  	[tilespmem:s14+$0x161C0] =	vst v19;
	v19 =	vmul.f32 v60, v18  }
0xf5: {  	[tilespmem:s14+$0x161D0] =	vst v63;
	v18 =	vmul.f32 v61, v18  }
0xf6: {  	[tilespmem:s14+$0x161E0] =	vst v19  }
0xf7: {  	s12 =	sadd.s32 $0x1, s12;
	[tilespmem:s14+$0x161F0] =	vst v18  }
0xf8: {  	s12 =	sadd.s32 $0x14600, s9  }
0xf9: {  	[spmem:s2] =	stream.indirect.scatter.add.f32 [tilespmem:s16], [sflag:$0x3], $0x80, s12, s21, $0xb8;
	[tilespmem:$0x1DA00] =	vst v63  }
0xfa: {  	s14 =	sadd.s32 $0x14640, s9  }
0xfb: {  	[spmem:s2] =	stream.indirect.scatter.add.f32 [tilespmem:s23], [sflag:$0x3], $0x80, s14, s21, $0xb8;
	[tilespmem:$0x1DA00] =	vst v63  }
0xfc: {  	_ =	swait.ge [sflag:s28], $0x2000  }
0xfd: {  	s14 =	sand.u32 $0x3FFFFF80, s10;
	[sflag:s28] =	ssyncset.done $0x0  }
0xfe: {  	s14 =	sadd.s32 $0x15000, s14;
	[sflag:s28] =	ssyncadd.s32 $0xFFFFE000  }
0xff: {  	v17 =	vmov s14;
	_ =	swait.ge [sflag:s28], $0x2000  }
0x100: {  	[sflag:s28] =	ssyncset.done $0x0  }
0x101: {  	s12 =	simm.s32 $0x0;
	[sflag:s28] =	ssyncadd.s32 $0xFFFFE000  }
.LBB2_8:
0x102: {  	s14 =	sshll.u32 s12, $0x4  }
0x103: {  	s14 =	sand.u32 $0x3FFFFFF0, s14  }
0x104: {  	v18 =	vld.idx.msk [tilespmem:v17+s14+$0x0 ss:$0x1], $0xffff;
	s14 =	sshll.u32 s12, $0xB  }
0x105: {  	s14 =	sand.u32 $0x3FFFF800, s14  }
0x106: {  	v19 =	vld [tilespmem:s14+$0x19A00]  }
0x107: {  	v20 =	vld [tilespmem:s14+$0x19A10]  }
0x108: {  	v21 =	vld [tilespmem:s14+$0x19A20]  }
0x109: {  	v23 =	vld [tilespmem:s14+$0x19A30];
	v22 =	vperm.xlane v18, v1  }
0x10a: {  	v24 =	vld [tilespmem:s14+$0x19A40]  }
0x10b: {  	v25 =	vld [tilespmem:s14+$0x19A50];
	v19 =	vmul.f32 v19, v22  }
0x10c: {  	v26 =	vld [tilespmem:s14+$0x19A60];
	v20 =	vmul.f32 v20, v22  }
0x10d: {  	v43 =	vld [tilespmem:s14+$0x19A70];
	[tilespmem:s14+$0x19A00] =	vst v19;
	v19 =	vmul.f32 v21, v22  }
0x10e: {  	v45 =	vld [tilespmem:s14+$0x19A80];
	v44 =	vmul.f32 v23, v22;
	[tilespmem:s14+$0x19A10] =	vst v20  }
0x10f: {  	v46 =	vld [tilespmem:s14+$0x19A90];
	[tilespmem:s14+$0x19A20] =	vst v19;
	v19 =	vmul.f32 v24, v22  }
0x110: {  	v48 =	vld [tilespmem:s14+$0x19AA0];
	v47 =	vmul.f32 v25, v22;
	[tilespmem:s14+$0x19A30] =	vst v44  }
0x111: {  	v27 =	vld [tilespmem:s14+$0x19AB0];
	v49 =	vperm.xlane v18, v2;
	[tilespmem:s14+$0x19A40] =	vst v19;
	v19 =	vmul.f32 v26, v22  }
0x112: {  	v51 =	vld [tilespmem:s14+$0x19AC0];
	v50 =	vmul.f32 v43, v22;
	[tilespmem:s14+$0x19A50] =	vst v47  }
0x113: {  	v52 =	vld [tilespmem:s14+$0x19AD0];
	[tilespmem:s14+$0x19A60] =	vst v19;
	v19 =	vmul.f32 v45, v49  }
0x114: {  	v54 =	vld [tilespmem:s14+$0x19AE0];
	v53 =	vmul.f32 v46, v49;
	[tilespmem:s14+$0x19A70] =	vst v50  }
0x115: {  	v55 =	vld [tilespmem:s14+$0x19AF0];
	[tilespmem:s14+$0x19A80] =	vst v19;
	v19 =	vmul.f32 v48, v49  }
0x116: {  	v57 =	vld [tilespmem:s14+$0x19B00];
	v56 =	vmul.f32 v27, v49;
	[tilespmem:s14+$0x19A90] =	vst v53  }
0x117: {  	v58 =	vld [tilespmem:s14+$0x19B10];
	[tilespmem:s14+$0x19AA0] =	vst v19;
	v19 =	vmul.f32 v51, v49  }
0x118: {  	v60 =	vld [tilespmem:s14+$0x19B20];
	v59 =	vmul.f32 v52, v49;
	[tilespmem:s14+$0x19AB0] =	vst v56  }
0x119: {  	v62 =	vld [tilespmem:s14+$0x19B30];
	v61 =	vperm.xlane v18, v3;
	[tilespmem:s14+$0x19AC0] =	vst v19;
	v19 =	vmul.f32 v54, v49  }
0x11a: {  	v28 =	vld [tilespmem:s14+$0x19B40];
	v63 =	vmul.f32 v55, v49;
	[tilespmem:s14+$0x19AD0] =	vst v59  }
0x11b: {  	v29 =	vld [tilespmem:s14+$0x19B50];
	[tilespmem:s14+$0x19AE0] =	vst v19;
	v19 =	vmul.f32 v57, v61  }
0x11c: {  	v31 =	vld [tilespmem:s14+$0x19B60];
	v30 =	vmul.f32 v58, v61;
	[tilespmem:s14+$0x19AF0] =	vst v63  }
0x11d: {  	v32 =	vld [tilespmem:s14+$0x19B70];
	[tilespmem:s14+$0x19B00] =	vst v19;
	v19 =	vmul.f32 v60, v61  }
0x11e: {  	v34 =	vld [tilespmem:s14+$0x19B80];
	v33 =	vmul.f32 v62, v61;
	[tilespmem:s14+$0x19B10] =	vst v30  }
0x11f: {  	v35 =	vld [tilespmem:s14+$0x19B90];
	[tilespmem:s14+$0x19B20] =	vst v19;
	v19 =	vmul.f32 v28, v61  }
0x120: {  	v37 =	vld [tilespmem:s14+$0x19BA0];
	v36 =	vmul.f32 v29, v61;
	[tilespmem:s14+$0x19B30] =	vst v33  }
0x121: {  	v39 =	vld [tilespmem:s14+$0x19BB0];
	v38 =	vperm.xlane v18, v4;
	[tilespmem:s14+$0x19B40] =	vst v19;
	v19 =	vmul.f32 v31, v61  }
0x122: {  	v41 =	vld [tilespmem:s14+$0x19BC0];
	v40 =	vmul.f32 v32, v61;
	[tilespmem:s14+$0x19B50] =	vst v36  }
0x123: {  	v45 =	vld [tilespmem:s14+$0x19BF0];
	[tilespmem:s14+$0x19B60] =	vst v19;
	v19 =	vmul.f32 v34, v38  }
0x124: {  	v43 =	vmul.f32 v35, v38;
	[tilespmem:s14+$0x19B70] =	vst v40;
	v44 =	vld [tilespmem:s14+$0x19BE0]  }
0x125: {  	v42 =	vld [tilespmem:s14+$0x19BD0];
	[tilespmem:s14+$0x19B80] =	vst v19;
	v19 =	vmul.f32 v37, v38  }
0x126: {  	v46 =	vmul.f32 v39, v38;
	[tilespmem:s14+$0x19B90] =	vst v43;
	v47 =	vld [tilespmem:s14+$0x19C00]  }
0x127: {  	v52 =	vld [tilespmem:s14+$0x19C30];
	[tilespmem:s14+$0x19BA0] =	vst v19;
	v19 =	vmul.f32 v41, v38  }
0x128: {  	[tilespmem:s14+$0x19BB0] =	vst v46;
	v50 =	vld [tilespmem:s14+$0x19C20];
	v53 =	vmul.f32 v45, v38  }
0x129: {  	v55 =	vld [tilespmem:s14+$0x19C50];
	v51 =	vperm.xlane v18, v5;
	[tilespmem:s14+$0x19BC0] =	vst v19;
	v19 =	vmul.f32 v44, v38  }
0x12a: {  	v49 =	vmul.f32 v42, v38;
	v54 =	vld [tilespmem:s14+$0x19C40];
	[tilespmem:s14+$0x19BF0] =	vst v53  }
0x12b: {  	v58 =	vld [tilespmem:s14+$0x19C70];
	[tilespmem:s14+$0x19BE0] =	vst v19;
	v19 =	vmul.f32 v47, v51  }
0x12c: {  	v59 =	vmul.f32 v52, v51;
	[tilespmem:s14+$0x19BD0] =	vst v49;
	v57 =	vld [tilespmem:s14+$0x19C60]  }
0x12d: {  	v48 =	vld [tilespmem:s14+$0x19C10];
	[tilespmem:s14+$0x19C00] =	vst v19;
	v19 =	vmul.f32 v50, v51  }
0x12e: {  	v62 =	vmul.f32 v55, v51;
	[tilespmem:s14+$0x19C30] =	vst v59;
	v60 =	vld [tilespmem:s14+$0x19C80]  }
0x12f: {  	v40 =	vld [tilespmem:s14+$0x19D10];
	[tilespmem:s14+$0x19C20] =	vst v19;
	v19 =	vmul.f32 v54, v51  }
0x130: {  	v63 =	vld [tilespmem:s14+$0x19CA0];
	v32 =	vmul.f32 v58, v51;
	[tilespmem:s14+$0x19C50] =	vst v62  }
0x131: {  	v30 =	vperm.xlane v18, v6;
	v61 =	vld [tilespmem:s14+$0x19C90];
	[tilespmem:s14+$0x19C40] =	vst v19;
	v19 =	vmul.f32 v57, v51  }
0x132: {  	v33 =	vld [tilespmem:s14+$0x19CC0];
	v43 =	vperm.xlane v18, v7;
	v56 =	vmul.f32 v48, v51;
	[tilespmem:s14+$0x19C70] =	vst v32  }
0x133: {  	v53 =	vld [tilespmem:s14+$0x19D90];
	[tilespmem:s14+$0x19C60] =	vst v19;
	v19 =	vmul.f32 v60, v30  }
0x134: {  	v36 =	vld [tilespmem:s14+$0x19CE0];
	v48 =	vmul.f32 v40, v43;
	[tilespmem:s14+$0x19C10] =	vst v56  }
0x135: {  	v31 =	vld [tilespmem:s14+$0x19CB0];
	[tilespmem:s14+$0x19C80] =	vst v19;
	v19 =	vmul.f32 v63, v30  }
0x136: {  	v39 =	vld [tilespmem:s14+$0x19D00];
	[tilespmem:s14+$0x19D10] =	vst v48;
	v56 =	vperm.xlane v18, v8;
	v35 =	vmul.f32 v61, v30  }
0x137: {  	v34 =	vld [tilespmem:s14+$0x19CD0];
	[tilespmem:s14+$0x19CA0] =	vst v19;
	v19 =	vmul.f32 v33, v30  }
0x138: {  	v42 =	vld [tilespmem:s14+$0x19D20];
	v61 =	vmul.f32 v53, v56;
	[tilespmem:s14+$0x19C90] =	vst v35  }
0x139: {  	v37 =	vld [tilespmem:s14+$0x19CF0];
	[tilespmem:s14+$0x19CC0] =	vst v19;
	v19 =	vmul.f32 v36, v30  }
0x13a: {  	v46 =	vld [tilespmem:s14+$0x19D40];
	[tilespmem:s14+$0x19D90] =	vst v61;
	v38 =	vmul.f32 v31, v30  }
0x13b: {  	v47 =	vld [tilespmem:s14+$0x19D50];
	[tilespmem:s14+$0x19CE0] =	vst v19;
	v19 =	vmul.f32 v39, v43  }
0x13c: {  	v49 =	vld [tilespmem:s14+$0x19D60];
	v41 =	vmul.f32 v34, v30;
	[tilespmem:s14+$0x19CB0] =	vst v38  }
0x13d: {  	v38 =	vld [tilespmem:s14+$0x19E50];
	[tilespmem:s14+$0x19D00] =	vst v19;
	v19 =	vmul.f32 v42, v43  }
0x13e: {  	v52 =	vld [tilespmem:s14+$0x19D80];
	[tilespmem:s14+$0x19CD0] =	vst v41;
	v45 =	vmul.f32 v37, v30  }
0x13f: {  	v44 =	vld [tilespmem:s14+$0x19D30];
	[tilespmem:s14+$0x19D20] =	vst v19;
	v19 =	vmul.f32 v46, v43  }
0x140: {  	v55 =	vld [tilespmem:s14+$0x19DA0];
	v34 =	vperm.xlane v18, v9;
	[tilespmem:s14+$0x19CF0] =	vst v45;
	v54 =	vmul.f32 v47, v43  }
0x141: {  	v50 =	vld [tilespmem:s14+$0x19D70];
	[tilespmem:s14+$0x19D40] =	vst v19;
	v19 =	vmul.f32 v49, v43  }
0x142: {  	v59 =	vld [tilespmem:s14+$0x19DC0];
	v45 =	vmul.f32 v38, v34;
	[tilespmem:s14+$0x19D50] =	vst v54  }
0x143: {  	v57 =	vld [tilespmem:s14+$0x19DB0];
	[tilespmem:s14+$0x19D60] =	vst v19;
	v19 =	vmul.f32 v52, v56  }
0x144: {  	v62 =	vld [tilespmem:s14+$0x19DE0];
	v51 =	vmul.f32 v44, v43;
	[tilespmem:s14+$0x19E50] =	vst v45  }
0x145: {  	v60 =	vld [tilespmem:s14+$0x19DD0];
	[tilespmem:s14+$0x19D80] =	vst v19;
	v19 =	vmul.f32 v55, v56  }
0x146: {  	v58 =	vmul.f32 v50, v43;
	[tilespmem:s14+$0x19D30] =	vst v51;
	v30 =	vld [tilespmem:s14+$0x19E00]  }
0x147: {  	v51 =	vld [tilespmem:s14+$0x19ED0];
	[tilespmem:s14+$0x19DA0] =	vst v19;
	v19 =	vmul.f32 v59, v56  }
0x148: {  	[tilespmem:s14+$0x19D70] =	vst v58;
	v29 =	vmul.f32 v57, v56;
	v33 =	vld [tilespmem:s14+$0x19E20]  }
0x149: {  	v63 =	vld [tilespmem:s14+$0x19DF0];
	[tilespmem:s14+$0x19DC0] =	vst v19;
	v19 =	vmul.f32 v62, v56  }
0x14a: {  	v37 =	vld [tilespmem:s14+$0x19E40];
	v47 =	vperm.xlane v18, v10;
	[tilespmem:s14+$0x19DB0] =	vst v29;
	v32 =	vmul.f32 v60, v56  }
0x14b: {  	v61 =	vld [tilespmem:s14+$0x19F30];
	[tilespmem:s14+$0x19DE0] =	vst v19;
	v19 =	vmul.f32 v30, v34  }
0x14c: {  	v40 =	vld [tilespmem:s14+$0x19E60];
	v58 =	vmul.f32 v51, v47;
	[tilespmem:s14+$0x19DD0] =	vst v32  }
0x14d: {  	v31 =	vld [tilespmem:s14+$0x19E10];
	[tilespmem:s14+$0x19E00] =	vst v19;
	v19 =	vmul.f32 v33, v34  }
0x14e: {  	v60 =	vperm.xlane v18, v11;
	v36 =	vmul.f32 v63, v56;
	[tilespmem:s14+$0x19ED0] =	vst v58;
	v43 =	vld [tilespmem:s14+$0x19E80]  }
0x14f: {  	v57 =	vld [tilespmem:s14+$0x19F10];
	[tilespmem:s14+$0x19E20] =	vst v19;
	v19 =	vmul.f32 v37, v34  }
0x150: {  	v32 =	vmul.f32 v61, v60;
	[tilespmem:s14+$0x19DF0] =	vst v36;
	v46 =	vld [tilespmem:s14+$0x19EA0]  }
0x151: {  	v35 =	vld [tilespmem:s14+$0x19E30];
	[tilespmem:s14+$0x19E40] =	vst v19;
	v19 =	vmul.f32 v40, v34  }
0x152: {  	v50 =	vld [tilespmem:s14+$0x19EC0];
	v39 =	vmul.f32 v31, v34;
	[tilespmem:s14+$0x19F30] =	vst v32  }
0x153: {  	v28 =	vld [tilespmem:s14+$0x19F50];
	[tilespmem:s14+$0x19E60] =	vst v19;
	v19 =	vmul.f32 v43, v47  }
0x154: {  	v53 =	vld [tilespmem:s14+$0x19EE0];
	v29 =	vmul.f32 v57, v60;
	[tilespmem:s14+$0x19E10] =	vst v39  }
0x155: {  	v31 =	vld [tilespmem:s14+$0x19F70];
	[tilespmem:s14+$0x19E80] =	vst v19;
	v19 =	vmul.f32 v46, v47  }
0x156: {  	v42 =	vmul.f32 v35, v34;
	[tilespmem:s14+$0x19F10] =	vst v29;
	v56 =	vld [tilespmem:s14+$0x19F00]  }
0x157: {  	v41 =	vld [tilespmem:s14+$0x19E70];
	[tilespmem:s14+$0x19EA0] =	vst v19;
	v19 =	vmul.f32 v50, v47  }
0x158: {  	v35 =	vmul.f32 v28, v60;
	[tilespmem:s14+$0x19E30] =	vst v42;
	v59 =	vld [tilespmem:s14+$0x19F20]  }
0x159: {  	v44 =	vld [tilespmem:s14+$0x19E90];
	[tilespmem:s14+$0x19EC0] =	vst v19;
	v19 =	vmul.f32 v53, v47  }
0x15a: {  	v63 =	vld [tilespmem:s14+$0x19F40];
	[tilespmem:s14+$0x19F50] =	vst v35;
	v39 =	vmul.f32 v31, v60  }
0x15b: {  	v48 =	vld [tilespmem:s14+$0x19EB0];
	[tilespmem:s14+$0x19EE0] =	vst v19;
	v19 =	vmul.f32 v56, v60  }
0x15c: {  	v49 =	vmul.f32 v41, v34;
	[tilespmem:s14+$0x19F70] =	vst v39;
	v30 =	vld [tilespmem:s14+$0x19F60]  }
0x15d: {  	v54 =	vld [tilespmem:s14+$0x19EF0];
	[tilespmem:s14+$0x19F00] =	vst v19;
	v19 =	vmul.f32 v59, v60  }
0x15e: {  	[tilespmem:s14+$0x19E70] =	vst v49;
	v52 =	vmul.f32 v44, v47;
	v33 =	vld [tilespmem:s14+$0x19F80]  }
0x15f: {  	v38 =	vld [tilespmem:s14+$0x19FB0];
	[tilespmem:s14+$0x19F20] =	vst v19;
	v19 =	vmul.f32 v63, v60  }
0x160: {  	v36 =	vld [tilespmem:s14+$0x19FA0];
	[tilespmem:s14+$0x19E90] =	vst v52;
	v55 =	vmul.f32 v48, v47  }
0x161: {  	v41 =	vld [tilespmem:s14+$0x19FD0];
	v37 =	vperm.xlane v18, v12;
	[tilespmem:s14+$0x19F40] =	vst v19;
	v19 =	vmul.f32 v30, v60  }
0x162: {  	[tilespmem:s14+$0x19EB0] =	vst v55;
	v62 =	vmul.f32 v54, v47;
	v40 =	vld [tilespmem:s14+$0x19FC0]  }
0x163: {  	v44 =	vld [tilespmem:s14+$0x19FF0];
	[tilespmem:s14+$0x19F60] =	vst v19;
	v19 =	vmul.f32 v33, v37  }
0x164: {  	[tilespmem:s14+$0x19EF0] =	vst v62;
	v45 =	vmul.f32 v38, v37;
	v43 =	vld [tilespmem:s14+$0x19FE0]  }
0x165: {  	v34 =	vld [tilespmem:s14+$0x19F90];
	[tilespmem:s14+$0x19F80] =	vst v19;
	v19 =	vmul.f32 v36, v37  }
0x166: {  	v48 =	vmul.f32 v41, v37;
	[tilespmem:s14+$0x19FB0] =	vst v45;
	v46 =	vld [tilespmem:s14+$0x1A000]  }
0x167: {  	v51 =	vld [tilespmem:s14+$0x1A030];
	[tilespmem:s14+$0x19FA0] =	vst v19;
	v19 =	vmul.f32 v40, v37  }
0x168: {  	v49 =	vld [tilespmem:s14+$0x1A020];
	v52 =	vmul.f32 v44, v37;
	[tilespmem:s14+$0x19FD0] =	vst v48  }
0x169: {  	v54 =	vld [tilespmem:s14+$0x1A050];
	v50 =	vperm.xlane v18, v13;
	[tilespmem:s14+$0x19FC0] =	vst v19;
	v19 =	vmul.f32 v43, v37  }
0x16a: {  	[tilespmem:s14+$0x19FF0] =	vst v52;
	v42 =	vmul.f32 v34, v37;
	v53 =	vld [tilespmem:s14+$0x1A040]  }
0x16b: {  	v57 =	vld [tilespmem:s14+$0x1A070];
	[tilespmem:s14+$0x19FE0] =	vst v19;
	v19 =	vmul.f32 v46, v50  }
0x16c: {  	[tilespmem:s14+$0x19F90] =	vst v42;
	v58 =	vmul.f32 v51, v50;
	v56 =	vld [tilespmem:s14+$0x1A060]  }
0x16d: {  	v47 =	vld [tilespmem:s14+$0x1A010];
	[tilespmem:s14+$0x1A000] =	vst v19;
	v19 =	vmul.f32 v49, v50  }
0x16e: {  	v61 =	vmul.f32 v54, v50;
	[tilespmem:s14+$0x1A030] =	vst v58;
	v59 =	vld [tilespmem:s14+$0x1A080]  }
0x16f: {  	v39 =	vld [tilespmem:s14+$0x1A110];
	[tilespmem:s14+$0x1A020] =	vst v19;
	v19 =	vmul.f32 v53, v50  }
0x170: {  	v62 =	vld [tilespmem:s14+$0x1A0A0];
	v31 =	vmul.f32 v57, v50;
	[tilespmem:s14+$0x1A050] =	vst v61  }
0x171: {  	v63 =	vperm.xlane v18, v14;
	v60 =	vld [tilespmem:s14+$0x1A090];
	[tilespmem:s14+$0x1A040] =	vst v19;
	v19 =	vmul.f32 v56, v50  }
0x172: {  	v32 =	vld [tilespmem:s14+$0x1A0C0];
	v42 =	vperm.xlane v18, v15;
	[tilespmem:s14+$0x1A070] =	vst v31;
	v55 =	vmul.f32 v47, v50  }
0x173: {  	v33 =	vld [tilespmem:s14+$0x1A0D0];
	[tilespmem:s14+$0x1A060] =	vst v19;
	v19 =	vmul.f32 v59, v63  }
0x174: {  	v35 =	vld [tilespmem:s14+$0x1A0E0];
	v47 =	vmul.f32 v39, v42;
	[tilespmem:s14+$0x1A010] =	vst v55  }
0x175: {  	v30 =	vld [tilespmem:s14+$0x1A0B0];
	[tilespmem:s14+$0x1A080] =	vst v19;
	v19 =	vmul.f32 v62, v63  }
0x176: {  	v38 =	vld [tilespmem:s14+$0x1A100];
	[tilespmem:s14+$0x1A110] =	vst v47;
	v34 =	vmul.f32 v60, v63  }
0x177: {  	v36 =	vld [tilespmem:s14+$0x1A0F0];
	[tilespmem:s14+$0x1A0A0] =	vst v19;
	v19 =	vmul.f32 v32, v63  }
0x178: {  	v41 =	vld [tilespmem:s14+$0x1A120];
	[tilespmem:s14+$0x1A090] =	vst v34;
	v40 =	vmul.f32 v33, v63  }
0x179: {  	v46 =	vld [tilespmem:s14+$0x1A150];
	[tilespmem:s14+$0x1A0C0] =	vst v19;
	v19 =	vmul.f32 v35, v63  }
0x17a: {  	v45 =	vld [tilespmem:s14+$0x1A140];
	v37 =	vmul.f32 v30, v63;
	[tilespmem:s14+$0x1A0D0] =	vst v40  }
0x17b: {  	v43 =	vld [tilespmem:s14+$0x1A130];
	[tilespmem:s14+$0x1A0E0] =	vst v19;
	v19 =	vmul.f32 v38, v42  }
0x17c: {  	v48 =	vld [tilespmem:s14+$0x1A160];
	v44 =	vmul.f32 v36, v63;
	[tilespmem:s14+$0x1A0B0] =	vst v37  }
0x17d: {  	v49 =	vld [tilespmem:s14+$0x1A170];
	[tilespmem:s14+$0x1A100] =	vst v19;
	v19 =	vmul.f32 v41, v42  }
0x17e: {  	v51 =	vld [tilespmem:s14+$0x1A180];
	[tilespmem:s14+$0x1A0F0] =	vst v44;
	v53 =	vmul.f32 v46, v42  }
0x17f: {  	v52 =	vld [tilespmem:s14+$0x1A190];
	[tilespmem:s14+$0x1A120] =	vst v19;
	v19 =	vmul.f32 v45, v42  }
0x180: {  	v54 =	vld [tilespmem:s14+$0x1A1A0];
	v50 =	vmul.f32 v43, v42;
	[tilespmem:s14+$0x1A150] =	vst v53  }
0x181: {  	v18 =	vperm.xlane v18, v16;
	v55 =	vld [tilespmem:s14+$0x1A1B0];
	[tilespmem:s14+$0x1A140] =	vst v19;
	v19 =	vmul.f32 v48, v42  }
0x182: {  	v57 =	vld [tilespmem:s14+$0x1A1C0];
	v56 =	vmul.f32 v49, v42;
	[tilespmem:s14+$0x1A130] =	vst v50  }
0x183: {  	v58 =	vld [tilespmem:s14+$0x1A1D0];
	[tilespmem:s14+$0x1A160] =	vst v19;
	v19 =	vmul.f32 v51, v18  }
0x184: {  	v60 =	vld [tilespmem:s14+$0x1A1E0];
	v59 =	vmul.f32 v52, v18;
	[tilespmem:s14+$0x1A170] =	vst v56  }
0x185: {  	v61 =	vld [tilespmem:s14+$0x1A1F0];
	[tilespmem:s14+$0x1A180] =	vst v19;
	v19 =	vmul.f32 v54, v18  }
0x186: {  	[tilespmem:s14+$0x1A190] =	vst v59;
	v62 =	vmul.f32 v55, v18  }
0x187: {  	p0 =	sne.s32 s12, $0x7;
	[tilespmem:s14+$0x1A1A0] =	vst v19;
	v19 =	vmul.f32 v57, v18  }
.Ltmp6:
0x188: {  	[tilespmem:s14+$0x1A1B0] =	vst v62;
	v63 =	vmul.f32 v58, v18;
	(pc) =	sbr.rel @p0 .LBB2_8-.Ltmp6, $4  }
0x189: {  	[tilespmem:s14+$0x1A1C0] =	vst v19;
	v19 =	vmul.f32 v60, v18  }
0x18a: {  	[tilespmem:s14+$0x1A1D0] =	vst v63;
	v18 =	vmul.f32 v61, v18  }
0x18b: {  	[tilespmem:s14+$0x1A1E0] =	vst v19  }
0x18c: {  	s12 =	sadd.s32 $0x1, s12;
	[tilespmem:s14+$0x1A1F0] =	vst v18  }
0x18d: {  	s10 =	sadd.s32 $0x14600, s10  }
0x18e: {  	[spmem:s2] =	stream.indirect.scatter.add.f32 [tilespmem:s24], [sflag:$0x4], $0x80, s10, s21, $0xb8;
	[tilespmem:$0x1DA00] =	vst v63  }
0x18f: {  	s14 =	sadd.s32 $0x14600, s11  }
0x190: {  	[spmem:s2] =	stream.indirect.scatter.add.f32 [tilespmem:s25], [sflag:$0x4], $0x80, s14, s21, $0xb8;
	[tilespmem:$0x1DA00] =	vst v63  }
0x191: {  	p0 =	seq.s32 s1, $0x9;
	_ =	swait.ge [sflag:s29], $0x2000  }
.Ltmp7:
0x192: {  	[sflag:s29] =	ssyncset.done $0x0;
	(pc) =	sbr.rel @p0 .LBB2_11-.Ltmp7, $4  }
0x193: {  	[sflag:s29] =	ssyncadd.s32 $0xFFFFE000  }
0x194: {  	_ =	swait.ge [sflag:s29], $0x2000  }
0x195: {  	[sflag:s29] =	ssyncset.done $0x0  }
0x196: {  	[sflag:s29] =	ssyncadd.s32 $0xFFFFE000  }
.Ltmp8:
0x197: {  	(pc) =	sbr.rel .LBB2_5-.Ltmp8, $4  }
0x198: {  	s10 =	sadd.s32 $0x13D00, s9  }
0x199: {  	[tilespmem:s16], [sflag:$0x1] =	stream.indirect.gather [hbm4b:s4+s21], $0x80, s10, s21, $0xb8;
	[tilespmem:$0x1DA00] =	vst v63  }
0x19a: {  	s14 =	sadd.s32 $0x13D40, s9;
	s1 =	sadd.s32 $0x1, s1  }
0x19b: {  	[tilespmem:s23], [sflag:$0x1] =	stream.indirect.gather [hbm4b:s4+s21], $0x80, s14, s21, $0xb8;
	[tilespmem:$0x1DA00] =	vst v63  }
.LBB2_13:
0x19c: {  	_ =	sfence.sel $0x180000  }
0x19d: {  	[bflag:$0x0] =	sbarrier.arrive $0xFFFF  }
0x19e: {  	_ =	strace $0x90000047  }
0x19f: {  	s0 =	stileid.u32;
	[bflag:$0x2] =	sbarrier.arrive $0xFFFF  }
0x1a0: {  	p0 =	sne.s32 s0, $0x0;
	s0 =	rddreg [dreg:$0x2]  }
0x1a1: {  	s0 =	sadd.s32 @!p0 $0x100000, s0  }
0x1a2: {  	[sflag:s0] =	ssyncadd.tile.s32 @!p0 $0x1;
	_ =	shalt  }
.Lfunc_end2:
_tile_overlayer_lowered:
.L_overlay_start_2:
0x1a3: {  	(tag) =	ssettag $0x2  }
0x1a4: {  	s0 =	rddreg [dreg:$0x0];
	s2 =	stileid.u32  }
0x1a5: {  	s1 =	rddreg [dreg:$0x1];
	p0 =	sne.s32 s2, $0x0  }
0x1a6: {  	s3 =	rddreg [dreg:$0x2];
	[bflag:$0x3] =	sbarrier.arrive $0xFFFF;
	s2 =	simm.s32 @!p0 $0x1C05  }
0x1a7: {  	[timem:s3], [sflag:s2] =	dma.local @!p0 [hbm:s0], s1  }
0x1a8: {  	s0 =	simm.s32 @!p0 $0x5  }
0x1a9: {  	_ =	swait.ge @!p0 [sflag:s0], s1  }
0x1aa: {  	s1 =	ssub.s32 @!p0 $0x0, s1;
	[sflag:s0] =	ssyncset.done @!p0 $0x0  }
0x1ab: {  	[sflag:s0] =	ssyncadd.s32 @!p0 s1  }
0x1ac: {  	[bflag:$0x3] =	sbarrier.arrive $0xFFFF  }
0x1ad: {  	_ =	shalt  }

</sc_bundles>
